<compile_context>
chip_gen: v7x
topology: tpu7x:2x2x1
jax: 0.10.2.dev20260603
libtpu: 0.0.44.dev20260713+nightly
codegen_flags: <defaults>
</compile_context>

<pallas_src>
import functools

import jax
import jax.numpy as jnp
from jax import lax
from jax.experimental import pallas as pl
from jax.experimental.pallas import tpu as pltpu
from jax.experimental.pallas import tpu_sc as plsc

_BN_EPS = 1e-5
_NC = 2
_NS = 16
_NW = _NC * _NS
_CHUNK = 128
_NBUF = 4
_BLKC = 16


def _make_sc_agg(n_pad, d, nblk):
    rpt = n_pad // _NS
    mesh = plsc.VectorSubcoreMesh(core_axis_name="c", subcore_axis_name="s")

    @functools.partial(
        pl.kernel,
        out_type=jax.ShapeDtypeStruct((_NC * n_pad, d), jnp.float32),
        mesh=mesh,
        scratch_types=[
            pltpu.VMEM((_BLKC, _CHUNK), jnp.int32),
            pltpu.VMEM((_BLKC, _CHUNK), jnp.int32),
            [pltpu.VMEM((_CHUNK, d), jnp.float32)] * 2,
            pltpu.VMEM_SHARED((n_pad, d), jnp.float32),
            [pltpu.SemaphoreType.DMA] * 2,
        ],
    )
    def agg_kernel(h_hbm, src_hbm, dst_hbm, out_hbm, src_v, dst_v,
                   rows_v, acc_sh, gsems):
        cid = lax.axis_index("c")
        sid = lax.axis_index("s")
        wid = sid * _NC + cid

        def zbody(t, carry):
            rows_v[0][t // (d // 16), pl.ds((t % (d // 16)) * 16, 16)] = (
                jnp.zeros((16,), jnp.float32))
            return carry
        lax.fori_loop(0, _CHUNK * (d // 16), zbody, 0)

        base = sid * rpt
        off = 0
        left = rpt
        while left > 0:
            c = min(_CHUNK, left)
            pltpu.sync_copy(rows_v[0].at[pl.ds(0, c)],
                            acc_sh.at[pl.ds(base + off, c)])
            off += c
            left -= c
        plsc.subcore_barrier()

        def drain(b):
            pltpu.make_async_copy(h_hbm.at[pl.ds(0, _CHUNK)],
                                  rows_v[b], gsems[b]).wait()

        def gather(c, b):
            pltpu.async_copy(h_hbm.at[src_v.at[c]], rows_v[b], gsems[b])

        def scatter(c, b):
            pltpu.sync_copy(rows_v[b], acc_sh.at[dst_v.at[c]], add=True)

        def blk_body(k, carry):
            pltpu.sync_copy(src_hbm.at[wid, pl.ds(k * _BLKC, _BLKC)], src_v)
            pltpu.sync_copy(dst_hbm.at[wid, pl.ds(k * _BLKC, _BLKC)], dst_v)
            gather(0, 0)

            def pair(p, carry2):
                c0 = 2 * p
                drain(0)
                gather(c0 + 1, 1)
                scatter(c0, 0)
                drain(1)
                gather(c0 + 2, 0)
                scatter(c0 + 1, 1)
                return carry2
            lax.fori_loop(0, _BLKC // 2 - 1, pair, 0)

            drain(0)
            gather(_BLKC - 1, 1)
            scatter(_BLKC - 2, 0)
            drain(1)
            scatter(_BLKC - 1, 1)
            return carry
        lax.fori_loop(0, nblk, blk_body, 0)

        plsc.subcore_barrier()
        pltpu.sync_copy(acc_sh.at[pl.ds(base, rpt)],
                        out_hbm.at[pl.ds(cid * n_pad + base, rpt)])

    return agg_kernel


def _enc_body(g, x_ref, bidx_ref, w_ref, b_ref, fc_ref, h_ref, z_ref, acc):
    i = pl.program_id(0)
    xb = x_ref[...]
    h_ref[...] = jnp.dot(xb, w_ref[...],
                         preferred_element_type=jnp.float32) + b_ref[...]
    oh = (bidx_ref[...] == lax.broadcasted_iota(jnp.int32, (1, g), 1)
          ).astype(jnp.float32)
    p = lax.dot_general(oh, xb, (((0,), (0,)), ((), ())),
                        preferred_element_type=jnp.float32)

    @pl.when(i == 0)
    def _():
        acc[...] = p

    @pl.when(i > 0)
    def _():
        acc[...] += p

    @pl.when(i == pl.num_programs(0) - 1)
    def _():
        z_ref[...] = jnp.dot(acc[...], fc_ref[...],
                             preferred_element_type=jnp.float32)


def _layer_body(g, h_ref, p_ref, bidx_ref, w1_ref, b1_ref, w2_ref, b2_ref,
                fc_ref, hout_ref, z_ref, acc):
    i = pl.program_id(0)
    y = h_ref[...] + p_ref[0] + p_ref[1]
    m = jnp.maximum(
        jnp.dot(y, w1_ref[...], preferred_element_type=jnp.float32)
        + b1_ref[...], 0.0)
    h2 = jnp.maximum(
        jnp.dot(m, w2_ref[...], preferred_element_type=jnp.float32)
        + b2_ref[...], 0.0)
    hout_ref[...] = h2
    oh = (bidx_ref[...] == lax.broadcasted_iota(jnp.int32, (1, g), 1)
          ).astype(jnp.float32)
    p = lax.dot_general(oh, h2, (((0,), (0,)), ((), ())),
                        preferred_element_type=jnp.float32)

    @pl.when(i == 0)
    def _():
        acc[...] = p

    @pl.when(i > 0)
    def _():
        acc[...] += p

    @pl.when(i == pl.num_programs(0) - 1)
    def _():
        z_ref[...] = jnp.dot(acc[...], fc_ref[...],
                             preferred_element_type=jnp.float32)


def kernel(x, edge_index, batch_idx, y, W_enc, b_enc, conv_W1, conv_b1,
           conv_bng, conv_bnb, conv_W2, conv_b2, bn_g, bn_b,
           fc0_W, fc0_b, fc_W, fc_b):
    n, nf = x.shape
    d = W_enc.shape[1]
    num_layers = conv_W1.shape[0]
    g = y.shape[0]
    c = fc0_W.shape[1]
    e = edge_index.shape[1]

    n_pad = ((n + 1 + 127) // 128) * 128
    blk = n_pad
    for cand in (4, 8, 16, 2, 32, 1):
        if n_pad % cand == 0 and (n_pad // cand) % 8 == 0:
            blk = n_pad // cand
            break
    grid_n = n_pad // blk

    eblk = _NW * _CHUNK * _BLKC
    nblk = (e + eblk - 1) // eblk
    e_pad = eblk * nblk
    pad = jnp.full((e_pad - e,), n, jnp.int32)
    src_r = jnp.concatenate([edge_index[0], pad]).reshape(
        _NW, nblk * _BLKC, _CHUNK)
    dst_r = jnp.concatenate([edge_index[1], pad]).reshape(
        _NW, nblk * _BLKC, _CHUNK)

    x_pad = jnp.zeros((n_pad, nf), jnp.float32).at[:n].set(x)
    bidx_pad = jnp.full((n_pad, 1), g, jnp.int32).at[:n, 0].set(batch_idx)

    inv = 1.0 / jnp.sqrt(jnp.float32(1.0 + _BN_EPS))
    s1 = conv_bng * inv
    w1p = conv_W1 * s1[:, None, :]
    b1p = (conv_b1 * s1 + conv_bnb).reshape(num_layers, 1, d)
    s2 = bn_g * inv
    w2p = conv_W2 * s2[:, None, :]
    b2p = (conv_b2 * s2 + bn_b).reshape(num_layers, 1, d)
    benc = b_enc.reshape(1, d)
    fc0p = jnp.zeros((nf, 128), jnp.float32).at[:, :c].set(fc0_W)
    fcp = jnp.zeros((num_layers, d, 128), jnp.float32).at[:, :, :c].set(fc_W)

    row_spec = pl.BlockSpec((blk, d), lambda i: (i, 0))
    bidx_spec = pl.BlockSpec((blk, 1), lambda i: (i, 0))
    full = lambda shape: pl.BlockSpec(shape, lambda i: tuple(0 for _ in shape))

    enc_call = pl.pallas_call(
        functools.partial(_enc_body, g),
        grid=(grid_n,),
        in_specs=[row_spec, bidx_spec, full((nf, d)), full((1, d)),
                  full((nf, 128))],
        out_specs=[row_spec, full((g, 128))],
        out_shape=[jax.ShapeDtypeStruct((n_pad, d), jnp.float32),
                   jax.ShapeDtypeStruct((g, 128), jnp.float32)],
        scratch_shapes=[pltpu.VMEM((g, nf), jnp.float32)],
    )
    h, z = enc_call(x_pad, bidx_pad, W_enc, benc, fc0p)

    layer_call = pl.pallas_call(
        functools.partial(_layer_body, g),
        grid=(grid_n,),
        in_specs=[row_spec, pl.BlockSpec((2, blk, d), lambda i: (0, i, 0)),
                  bidx_spec, full((d, d)), full((1, d)), full((d, d)),
                  full((1, d)), full((d, 128))],
        out_specs=[row_spec, full((g, 128))],
        out_shape=[jax.ShapeDtypeStruct((n_pad, d), jnp.float32),
                   jax.ShapeDtypeStruct((g, 128), jnp.float32)],
        scratch_shapes=[pltpu.VMEM((g, d), jnp.float32)],
    )

    agg_call = _make_sc_agg(n_pad, d, nblk)

    for i in range(num_layers):
        parts = agg_call(h, src_r, dst_r).reshape(_NC, n_pad, d)
        h, zi = layer_call(h, parts, bidx_pad, w1p[i], b1p[i], w2p[i],
                           b2p[i], fcp[i])
        z = z + zi

    out = z[:, :c] + fc0_b + fc_b.sum(axis=0)
    return (out, y)

# --- scband reference (transcript-rebuilt; emitter-appended) ---
"""Pipeline reference for scband-gin-87419764343121 (READ-ONLY COPY).

The authoritative reference and input builder live on the scoring server;
editing this copy changes nothing except your own understanding.
"""

import jax, jax.numpy as jnp
import numpy as np

N = 10000
E = 320000
NF = 128
DIM = 128
C = 10
G = 64
L = 4
BN_EPS = 1e-5


def setup_inputs(seed: int = 0) -> dict:
    key = jax.random.key(seed)
    ks = jax.random.split(key, 24)
    s = 0.05
    inp = {}
    inp["x"] = jax.random.normal(ks[0], (N, NF), dtype=jnp.float32)
    inp["edge_index"] = jax.random.randint(ks[1], (2, E), 0, N, dtype=jnp.int32)
    inp["batch_idx"] = jnp.sort(jax.random.randint(ks[2], (N,), 0, G, dtype=jnp.int32))
    inp["y"] = jax.random.randint(ks[3], (G,), 0, C, dtype=jnp.int32)
    # parameters
    inp["W_enc"] = jax.random.normal(ks[4], (NF, DIM), dtype=jnp.float32) * s
    inp["b_enc"] = jnp.zeros((DIM,), jnp.float32)
    inp["conv_W1"] = jax.random.normal(ks[5], (L, DIM, DIM), dtype=jnp.float32) * s
    inp["conv_b1"] = jnp.zeros((L, DIM), jnp.float32)
    inp["conv_bng"] = jnp.ones((L, DIM), jnp.float32)
    inp["conv_bnb"] = jnp.zeros((L, DIM), jnp.float32)
    inp["conv_W2"] = jax.random.normal(ks[6], (L, DIM, DIM), dtype=jnp.float32) * s
    inp["conv_b2"] = jnp.zeros((L, DIM), jnp.float32)
    inp["bn_g"] = jnp.ones((L, DIM), jnp.float32)
    inp["bn_b"] = jnp.zeros((L, DIM), jnp.float32)
    inp["fc0_W"] = jax.random.normal(ks[7], (NF, C), dtype=jnp.float32) * s
    inp["fc0_b"] = jnp.zeros((C,), jnp.float32)
    inp["fc_W"] = jax.random.normal(ks[8], (L, DIM, C), dtype=jnp.float32) * s
    inp["fc_b"] = jnp.zeros((L, C), jnp.float32)
    return inp


def _bn_eval(h, g, b):
    # eval-mode BatchNorm1d with running_mean=0, running_var=1
    return h / jnp.sqrt(1.0 + BN_EPS) * g + b


def reference(x, edge_index, batch_idx, y, W_enc, b_enc, conv_W1, conv_b1,
              conv_bng, conv_bnb, conv_W2, conv_b2, bn_g, bn_b,
              fc0_W, fc0_b, fc_W, fc_b):
    src = edge_index[0]
    dst = edge_index[1]
    outs = [x]
    h = x @ W_enc + b_enc  # x_encoder
    for i in range(L):
        # GINConv (eps=0, sum aggregation): nn((1+eps)*x + sum_{j->i} x_j)
        agg = jax.ops.segment_sum(h[src], dst, num_segments=N)
        m = h + agg
        m = m @ conv_W1[i] + conv_b1[i]
        m = _bn_eval(m, conv_bng[i], conv_bnb[i])
        m = jax.nn.relu(m)
        m = m @ conv_W2[i] + conv_b2[i]
        h = _bn_eval(m, bn_g[i], bn_b[i])
        h = jax.nn.relu(h)
        outs.append(h)
    out = None
    for i, o in enumerate(outs):
        p = jax.ops.segment_sum(o, batch_idx, num_segments=G)  # global_add_pool
        if i == 0:
            z = p @ fc0_W + fc0_b
        else:
            z = p @ fc_W[i - 1] + fc_b[i - 1]
        # dropout skipped (eval mode)
        out = z if out is None else out + z
    return (out, y)

if __name__ == "__main__":
    import jax
    _d = setup_inputs()
    print(jax.jit(kernel)(*tuple(_d.values())))

</pallas_src>

<mosaic_0001>
#map = affine_map<(d0, d1) -> (0, 0)>
#map1 = affine_map<(d0, d1) -> (0, 0, 0)>
module attributes {stable_mosaic.version = 14 : i64} {
  func.func @agg_kernel(%arg0: i32, %arg1: i32, %arg2: memref<10112x128xf32, #tpu.memory_space<hbm>>, %arg3: memref<32x80x128xi32, #tpu.memory_space<hbm>>, %arg4: memref<32x80x128xi32, #tpu.memory_space<hbm>>, %arg5: memref<20224x128xf32, #tpu.memory_space<hbm>>, %arg6: memref<16x128xi32, #tpu.memory_space<vmem>>, %arg7: memref<16x128xi32, #tpu.memory_space<vmem>>, %arg8: memref<128x128xf32, #tpu.memory_space<vmem>>, %arg9: memref<128x128xf32, #tpu.memory_space<vmem>>, %arg10: memref<10112x128xf32, #tpu.memory_space<vmem_shared>>, %arg11: memref<!tpu.dma_semaphore, #tpu.memory_space<semaphore_mem>>, %arg12: memref<!tpu.dma_semaphore, #tpu.memory_space<semaphore_mem>>) attributes {dimension_semantics = [#tpu.dimension_semantics<core_parallel>, #tpu.dimension_semantics<subcore_parallel>], iteration_bounds = array<i64: 2, 16>, scalar_prefetch = 0 : i64, scratch_operands = 7 : i64, tpu.core_type = #tpu.core_type<sc_vector_subcore>, window_params = [{transform_indices = #map}, {transform_indices = #map1}, {transform_indices = #map1}, {transform_indices = #map}]} {
    %mul3A = arith.constant 2 : i32
    %mul3A_0 = arith.muli %arg1, %mul3A : i32
    %add3A = arith.addi %mul3A_0, %arg0 : i32
    %scan3A = arith.constant 0 : i32
    %scan3A_1 = arith.constant 0 : i32
    %scan3A_2 = arith.constant 1024 : i32
    %scan3A_3 = arith.addi %scan3A_1, %scan3A_2 : i32
    %scan3A_4 = arith.constant 1 : i32
    scf.for %scan3A_28 = %scan3A_1 to %scan3A_3 step %scan3A_4  : i32 {
      %broadcast_in_dim3A = arith.constant 0.000000e+00 : f32
      %broadcast_in_dim3A_29 = vector.broadcast %broadcast_in_dim3A : f32 to vector<16xf32>
      %jit3A = arith.constant 8 : i32
      %div3A = arith.divsi %scan3A_28, %jit3A : i32
      %sign3A = arith.constant 0 : i32
      %sign3A_30 = arith.cmpi sgt, %scan3A_28, %sign3A : i32
      %sign3A_31 = arith.extui %sign3A_30 : i1 to i32
      %sign3A_32 = arith.constant 0 : i32
      %sign3A_33 = arith.cmpi slt, %scan3A_28, %sign3A_32 : i32
      %sign3A_34 = arith.extui %sign3A_33 : i1 to i32
      %sign3A_35 = arith.subi %sign3A_31, %sign3A_34 : i32
      %sign3A_36 = arith.constant 0 : i32
      %sign3A_37 = arith.cmpi sgt, %jit3A, %sign3A_36 : i32
      %sign3A_38 = arith.extui %sign3A_37 : i1 to i32
      %sign3A_39 = arith.constant 0 : i32
      %sign3A_40 = arith.cmpi slt, %jit3A, %sign3A_39 : i32
      %sign3A_41 = arith.extui %sign3A_40 : i1 to i32
      %sign3A_42 = arith.subi %sign3A_38, %sign3A_41 : i32
      %ne3A = arith.cmpi ne, %sign3A_35, %sign3A_42 : i32
      %rem3A = arith.remsi %scan3A_28, %jit3A : i32
      %ne3A_43 = arith.constant 0 : i32
      %ne3A_44 = arith.cmpi ne, %rem3A, %ne3A_43 : i32
      %and3A = arith.andi %ne3A, %ne3A_44 : i1
      %sub3A = arith.constant 1 : i32
      %sub3A_45 = arith.subi %div3A, %sub3A : i32
      %select_n3A = arith.select %and3A, %sub3A_45, %div3A : i32
      %jit3A_46 = arith.constant 8 : i32
      %eq3A = arith.constant 0 : i32
      %eq3A_47 = arith.cmpi eq, %jit3A_46, %eq3A : i32
      %jit3A_48 = arith.constant 1 : i32
      %select_n3A_49 = arith.select %eq3A_47, %jit3A_48, %jit3A_46 : i32
      %rem3A_50 = arith.remsi %scan3A_28, %select_n3A_49 : i32
      %ne3A_51 = arith.constant 0 : i32
      %ne3A_52 = arith.cmpi ne, %rem3A_50, %ne3A_51 : i32
      %lt3A = arith.constant 0 : i32
      %lt3A_53 = arith.cmpi slt, %rem3A_50, %lt3A : i32
      %lt3A_54 = arith.constant 0 : i32
      %lt3A_55 = arith.cmpi slt, %select_n3A_49, %lt3A_54 : i32
      %ne3A_56 = arith.xori %lt3A_53, %lt3A_55 : i1
      %and3A_57 = arith.andi %ne3A_56, %ne3A_52 : i1
      %add3A_58 = arith.addi %rem3A_50, %select_n3A_49 : i32
      %select_n3A_59 = arith.select %and3A_57, %add3A_58, %rem3A_50 : i32
      %mul3A_60 = arith.constant 16 : i32
      %mul3A_61 = arith.muli %select_n3A_59, %mul3A_60 : i32
      %swap3A = arith.index_cast %select_n3A : i32 to index
      %swap3A_62 = arith.index_cast %mul3A_61 : i32 to index
      %swap3A_63 = tpu.vector_load %arg8[%swap3A, %swap3A_62] {strides = array<i32>} : memref<128x128xf32, #tpu.memory_space<vmem>>, vector<1x16xf32>,
      %swap3A_64 = vector.shape_cast %swap3A_63 : vector<1x16xf32> to vector<16xf32>
      %swap3A_65 = vector.shape_cast %broadcast_in_dim3A_29 : vector<16xf32> to vector<1x16xf32>
      tpu.vector_store %arg8[%swap3A, %swap3A_62], %swap3A_65 {strides = array<i32>} : memref<128x128xf32, #tpu.memory_space<vmem>>, vector<1x16xf32>,
    }
    %scan3A_5 = arith.constant 1024 : i32
    %mul3A_6 = arith.constant 632 : i32
    %mul3A_7 = arith.muli %arg1, %mul3A_6 : i32
    %add3A_8 = arith.constant 0 : i32
    %add3A_9 = arith.addi %mul3A_7, %add3A_8 : i32
    "tpu.region"() ({
      %run_scoped3A = tpu.sem_alloc : memref<!tpu.dma_semaphore, #tpu.memory_space<semaphore_mem>>
      %dma_start3A = arith.constant 0 : i32
      %dma_start3A_28 = arith.constant 0 : i32
      %dma_start3A_29 = tpu.memref_slice %arg8[%dma_start3A, %dma_start3A_28] : memref<128x128xf32, #tpu.memory_space<vmem>> -> memref<128x128xf32, #tpu.memory_space<vmem>>
      %dma_start3A_30 = arith.constant 0 : i32
      %dma_start3A_31 = tpu.memref_slice %arg10[%add3A_9, %dma_start3A_30] : memref<10112x128xf32, #tpu.memory_space<vmem_shared>> -> memref<128x128xf32, #tpu.memory_space<vmem_shared>>
      %dma_start3A_32 = arith.constant 0 : i32
      %dma_start3A_33 = tpu.memref_slice %arg10[%add3A_9, %dma_start3A_32] : memref<10112x128xf32, #tpu.memory_space<vmem_shared>> -> memref<128x128xf32, #tpu.memory_space<vmem_shared>>
      %dma_start3A_34 = arith.constant 0 : i32
      %dma_start3A_35 = arith.constant 0 : i32
      %dma_start3A_36 = tpu.memref_slice %arg8[%dma_start3A_34, %dma_start3A_35] : memref<128x128xf32, #tpu.memory_space<vmem>> -> memref<128x128xf32, #tpu.memory_space<vmem>>
      tpu.enqueue_dma source(%dma_start3A_36 : memref<128x128xf32, #tpu.memory_space<vmem>>) target(%dma_start3A_33 : memref<128x128xf32, #tpu.memory_space<vmem_shared>>) target_semaphore(%run_scoped3A : memref<!tpu.dma_semaphore, #tpu.memory_space<semaphore_mem>>)
      %dma_wait3A = arith.constant 0 : i32
      %dma_wait3A_37 = arith.constant 0 : i32
      %dma_wait3A_38 = tpu.memref_slice %arg8[%dma_wait3A, %dma_wait3A_37] : memref<128x128xf32, #tpu.memory_space<vmem>> -> memref<128x128xf32, #tpu.memory_space<vmem>>
      %dma_wait3A_39 = arith.constant 0 : i32
      %dma_wait3A_40 = tpu.memref_slice %arg10[%add3A_9, %dma_wait3A_39] : memref<10112x128xf32, #tpu.memory_space<vmem_shared>> -> memref<128x128xf32, #tpu.memory_space<vmem_shared>>
      %dma_wait3A_41 = arith.constant 0 : i32
      %dma_wait3A_42 = tpu.memref_slice %arg10[%add3A_9, %dma_wait3A_41] : memref<10112x128xf32, #tpu.memory_space<vmem_shared>> -> memref<128x128xf32, #tpu.memory_space<vmem_shared>>
      %dma_wait3A_43 = arith.constant 0 : i32
      %dma_wait3A_44 = arith.constant 0 : i32
      %dma_wait3A_45 = tpu.memref_slice %arg8[%dma_wait3A_43, %dma_wait3A_44] : memref<128x128xf32, #tpu.memory_space<vmem>> -> memref<128x128xf32, #tpu.memory_space<vmem>>
      tpu.wait_dma2 semaphore(%run_scoped3A : memref<!tpu.dma_semaphore, #tpu.memory_space<semaphore_mem>>) src(%dma_wait3A_45 : memref<128x128xf32, #tpu.memory_space<vmem>>) dst(%dma_wait3A_42 : memref<128x128xf32, #tpu.memory_space<vmem_shared>>)
      tpu.yield
    }) : () -> ()
    %add3A_10 = arith.constant 128 : i32
    %add3A_11 = arith.addi %mul3A_7, %add3A_10 : i32
    "tpu.region"() ({
      %run_scoped3A = tpu.sem_alloc : memref<!tpu.dma_semaphore, #tpu.memory_space<semaphore_mem>>
      %dma_start3A = arith.constant 0 : i32
      %dma_start3A_28 = arith.constant 0 : i32
      %dma_start3A_29 = tpu.memref_slice %arg8[%dma_start3A, %dma_start3A_28] : memref<128x128xf32, #tpu.memory_space<vmem>> -> memref<128x128xf32, #tpu.memory_space<vmem>>
      %dma_start3A_30 = arith.constant 0 : i32
      %dma_start3A_31 = tpu.memref_slice %arg10[%add3A_11, %dma_start3A_30] : memref<10112x128xf32, #tpu.memory_space<vmem_shared>> -> memref<128x128xf32, #tpu.memory_space<vmem_shared>>
      %dma_start3A_32 = arith.constant 0 : i32
      %dma_start3A_33 = tpu.memref_slice %arg10[%add3A_11, %dma_start3A_32] : memref<10112x128xf32, #tpu.memory_space<vmem_shared>> -> memref<128x128xf32, #tpu.memory_space<vmem_shared>>
      %dma_start3A_34 = arith.constant 0 : i32
      %dma_start3A_35 = arith.constant 0 : i32
      %dma_start3A_36 = tpu.memref_slice %arg8[%dma_start3A_34, %dma_start3A_35] : memref<128x128xf32, #tpu.memory_space<vmem>> -> memref<128x128xf32, #tpu.memory_space<vmem>>
      tpu.enqueue_dma source(%dma_start3A_36 : memref<128x128xf32, #tpu.memory_space<vmem>>) target(%dma_start3A_33 : memref<128x128xf32, #tpu.memory_space<vmem_shared>>) target_semaphore(%run_scoped3A : memref<!tpu.dma_semaphore, #tpu.memory_space<semaphore_mem>>)
      %dma_wait3A = arith.constant 0 : i32
      %dma_wait3A_37 = arith.constant 0 : i32
      %dma_wait3A_38 = tpu.memref_slice %arg8[%dma_wait3A, %dma_wait3A_37] : memref<128x128xf32, #tpu.memory_space<vmem>> -> memref<128x128xf32, #tpu.memory_space<vmem>>
      %dma_wait3A_39 = arith.constant 0 : i32
      %dma_wait3A_40 = tpu.memref_slice %arg10[%add3A_11, %dma_wait3A_39] : memref<10112x128xf32, #tpu.memory_space<vmem_shared>> -> memref<128x128xf32, #tpu.memory_space<vmem_shared>>
      %dma_wait3A_41 = arith.constant 0 : i32
      %dma_wait3A_42 = tpu.memref_slice %arg10[%add3A_11, %dma_wait3A_41] : memref<10112x128xf32, #tpu.memory_space<vmem_shared>> -> memref<128x128xf32, #tpu.memory_space<vmem_shared>>
      %dma_wait3A_43 = arith.constant 0 : i32
      %dma_wait3A_44 = arith.constant 0 : i32
      %dma_wait3A_45 = tpu.memref_slice %arg8[%dma_wait3A_43, %dma_wait3A_44] : memref<128x128xf32, #tpu.memory_space<vmem>> -> memref<128x128xf32, #tpu.memory_space<vmem>>
      tpu.wait_dma2 semaphore(%run_scoped3A : memref<!tpu.dma_semaphore, #tpu.memory_space<semaphore_mem>>) src(%dma_wait3A_45 : memref<128x128xf32, #tpu.memory_space<vmem>>) dst(%dma_wait3A_42 : memref<128x128xf32, #tpu.memory_space<vmem_shared>>)
      tpu.yield
    }) : () -> ()
    %add3A_12 = arith.constant 256 : i32
    %add3A_13 = arith.addi %mul3A_7, %add3A_12 : i32
    "tpu.region"() ({
      %run_scoped3A = tpu.sem_alloc : memref<!tpu.dma_semaphore, #tpu.memory_space<semaphore_mem>>
      %dma_start3A = arith.constant 0 : i32
      %dma_start3A_28 = arith.constant 0 : i32
      %dma_start3A_29 = tpu.memref_slice %arg8[%dma_start3A, %dma_start3A_28] : memref<128x128xf32, #tpu.memory_space<vmem>> -> memref<128x128xf32, #tpu.memory_space<vmem>>
      %dma_start3A_30 = arith.constant 0 : i32
      %dma_start3A_31 = tpu.memref_slice %arg10[%add3A_13, %dma_start3A_30] : memref<10112x128xf32, #tpu.memory_space<vmem_shared>> -> memref<128x128xf32, #tpu.memory_space<vmem_shared>>
      %dma_start3A_32 = arith.constant 0 : i32
      %dma_start3A_33 = tpu.memref_slice %arg10[%add3A_13, %dma_start3A_32] : memref<10112x128xf32, #tpu.memory_space<vmem_shared>> -> memref<128x128xf32, #tpu.memory_space<vmem_shared>>
      %dma_start3A_34 = arith.constant 0 : i32
      %dma_start3A_35 = arith.constant 0 : i32
      %dma_start3A_36 = tpu.memref_slice %arg8[%dma_start3A_34, %dma_start3A_35] : memref<128x128xf32, #tpu.memory_space<vmem>> -> memref<128x128xf32, #tpu.memory_space<vmem>>
      tpu.enqueue_dma source(%dma_start3A_36 : memref<128x128xf32, #tpu.memory_space<vmem>>) target(%dma_start3A_33 : memref<128x128xf32, #tpu.memory_space<vmem_shared>>) target_semaphore(%run_scoped3A : memref<!tpu.dma_semaphore, #tpu.memory_space<semaphore_mem>>)
      %dma_wait3A = arith.constant 0 : i32
      %dma_wait3A_37 = arith.constant 0 : i32
      %dma_wait3A_38 = tpu.memref_slice %arg8[%dma_wait3A, %dma_wait3A_37] : memref<128x128xf32, #tpu.memory_space<vmem>> -> memref<128x128xf32, #tpu.memory_space<vmem>>
      %dma_wait3A_39 = arith.constant 0 : i32
      %dma_wait3A_40 = tpu.memref_slice %arg10[%add3A_13, %dma_wait3A_39] : memref<10112x128xf32, #tpu.memory_space<vmem_shared>> -> memref<128x128xf32, #tpu.memory_space<vmem_shared>>
      %dma_wait3A_41 = arith.constant 0 : i32
      %dma_wait3A_42 = tpu.memref_slice %arg10[%add3A_13, %dma_wait3A_41] : memref<10112x128xf32, #tpu.memory_space<vmem_shared>> -> memref<128x128xf32, #tpu.memory_space<vmem_shared>>
      %dma_wait3A_43 = arith.constant 0 : i32
      %dma_wait3A_44 = arith.constant 0 : i32
      %dma_wait3A_45 = tpu.memref_slice %arg8[%dma_wait3A_43, %dma_wait3A_44] : memref<128x128xf32, #tpu.memory_space<vmem>> -> memref<128x128xf32, #tpu.memory_space<vmem>>
      tpu.wait_dma2 semaphore(%run_scoped3A : memref<!tpu.dma_semaphore, #tpu.memory_space<semaphore_mem>>) src(%dma_wait3A_45 : memref<128x128xf32, #tpu.memory_space<vmem>>) dst(%dma_wait3A_42 : memref<128x128xf32, #tpu.memory_space<vmem_shared>>)
      tpu.yield
    }) : () -> ()
    %add3A_14 = arith.constant 384 : i32
    %add3A_15 = arith.addi %mul3A_7, %add3A_14 : i32
    "tpu.region"() ({
      %run_scoped3A = tpu.sem_alloc : memref<!tpu.dma_semaphore, #tpu.memory_space<semaphore_mem>>
      %dma_start3A = arith.constant 0 : i32
      %dma_start3A_28 = arith.constant 0 : i32
      %dma_start3A_29 = tpu.memref_slice %arg8[%dma_start3A, %dma_start3A_28] : memref<128x128xf32, #tpu.memory_space<vmem>> -> memref<128x128xf32, #tpu.memory_space<vmem>>
      %dma_start3A_30 = arith.constant 0 : i32
      %dma_start3A_31 = tpu.memref_slice %arg10[%add3A_15, %dma_start3A_30] : memref<10112x128xf32, #tpu.memory_space<vmem_shared>> -> memref<128x128xf32, #tpu.memory_space<vmem_shared>>
      %dma_start3A_32 = arith.constant 0 : i32
      %dma_start3A_33 = tpu.memref_slice %arg10[%add3A_15, %dma_start3A_32] : memref<10112x128xf32, #tpu.memory_space<vmem_shared>> -> memref<128x128xf32, #tpu.memory_space<vmem_shared>>
      %dma_start3A_34 = arith.constant 0 : i32
      %dma_start3A_35 = arith.constant 0 : i32
      %dma_start3A_36 = tpu.memref_slice %arg8[%dma_start3A_34, %dma_start3A_35] : memref<128x128xf32, #tpu.memory_space<vmem>> -> memref<128x128xf32, #tpu.memory_space<vmem>>
      tpu.enqueue_dma source(%dma_start3A_36 : memref<128x128xf32, #tpu.memory_space<vmem>>) target(%dma_start3A_33 : memref<128x128xf32, #tpu.memory_space<vmem_shared>>) target_semaphore(%run_scoped3A : memref<!tpu.dma_semaphore, #tpu.memory_space<semaphore_mem>>)
      %dma_wait3A = arith.constant 0 : i32
      %dma_wait3A_37 = arith.constant 0 : i32
      %dma_wait3A_38 = tpu.memref_slice %arg8[%dma_wait3A, %dma_wait3A_37] : memref<128x128xf32, #tpu.memory_space<vmem>> -> memref<128x128xf32, #tpu.memory_space<vmem>>
      %dma_wait3A_39 = arith.constant 0 : i32
      %dma_wait3A_40 = tpu.memref_slice %arg10[%add3A_15, %dma_wait3A_39] : memref<10112x128xf32, #tpu.memory_space<vmem_shared>> -> memref<128x128xf32, #tpu.memory_space<vmem_shared>>
      %dma_wait3A_41 = arith.constant 0 : i32
      %dma_wait3A_42 = tpu.memref_slice %arg10[%add3A_15, %dma_wait3A_41] : memref<10112x128xf32, #tpu.memory_space<vmem_shared>> -> memref<128x128xf32, #tpu.memory_space<vmem_shared>>
      %dma_wait3A_43 = arith.constant 0 : i32
      %dma_wait3A_44 = arith.constant 0 : i32
      %dma_wait3A_45 = tpu.memref_slice %arg8[%dma_wait3A_43, %dma_wait3A_44] : memref<128x128xf32, #tpu.memory_space<vmem>> -> memref<128x128xf32, #tpu.memory_space<vmem>>
      tpu.wait_dma2 semaphore(%run_scoped3A : memref<!tpu.dma_semaphore, #tpu.memory_space<semaphore_mem>>) src(%dma_wait3A_45 : memref<128x128xf32, #tpu.memory_space<vmem>>) dst(%dma_wait3A_42 : memref<128x128xf32, #tpu.memory_space<vmem_shared>>)
      tpu.yield
    }) : () -> ()
    %add3A_16 = arith.constant 512 : i32
    %add3A_17 = arith.addi %mul3A_7, %add3A_16 : i32
    "tpu.region"() ({
      %run_scoped3A = tpu.sem_alloc : memref<!tpu.dma_semaphore, #tpu.memory_space<semaphore_mem>>
      %dma_start3A = arith.constant 0 : i32
      %dma_start3A_28 = arith.constant 0 : i32
      %dma_start3A_29 = tpu.memref_slice %arg8[%dma_start3A, %dma_start3A_28] : memref<128x128xf32, #tpu.memory_space<vmem>> -> memref<120x128xf32, #tpu.memory_space<vmem>>
      %dma_start3A_30 = arith.constant 0 : i32
      %dma_start3A_31 = tpu.memref_slice %arg10[%add3A_17, %dma_start3A_30] : memref<10112x128xf32, #tpu.memory_space<vmem_shared>> -> memref<120x128xf32, #tpu.memory_space<vmem_shared>>
      %dma_start3A_32 = arith.constant 0 : i32
      %dma_start3A_33 = tpu.memref_slice %arg10[%add3A_17, %dma_start3A_32] : memref<10112x128xf32, #tpu.memory_space<vmem_shared>> -> memref<120x128xf32, #tpu.memory_space<vmem_shared>>
      %dma_start3A_34 = arith.constant 0 : i32
      %dma_start3A_35 = arith.constant 0 : i32
      %dma_start3A_36 = tpu.memref_slice %arg8[%dma_start3A_34, %dma_start3A_35] : memref<128x128xf32, #tpu.memory_space<vmem>> -> memref<120x128xf32, #tpu.memory_space<vmem>>
      tpu.enqueue_dma source(%dma_start3A_36 : memref<120x128xf32, #tpu.memory_space<vmem>>) target(%dma_start3A_33 : memref<120x128xf32, #tpu.memory_space<vmem_shared>>) target_semaphore(%run_scoped3A : memref<!tpu.dma_semaphore, #tpu.memory_space<semaphore_mem>>)
      %dma_wait3A = arith.constant 0 : i32
      %dma_wait3A_37 = arith.constant 0 : i32
      %dma_wait3A_38 = tpu.memref_slice %arg8[%dma_wait3A, %dma_wait3A_37] : memref<128x128xf32, #tpu.memory_space<vmem>> -> memref<120x128xf32, #tpu.memory_space<vmem>>
      %dma_wait3A_39 = arith.constant 0 : i32
      %dma_wait3A_40 = tpu.memref_slice %arg10[%add3A_17, %dma_wait3A_39] : memref<10112x128xf32, #tpu.memory_space<vmem_shared>> -> memref<120x128xf32, #tpu.memory_space<vmem_shared>>
      %dma_wait3A_41 = arith.constant 0 : i32
      %dma_wait3A_42 = tpu.memref_slice %arg10[%add3A_17, %dma_wait3A_41] : memref<10112x128xf32, #tpu.memory_space<vmem_shared>> -> memref<120x128xf32, #tpu.memory_space<vmem_shared>>
      %dma_wait3A_43 = arith.constant 0 : i32
      %dma_wait3A_44 = arith.constant 0 : i32
      %dma_wait3A_45 = tpu.memref_slice %arg8[%dma_wait3A_43, %dma_wait3A_44] : memref<128x128xf32, #tpu.memory_space<vmem>> -> memref<120x128xf32, #tpu.memory_space<vmem>>
      tpu.wait_dma2 semaphore(%run_scoped3A : memref<!tpu.dma_semaphore, #tpu.memory_space<semaphore_mem>>) src(%dma_wait3A_45 : memref<120x128xf32, #tpu.memory_space<vmem>>) dst(%dma_wait3A_42 : memref<120x128xf32, #tpu.memory_space<vmem_shared>>)
      tpu.yield
    }) : () -> ()
    %barrier3A = arith.constant 0 : index
    tpu.barrier barrier_id(%barrier3A)
    %scan3A_18 = arith.constant 0 : i32
    %scan3A_19 = arith.constant 0 : i32
    %scan3A_20 = arith.constant 5 : i32
    %scan3A_21 = arith.addi %scan3A_19, %scan3A_20 : i32
    %scan3A_22 = arith.constant 1 : i32
    scf.for %scan3A_28 = %scan3A_19 to %scan3A_21 step %scan3A_22  : i32 {
      %mul3A_29 = arith.constant 16 : i32
      %mul3A_30 = arith.muli %scan3A_28, %mul3A_29 : i32
      "tpu.region"() ({
        %run_scoped3A_64 = tpu.sem_alloc : memref<!tpu.dma_semaphore, #tpu.memory_space<semaphore_mem>>
        %dma_start3A_65 = arith.constant 0 : i32
        %dma_start3A_66 = tpu.memref_slice %arg3[%add3A, %mul3A_30, %dma_start3A_65] : memref<32x80x128xi32, #tpu.memory_space<hbm>> -> memref<1x16x128xi32, #tpu.memory_space<hbm>>
        %dma_start3A_67 = tpu.memref_squeeze %dma_start3A_66 : memref<1x16x128xi32, #tpu.memory_space<hbm>> -> memref<16x128xi32, #tpu.memory_space<hbm>>
        %dma_start3A_68 = arith.constant 0 : i32
        %dma_start3A_69 = tpu.memref_slice %arg3[%add3A, %mul3A_30, %dma_start3A_68] : memref<32x80x128xi32, #tpu.memory_space<hbm>> -> memref<1x16x128xi32, #tpu.memory_space<hbm>>
        %dma_start3A_70 = tpu.memref_squeeze %dma_start3A_69 : memref<1x16x128xi32, #tpu.memory_space<hbm>> -> memref<16x128xi32, #tpu.memory_space<hbm>>
        tpu.enqueue_dma source(%dma_start3A_70 : memref<16x128xi32, #tpu.memory_space<hbm>>) target(%arg6 : memref<16x128xi32, #tpu.memory_space<vmem>>) target_semaphore(%run_scoped3A_64 : memref<!tpu.dma_semaphore, #tpu.memory_space<semaphore_mem>>)
        %dma_wait3A_71 = arith.constant 0 : i32
        %dma_wait3A_72 = tpu.memref_slice %arg3[%add3A, %mul3A_30, %dma_wait3A_71] : memref<32x80x128xi32, #tpu.memory_space<hbm>> -> memref<1x16x128xi32, #tpu.memory_space<hbm>>
        %dma_wait3A_73 = tpu.memref_squeeze %dma_wait3A_72 : memref<1x16x128xi32, #tpu.memory_space<hbm>> -> memref<16x128xi32, #tpu.memory_space<hbm>>
        %dma_wait3A_74 = arith.constant 0 : i32
        %dma_wait3A_75 = tpu.memref_slice %arg3[%add3A, %mul3A_30, %dma_wait3A_74] : memref<32x80x128xi32, #tpu.memory_space<hbm>> -> memref<1x16x128xi32, #tpu.memory_space<hbm>>
        %dma_wait3A_76 = tpu.memref_squeeze %dma_wait3A_75 : memref<1x16x128xi32, #tpu.memory_space<hbm>> -> memref<16x128xi32, #tpu.memory_space<hbm>>
        tpu.wait_dma2 semaphore(%run_scoped3A_64 : memref<!tpu.dma_semaphore, #tpu.memory_space<semaphore_mem>>) src(%dma_wait3A_76 : memref<16x128xi32, #tpu.memory_space<hbm>>) dst(%arg6 : memref<16x128xi32, #tpu.memory_space<vmem>>)
        tpu.yield
      }) : () -> ()
      %mul3A_31 = arith.constant 16 : i32
      %mul3A_32 = arith.muli %scan3A_28, %mul3A_31 : i32
      "tpu.region"() ({
        %run_scoped3A_64 = tpu.sem_alloc : memref<!tpu.dma_semaphore, #tpu.memory_space<semaphore_mem>>
        %dma_start3A_65 = arith.constant 0 : i32
        %dma_start3A_66 = tpu.memref_slice %arg4[%add3A, %mul3A_32, %dma_start3A_65] : memref<32x80x128xi32, #tpu.memory_space<hbm>> -> memref<1x16x128xi32, #tpu.memory_space<hbm>>
        %dma_start3A_67 = tpu.memref_squeeze %dma_start3A_66 : memref<1x16x128xi32, #tpu.memory_space<hbm>> -> memref<16x128xi32, #tpu.memory_space<hbm>>
        %dma_start3A_68 = arith.constant 0 : i32
        %dma_start3A_69 = tpu.memref_slice %arg4[%add3A, %mul3A_32, %dma_start3A_68] : memref<32x80x128xi32, #tpu.memory_space<hbm>> -> memref<1x16x128xi32, #tpu.memory_space<hbm>>
        %dma_start3A_70 = tpu.memref_squeeze %dma_start3A_69 : memref<1x16x128xi32, #tpu.memory_space<hbm>> -> memref<16x128xi32, #tpu.memory_space<hbm>>
        tpu.enqueue_dma source(%dma_start3A_70 : memref<16x128xi32, #tpu.memory_space<hbm>>) target(%arg7 : memref<16x128xi32, #tpu.memory_space<vmem>>) target_semaphore(%run_scoped3A_64 : memref<!tpu.dma_semaphore, #tpu.memory_space<semaphore_mem>>)
        %dma_wait3A_71 = arith.constant 0 : i32
        %dma_wait3A_72 = tpu.memref_slice %arg4[%add3A, %mul3A_32, %dma_wait3A_71] : memref<32x80x128xi32, #tpu.memory_space<hbm>> -> memref<1x16x128xi32, #tpu.memory_space<hbm>>
        %dma_wait3A_73 = tpu.memref_squeeze %dma_wait3A_72 : memref<1x16x128xi32, #tpu.memory_space<hbm>> -> memref<16x128xi32, #tpu.memory_space<hbm>>
        %dma_wait3A_74 = arith.constant 0 : i32
        %dma_wait3A_75 = tpu.memref_slice %arg4[%add3A, %mul3A_32, %dma_wait3A_74] : memref<32x80x128xi32, #tpu.memory_space<hbm>> -> memref<1x16x128xi32, #tpu.memory_space<hbm>>
        %dma_wait3A_76 = tpu.memref_squeeze %dma_wait3A_75 : memref<1x16x128xi32, #tpu.memory_space<hbm>> -> memref<16x128xi32, #tpu.memory_space<hbm>>
        tpu.wait_dma2 semaphore(%run_scoped3A_64 : memref<!tpu.dma_semaphore, #tpu.memory_space<semaphore_mem>>) src(%dma_wait3A_76 : memref<16x128xi32, #tpu.memory_space<hbm>>) dst(%arg7 : memref<16x128xi32, #tpu.memory_space<vmem>>)
        tpu.yield
      }) : () -> ()
      %dma_start3A = arith.constant 0 : i32
      %dma_start3A_33 = arith.constant 0 : i32
      %dma_start3A_34 = tpu.memref_slice %arg6[%dma_start3A, %dma_start3A_33] : memref<16x128xi32, #tpu.memory_space<vmem>> -> memref<1x128xi32, #tpu.memory_space<vmem>>
      %dma_start3A_35 = tpu.memref_squeeze %dma_start3A_34 : memref<1x128xi32, #tpu.memory_space<vmem>> -> memref<128xi32, #tpu.memory_space<vmem>>
      %dma_start3A_36 = arith.constant 0 : i32
      %dma_start3A_37 = arith.constant 0 : i32
      %dma_start3A_38 = tpu.memref_slice %arg2[%dma_start3A_36, %dma_start3A_37] : memref<10112x128xf32, #tpu.memory_space<hbm>> -> memref<10112x128xf32, #tpu.memory_space<hbm>>
      tpu.enqueue_indirect_dma source(%dma_start3A_38 : memref<10112x128xf32, #tpu.memory_space<hbm>>) target(%arg8 : memref<128x128xf32, #tpu.memory_space<vmem>>) offsets(%dma_start3A_35 : memref<128xi32, #tpu.memory_space<vmem>>) semaphore(%arg11 : memref<!tpu.dma_semaphore, #tpu.memory_space<semaphore_mem>>)
      %scan3A_39 = arith.constant 0 : i32
      %scan3A_40 = arith.constant 0 : i32
      %scan3A_41 = arith.constant 7 : i32
      %scan3A_42 = arith.addi %scan3A_40, %scan3A_41 : i32
      %scan3A_43 = arith.constant 1 : i32
      scf.for %scan3A_64 = %scan3A_40 to %scan3A_42 step %scan3A_43  : i32 {
        %mul3A_65 = arith.constant 2 : i32
        %mul3A_66 = arith.muli %mul3A_65, %scan3A_64 : i32
        %dma_wait3A_67 = arith.constant 0 : i32
        %dma_wait3A_68 = arith.constant 0 : i32
        %dma_wait3A_69 = tpu.memref_slice %arg2[%dma_wait3A_67, %dma_wait3A_68] : memref<10112x128xf32, #tpu.memory_space<hbm>> -> memref<128x128xf32, #tpu.memory_space<hbm>>
        %dma_wait3A_70 = arith.constant 0 : i32
        %dma_wait3A_71 = arith.constant 0 : i32
        %dma_wait3A_72 = tpu.memref_slice %arg2[%dma_wait3A_70, %dma_wait3A_71] : memref<10112x128xf32, #tpu.memory_space<hbm>> -> memref<128x128xf32, #tpu.memory_space<hbm>>
        tpu.wait_dma2 semaphore(%arg11 : memref<!tpu.dma_semaphore, #tpu.memory_space<semaphore_mem>>) src(%dma_wait3A_72 : memref<128x128xf32, #tpu.memory_space<hbm>>) dst(%arg8 : memref<128x128xf32, #tpu.memory_space<vmem>>)
        %add3A_73 = arith.constant 1 : i32
        %add3A_74 = arith.addi %mul3A_66, %add3A_73 : i32
        %dma_start3A_75 = arith.constant 0 : i32
        %dma_start3A_76 = tpu.memref_slice %arg6[%add3A_74, %dma_start3A_75] : memref<16x128xi32, #tpu.memory_space<vmem>> -> memref<1x128xi32, #tpu.memory_space<vmem>>
        %dma_start3A_77 = tpu.memref_squeeze %dma_start3A_76 : memref<1x128xi32, #tpu.memory_space<vmem>> -> memref<128xi32, #tpu.memory_space<vmem>>
        %dma_start3A_78 = arith.constant 0 : i32
        %dma_start3A_79 = arith.constant 0 : i32
        %dma_start3A_80 = tpu.memref_slice %arg2[%dma_start3A_78, %dma_start3A_79] : memref<10112x128xf32, #tpu.memory_space<hbm>> -> memref<10112x128xf32, #tpu.memory_space<hbm>>
        tpu.enqueue_indirect_dma source(%dma_start3A_80 : memref<10112x128xf32, #tpu.memory_space<hbm>>) target(%arg9 : memref<128x128xf32, #tpu.memory_space<vmem>>) offsets(%dma_start3A_77 : memref<128xi32, #tpu.memory_space<vmem>>) semaphore(%arg12 : memref<!tpu.dma_semaphore, #tpu.memory_space<semaphore_mem>>)
        "tpu.region"() ({
          %run_scoped3A_97 = tpu.sem_alloc : memref<!tpu.dma_semaphore, #tpu.memory_space<semaphore_mem>>
          %dma_start3A_98 = arith.constant 0 : i32
          %dma_start3A_99 = tpu.memref_slice %arg7[%mul3A_66, %dma_start3A_98] : memref<16x128xi32, #tpu.memory_space<vmem>> -> memref<1x128xi32, #tpu.memory_space<vmem>>
          %dma_start3A_100 = tpu.memref_squeeze %dma_start3A_99 : memref<1x128xi32, #tpu.memory_space<vmem>> -> memref<128xi32, #tpu.memory_space<vmem>>
          %dma_start3A_101 = arith.constant 0 : i32
          %dma_start3A_102 = arith.constant 0 : i32
          %dma_start3A_103 = tpu.memref_slice %arg10[%dma_start3A_101, %dma_start3A_102] : memref<10112x128xf32, #tpu.memory_space<vmem_shared>> -> memref<10112x128xf32, #tpu.memory_space<vmem_shared>>
          tpu.enqueue_indirect_dma source(%arg8 : memref<128x128xf32, #tpu.memory_space<vmem>>) target(%dma_start3A_103 : memref<10112x128xf32, #tpu.memory_space<vmem_shared>>) offsets(%dma_start3A_100 : memref<128xi32, #tpu.memory_space<vmem>>) semaphore(%run_scoped3A_97 : memref<!tpu.dma_semaphore, #tpu.memory_space<semaphore_mem>>) {add = true}
          %dma_wait3A_104 = arith.constant 0 : i32
          %dma_wait3A_105 = tpu.memref_slice %arg7[%mul3A_66, %dma_wait3A_104] : memref<16x128xi32, #tpu.memory_space<vmem>> -> memref<1x128xi32, #tpu.memory_space<vmem>>
          %dma_wait3A_106 = tpu.memref_squeeze %dma_wait3A_105 : memref<1x128xi32, #tpu.memory_space<vmem>> -> memref<128xi32, #tpu.memory_space<vmem>>
          %dma_wait3A_107 = arith.constant 0 : i32
          %dma_wait3A_108 = arith.constant 0 : i32
          %dma_wait3A_109 = tpu.memref_slice %arg10[%dma_wait3A_107, %dma_wait3A_108] : memref<10112x128xf32, #tpu.memory_space<vmem_shared>> -> memref<10112x128xf32, #tpu.memory_space<vmem_shared>>
          tpu.wait_indirect_dma semaphore(%run_scoped3A_97 : memref<!tpu.dma_semaphore, #tpu.memory_space<semaphore_mem>>) src(%arg8 : memref<128x128xf32, #tpu.memory_space<vmem>>) dst(%dma_wait3A_109 : memref<10112x128xf32, #tpu.memory_space<vmem_shared>>)
          tpu.yield
        }) : () -> ()
        %dma_wait3A_81 = arith.constant 0 : i32
        %dma_wait3A_82 = arith.constant 0 : i32
        %dma_wait3A_83 = tpu.memref_slice %arg2[%dma_wait3A_81, %dma_wait3A_82] : memref<10112x128xf32, #tpu.memory_space<hbm>> -> memref<128x128xf32, #tpu.memory_space<hbm>>
        %dma_wait3A_84 = arith.constant 0 : i32
        %dma_wait3A_85 = arith.constant 0 : i32
        %dma_wait3A_86 = tpu.memref_slice %arg2[%dma_wait3A_84, %dma_wait3A_85] : memref<10112x128xf32, #tpu.memory_space<hbm>> -> memref<128x128xf32, #tpu.memory_space<hbm>>
        tpu.wait_dma2 semaphore(%arg12 : memref<!tpu.dma_semaphore, #tpu.memory_space<semaphore_mem>>) src(%dma_wait3A_86 : memref<128x128xf32, #tpu.memory_space<hbm>>) dst(%arg9 : memref<128x128xf32, #tpu.memory_space<vmem>>)
        %add3A_87 = arith.constant 2 : i32
        %add3A_88 = arith.addi %mul3A_66, %add3A_87 : i32
        %dma_start3A_89 = arith.constant 0 : i32
        %dma_start3A_90 = tpu.memref_slice %arg6[%add3A_88, %dma_start3A_89] : memref<16x128xi32, #tpu.memory_space<vmem>> -> memref<1x128xi32, #tpu.memory_space<vmem>>
        %dma_start3A_91 = tpu.memref_squeeze %dma_start3A_90 : memref<1x128xi32, #tpu.memory_space<vmem>> -> memref<128xi32, #tpu.memory_space<vmem>>
        %dma_start3A_92 = arith.constant 0 : i32
        %dma_start3A_93 = arith.constant 0 : i32
        %dma_start3A_94 = tpu.memref_slice %arg2[%dma_start3A_92, %dma_start3A_93] : memref<10112x128xf32, #tpu.memory_space<hbm>> -> memref<10112x128xf32, #tpu.memory_space<hbm>>
        tpu.enqueue_indirect_dma source(%dma_start3A_94 : memref<10112x128xf32, #tpu.memory_space<hbm>>) target(%arg8 : memref<128x128xf32, #tpu.memory_space<vmem>>) offsets(%dma_start3A_91 : memref<128xi32, #tpu.memory_space<vmem>>) semaphore(%arg11 : memref<!tpu.dma_semaphore, #tpu.memory_space<semaphore_mem>>)
        %add3A_95 = arith.constant 1 : i32
        %add3A_96 = arith.addi %mul3A_66, %add3A_95 : i32
        "tpu.region"() ({
          %run_scoped3A_97 = tpu.sem_alloc : memref<!tpu.dma_semaphore, #tpu.memory_space<semaphore_mem>>
          %dma_start3A_98 = arith.constant 0 : i32
          %dma_start3A_99 = tpu.memref_slice %arg7[%add3A_96, %dma_start3A_98] : memref<16x128xi32, #tpu.memory_space<vmem>> -> memref<1x128xi32, #tpu.memory_space<vmem>>
          %dma_start3A_100 = tpu.memref_squeeze %dma_start3A_99 : memref<1x128xi32, #tpu.memory_space<vmem>> -> memref<128xi32, #tpu.memory_space<vmem>>
          %dma_start3A_101 = arith.constant 0 : i32
          %dma_start3A_102 = arith.constant 0 : i32
          %dma_start3A_103 = tpu.memref_slice %arg10[%dma_start3A_101, %dma_start3A_102] : memref<10112x128xf32, #tpu.memory_space<vmem_shared>> -> memref<10112x128xf32, #tpu.memory_space<vmem_shared>>
          tpu.enqueue_indirect_dma source(%arg9 : memref<128x128xf32, #tpu.memory_space<vmem>>) target(%dma_start3A_103 : memref<10112x128xf32, #tpu.memory_space<vmem_shared>>) offsets(%dma_start3A_100 : memref<128xi32, #tpu.memory_space<vmem>>) semaphore(%run_scoped3A_97 : memref<!tpu.dma_semaphore, #tpu.memory_space<semaphore_mem>>) {add = true}
          %dma_wait3A_104 = arith.constant 0 : i32
          %dma_wait3A_105 = tpu.memref_slice %arg7[%add3A_96, %dma_wait3A_104] : memref<16x128xi32, #tpu.memory_space<vmem>> -> memref<1x128xi32, #tpu.memory_space<vmem>>
          %dma_wait3A_106 = tpu.memref_squeeze %dma_wait3A_105 : memref<1x128xi32, #tpu.memory_space<vmem>> -> memref<128xi32, #tpu.memory_space<vmem>>
          %dma_wait3A_107 = arith.constant 0 : i32
          %dma_wait3A_108 = arith.constant 0 : i32
          %dma_wait3A_109 = tpu.memref_slice %arg10[%dma_wait3A_107, %dma_wait3A_108] : memref<10112x128xf32, #tpu.memory_space<vmem_shared>> -> memref<10112x128xf32, #tpu.memory_space<vmem_shared>>
          tpu.wait_indirect_dma semaphore(%run_scoped3A_97 : memref<!tpu.dma_semaphore, #tpu.memory_space<semaphore_mem>>) src(%arg9 : memref<128x128xf32, #tpu.memory_space<vmem>>) dst(%dma_wait3A_109 : memref<10112x128xf32, #tpu.memory_space<vmem_shared>>)
          tpu.yield
        }) : () -> ()
      }
      %scan3A_44 = arith.constant 7 : i32
      %dma_wait3A = arith.constant 0 : i32
      %dma_wait3A_45 = arith.constant 0 : i32
      %dma_wait3A_46 = tpu.memref_slice %arg2[%dma_wait3A, %dma_wait3A_45] : memref<10112x128xf32, #tpu.memory_space<hbm>> -> memref<128x128xf32, #tpu.memory_space<hbm>>
      %dma_wait3A_47 = arith.constant 0 : i32
      %dma_wait3A_48 = arith.constant 0 : i32
      %dma_wait3A_49 = tpu.memref_slice %arg2[%dma_wait3A_47, %dma_wait3A_48] : memref<10112x128xf32, #tpu.memory_space<hbm>> -> memref<128x128xf32, #tpu.memory_space<hbm>>
      tpu.wait_dma2 semaphore(%arg11 : memref<!tpu.dma_semaphore, #tpu.memory_space<semaphore_mem>>) src(%dma_wait3A_49 : memref<128x128xf32, #tpu.memory_space<hbm>>) dst(%arg8 : memref<128x128xf32, #tpu.memory_space<vmem>>)
      %dma_start3A_50 = arith.constant 15 : i32
      %dma_start3A_51 = arith.constant 0 : i32
      %dma_start3A_52 = tpu.memref_slice %arg6[%dma_start3A_50, %dma_start3A_51] : memref<16x128xi32, #tpu.memory_space<vmem>> -> memref<1x128xi32, #tpu.memory_space<vmem>>
      %dma_start3A_53 = tpu.memref_squeeze %dma_start3A_52 : memref<1x128xi32, #tpu.memory_space<vmem>> -> memref<128xi32, #tpu.memory_space<vmem>>
      %dma_start3A_54 = arith.constant 0 : i32
      %dma_start3A_55 = arith.constant 0 : i32
      %dma_start3A_56 = tpu.memref_slice %arg2[%dma_start3A_54, %dma_start3A_55] : memref<10112x128xf32, #tpu.memory_space<hbm>> -> memref<10112x128xf32, #tpu.memory_space<hbm>>
      tpu.enqueue_indirect_dma source(%dma_start3A_56 : memref<10112x128xf32, #tpu.memory_space<hbm>>) target(%arg9 : memref<128x128xf32, #tpu.memory_space<vmem>>) offsets(%dma_start3A_53 : memref<128xi32, #tpu.memory_space<vmem>>) semaphore(%arg12 : memref<!tpu.dma_semaphore, #tpu.memory_space<semaphore_mem>>)
      %run_scoped3A = arith.constant 14 : i32
      "tpu.region"() ({
        %run_scoped3A_64 = tpu.sem_alloc : memref<!tpu.dma_semaphore, #tpu.memory_space<semaphore_mem>>
        %dma_start3A_65 = arith.constant 0 : i32
        %dma_start3A_66 = tpu.memref_slice %arg7[%run_scoped3A, %dma_start3A_65] : memref<16x128xi32, #tpu.memory_space<vmem>> -> memref<1x128xi32, #tpu.memory_space<vmem>>
        %dma_start3A_67 = tpu.memref_squeeze %dma_start3A_66 : memref<1x128xi32, #tpu.memory_space<vmem>> -> memref<128xi32, #tpu.memory_space<vmem>>
        %dma_start3A_68 = arith.constant 0 : i32
        %dma_start3A_69 = arith.constant 0 : i32
        %dma_start3A_70 = tpu.memref_slice %arg10[%dma_start3A_68, %dma_start3A_69] : memref<10112x128xf32, #tpu.memory_space<vmem_shared>> -> memref<10112x128xf32, #tpu.memory_space<vmem_shared>>
        tpu.enqueue_indirect_dma source(%arg8 : memref<128x128xf32, #tpu.memory_space<vmem>>) target(%dma_start3A_70 : memref<10112x128xf32, #tpu.memory_space<vmem_shared>>) offsets(%dma_start3A_67 : memref<128xi32, #tpu.memory_space<vmem>>) semaphore(%run_scoped3A_64 : memref<!tpu.dma_semaphore, #tpu.memory_space<semaphore_mem>>) {add = true}
        %dma_wait3A_71 = arith.constant 0 : i32
        %dma_wait3A_72 = tpu.memref_slice %arg7[%run_scoped3A, %dma_wait3A_71] : memref<16x128xi32, #tpu.memory_space<vmem>> -> memref<1x128xi32, #tpu.memory_space<vmem>>
        %dma_wait3A_73 = tpu.memref_squeeze %dma_wait3A_72 : memref<1x128xi32, #tpu.memory_space<vmem>> -> memref<128xi32, #tpu.memory_space<vmem>>
        %dma_wait3A_74 = arith.constant 0 : i32
        %dma_wait3A_75 = arith.constant 0 : i32
        %dma_wait3A_76 = tpu.memref_slice %arg10[%dma_wait3A_74, %dma_wait3A_75] : memref<10112x128xf32, #tpu.memory_space<vmem_shared>> -> memref<10112x128xf32, #tpu.memory_space<vmem_shared>>
        tpu.wait_indirect_dma semaphore(%run_scoped3A_64 : memref<!tpu.dma_semaphore, #tpu.memory_space<semaphore_mem>>) src(%arg8 : memref<128x128xf32, #tpu.memory_space<vmem>>) dst(%dma_wait3A_76 : memref<10112x128xf32, #tpu.memory_space<vmem_shared>>)
        tpu.yield
      }) : () -> ()
      %dma_wait3A_57 = arith.constant 0 : i32
      %dma_wait3A_58 = arith.constant 0 : i32
      %dma_wait3A_59 = tpu.memref_slice %arg2[%dma_wait3A_57, %dma_wait3A_58] : memref<10112x128xf32, #tpu.memory_space<hbm>> -> memref<128x128xf32, #tpu.memory_space<hbm>>
      %dma_wait3A_60 = arith.constant 0 : i32
      %dma_wait3A_61 = arith.constant 0 : i32
      %dma_wait3A_62 = tpu.memref_slice %arg2[%dma_wait3A_60, %dma_wait3A_61] : memref<10112x128xf32, #tpu.memory_space<hbm>> -> memref<128x128xf32, #tpu.memory_space<hbm>>
      tpu.wait_dma2 semaphore(%arg12 : memref<!tpu.dma_semaphore, #tpu.memory_space<semaphore_mem>>) src(%dma_wait3A_62 : memref<128x128xf32, #tpu.memory_space<hbm>>) dst(%arg9 : memref<128x128xf32, #tpu.memory_space<vmem>>)
      %run_scoped3A_63 = arith.constant 15 : i32
      "tpu.region"() ({
        %run_scoped3A_64 = tpu.sem_alloc : memref<!tpu.dma_semaphore, #tpu.memory_space<semaphore_mem>>
        %dma_start3A_65 = arith.constant 0 : i32
        %dma_start3A_66 = tpu.memref_slice %arg7[%run_scoped3A_63, %dma_start3A_65] : memref<16x128xi32, #tpu.memory_space<vmem>> -> memref<1x128xi32, #tpu.memory_space<vmem>>
        %dma_start3A_67 = tpu.memref_squeeze %dma_start3A_66 : memref<1x128xi32, #tpu.memory_space<vmem>> -> memref<128xi32, #tpu.memory_space<vmem>>
        %dma_start3A_68 = arith.constant 0 : i32
        %dma_start3A_69 = arith.constant 0 : i32
        %dma_start3A_70 = tpu.memref_slice %arg10[%dma_start3A_68, %dma_start3A_69] : memref<10112x128xf32, #tpu.memory_space<vmem_shared>> -> memref<10112x128xf32, #tpu.memory_space<vmem_shared>>
        tpu.enqueue_indirect_dma source(%arg9 : memref<128x128xf32, #tpu.memory_space<vmem>>) target(%dma_start3A_70 : memref<10112x128xf32, #tpu.memory_space<vmem_shared>>) offsets(%dma_start3A_67 : memref<128xi32, #tpu.memory_space<vmem>>) semaphore(%run_scoped3A_64 : memref<!tpu.dma_semaphore, #tpu.memory_space<semaphore_mem>>) {add = true}
        %dma_wait3A_71 = arith.constant 0 : i32
        %dma_wait3A_72 = tpu.memref_slice %arg7[%run_scoped3A_63, %dma_wait3A_71] : memref<16x128xi32, #tpu.memory_space<vmem>> -> memref<1x128xi32, #tpu.memory_space<vmem>>
        %dma_wait3A_73 = tpu.memref_squeeze %dma_wait3A_72 : memref<1x128xi32, #tpu.memory_space<vmem>> -> memref<128xi32, #tpu.memory_space<vmem>>
        %dma_wait3A_74 = arith.constant 0 : i32
        %dma_wait3A_75 = arith.constant 0 : i32
        %dma_wait3A_76 = tpu.memref_slice %arg10[%dma_wait3A_74, %dma_wait3A_75] : memref<10112x128xf32, #tpu.memory_space<vmem_shared>> -> memref<10112x128xf32, #tpu.memory_space<vmem_shared>>
        tpu.wait_indirect_dma semaphore(%run_scoped3A_64 : memref<!tpu.dma_semaphore, #tpu.memory_space<semaphore_mem>>) src(%arg9 : memref<128x128xf32, #tpu.memory_space<vmem>>) dst(%dma_wait3A_76 : memref<10112x128xf32, #tpu.memory_space<vmem_shared>>)
        tpu.yield
      }) : () -> ()
    }
    %scan3A_23 = arith.constant 5 : i32
    %barrier3A_24 = arith.constant 0 : index
    tpu.barrier barrier_id(%barrier3A_24)
    %mul3A_25 = arith.constant 10112 : i32
    %mul3A_26 = arith.muli %arg0, %mul3A_25 : i32
    %add3A_27 = arith.addi %mul3A_26, %mul3A_7 : i32
    "tpu.region"() ({
      %run_scoped3A = tpu.sem_alloc : memref<!tpu.dma_semaphore, #tpu.memory_space<semaphore_mem>>
      %dma_start3A = arith.constant 0 : i32
      %dma_start3A_28 = tpu.memref_slice %arg5[%add3A_27, %dma_start3A] : memref<20224x128xf32, #tpu.memory_space<hbm>> -> memref<632x128xf32, #tpu.memory_space<hbm>>
      %dma_start3A_29 = arith.constant 0 : i32
      %dma_start3A_30 = tpu.memref_slice %arg10[%mul3A_7, %dma_start3A_29] : memref<10112x128xf32, #tpu.memory_space<vmem_shared>> -> memref<632x128xf32, #tpu.memory_space<vmem_shared>>
      tpu.enqueue_dma source(%dma_start3A_30 : memref<632x128xf32, #tpu.memory_space<vmem_shared>>) target(%dma_start3A_28 : memref<632x128xf32, #tpu.memory_space<hbm>>) target_semaphore(%run_scoped3A : memref<!tpu.dma_semaphore, #tpu.memory_space<semaphore_mem>>)
      %dma_wait3A = arith.constant 0 : i32
      %dma_wait3A_31 = tpu.memref_slice %arg5[%add3A_27, %dma_wait3A] : memref<20224x128xf32, #tpu.memory_space<hbm>> -> memref<632x128xf32, #tpu.memory_space<hbm>>
      %dma_wait3A_32 = arith.constant 0 : i32
      %dma_wait3A_33 = tpu.memref_slice %arg10[%mul3A_7, %dma_wait3A_32] : memref<10112x128xf32, #tpu.memory_space<vmem_shared>> -> memref<632x128xf32, #tpu.memory_space<vmem_shared>>
      tpu.wait_dma2 semaphore(%run_scoped3A : memref<!tpu.dma_semaphore, #tpu.memory_space<semaphore_mem>>) src(%dma_wait3A_33 : memref<632x128xf32, #tpu.memory_space<vmem_shared>>) dst(%dma_wait3A_31 : memref<632x128xf32, #tpu.memory_space<hbm>>)
      tpu.yield
    }) : () -> ()
    return
  }
}

#map = affine_map<(d0, d1) -> (0, 0)>
#map1 = affine_map<(d0, d1) -> (0, 0, 0)>
module attributes {stable_mosaic.version = 14 : i64} {
  func.func @agg_kernel(%arg0: i32, %arg1: i32, %arg2: memref<10112x128xf32, #tpu.memory_space<hbm>>, %arg3: memref<32x80x128xi32, #tpu.memory_space<hbm>>, %arg4: memref<32x80x128xi32, #tpu.memory_space<hbm>>, %arg5: memref<20224x128xf32, #tpu.memory_space<hbm>>, %arg6: memref<16x128xi32, #tpu.memory_space<vmem>>, %arg7: memref<16x128xi32, #tpu.memory_space<vmem>>, %arg8: memref<128x128xf32, #tpu.memory_space<vmem>>, %arg9: memref<128x128xf32, #tpu.memory_space<vmem>>, %arg10: memref<10112x128xf32, #tpu.memory_space<vmem_shared>>, %arg11: memref<!tpu.dma_semaphore, #tpu.memory_space<semaphore_mem>>, %arg12: memref<!tpu.dma_semaphore, #tpu.memory_space<semaphore_mem>>) attributes {dimension_semantics = [#tpu.dimension_semantics<core_parallel>, #tpu.dimension_semantics<subcore_parallel>], iteration_bounds = array<i64: 2, 16>, scalar_prefetch = 0 : i64, scratch_operands = 7 : i64, tpu.core_type = #tpu.core_type<sc_vector_subcore>, window_params = [{transform_indices = #map}, {transform_indices = #map1}, {transform_indices = #map1}, {transform_indices = #map}]} {
    %mul3A = arith.constant 2 : i32
    %mul3A_0 = arith.muli %arg1, %mul3A : i32
    %add3A = arith.addi %mul3A_0, %arg0 : i32
    %scan3A = arith.constant 0 : i32
    %scan3A_1 = arith.constant 0 : i32
    %scan3A_2 = arith.constant 1024 : i32
    %scan3A_3 = arith.addi %scan3A_1, %scan3A_2 : i32
    %scan3A_4 = arith.constant 1 : i32
    scf.for %scan3A_28 = %scan3A_1 to %scan3A_3 step %scan3A_4  : i32 {
      %broadcast_in_dim3A = arith.constant 0.000000e+00 : f32
      %broadcast_in_dim3A_29 = vector.broadcast %broadcast_in_dim3A : f32 to vector<16xf32>
      %jit3A = arith.constant 8 : i32
      %div3A = arith.divsi %scan3A_28, %jit3A : i32
      %sign3A = arith.constant 0 : i32
      %sign3A_30 = arith.cmpi sgt, %scan3A_28, %sign3A : i32
      %sign3A_31 = arith.extui %sign3A_30 : i1 to i32
      %sign3A_32 = arith.constant 0 : i32
      %sign3A_33 = arith.cmpi slt, %scan3A_28, %sign3A_32 : i32
      %sign3A_34 = arith.extui %sign3A_33 : i1 to i32
      %sign3A_35 = arith.subi %sign3A_31, %sign3A_34 : i32
      %sign3A_36 = arith.constant 0 : i32
      %sign3A_37 = arith.cmpi sgt, %jit3A, %sign3A_36 : i32
      %sign3A_38 = arith.extui %sign3A_37 : i1 to i32
      %sign3A_39 = arith.constant 0 : i32
      %sign3A_40 = arith.cmpi slt, %jit3A, %sign3A_39 : i32
      %sign3A_41 = arith.extui %sign3A_40 : i1 to i32
      %sign3A_42 = arith.subi %sign3A_38, %sign3A_41 : i32
      %ne3A = arith.cmpi ne, %sign3A_35, %sign3A_42 : i32
      %rem3A = arith.remsi %scan3A_28, %jit3A : i32
      %ne3A_43 = arith.constant 0 : i32
      %ne3A_44 = arith.cmpi ne, %rem3A, %ne3A_43 : i32
      %and3A = arith.andi %ne3A, %ne3A_44 : i1
      %sub3A = arith.constant 1 : i32
      %sub3A_45 = arith.subi %div3A, %sub3A : i32
      %select_n3A = arith.select %and3A, %sub3A_45, %div3A : i32
      %jit3A_46 = arith.constant 8 : i32
      %eq3A = arith.constant 0 : i32
      %eq3A_47 = arith.cmpi eq, %jit3A_46, %eq3A : i32
      %jit3A_48 = arith.constant 1 : i32
      %select_n3A_49 = arith.select %eq3A_47, %jit3A_48, %jit3A_46 : i32
      %rem3A_50 = arith.remsi %scan3A_28, %select_n3A_49 : i32
      %ne3A_51 = arith.constant 0 : i32
      %ne3A_52 = arith.cmpi ne, %rem3A_50, %ne3A_51 : i32
      %lt3A = arith.constant 0 : i32
      %lt3A_53 = arith.cmpi slt, %rem3A_50, %lt3A : i32
      %lt3A_54 = arith.constant 0 : i32
      %lt3A_55 = arith.cmpi slt, %select_n3A_49, %lt3A_54 : i32
      %ne3A_56 = arith.xori %lt3A_53, %lt3A_55 : i1
      %and3A_57 = arith.andi %ne3A_56, %ne3A_52 : i1
      %add3A_58 = arith.addi %rem3A_50, %select_n3A_49 : i32
      %select_n3A_59 = arith.select %and3A_57, %add3A_58, %rem3A_50 : i32
      %mul3A_60 = arith.constant 16 : i32
      %mul3A_61 = arith.muli %select_n3A_59, %mul3A_60 : i32
      %swap3A = arith.index_cast %select_n3A : i32 to index
      %swap3A_62 = arith.index_cast %mul3A_61 : i32 to index
      %swap3A_63 = tpu.vector_load %arg8[%swap3A, %swap3A_62] {strides = array<i32>} : memref<128x128xf32, #tpu.memory_space<vmem>>, vector<1x16xf32>,
      %swap3A_64 = vector.shape_cast %swap3A_63 : vector<1x16xf32> to vector<16xf32>
      %swap3A_65 = vector.shape_cast %broadcast_in_dim3A_29 : vector<16xf32> to vector<1x16xf32>
      tpu.vector_store %arg8[%swap3A, %swap3A_62], %swap3A_65 {strides = array<i32>} : memref<128x128xf32, #tpu.memory_space<vmem>>, vector<1x16xf32>,
    }
    %scan3A_5 = arith.constant 1024 : i32
    %mul3A_6 = arith.constant 632 : i32
    %mul3A_7 = arith.muli %arg1, %mul3A_6 : i32
    %add3A_8 = arith.constant 0 : i32
    %add3A_9 = arith.addi %mul3A_7, %add3A_8 : i32
    "tpu.region"() ({
      %run_scoped3A = tpu.sem_alloc : memref<!tpu.dma_semaphore, #tpu.memory_space<semaphore_mem>>
      %dma_start3A = arith.constant 0 : i32
      %dma_start3A_28 = arith.constant 0 : i32
      %dma_start3A_29 = tpu.memref_slice %arg8[%dma_start3A, %dma_start3A_28] : memref<128x128xf32, #tpu.memory_space<vmem>> -> memref<128x128xf32, #tpu.memory_space<vmem>>
      %dma_start3A_30 = arith.constant 0 : i32
      %dma_start3A_31 = tpu.memref_slice %arg10[%add3A_9, %dma_start3A_30] : memref<10112x128xf32, #tpu.memory_space<vmem_shared>> -> memref<128x128xf32, #tpu.memory_space<vmem_shared>>
      %dma_start3A_32 = arith.constant 0 : i32
      %dma_start3A_33 = tpu.memref_slice %arg10[%add3A_9, %dma_start3A_32] : memref<10112x128xf32, #tpu.memory_space<vmem_shared>> -> memref<128x128xf32, #tpu.memory_space<vmem_shared>>
      %dma_start3A_34 = arith.constant 0 : i32
      %dma_start3A_35 = arith.constant 0 : i32
      %dma_start3A_36 = tpu.memref_slice %arg8[%dma_start3A_34, %dma_start3A_35] : memref<128x128xf32, #tpu.memory_space<vmem>> -> memref<128x128xf32, #tpu.memory_space<vmem>>
      tpu.enqueue_dma source(%dma_start3A_36 : memref<128x128xf32, #tpu.memory_space<vmem>>) target(%dma_start3A_33 : memref<128x128xf32, #tpu.memory_space<vmem_shared>>) target_semaphore(%run_scoped3A : memref<!tpu.dma_semaphore, #tpu.memory_space<semaphore_mem>>)
      %dma_wait3A = arith.constant 0 : i32
      %dma_wait3A_37 = arith.constant 0 : i32
      %dma_wait3A_38 = tpu.memref_slice %arg8[%dma_wait3A, %dma_wait3A_37] : memref<128x128xf32, #tpu.memory_space<vmem>> -> memref<128x128xf32, #tpu.memory_space<vmem>>
      %dma_wait3A_39 = arith.constant 0 : i32
      %dma_wait3A_40 = tpu.memref_slice %arg10[%add3A_9, %dma_wait3A_39] : memref<10112x128xf32, #tpu.memory_space<vmem_shared>> -> memref<128x128xf32, #tpu.memory_space<vmem_shared>>
      %dma_wait3A_41 = arith.constant 0 : i32
      %dma_wait3A_42 = tpu.memref_slice %arg10[%add3A_9, %dma_wait3A_41] : memref<10112x128xf32, #tpu.memory_space<vmem_shared>> -> memref<128x128xf32, #tpu.memory_space<vmem_shared>>
      %dma_wait3A_43 = arith.constant 0 : i32
      %dma_wait3A_44 = arith.constant 0 : i32
      %dma_wait3A_45 = tpu.memref_slice %arg8[%dma_wait3A_43, %dma_wait3A_44] : memref<128x128xf32, #tpu.memory_space<vmem>> -> memref<128x128xf32, #tpu.memory_space<vmem>>
      tpu.wait_dma2 semaphore(%run_scoped3A : memref<!tpu.dma_semaphore, #tpu.memory_space<semaphore_mem>>) src(%dma_wait3A_45 : memref<128x128xf32, #tpu.memory_space<vmem>>) dst(%dma_wait3A_42 : memref<128x128xf32, #tpu.memory_space<vmem_shared>>)
      tpu.yield
    }) : () -> ()
    %add3A_10 = arith.constant 128 : i32
    %add3A_11 = arith.addi %mul3A_7, %add3A_10 : i32
    "tpu.region"() ({
      %run_scoped3A = tpu.sem_alloc : memref<!tpu.dma_semaphore, #tpu.memory_space<semaphore_mem>>
      %dma_start3A = arith.constant 0 : i32
      %dma_start3A_28 = arith.constant 0 : i32
      %dma_start3A_29 = tpu.memref_slice %arg8[%dma_start3A, %dma_start3A_28] : memref<128x128xf32, #tpu.memory_space<vmem>> -> memref<128x128xf32, #tpu.memory_space<vmem>>
      %dma_start3A_30 = arith.constant 0 : i32
      %dma_start3A_31 = tpu.memref_slice %arg10[%add3A_11, %dma_start3A_30] : memref<10112x128xf32, #tpu.memory_space<vmem_shared>> -> memref<128x128xf32, #tpu.memory_space<vmem_shared>>
      %dma_start3A_32 = arith.constant 0 : i32
      %dma_start3A_33 = tpu.memref_slice %arg10[%add3A_11, %dma_start3A_32] : memref<10112x128xf32, #tpu.memory_space<vmem_shared>> -> memref<128x128xf32, #tpu.memory_space<vmem_shared>>
      %dma_start3A_34 = arith.constant 0 : i32
      %dma_start3A_35 = arith.constant 0 : i32
      %dma_start3A_36 = tpu.memref_slice %arg8[%dma_start3A_34, %dma_start3A_35] : memref<128x128xf32, #tpu.memory_space<vmem>> -> memref<128x128xf32, #tpu.memory_space<vmem>>
      tpu.enqueue_dma source(%dma_start3A_36 : memref<128x128xf32, #tpu.memory_space<vmem>>) target(%dma_start3A_33 : memref<128x128xf32, #tpu.memory_space<vmem_shared>>) target_semaphore(%run_scoped3A : memref<!tpu.dma_semaphore, #tpu.memory_space<semaphore_mem>>)
      %dma_wait3A = arith.constant 0 : i32
      %dma_wait3A_37 = arith.constant 0 : i32
      %dma_wait3A_38 = tpu.memref_slice %arg8[%dma_wait3A, %dma_wait3A_37] : memref<128x128xf32, #tpu.memory_space<vmem>> -> memref<128x128xf32, #tpu.memory_space<vmem>>
      %dma_wait3A_39 = arith.constant 0 : i32
      %dma_wait3A_40 = tpu.memref_slice %arg10[%add3A_11, %dma_wait3A_39] : memref<10112x128xf32, #tpu.memory_space<vmem_shared>> -> memref<128x128xf32, #tpu.memory_space<vmem_shared>>
      %dma_wait3A_41 = arith.constant 0 : i32
      %dma_wait3A_42 = tpu.memref_slice %arg10[%add3A_11, %dma_wait3A_41] : memref<10112x128xf32, #tpu.memory_space<vmem_shared>> -> memref<128x128xf32, #tpu.memory_space<vmem_shared>>
      %dma_wait3A_43 = arith.constant 0 : i32
      %dma_wait3A_44 = arith.constant 0 : i32
      %dma_wait3A_45 = tpu.memref_slice %arg8[%dma_wait3A_43, %dma_wait3A_44] : memref<128x128xf32, #tpu.memory_space<vmem>> -> memref<128x128xf32, #tpu.memory_space<vmem>>
      tpu.wait_dma2 semaphore(%run_scoped3A : memref<!tpu.dma_semaphore, #tpu.memory_space<semaphore_mem>>) src(%dma_wait3A_45 : memref<128x128xf32, #tpu.memory_space<vmem>>) dst(%dma_wait3A_42 : memref<128x128xf32, #tpu.memory_space<vmem_shared>>)
      tpu.yield
    }) : () -> ()
    %add3A_12 = arith.constant 256 : i32
    %add3A_13 = arith.addi %mul3A_7, %add3A_12 : i32
    "tpu.region"() ({
      %run_scoped3A = tpu.sem_alloc : memref<!tpu.dma_semaphore, #tpu.memory_space<semaphore_mem>>
      %dma_start3A = arith.constant 0 : i32
      %dma_start3A_28 = arith.constant 0 : i32
      %dma_start3A_29 = tpu.memref_slice %arg8[%dma_start3A, %dma_start3A_28] : memref<128x128xf32, #tpu.memory_space<vmem>> -> memref<128x128xf32, #tpu.memory_space<vmem>>
      %dma_start3A_30 = arith.constant 0 : i32
      %dma_start3A_31 = tpu.memref_slice %arg10[%add3A_13, %dma_start3A_30] : memref<10112x128xf32, #tpu.memory_space<vmem_shared>> -> memref<128x128xf32, #tpu.memory_space<vmem_shared>>
      %dma_start3A_32 = arith.constant 0 : i32
      %dma_start3A_33 = tpu.memref_slice %arg10[%add3A_13, %dma_start3A_32] : memref<10112x128xf32, #tpu.memory_space<vmem_shared>> -> memref<128x128xf32, #tpu.memory_space<vmem_shared>>
      %dma_start3A_34 = arith.constant 0 : i32
      %dma_start3A_35 = arith.constant 0 : i32
      %dma_start3A_36 = tpu.memref_slice %arg8[%dma_start3A_34, %dma_start3A_35] : memref<128x128xf32, #tpu.memory_space<vmem>> -> memref<128x128xf32, #tpu.memory_space<vmem>>
      tpu.enqueue_dma source(%dma_start3A_36 : memref<128x128xf32, #tpu.memory_space<vmem>>) target(%dma_start3A_33 : memref<128x128xf32, #tpu.memory_space<vmem_shared>>) target_semaphore(%run_scoped3A : memref<!tpu.dma_semaphore, #tpu.memory_space<semaphore_mem>>)
      %dma_wait3A = arith.constant 0 : i32
      %dma_wait3A_37 = arith.constant 0 : i32
      %dma_wait3A_38 = tpu.memref_slice %arg8[%dma_wait3A, %dma_wait3A_37] : memref<128x128xf32, #tpu.memory_space<vmem>> -> memref<128x128xf32, #tpu.memory_space<vmem>>
      %dma_wait3A_39 = arith.constant 0 : i32
      %dma_wait3A_40 = tpu.memref_slice %arg10[%add3A_13, %dma_wait3A_39] : memref<10112x128xf32, #tpu.memory_space<vmem_shared>> -> memref<128x128xf32, #tpu.memory_space<vmem_shared>>
      %dma_wait3A_41 = arith.constant 0 : i32
      %dma_wait3A_42 = tpu.memref_slice %arg10[%add3A_13, %dma_wait3A_41] : memref<10112x128xf32, #tpu.memory_space<vmem_shared>> -> memref<128x128xf32, #tpu.memory_space<vmem_shared>>
      %dma_wait3A_43 = arith.constant 0 : i32
      %dma_wait3A_44 = arith.constant 0 : i32
      %dma_wait3A_45 = tpu.memref_slice %arg8[%dma_wait3A_43, %dma_wait3A_44] : memref<128x128xf32, #tpu.memory_space<vmem>> -> memref<128x128xf32, #tpu.memory_space<vmem>>
      tpu.wait_dma2 semaphore(%run_scoped3A : memref<!tpu.dma_semaphore, #tpu.memory_space<semaphore_mem>>) src(%dma_wait3A_45 : memref<128x128xf32, #tpu.memory_space<vmem>>) dst(%dma_wait3A_42 : memref<128x128xf32, #tpu.memory_space<vmem_shared>>)
      tpu.yield
    }) : () -> ()
    %add3A_14 = arith.constant 384 : i32
    %add3A_15 = arith.addi %mul3A_7, %add3A_14 : i32
    "tpu.region"() ({
      %run_scoped3A = tpu.sem_alloc : memref<!tpu.dma_semaphore, #tpu.memory_space<semaphore_mem>>
      %dma_start3A = arith.constant 0 : i32
      %dma_start3A_28 = arith.constant 0 : i32
      %dma_start3A_29 = tpu.memref_slice %arg8[%dma_start3A, %dma_start3A_28] : memref<128x128xf32, #tpu.memory_space<vmem>> -> memref<128x128xf32, #tpu.memory_space<vmem>>
      %dma_start3A_30 = arith.constant 0 : i32
      %dma_start3A_31 = tpu.memref_slice %arg10[%add3A_15, %dma_start3A_30] : memref<10112x128xf32, #tpu.memory_space<vmem_shared>> -> memref<128x128xf32, #tpu.memory_space<vmem_shared>>
      %dma_start3A_32 = arith.constant 0 : i32
      %dma_start3A_33 = tpu.memref_slice %arg10[%add3A_15, %dma_start3A_32] : memref<10112x128xf32, #tpu.memory_space<vmem_shared>> -> memref<128x128xf32, #tpu.memory_space<vmem_shared>>
      %dma_start3A_34 = arith.constant 0 : i32
      %dma_start3A_35 = arith.constant 0 : i32
      %dma_start3A_36 = tpu.memref_slice %arg8[%dma_start3A_34, %dma_start3A_35] : memref<128x128xf32, #tpu.memory_space<vmem>> -> memref<128x128xf32, #tpu.memory_space<vmem>>
      tpu.enqueue_dma source(%dma_start3A_36 : memref<128x128xf32, #tpu.memory_space<vmem>>) target(%dma_start3A_33 : memref<128x128xf32, #tpu.memory_space<vmem_shared>>) target_semaphore(%run_scoped3A : memref<!tpu.dma_semaphore, #tpu.memory_space<semaphore_mem>>)
      %dma_wait3A = arith.constant 0 : i32
      %dma_wait3A_37 = arith.constant 0 : i32
      %dma_wait3A_38 = tpu.memref_slice %arg8[%dma_wait3A, %dma_wait3A_37] : memref<128x128xf32, #tpu.memory_space<vmem>> -> memref<128x128xf32, #tpu.memory_space<vmem>>
      %dma_wait3A_39 = arith.constant 0 : i32
      %dma_wait3A_40 = tpu.memref_slice %arg10[%add3A_15, %dma_wait3A_39] : memref<10112x128xf32, #tpu.memory_space<vmem_shared>> -> memref<128x128xf32, #tpu.memory_space<vmem_shared>>
      %dma_wait3A_41 = arith.constant 0 : i32
      %dma_wait3A_42 = tpu.memref_slice %arg10[%add3A_15, %dma_wait3A_41] : memref<10112x128xf32, #tpu.memory_space<vmem_shared>> -> memref<128x128xf32, #tpu.memory_space<vmem_shared>>
      %dma_wait3A_43 = arith.constant 0 : i32
      %dma_wait3A_44 = arith.constant 0 : i32
      %dma_wait3A_45 = tpu.memref_slice %arg8[%dma_wait3A_43, %dma_wait3A_44] : memref<128x128xf32, #tpu.memory_space<vmem>> -> memref<128x128xf32, #tpu.memory_space<vmem>>
      tpu.wait_dma2 semaphore(%run_scoped3A : memref<!tpu.dma_semaphore, #tpu.memory_space<semaphore_mem>>) src(%dma_wait3A_45 : memref<128x128xf32, #tpu.memory_space<vmem>>) dst(%dma_wait3A_42 : memref<128x128xf32, #tpu.memory_space<vmem_shared>>)
      tpu.yield
    }) : () -> ()
    %add3A_16 = arith.constant 512 : i32
    %add3A_17 = arith.addi %mul3A_7, %add3A_16 : i32
    "tpu.region"() ({
      %run_scoped3A = tpu.sem_alloc : memref<!tpu.dma_semaphore, #tpu.memory_space<semaphore_mem>>
      %dma_start3A = arith.constant 0 : i32
      %dma_start3A_28 = arith.constant 0 : i32
      %dma_start3A_29 = tpu.memref_slice %arg8[%dma_start3A, %dma_start3A_28] : memref<128x128xf32, #tpu.memory_space<vmem>> -> memref<120x128xf32, #tpu.memory_space<vmem>>
      %dma_start3A_30 = arith.constant 0 : i32
      %dma_start3A_31 = tpu.memref_slice %arg10[%add3A_17, %dma_start3A_30] : memref<10112x128xf32, #tpu.memory_space<vmem_shared>> -> memref<120x128xf32, #tpu.memory_space<vmem_shared>>
      %dma_start3A_32 = arith.constant 0 : i32
      %dma_start3A_33 = tpu.memref_slice %arg10[%add3A_17, %dma_start3A_32] : memref<10112x128xf32, #tpu.memory_space<vmem_shared>> -> memref<120x128xf32, #tpu.memory_space<vmem_shared>>
      %dma_start3A_34 = arith.constant 0 : i32
      %dma_start3A_35 = arith.constant 0 : i32
      %dma_start3A_36 = tpu.memref_slice %arg8[%dma_start3A_34, %dma_start3A_35] : memref<128x128xf32, #tpu.memory_space<vmem>> -> memref<120x128xf32, #tpu.memory_space<vmem>>
      tpu.enqueue_dma source(%dma_start3A_36 : memref<120x128xf32, #tpu.memory_space<vmem>>) target(%dma_start3A_33 : memref<120x128xf32, #tpu.memory_space<vmem_shared>>) target_semaphore(%run_scoped3A : memref<!tpu.dma_semaphore, #tpu.memory_space<semaphore_mem>>)
      %dma_wait3A = arith.constant 0 : i32
      %dma_wait3A_37 = arith.constant 0 : i32
      %dma_wait3A_38 = tpu.memref_slice %arg8[%dma_wait3A, %dma_wait3A_37] : memref<128x128xf32, #tpu.memory_space<vmem>> -> memref<120x128xf32, #tpu.memory_space<vmem>>
      %dma_wait3A_39 = arith.constant 0 : i32
      %dma_wait3A_40 = tpu.memref_slice %arg10[%add3A_17, %dma_wait3A_39] : memref<10112x128xf32, #tpu.memory_space<vmem_shared>> -> memref<120x128xf32, #tpu.memory_space<vmem_shared>>
      %dma_wait3A_41 = arith.constant 0 : i32
      %dma_wait3A_42 = tpu.memref_slice %arg10[%add3A_17, %dma_wait3A_41] : memref<10112x128xf32, #tpu.memory_space<vmem_shared>> -> memref<120x128xf32, #tpu.memory_space<vmem_shared>>
      %dma_wait3A_43 = arith.constant 0 : i32
      %dma_wait3A_44 = arith.constant 0 : i32
      %dma_wait3A_45 = tpu.memref_slice %arg8[%dma_wait3A_43, %dma_wait3A_44] : memref<128x128xf32, #tpu.memory_space<vmem>> -> memref<120x128xf32, #tpu.memory_space<vmem>>
      tpu.wait_dma2 semaphore(%run_scoped3A : memref<!tpu.dma_semaphore, #tpu.memory_space<semaphore_mem>>) src(%dma_wait3A_45 : memref<120x128xf32, #tpu.memory_space<vmem>>) dst(%dma_wait3A_42 : memref<120x128xf32, #tpu.memory_space<vmem_shared>>)
      tpu.yield
    }) : () -> ()
    %barrier3A = arith.constant 0 : index
    tpu.barrier barrier_id(%barrier3A)
    %scan3A_18 = arith.constant 0 : i32
    %scan3A_19 = arith.constant 0 : i32
    %scan3A_20 = arith.constant 5 : i32
    %scan3A_21 = arith.addi %scan3A_19, %scan3A_20 : i32
    %scan3A_22 = arith.constant 1 : i32
    scf.for %scan3A_28 = %scan3A_19 to %scan3A_21 step %scan3A_22  : i32 {
      %mul3A_29 = arith.constant 16 : i32
      %mul3A_30 = arith.muli %scan3A_28, %mul3A_29 : i32
      "tpu.region"() ({
        %run_scoped3A_64 = tpu.sem_alloc : memref<!tpu.dma_semaphore, #tpu.memory_space<semaphore_mem>>
        %dma_start3A_65 = arith.constant 0 : i32
        %dma_start3A_66 = tpu.memref_slice %arg3[%add3A, %mul3A_30, %dma_start3A_65] : memref<32x80x128xi32, #tpu.memory_space<hbm>> -> memref<1x16x128xi32, #tpu.memory_space<hbm>>
        %dma_start3A_67 = tpu.memref_squeeze %dma_start3A_66 : memref<1x16x128xi32, #tpu.memory_space<hbm>> -> memref<16x128xi32, #tpu.memory_space<hbm>>
        %dma_start3A_68 = arith.constant 0 : i32
        %dma_start3A_69 = tpu.memref_slice %arg3[%add3A, %mul3A_30, %dma_start3A_68] : memref<32x80x128xi32, #tpu.memory_space<hbm>> -> memref<1x16x128xi32, #tpu.memory_space<hbm>>
        %dma_start3A_70 = tpu.memref_squeeze %dma_start3A_69 : memref<1x16x128xi32, #tpu.memory_space<hbm>> -> memref<16x128xi32, #tpu.memory_space<hbm>>
        tpu.enqueue_dma source(%dma_start3A_70 : memref<16x128xi32, #tpu.memory_space<hbm>>) target(%arg6 : memref<16x128xi32, #tpu.memory_space<vmem>>) target_semaphore(%run_scoped3A_64 : memref<!tpu.dma_semaphore, #tpu.memory_space<semaphore_mem>>)
        %dma_wait3A_71 = arith.constant 0 : i32
        %dma_wait3A_72 = tpu.memref_slice %arg3[%add3A, %mul3A_30, %dma_wait3A_71] : memref<32x80x128xi32, #tpu.memory_space<hbm>> -> memref<1x16x128xi32, #tpu.memory_space<hbm>>
        %dma_wait3A_73 = tpu.memref_squeeze %dma_wait3A_72 : memref<1x16x128xi32, #tpu.memory_space<hbm>> -> memref<16x128xi32, #tpu.memory_space<hbm>>
        %dma_wait3A_74 = arith.constant 0 : i32
        %dma_wait3A_75 = tpu.memref_slice %arg3[%add3A, %mul3A_30, %dma_wait3A_74] : memref<32x80x128xi32, #tpu.memory_space<hbm>> -> memref<1x16x128xi32, #tpu.memory_space<hbm>>
        %dma_wait3A_76 = tpu.memref_squeeze %dma_wait3A_75 : memref<1x16x128xi32, #tpu.memory_space<hbm>> -> memref<16x128xi32, #tpu.memory_space<hbm>>
        tpu.wait_dma2 semaphore(%run_scoped3A_64 : memref<!tpu.dma_semaphore, #tpu.memory_space<semaphore_mem>>) src(%dma_wait3A_76 : memref<16x128xi32, #tpu.memory_space<hbm>>) dst(%arg6 : memref<16x128xi32, #tpu.memory_space<vmem>>)
        tpu.yield
      }) : () -> ()
      %mul3A_31 = arith.constant 16 : i32
      %mul3A_32 = arith.muli %scan3A_28, %mul3A_31 : i32
      "tpu.region"() ({
        %run_scoped3A_64 = tpu.sem_alloc : memref<!tpu.dma_semaphore, #tpu.memory_space<semaphore_mem>>
        %dma_start3A_65 = arith.constant 0 : i32
        %dma_start3A_66 = tpu.memref_slice %arg4[%add3A, %mul3A_32, %dma_start3A_65] : memref<32x80x128xi32, #tpu.memory_space<hbm>> -> memref<1x16x128xi32, #tpu.memory_space<hbm>>
        %dma_start3A_67 = tpu.memref_squeeze %dma_start3A_66 : memref<1x16x128xi32, #tpu.memory_space<hbm>> -> memref<16x128xi32, #tpu.memory_space<hbm>>
        %dma_start3A_68 = arith.constant 0 : i32
        %dma_start3A_69 = tpu.memref_slice %arg4[%add3A, %mul3A_32, %dma_start3A_68] : memref<32x80x128xi32, #tpu.memory_space<hbm>> -> memref<1x16x128xi32, #tpu.memory_space<hbm>>
        %dma_start3A_70 = tpu.memref_squeeze %dma_start3A_69 : memref<1x16x128xi32, #tpu.memory_space<hbm>> -> memref<16x128xi32, #tpu.memory_space<hbm>>
        tpu.enqueue_dma source(%dma_start3A_70 : memref<16x128xi32, #tpu.memory_space<hbm>>) target(%arg7 : memref<16x128xi32, #tpu.memory_space<vmem>>) target_semaphore(%run_scoped3A_64 : memref<!tpu.dma_semaphore, #tpu.memory_space<semaphore_mem>>)
        %dma_wait3A_71 = arith.constant 0 : i32
        %dma_wait3A_72 = tpu.memref_slice %arg4[%add3A, %mul3A_32, %dma_wait3A_71] : memref<32x80x128xi32, #tpu.memory_space<hbm>> -> memref<1x16x128xi32, #tpu.memory_space<hbm>>
        %dma_wait3A_73 = tpu.memref_squeeze %dma_wait3A_72 : memref<1x16x128xi32, #tpu.memory_space<hbm>> -> memref<16x128xi32, #tpu.memory_space<hbm>>
        %dma_wait3A_74 = arith.constant 0 : i32
        %dma_wait3A_75 = tpu.memref_slice %arg4[%add3A, %mul3A_32, %dma_wait3A_74] : memref<32x80x128xi32, #tpu.memory_space<hbm>> -> memref<1x16x128xi32, #tpu.memory_space<hbm>>
        %dma_wait3A_76 = tpu.memref_squeeze %dma_wait3A_75 : memref<1x16x128xi32, #tpu.memory_space<hbm>> -> memref<16x128xi32, #tpu.memory_space<hbm>>
        tpu.wait_dma2 semaphore(%run_scoped3A_64 : memref<!tpu.dma_semaphore, #tpu.memory_space<semaphore_mem>>) src(%dma_wait3A_76 : memref<16x128xi32, #tpu.memory_space<hbm>>) dst(%arg7 : memref<16x128xi32, #tpu.memory_space<vmem>>)
        tpu.yield
      }) : () -> ()
      %dma_start3A = arith.constant 0 : i32
      %dma_start3A_33 = arith.constant 0 : i32
      %dma_start3A_34 = tpu.memref_slice %arg6[%dma_start3A, %dma_start3A_33] : memref<16x128xi32, #tpu.memory_space<vmem>> -> memref<1x128xi32, #tpu.memory_space<vmem>>
      %dma_start3A_35 = tpu.memref_squeeze %dma_start3A_34 : memref<1x128xi32, #tpu.memory_space<vmem>> -> memref<128xi32, #tpu.memory_space<vmem>>
      %dma_start3A_36 = arith.constant 0 : i32
      %dma_start3A_37 = arith.constant 0 : i32
      %dma_start3A_38 = tpu.memref_slice %arg2[%dma_start3A_36, %dma_start3A_37] : memref<10112x128xf32, #tpu.memory_space<hbm>> -> memref<10112x128xf32, #tpu.memory_space<hbm>>
      tpu.enqueue_indirect_dma source(%dma_start3A_38 : memref<10112x128xf32, #tpu.memory_space<hbm>>) target(%arg8 : memref<128x128xf32, #tpu.memory_space<vmem>>) offsets(%dma_start3A_35 : memref<128xi32, #tpu.memory_space<vmem>>) semaphore(%arg11 : memref<!tpu.dma_semaphore, #tpu.memory_space<semaphore_mem>>)
      %scan3A_39 = arith.constant 0 : i32
      %scan3A_40 = arith.constant 0 : i32
      %scan3A_41 = arith.constant 7 : i32
      %scan3A_42 = arith.addi %scan3A_40, %scan3A_41 : i32
      %scan3A_43 = arith.constant 1 : i32
      scf.for %scan3A_64 = %scan3A_40 to %scan3A_42 step %scan3A_43  : i32 {
        %mul3A_65 = arith.constant 2 : i32
        %mul3A_66 = arith.muli %mul3A_65, %scan3A_64 : i32
        %dma_wait3A_67 = arith.constant 0 : i32
        %dma_wait3A_68 = arith.constant 0 : i32
        %dma_wait3A_69 = tpu.memref_slice %arg2[%dma_wait3A_67, %dma_wait3A_68] : memref<10112x128xf32, #tpu.memory_space<hbm>> -> memref<128x128xf32, #tpu.memory_space<hbm>>
        %dma_wait3A_70 = arith.constant 0 : i32
        %dma_wait3A_71 = arith.constant 0 : i32
        %dma_wait3A_72 = tpu.memref_slice %arg2[%dma_wait3A_70, %dma_wait3A_71] : memref<10112x128xf32, #tpu.memory_space<hbm>> -> memref<128x128xf32, #tpu.memory_space<hbm>>
        tpu.wait_dma2 semaphore(%arg11 : memref<!tpu.dma_semaphore, #tpu.memory_space<semaphore_mem>>) src(%dma_wait3A_72 : memref<128x128xf32, #tpu.memory_space<hbm>>) dst(%arg8 : memref<128x128xf32, #tpu.memory_space<vmem>>)
        %add3A_73 = arith.constant 1 : i32
        %add3A_74 = arith.addi %mul3A_66, %add3A_73 : i32
        %dma_start3A_75 = arith.constant 0 : i32
        %dma_start3A_76 = tpu.memref_slice %arg6[%add3A_74, %dma_start3A_75] : memref<16x128xi32, #tpu.memory_space<vmem>> -> memref<1x128xi32, #tpu.memory_space<vmem>>
        %dma_start3A_77 = tpu.memref_squeeze %dma_start3A_76 : memref<1x128xi32, #tpu.memory_space<vmem>> -> memref<128xi32, #tpu.memory_space<vmem>>
        %dma_start3A_78 = arith.constant 0 : i32
        %dma_start3A_79 = arith.constant 0 : i32
        %dma_start3A_80 = tpu.memref_slice %arg2[%dma_start3A_78, %dma_start3A_79] : memref<10112x128xf32, #tpu.memory_space<hbm>> -> memref<10112x128xf32, #tpu.memory_space<hbm>>
        tpu.enqueue_indirect_dma source(%dma_start3A_80 : memref<10112x128xf32, #tpu.memory_space<hbm>>) target(%arg9 : memref<128x128xf32, #tpu.memory_space<vmem>>) offsets(%dma_start3A_77 : memref<128xi32, #tpu.memory_space<vmem>>) semaphore(%arg12 : memref<!tpu.dma_semaphore, #tpu.memory_space<semaphore_mem>>)
        "tpu.region"() ({
          %run_scoped3A_97 = tpu.sem_alloc : memref<!tpu.dma_semaphore, #tpu.memory_space<semaphore_mem>>
          %dma_start3A_98 = arith.constant 0 : i32
          %dma_start3A_99 = tpu.memref_slice %arg7[%mul3A_66, %dma_start3A_98] : memref<16x128xi32, #tpu.memory_space<vmem>> -> memref<1x128xi32, #tpu.memory_space<vmem>>
          %dma_start3A_100 = tpu.memref_squeeze %dma_start3A_99 : memref<1x128xi32, #tpu.memory_space<vmem>> -> memref<128xi32, #tpu.memory_space<vmem>>
          %dma_start3A_101 = arith.constant 0 : i32
          %dma_start3A_102 = arith.constant 0 : i32
          %dma_start3A_103 = tpu.memref_slice %arg10[%dma_start3A_101, %dma_start3A_102] : memref<10112x128xf32, #tpu.memory_space<vmem_shared>> -> memref<10112x128xf32, #tpu.memory_space<vmem_shared>>
          tpu.enqueue_indirect_dma source(%arg8 : memref<128x128xf32, #tpu.memory_space<vmem>>) target(%dma_start3A_103 : memref<10112x128xf32, #tpu.memory_space<vmem_shared>>) offsets(%dma_start3A_100 : memref<128xi32, #tpu.memory_space<vmem>>) semaphore(%run_scoped3A_97 : memref<!tpu.dma_semaphore, #tpu.memory_space<semaphore_mem>>) {add = true}
          %dma_wait3A_104 = arith.constant 0 : i32
          %dma_wait3A_105 = tpu.memref_slice %arg7[%mul3A_66, %dma_wait3A_104] : memref<16x128xi32, #tpu.memory_space<vmem>> -> memref<1x128xi32, #tpu.memory_space<vmem>>
          %dma_wait3A_106 = tpu.memref_squeeze %dma_wait3A_105 : memref<1x128xi32, #tpu.memory_space<vmem>> -> memref<128xi32, #tpu.memory_space<vmem>>
          %dma_wait3A_107 = arith.constant 0 : i32
          %dma_wait3A_108 = arith.constant 0 : i32
          %dma_wait3A_109 = tpu.memref_slice %arg10[%dma_wait3A_107, %dma_wait3A_108] : memref<10112x128xf32, #tpu.memory_space<vmem_shared>> -> memref<10112x128xf32, #tpu.memory_space<vmem_shared>>
          tpu.wait_indirect_dma semaphore(%run_scoped3A_97 : memref<!tpu.dma_semaphore, #tpu.memory_space<semaphore_mem>>) src(%arg8 : memref<128x128xf32, #tpu.memory_space<vmem>>) dst(%dma_wait3A_109 : memref<10112x128xf32, #tpu.memory_space<vmem_shared>>)
          tpu.yield
        }) : () -> ()
        %dma_wait3A_81 = arith.constant 0 : i32
        %dma_wait3A_82 = arith.constant 0 : i32
        %dma_wait3A_83 = tpu.memref_slice %arg2[%dma_wait3A_81, %dma_wait3A_82] : memref<10112x128xf32, #tpu.memory_space<hbm>> -> memref<128x128xf32, #tpu.memory_space<hbm>>
        %dma_wait3A_84 = arith.constant 0 : i32
        %dma_wait3A_85 = arith.constant 0 : i32
        %dma_wait3A_86 = tpu.memref_slice %arg2[%dma_wait3A_84, %dma_wait3A_85] : memref<10112x128xf32, #tpu.memory_space<hbm>> -> memref<128x128xf32, #tpu.memory_space<hbm>>
        tpu.wait_dma2 semaphore(%arg12 : memref<!tpu.dma_semaphore, #tpu.memory_space<semaphore_mem>>) src(%dma_wait3A_86 : memref<128x128xf32, #tpu.memory_space<hbm>>) dst(%arg9 : memref<128x128xf32, #tpu.memory_space<vmem>>)
        %add3A_87 = arith.constant 2 : i32
        %add3A_88 = arith.addi %mul3A_66, %add3A_87 : i32
        %dma_start3A_89 = arith.constant 0 : i32
        %dma_start3A_90 = tpu.memref_slice %arg6[%add3A_88, %dma_start3A_89] : memref<16x128xi32, #tpu.memory_space<vmem>> -> memref<1x128xi32, #tpu.memory_space<vmem>>
        %dma_start3A_91 = tpu.memref_squeeze %dma_start3A_90 : memref<1x128xi32, #tpu.memory_space<vmem>> -> memref<128xi32, #tpu.memory_space<vmem>>
        %dma_start3A_92 = arith.constant 0 : i32
        %dma_start3A_93 = arith.constant 0 : i32
        %dma_start3A_94 = tpu.memref_slice %arg2[%dma_start3A_92, %dma_start3A_93] : memref<10112x128xf32, #tpu.memory_space<hbm>> -> memref<10112x128xf32, #tpu.memory_space<hbm>>
        tpu.enqueue_indirect_dma source(%dma_start3A_94 : memref<10112x128xf32, #tpu.memory_space<hbm>>) target(%arg8 : memref<128x128xf32, #tpu.memory_space<vmem>>) offsets(%dma_start3A_91 : memref<128xi32, #tpu.memory_space<vmem>>) semaphore(%arg11 : memref<!tpu.dma_semaphore, #tpu.memory_space<semaphore_mem>>)
        %add3A_95 = arith.constant 1 : i32
        %add3A_96 = arith.addi %mul3A_66, %add3A_95 : i32
        "tpu.region"() ({
          %run_scoped3A_97 = tpu.sem_alloc : memref<!tpu.dma_semaphore, #tpu.memory_space<semaphore_mem>>
          %dma_start3A_98 = arith.constant 0 : i32
          %dma_start3A_99 = tpu.memref_slice %arg7[%add3A_96, %dma_start3A_98] : memref<16x128xi32, #tpu.memory_space<vmem>> -> memref<1x128xi32, #tpu.memory_space<vmem>>
          %dma_start3A_100 = tpu.memref_squeeze %dma_start3A_99 : memref<1x128xi32, #tpu.memory_space<vmem>> -> memref<128xi32, #tpu.memory_space<vmem>>
          %dma_start3A_101 = arith.constant 0 : i32
          %dma_start3A_102 = arith.constant 0 : i32
          %dma_start3A_103 = tpu.memref_slice %arg10[%dma_start3A_101, %dma_start3A_102] : memref<10112x128xf32, #tpu.memory_space<vmem_shared>> -> memref<10112x128xf32, #tpu.memory_space<vmem_shared>>
          tpu.enqueue_indirect_dma source(%arg9 : memref<128x128xf32, #tpu.memory_space<vmem>>) target(%dma_start3A_103 : memref<10112x128xf32, #tpu.memory_space<vmem_shared>>) offsets(%dma_start3A_100 : memref<128xi32, #tpu.memory_space<vmem>>) semaphore(%run_scoped3A_97 : memref<!tpu.dma_semaphore, #tpu.memory_space<semaphore_mem>>) {add = true}
          %dma_wait3A_104 = arith.constant 0 : i32
          %dma_wait3A_105 = tpu.memref_slice %arg7[%add3A_96, %dma_wait3A_104] : memref<16x128xi32, #tpu.memory_space<vmem>> -> memref<1x128xi32, #tpu.memory_space<vmem>>
          %dma_wait3A_106 = tpu.memref_squeeze %dma_wait3A_105 : memref<1x128xi32, #tpu.memory_space<vmem>> -> memref<128xi32, #tpu.memory_space<vmem>>
          %dma_wait3A_107 = arith.constant 0 : i32
          %dma_wait3A_108 = arith.constant 0 : i32
          %dma_wait3A_109 = tpu.memref_slice %arg10[%dma_wait3A_107, %dma_wait3A_108] : memref<10112x128xf32, #tpu.memory_space<vmem_shared>> -> memref<10112x128xf32, #tpu.memory_space<vmem_shared>>
          tpu.wait_indirect_dma semaphore(%run_scoped3A_97 : memref<!tpu.dma_semaphore, #tpu.memory_space<semaphore_mem>>) src(%arg9 : memref<128x128xf32, #tpu.memory_space<vmem>>) dst(%dma_wait3A_109 : memref<10112x128xf32, #tpu.memory_space<vmem_shared>>)
          tpu.yield
        }) : () -> ()
      }
      %scan3A_44 = arith.constant 7 : i32
      %dma_wait3A = arith.constant 0 : i32
      %dma_wait3A_45 = arith.constant 0 : i32
      %dma_wait3A_46 = tpu.memref_slice %arg2[%dma_wait3A, %dma_wait3A_45] : memref<10112x128xf32, #tpu.memory_space<hbm>> -> memref<128x128xf32, #tpu.memory_space<hbm>>
      %dma_wait3A_47 = arith.constant 0 : i32
      %dma_wait3A_48 = arith.constant 0 : i32
      %dma_wait3A_49 = tpu.memref_slice %arg2[%dma_wait3A_47, %dma_wait3A_48] : memref<10112x128xf32, #tpu.memory_space<hbm>> -> memref<128x128xf32, #tpu.memory_space<hbm>>
      tpu.wait_dma2 semaphore(%arg11 : memref<!tpu.dma_semaphore, #tpu.memory_space<semaphore_mem>>) src(%dma_wait3A_49 : memref<128x128xf32, #tpu.memory_space<hbm>>) dst(%arg8 : memref<128x128xf32, #tpu.memory_space<vmem>>)
      %dma_start3A_50 = arith.constant 15 : i32
      %dma_start3A_51 = arith.constant 0 : i32
      %dma_start3A_52 = tpu.memref_slice %arg6[%dma_start3A_50, %dma_start3A_51] : memref<16x128xi32, #tpu.memory_space<vmem>> -> memref<1x128xi32, #tpu.memory_space<vmem>>
      %dma_start3A_53 = tpu.memref_squeeze %dma_start3A_52 : memref<1x128xi32, #tpu.memory_space<vmem>> -> memref<128xi32, #tpu.memory_space<vmem>>
      %dma_start3A_54 = arith.constant 0 : i32
      %dma_start3A_55 = arith.constant 0 : i32
      %dma_start3A_56 = tpu.memref_slice %arg2[%dma_start3A_54, %dma_start3A_55] : memref<10112x128xf32, #tpu.memory_space<hbm>> -> memref<10112x128xf32, #tpu.memory_space<hbm>>
      tpu.enqueue_indirect_dma source(%dma_start3A_56 : memref<10112x128xf32, #tpu.memory_space<hbm>>) target(%arg9 : memref<128x128xf32, #tpu.memory_space<vmem>>) offsets(%dma_start3A_53 : memref<128xi32, #tpu.memory_space<vmem>>) semaphore(%arg12 : memref<!tpu.dma_semaphore, #tpu.memory_space<semaphore_mem>>)
      %run_scoped3A = arith.constant 14 : i32
      "tpu.region"() ({
        %run_scoped3A_64 = tpu.sem_alloc : memref<!tpu.dma_semaphore, #tpu.memory_space<semaphore_mem>>
        %dma_start3A_65 = arith.constant 0 : i32
        %dma_start3A_66 = tpu.memref_slice %arg7[%run_scoped3A, %dma_start3A_65] : memref<16x128xi32, #tpu.memory_space<vmem>> -> memref<1x128xi32, #tpu.memory_space<vmem>>
        %dma_start3A_67 = tpu.memref_squeeze %dma_start3A_66 : memref<1x128xi32, #tpu.memory_space<vmem>> -> memref<128xi32, #tpu.memory_space<vmem>>
        %dma_start3A_68 = arith.constant 0 : i32
        %dma_start3A_69 = arith.constant 0 : i32
        %dma_start3A_70 = tpu.memref_slice %arg10[%dma_start3A_68, %dma_start3A_69] : memref<10112x128xf32, #tpu.memory_space<vmem_shared>> -> memref<10112x128xf32, #tpu.memory_space<vmem_shared>>
        tpu.enqueue_indirect_dma source(%arg8 : memref<128x128xf32, #tpu.memory_space<vmem>>) target(%dma_start3A_70 : memref<10112x128xf32, #tpu.memory_space<vmem_shared>>) offsets(%dma_start3A_67 : memref<128xi32, #tpu.memory_space<vmem>>) semaphore(%run_scoped3A_64 : memref<!tpu.dma_semaphore, #tpu.memory_space<semaphore_mem>>) {add = true}
        %dma_wait3A_71 = arith.constant 0 : i32
        %dma_wait3A_72 = tpu.memref_slice %arg7[%run_scoped3A, %dma_wait3A_71] : memref<16x128xi32, #tpu.memory_space<vmem>> -> memref<1x128xi32, #tpu.memory_space<vmem>>
        %dma_wait3A_73 = tpu.memref_squeeze %dma_wait3A_72 : memref<1x128xi32, #tpu.memory_space<vmem>> -> memref<128xi32, #tpu.memory_space<vmem>>
        %dma_wait3A_74 = arith.constant 0 : i32
        %dma_wait3A_75 = arith.constant 0 : i32
        %dma_wait3A_76 = tpu.memref_slice %arg10[%dma_wait3A_74, %dma_wait3A_75] : memref<10112x128xf32, #tpu.memory_space<vmem_shared>> -> memref<10112x128xf32, #tpu.memory_space<vmem_shared>>
        tpu.wait_indirect_dma semaphore(%run_scoped3A_64 : memref<!tpu.dma_semaphore, #tpu.memory_space<semaphore_mem>>) src(%arg8 : memref<128x128xf32, #tpu.memory_space<vmem>>) dst(%dma_wait3A_76 : memref<10112x128xf32, #tpu.memory_space<vmem_shared>>)
        tpu.yield
      }) : () -> ()
      %dma_wait3A_57 = arith.constant 0 : i32
      %dma_wait3A_58 = arith.constant 0 : i32
      %dma_wait3A_59 = tpu.memref_slice %arg2[%dma_wait3A_57, %dma_wait3A_58] : memref<10112x128xf32, #tpu.memory_space<hbm>> -> memref<128x128xf32, #tpu.memory_space<hbm>>
      %dma_wait3A_60 = arith.constant 0 : i32
      %dma_wait3A_61 = arith.constant 0 : i32
      %dma_wait3A_62 = tpu.memref_slice %arg2[%dma_wait3A_60, %dma_wait3A_61] : memref<10112x128xf32, #tpu.memory_space<hbm>> -> memref<128x128xf32, #tpu.memory_space<hbm>>
      tpu.wait_dma2 semaphore(%arg12 : memref<!tpu.dma_semaphore, #tpu.memory_space<semaphore_mem>>) src(%dma_wait3A_62 : memref<128x128xf32, #tpu.memory_space<hbm>>) dst(%arg9 : memref<128x128xf32, #tpu.memory_space<vmem>>)
      %run_scoped3A_63 = arith.constant 15 : i32
      "tpu.region"() ({
        %run_scoped3A_64 = tpu.sem_alloc : memref<!tpu.dma_semaphore, #tpu.memory_space<semaphore_mem>>
        %dma_start3A_65 = arith.constant 0 : i32
        %dma_start3A_66 = tpu.memref_slice %arg7[%run_scoped3A_63, %dma_start3A_65] : memref<16x128xi32, #tpu.memory_space<vmem>> -> memref<1x128xi32, #tpu.memory_space<vmem>>
        %dma_start3A_67 = tpu.memref_squeeze %dma_start3A_66 : memref<1x128xi32, #tpu.memory_space<vmem>> -> memref<128xi32, #tpu.memory_space<vmem>>
        %dma_start3A_68 = arith.constant 0 : i32
        %dma_start3A_69 = arith.constant 0 : i32
        %dma_start3A_70 = tpu.memref_slice %arg10[%dma_start3A_68, %dma_start3A_69] : memref<10112x128xf32, #tpu.memory_space<vmem_shared>> -> memref<10112x128xf32, #tpu.memory_space<vmem_shared>>
        tpu.enqueue_indirect_dma source(%arg9 : memref<128x128xf32, #tpu.memory_space<vmem>>) target(%dma_start3A_70 : memref<10112x128xf32, #tpu.memory_space<vmem_shared>>) offsets(%dma_start3A_67 : memref<128xi32, #tpu.memory_space<vmem>>) semaphore(%run_scoped3A_64 : memref<!tpu.dma_semaphore, #tpu.memory_space<semaphore_mem>>) {add = true}
        %dma_wait3A_71 = arith.constant 0 : i32
        %dma_wait3A_72 = tpu.memref_slice %arg7[%run_scoped3A_63, %dma_wait3A_71] : memref<16x128xi32, #tpu.memory_space<vmem>> -> memref<1x128xi32, #tpu.memory_space<vmem>>
        %dma_wait3A_73 = tpu.memref_squeeze %dma_wait3A_72 : memref<1x128xi32, #tpu.memory_space<vmem>> -> memref<128xi32, #tpu.memory_space<vmem>>
        %dma_wait3A_74 = arith.constant 0 : i32
        %dma_wait3A_75 = arith.constant 0 : i32
        %dma_wait3A_76 = tpu.memref_slice %arg10[%dma_wait3A_74, %dma_wait3A_75] : memref<10112x128xf32, #tpu.memory_space<vmem_shared>> -> memref<10112x128xf32, #tpu.memory_space<vmem_shared>>
        tpu.wait_indirect_dma semaphore(%run_scoped3A_64 : memref<!tpu.dma_semaphore, #tpu.memory_space<semaphore_mem>>) src(%arg9 : memref<128x128xf32, #tpu.memory_space<vmem>>) dst(%dma_wait3A_76 : memref<10112x128xf32, #tpu.memory_space<vmem_shared>>)
        tpu.yield
      }) : () -> ()
    }
    %scan3A_23 = arith.constant 5 : i32
    %barrier3A_24 = arith.constant 0 : index
    tpu.barrier barrier_id(%barrier3A_24)
    %mul3A_25 = arith.constant 10112 : i32
    %mul3A_26 = arith.muli %arg0, %mul3A_25 : i32
    %add3A_27 = arith.addi %mul3A_26, %mul3A_7 : i32
    "tpu.region"() ({
      %run_scoped3A = tpu.sem_alloc : memref<!tpu.dma_semaphore, #tpu.memory_space<semaphore_mem>>
      %dma_start3A = arith.constant 0 : i32
      %dma_start3A_28 = tpu.memref_slice %arg5[%add3A_27, %dma_start3A] : memref<20224x128xf32, #tpu.memory_space<hbm>> -> memref<632x128xf32, #tpu.memory_space<hbm>>
      %dma_start3A_29 = arith.constant 0 : i32
      %dma_start3A_30 = tpu.memref_slice %arg10[%mul3A_7, %dma_start3A_29] : memref<10112x128xf32, #tpu.memory_space<vmem_shared>> -> memref<632x128xf32, #tpu.memory_space<vmem_shared>>
      tpu.enqueue_dma source(%dma_start3A_30 : memref<632x128xf32, #tpu.memory_space<vmem_shared>>) target(%dma_start3A_28 : memref<632x128xf32, #tpu.memory_space<hbm>>) target_semaphore(%run_scoped3A : memref<!tpu.dma_semaphore, #tpu.memory_space<semaphore_mem>>)
      %dma_wait3A = arith.constant 0 : i32
      %dma_wait3A_31 = tpu.memref_slice %arg5[%add3A_27, %dma_wait3A] : memref<20224x128xf32, #tpu.memory_space<hbm>> -> memref<632x128xf32, #tpu.memory_space<hbm>>
      %dma_wait3A_32 = arith.constant 0 : i32
      %dma_wait3A_33 = tpu.memref_slice %arg10[%mul3A_7, %dma_wait3A_32] : memref<10112x128xf32, #tpu.memory_space<vmem_shared>> -> memref<632x128xf32, #tpu.memory_space<vmem_shared>>
      tpu.wait_dma2 semaphore(%run_scoped3A : memref<!tpu.dma_semaphore, #tpu.memory_space<semaphore_mem>>) src(%dma_wait3A_33 : memref<632x128xf32, #tpu.memory_space<vmem_shared>>) dst(%dma_wait3A_31 : memref<632x128xf32, #tpu.memory_space<hbm>>)
      tpu.yield
    }) : () -> ()
    return
  }
}

#map = affine_map<(d0, d1) -> (0, 0)>
#map1 = affine_map<(d0, d1) -> (0, 0, 0)>
module attributes {stable_mosaic.version = 14 : i64} {
  func.func @agg_kernel(%arg0: i32, %arg1: i32, %arg2: memref<10112x128xf32, #tpu.memory_space<hbm>>, %arg3: memref<32x80x128xi32, #tpu.memory_space<hbm>>, %arg4: memref<32x80x128xi32, #tpu.memory_space<hbm>>, %arg5: memref<20224x128xf32, #tpu.memory_space<hbm>>, %arg6: memref<16x128xi32, #tpu.memory_space<vmem>>, %arg7: memref<16x128xi32, #tpu.memory_space<vmem>>, %arg8: memref<128x128xf32, #tpu.memory_space<vmem>>, %arg9: memref<128x128xf32, #tpu.memory_space<vmem>>, %arg10: memref<10112x128xf32, #tpu.memory_space<vmem_shared>>, %arg11: memref<!tpu.dma_semaphore, #tpu.memory_space<semaphore_mem>>, %arg12: memref<!tpu.dma_semaphore, #tpu.memory_space<semaphore_mem>>) attributes {dimension_semantics = [#tpu.dimension_semantics<core_parallel>, #tpu.dimension_semantics<subcore_parallel>], iteration_bounds = array<i64: 2, 16>, scalar_prefetch = 0 : i64, scratch_operands = 7 : i64, tpu.core_type = #tpu.core_type<sc_vector_subcore>, window_params = [{transform_indices = #map}, {transform_indices = #map1}, {transform_indices = #map1}, {transform_indices = #map}]} {
    %mul3A = arith.constant 2 : i32
    %mul3A_0 = arith.muli %arg1, %mul3A : i32
    %add3A = arith.addi %mul3A_0, %arg0 : i32
    %scan3A = arith.constant 0 : i32
    %scan3A_1 = arith.constant 0 : i32
    %scan3A_2 = arith.constant 1024 : i32
    %scan3A_3 = arith.addi %scan3A_1, %scan3A_2 : i32
    %scan3A_4 = arith.constant 1 : i32
    scf.for %scan3A_28 = %scan3A_1 to %scan3A_3 step %scan3A_4  : i32 {
      %broadcast_in_dim3A = arith.constant 0.000000e+00 : f32
      %broadcast_in_dim3A_29 = vector.broadcast %broadcast_in_dim3A : f32 to vector<16xf32>
      %jit3A = arith.constant 8 : i32
      %div3A = arith.divsi %scan3A_28, %jit3A : i32
      %sign3A = arith.constant 0 : i32
      %sign3A_30 = arith.cmpi sgt, %scan3A_28, %sign3A : i32
      %sign3A_31 = arith.extui %sign3A_30 : i1 to i32
      %sign3A_32 = arith.constant 0 : i32
      %sign3A_33 = arith.cmpi slt, %scan3A_28, %sign3A_32 : i32
      %sign3A_34 = arith.extui %sign3A_33 : i1 to i32
      %sign3A_35 = arith.subi %sign3A_31, %sign3A_34 : i32
      %sign3A_36 = arith.constant 0 : i32
      %sign3A_37 = arith.cmpi sgt, %jit3A, %sign3A_36 : i32
      %sign3A_38 = arith.extui %sign3A_37 : i1 to i32
      %sign3A_39 = arith.constant 0 : i32
      %sign3A_40 = arith.cmpi slt, %jit3A, %sign3A_39 : i32
      %sign3A_41 = arith.extui %sign3A_40 : i1 to i32
      %sign3A_42 = arith.subi %sign3A_38, %sign3A_41 : i32
      %ne3A = arith.cmpi ne, %sign3A_35, %sign3A_42 : i32
      %rem3A = arith.remsi %scan3A_28, %jit3A : i32
      %ne3A_43 = arith.constant 0 : i32
      %ne3A_44 = arith.cmpi ne, %rem3A, %ne3A_43 : i32
      %and3A = arith.andi %ne3A, %ne3A_44 : i1
      %sub3A = arith.constant 1 : i32
      %sub3A_45 = arith.subi %div3A, %sub3A : i32
      %select_n3A = arith.select %and3A, %sub3A_45, %div3A : i32
      %jit3A_46 = arith.constant 8 : i32
      %eq3A = arith.constant 0 : i32
      %eq3A_47 = arith.cmpi eq, %jit3A_46, %eq3A : i32
      %jit3A_48 = arith.constant 1 : i32
      %select_n3A_49 = arith.select %eq3A_47, %jit3A_48, %jit3A_46 : i32
      %rem3A_50 = arith.remsi %scan3A_28, %select_n3A_49 : i32
      %ne3A_51 = arith.constant 0 : i32
      %ne3A_52 = arith.cmpi ne, %rem3A_50, %ne3A_51 : i32
      %lt3A = arith.constant 0 : i32
      %lt3A_53 = arith.cmpi slt, %rem3A_50, %lt3A : i32
      %lt3A_54 = arith.constant 0 : i32
      %lt3A_55 = arith.cmpi slt, %select_n3A_49, %lt3A_54 : i32
      %ne3A_56 = arith.xori %lt3A_53, %lt3A_55 : i1
      %and3A_57 = arith.andi %ne3A_56, %ne3A_52 : i1
      %add3A_58 = arith.addi %rem3A_50, %select_n3A_49 : i32
      %select_n3A_59 = arith.select %and3A_57, %add3A_58, %rem3A_50 : i32
      %mul3A_60 = arith.constant 16 : i32
      %mul3A_61 = arith.muli %select_n3A_59, %mul3A_60 : i32
      %swap3A = arith.index_cast %select_n3A : i32 to index
      %swap3A_62 = arith.index_cast %mul3A_61 : i32 to index
      %swap3A_63 = tpu.vector_load %arg8[%swap3A, %swap3A_62] {strides = array<i32>} : memref<128x128xf32, #tpu.memory_space<vmem>>, vector<1x16xf32>,
      %swap3A_64 = vector.shape_cast %swap3A_63 : vector<1x16xf32> to vector<16xf32>
      %swap3A_65 = vector.shape_cast %broadcast_in_dim3A_29 : vector<16xf32> to vector<1x16xf32>
      tpu.vector_store %arg8[%swap3A, %swap3A_62], %swap3A_65 {strides = array<i32>} : memref<128x128xf32, #tpu.memory_space<vmem>>, vector<1x16xf32>,
    }
    %scan3A_5 = arith.constant 1024 : i32
    %mul3A_6 = arith.constant 632 : i32
    %mul3A_7 = arith.muli %arg1, %mul3A_6 : i32
    %add3A_8 = arith.constant 0 : i32
    %add3A_9 = arith.addi %mul3A_7, %add3A_8 : i32
    "tpu.region"() ({
      %run_scoped3A = tpu.sem_alloc : memref<!tpu.dma_semaphore, #tpu.memory_space<semaphore_mem>>
      %dma_start3A = arith.constant 0 : i32
      %dma_start3A_28 = arith.constant 0 : i32
      %dma_start3A_29 = tpu.memref_slice %arg8[%dma_start3A, %dma_start3A_28] : memref<128x128xf32, #tpu.memory_space<vmem>> -> memref<128x128xf32, #tpu.memory_space<vmem>>
      %dma_start3A_30 = arith.constant 0 : i32
      %dma_start3A_31 = tpu.memref_slice %arg10[%add3A_9, %dma_start3A_30] : memref<10112x128xf32, #tpu.memory_space<vmem_shared>> -> memref<128x128xf32, #tpu.memory_space<vmem_shared>>
      %dma_start3A_32 = arith.constant 0 : i32
      %dma_start3A_33 = tpu.memref_slice %arg10[%add3A_9, %dma_start3A_32] : memref<10112x128xf32, #tpu.memory_space<vmem_shared>> -> memref<128x128xf32, #tpu.memory_space<vmem_shared>>
      %dma_start3A_34 = arith.constant 0 : i32
      %dma_start3A_35 = arith.constant 0 : i32
      %dma_start3A_36 = tpu.memref_slice %arg8[%dma_start3A_34, %dma_start3A_35] : memref<128x128xf32, #tpu.memory_space<vmem>> -> memref<128x128xf32, #tpu.memory_space<vmem>>
      tpu.enqueue_dma source(%dma_start3A_36 : memref<128x128xf32, #tpu.memory_space<vmem>>) target(%dma_start3A_33 : memref<128x128xf32, #tpu.memory_space<vmem_shared>>) target_semaphore(%run_scoped3A : memref<!tpu.dma_semaphore, #tpu.memory_space<semaphore_mem>>)
      %dma_wait3A = arith.constant 0 : i32
      %dma_wait3A_37 = arith.constant 0 : i32
      %dma_wait3A_38 = tpu.memref_slice %arg8[%dma_wait3A, %dma_wait3A_37] : memref<128x128xf32, #tpu.memory_space<vmem>> -> memref<128x128xf32, #tpu.memory_space<vmem>>
      %dma_wait3A_39 = arith.constant 0 : i32
      %dma_wait3A_40 = tpu.memref_slice %arg10[%add3A_9, %dma_wait3A_39] : memref<10112x128xf32, #tpu.memory_space<vmem_shared>> -> memref<128x128xf32, #tpu.memory_space<vmem_shared>>
      %dma_wait3A_41 = arith.constant 0 : i32
      %dma_wait3A_42 = tpu.memref_slice %arg10[%add3A_9, %dma_wait3A_41] : memref<10112x128xf32, #tpu.memory_space<vmem_shared>> -> memref<128x128xf32, #tpu.memory_space<vmem_shared>>
      %dma_wait3A_43 = arith.constant 0 : i32
      %dma_wait3A_44 = arith.constant 0 : i32
      %dma_wait3A_45 = tpu.memref_slice %arg8[%dma_wait3A_43, %dma_wait3A_44] : memref<128x128xf32, #tpu.memory_space<vmem>> -> memref<128x128xf32, #tpu.memory_space<vmem>>
      tpu.wait_dma2 semaphore(%run_scoped3A : memref<!tpu.dma_semaphore, #tpu.memory_space<semaphore_mem>>) src(%dma_wait3A_45 : memref<128x128xf32, #tpu.memory_space<vmem>>) dst(%dma_wait3A_42 : memref<128x128xf32, #tpu.memory_space<vmem_shared>>)
      tpu.yield
    }) : () -> ()
    %add3A_10 = arith.constant 128 : i32
    %add3A_11 = arith.addi %mul3A_7, %add3A_10 : i32
    "tpu.region"() ({
      %run_scoped3A = tpu.sem_alloc : memref<!tpu.dma_semaphore, #tpu.memory_space<semaphore_mem>>
      %dma_start3A = arith.constant 0 : i32
      %dma_start3A_28 = arith.constant 0 : i32
      %dma_start3A_29 = tpu.memref_slice %arg8[%dma_start3A, %dma_start3A_28] : memref<128x128xf32, #tpu.memory_space<vmem>> -> memref<128x128xf32, #tpu.memory_space<vmem>>
      %dma_start3A_30 = arith.constant 0 : i32
      %dma_start3A_31 = tpu.memref_slice %arg10[%add3A_11, %dma_start3A_30] : memref<10112x128xf32, #tpu.memory_space<vmem_shared>> -> memref<128x128xf32, #tpu.memory_space<vmem_shared>>
      %dma_start3A_32 = arith.constant 0 : i32
      %dma_start3A_33 = tpu.memref_slice %arg10[%add3A_11, %dma_start3A_32] : memref<10112x128xf32, #tpu.memory_space<vmem_shared>> -> memref<128x128xf32, #tpu.memory_space<vmem_shared>>
      %dma_start3A_34 = arith.constant 0 : i32
      %dma_start3A_35 = arith.constant 0 : i32
      %dma_start3A_36 = tpu.memref_slice %arg8[%dma_start3A_34, %dma_start3A_35] : memref<128x128xf32, #tpu.memory_space<vmem>> -> memref<128x128xf32, #tpu.memory_space<vmem>>
      tpu.enqueue_dma source(%dma_start3A_36 : memref<128x128xf32, #tpu.memory_space<vmem>>) target(%dma_start3A_33 : memref<128x128xf32, #tpu.memory_space<vmem_shared>>) target_semaphore(%run_scoped3A : memref<!tpu.dma_semaphore, #tpu.memory_space<semaphore_mem>>)
      %dma_wait3A = arith.constant 0 : i32
      %dma_wait3A_37 = arith.constant 0 : i32
      %dma_wait3A_38 = tpu.memref_slice %arg8[%dma_wait3A, %dma_wait3A_37] : memref<128x128xf32, #tpu.memory_space<vmem>> -> memref<128x128xf32, #tpu.memory_space<vmem>>
      %dma_wait3A_39 = arith.constant 0 : i32
      %dma_wait3A_40 = tpu.memref_slice %arg10[%add3A_11, %dma_wait3A_39] : memref<10112x128xf32, #tpu.memory_space<vmem_shared>> -> memref<128x128xf32, #tpu.memory_space<vmem_shared>>
      %dma_wait3A_41 = arith.constant 0 : i32
      %dma_wait3A_42 = tpu.memref_slice %arg10[%add3A_11, %dma_wait3A_41] : memref<10112x128xf32, #tpu.memory_space<vmem_shared>> -> memref<128x128xf32, #tpu.memory_space<vmem_shared>>
      %dma_wait3A_43 = arith.constant 0 : i32
      %dma_wait3A_44 = arith.constant 0 : i32
      %dma_wait3A_45 = tpu.memref_slice %arg8[%dma_wait3A_43, %dma_wait3A_44] : memref<128x128xf32, #tpu.memory_space<vmem>> -> memref<128x128xf32, #tpu.memory_space<vmem>>
      tpu.wait_dma2 semaphore(%run_scoped3A : memref<!tpu.dma_semaphore, #tpu.memory_space<semaphore_mem>>) src(%dma_wait3A_45 : memref<128x128xf32, #tpu.memory_space<vmem>>) dst(%dma_wait3A_42 : memref<128x128xf32, #tpu.memory_space<vmem_shared>>)
      tpu.yield
    }) : () -> ()
    %add3A_12 = arith.constant 256 : i32
    %add3A_13 = arith.addi %mul3A_7, %add3A_12 : i32
    "tpu.region"() ({
      %run_scoped3A = tpu.sem_alloc : memref<!tpu.dma_semaphore, #tpu.memory_space<semaphore_mem>>
      %dma_start3A = arith.constant 0 : i32
      %dma_start3A_28 = arith.constant 0 : i32
      %dma_start3A_29 = tpu.memref_slice %arg8[%dma_start3A, %dma_start3A_28] : memref<128x128xf32, #tpu.memory_space<vmem>> -> memref<128x128xf32, #tpu.memory_space<vmem>>
      %dma_start3A_30 = arith.constant 0 : i32
      %dma_start3A_31 = tpu.memref_slice %arg10[%add3A_13, %dma_start3A_30] : memref<10112x128xf32, #tpu.memory_space<vmem_shared>> -> memref<128x128xf32, #tpu.memory_space<vmem_shared>>
      %dma_start3A_32 = arith.constant 0 : i32
      %dma_start3A_33 = tpu.memref_slice %arg10[%add3A_13, %dma_start3A_32] : memref<10112x128xf32, #tpu.memory_space<vmem_shared>> -> memref<128x128xf32, #tpu.memory_space<vmem_shared>>
      %dma_start3A_34 = arith.constant 0 : i32
      %dma_start3A_35 = arith.constant 0 : i32
      %dma_start3A_36 = tpu.memref_slice %arg8[%dma_start3A_34, %dma_start3A_35] : memref<128x128xf32, #tpu.memory_space<vmem>> -> memref<128x128xf32, #tpu.memory_space<vmem>>
      tpu.enqueue_dma source(%dma_start3A_36 : memref<128x128xf32, #tpu.memory_space<vmem>>) target(%dma_start3A_33 : memref<128x128xf32, #tpu.memory_space<vmem_shared>>) target_semaphore(%run_scoped3A : memref<!tpu.dma_semaphore, #tpu.memory_space<semaphore_mem>>)
      %dma_wait3A = arith.constant 0 : i32
      %dma_wait3A_37 = arith.constant 0 : i32
      %dma_wait3A_38 = tpu.memref_slice %arg8[%dma_wait3A, %dma_wait3A_37] : memref<128x128xf32, #tpu.memory_space<vmem>> -> memref<128x128xf32, #tpu.memory_space<vmem>>
      %dma_wait3A_39 = arith.constant 0 : i32
      %dma_wait3A_40 = tpu.memref_slice %arg10[%add3A_13, %dma_wait3A_39] : memref<10112x128xf32, #tpu.memory_space<vmem_shared>> -> memref<128x128xf32, #tpu.memory_space<vmem_shared>>
      %dma_wait3A_41 = arith.constant 0 : i32
      %dma_wait3A_42 = tpu.memref_slice %arg10[%add3A_13, %dma_wait3A_41] : memref<10112x128xf32, #tpu.memory_space<vmem_shared>> -> memref<128x128xf32, #tpu.memory_space<vmem_shared>>
      %dma_wait3A_43 = arith.constant 0 : i32
      %dma_wait3A_44 = arith.constant 0 : i32
      %dma_wait3A_45 = tpu.memref_slice %arg8[%dma_wait3A_43, %dma_wait3A_44] : memref<128x128xf32, #tpu.memory_space<vmem>> -> memref<128x128xf32, #tpu.memory_space<vmem>>
      tpu.wait_dma2 semaphore(%run_scoped3A : memref<!tpu.dma_semaphore, #tpu.memory_space<semaphore_mem>>) src(%dma_wait3A_45 : memref<128x128xf32, #tpu.memory_space<vmem>>) dst(%dma_wait3A_42 : memref<128x128xf32, #tpu.memory_space<vmem_shared>>)
      tpu.yield
    }) : () -> ()
    %add3A_14 = arith.constant 384 : i32
    %add3A_15 = arith.addi %mul3A_7, %add3A_14 : i32
    "tpu.region"() ({
      %run_scoped3A = tpu.sem_alloc : memref<!tpu.dma_semaphore, #tpu.memory_space<semaphore_mem>>
      %dma_start3A = arith.constant 0 : i32
      %dma_start3A_28 = arith.constant 0 : i32
      %dma_start3A_29 = tpu.memref_slice %arg8[%dma_start3A, %dma_start3A_28] : memref<128x128xf32, #tpu.memory_space<vmem>> -> memref<128x128xf32, #tpu.memory_space<vmem>>
      %dma_start3A_30 = arith.constant 0 : i32
      %dma_start3A_31 = tpu.memref_slice %arg10[%add3A_15, %dma_start3A_30] : memref<10112x128xf32, #tpu.memory_space<vmem_shared>> -> memref<128x128xf32, #tpu.memory_space<vmem_shared>>
      %dma_start3A_32 = arith.constant 0 : i32
      %dma_start3A_33 = tpu.memref_slice %arg10[%add3A_15, %dma_start3A_32] : memref<10112x128xf32, #tpu.memory_space<vmem_shared>> -> memref<128x128xf32, #tpu.memory_space<vmem_shared>>
      %dma_start3A_34 = arith.constant 0 : i32
      %dma_start3A_35 = arith.constant 0 : i32
      %dma_start3A_36 = tpu.memref_slice %arg8[%dma_start3A_34, %dma_start3A_35] : memref<128x128xf32, #tpu.memory_space<vmem>> -> memref<128x128xf32, #tpu.memory_space<vmem>>
      tpu.enqueue_dma source(%dma_start3A_36 : memref<128x128xf32, #tpu.memory_space<vmem>>) target(%dma_start3A_33 : memref<128x128xf32, #tpu.memory_space<vmem_shared>>) target_semaphore(%run_scoped3A : memref<!tpu.dma_semaphore, #tpu.memory_space<semaphore_mem>>)
      %dma_wait3A = arith.constant 0 : i32
      %dma_wait3A_37 = arith.constant 0 : i32
      %dma_wait3A_38 = tpu.memref_slice %arg8[%dma_wait3A, %dma_wait3A_37] : memref<128x128xf32, #tpu.memory_space<vmem>> -> memref<128x128xf32, #tpu.memory_space<vmem>>
      %dma_wait3A_39 = arith.constant 0 : i32
      %dma_wait3A_40 = tpu.memref_slice %arg10[%add3A_15, %dma_wait3A_39] : memref<10112x128xf32, #tpu.memory_space<vmem_shared>> -> memref<128x128xf32, #tpu.memory_space<vmem_shared>>
      %dma_wait3A_41 = arith.constant 0 : i32
      %dma_wait3A_42 = tpu.memref_slice %arg10[%add3A_15, %dma_wait3A_41] : memref<10112x128xf32, #tpu.memory_space<vmem_shared>> -> memref<128x128xf32, #tpu.memory_space<vmem_shared>>
      %dma_wait3A_43 = arith.constant 0 : i32
      %dma_wait3A_44 = arith.constant 0 : i32
      %dma_wait3A_45 = tpu.memref_slice %arg8[%dma_wait3A_43, %dma_wait3A_44] : memref<128x128xf32, #tpu.memory_space<vmem>> -> memref<128x128xf32, #tpu.memory_space<vmem>>
      tpu.wait_dma2 semaphore(%run_scoped3A : memref<!tpu.dma_semaphore, #tpu.memory_space<semaphore_mem>>) src(%dma_wait3A_45 : memref<128x128xf32, #tpu.memory_space<vmem>>) dst(%dma_wait3A_42 : memref<128x128xf32, #tpu.memory_space<vmem_shared>>)
      tpu.yield
    }) : () -> ()
    %add3A_16 = arith.constant 512 : i32
    %add3A_17 = arith.addi %mul3A_7, %add3A_16 : i32
    "tpu.region"() ({
      %run_scoped3A = tpu.sem_alloc : memref<!tpu.dma_semaphore, #tpu.memory_space<semaphore_mem>>
      %dma_start3A = arith.constant 0 : i32
      %dma_start3A_28 = arith.constant 0 : i32
      %dma_start3A_29 = tpu.memref_slice %arg8[%dma_start3A, %dma_start3A_28] : memref<128x128xf32, #tpu.memory_space<vmem>> -> memref<120x128xf32, #tpu.memory_space<vmem>>
      %dma_start3A_30 = arith.constant 0 : i32
      %dma_start3A_31 = tpu.memref_slice %arg10[%add3A_17, %dma_start3A_30] : memref<10112x128xf32, #tpu.memory_space<vmem_shared>> -> memref<120x128xf32, #tpu.memory_space<vmem_shared>>
      %dma_start3A_32 = arith.constant 0 : i32
      %dma_start3A_33 = tpu.memref_slice %arg10[%add3A_17, %dma_start3A_32] : memref<10112x128xf32, #tpu.memory_space<vmem_shared>> -> memref<120x128xf32, #tpu.memory_space<vmem_shared>>
      %dma_start3A_34 = arith.constant 0 : i32
      %dma_start3A_35 = arith.constant 0 : i32
      %dma_start3A_36 = tpu.memref_slice %arg8[%dma_start3A_34, %dma_start3A_35] : memref<128x128xf32, #tpu.memory_space<vmem>> -> memref<120x128xf32, #tpu.memory_space<vmem>>
      tpu.enqueue_dma source(%dma_start3A_36 : memref<120x128xf32, #tpu.memory_space<vmem>>) target(%dma_start3A_33 : memref<120x128xf32, #tpu.memory_space<vmem_shared>>) target_semaphore(%run_scoped3A : memref<!tpu.dma_semaphore, #tpu.memory_space<semaphore_mem>>)
      %dma_wait3A = arith.constant 0 : i32
      %dma_wait3A_37 = arith.constant 0 : i32
      %dma_wait3A_38 = tpu.memref_slice %arg8[%dma_wait3A, %dma_wait3A_37] : memref<128x128xf32, #tpu.memory_space<vmem>> -> memref<120x128xf32, #tpu.memory_space<vmem>>
      %dma_wait3A_39 = arith.constant 0 : i32
      %dma_wait3A_40 = tpu.memref_slice %arg10[%add3A_17, %dma_wait3A_39] : memref<10112x128xf32, #tpu.memory_space<vmem_shared>> -> memref<120x128xf32, #tpu.memory_space<vmem_shared>>
      %dma_wait3A_41 = arith.constant 0 : i32
      %dma_wait3A_42 = tpu.memref_slice %arg10[%add3A_17, %dma_wait3A_41] : memref<10112x128xf32, #tpu.memory_space<vmem_shared>> -> memref<120x128xf32, #tpu.memory_space<vmem_shared>>
      %dma_wait3A_43 = arith.constant 0 : i32
      %dma_wait3A_44 = arith.constant 0 : i32
      %dma_wait3A_45 = tpu.memref_slice %arg8[%dma_wait3A_43, %dma_wait3A_44] : memref<128x128xf32, #tpu.memory_space<vmem>> -> memref<120x128xf32, #tpu.memory_space<vmem>>
      tpu.wait_dma2 semaphore(%run_scoped3A : memref<!tpu.dma_semaphore, #tpu.memory_space<semaphore_mem>>) src(%dma_wait3A_45 : memref<120x128xf32, #tpu.memory_space<vmem>>) dst(%dma_wait3A_42 : memref<120x128xf32, #tpu.memory_space<vmem_shared>>)
      tpu.yield
    }) : () -> ()
    %barrier3A = arith.constant 0 : index
    tpu.barrier barrier_id(%barrier3A)
    %scan3A_18 = arith.constant 0 : i32
    %scan3A_19 = arith.constant 0 : i32
    %scan3A_20 = arith.constant 5 : i32
    %scan3A_21 = arith.addi %scan3A_19, %scan3A_20 : i32
    %scan3A_22 = arith.constant 1 : i32
    scf.for %scan3A_28 = %scan3A_19 to %scan3A_21 step %scan3A_22  : i32 {
      %mul3A_29 = arith.constant 16 : i32
      %mul3A_30 = arith.muli %scan3A_28, %mul3A_29 : i32
      "tpu.region"() ({
        %run_scoped3A_64 = tpu.sem_alloc : memref<!tpu.dma_semaphore, #tpu.memory_space<semaphore_mem>>
        %dma_start3A_65 = arith.constant 0 : i32
        %dma_start3A_66 = tpu.memref_slice %arg3[%add3A, %mul3A_30, %dma_start3A_65] : memref<32x80x128xi32, #tpu.memory_space<hbm>> -> memref<1x16x128xi32, #tpu.memory_space<hbm>>
        %dma_start3A_67 = tpu.memref_squeeze %dma_start3A_66 : memref<1x16x128xi32, #tpu.memory_space<hbm>> -> memref<16x128xi32, #tpu.memory_space<hbm>>
        %dma_start3A_68 = arith.constant 0 : i32
        %dma_start3A_69 = tpu.memref_slice %arg3[%add3A, %mul3A_30, %dma_start3A_68] : memref<32x80x128xi32, #tpu.memory_space<hbm>> -> memref<1x16x128xi32, #tpu.memory_space<hbm>>
        %dma_start3A_70 = tpu.memref_squeeze %dma_start3A_69 : memref<1x16x128xi32, #tpu.memory_space<hbm>> -> memref<16x128xi32, #tpu.memory_space<hbm>>
        tpu.enqueue_dma source(%dma_start3A_70 : memref<16x128xi32, #tpu.memory_space<hbm>>) target(%arg6 : memref<16x128xi32, #tpu.memory_space<vmem>>) target_semaphore(%run_scoped3A_64 : memref<!tpu.dma_semaphore, #tpu.memory_space<semaphore_mem>>)
        %dma_wait3A_71 = arith.constant 0 : i32
        %dma_wait3A_72 = tpu.memref_slice %arg3[%add3A, %mul3A_30, %dma_wait3A_71] : memref<32x80x128xi32, #tpu.memory_space<hbm>> -> memref<1x16x128xi32, #tpu.memory_space<hbm>>
        %dma_wait3A_73 = tpu.memref_squeeze %dma_wait3A_72 : memref<1x16x128xi32, #tpu.memory_space<hbm>> -> memref<16x128xi32, #tpu.memory_space<hbm>>
        %dma_wait3A_74 = arith.constant 0 : i32
        %dma_wait3A_75 = tpu.memref_slice %arg3[%add3A, %mul3A_30, %dma_wait3A_74] : memref<32x80x128xi32, #tpu.memory_space<hbm>> -> memref<1x16x128xi32, #tpu.memory_space<hbm>>
        %dma_wait3A_76 = tpu.memref_squeeze %dma_wait3A_75 : memref<1x16x128xi32, #tpu.memory_space<hbm>> -> memref<16x128xi32, #tpu.memory_space<hbm>>
        tpu.wait_dma2 semaphore(%run_scoped3A_64 : memref<!tpu.dma_semaphore, #tpu.memory_space<semaphore_mem>>) src(%dma_wait3A_76 : memref<16x128xi32, #tpu.memory_space<hbm>>) dst(%arg6 : memref<16x128xi32, #tpu.memory_space<vmem>>)
        tpu.yield
      }) : () -> ()
      %mul3A_31 = arith.constant 16 : i32
      %mul3A_32 = arith.muli %scan3A_28, %mul3A_31 : i32
      "tpu.region"() ({
        %run_scoped3A_64 = tpu.sem_alloc : memref<!tpu.dma_semaphore, #tpu.memory_space<semaphore_mem>>
        %dma_start3A_65 = arith.constant 0 : i32
        %dma_start3A_66 = tpu.memref_slice %arg4[%add3A, %mul3A_32, %dma_start3A_65] : memref<32x80x128xi32, #tpu.memory_space<hbm>> -> memref<1x16x128xi32, #tpu.memory_space<hbm>>
        %dma_start3A_67 = tpu.memref_squeeze %dma_start3A_66 : memref<1x16x128xi32, #tpu.memory_space<hbm>> -> memref<16x128xi32, #tpu.memory_space<hbm>>
        %dma_start3A_68 = arith.constant 0 : i32
        %dma_start3A_69 = tpu.memref_slice %arg4[%add3A, %mul3A_32, %dma_start3A_68] : memref<32x80x128xi32, #tpu.memory_space<hbm>> -> memref<1x16x128xi32, #tpu.memory_space<hbm>>
        %dma_start3A_70 = tpu.memref_squeeze %dma_start3A_69 : memref<1x16x128xi32, #tpu.memory_space<hbm>> -> memref<16x128xi32, #tpu.memory_space<hbm>>
        tpu.enqueue_dma source(%dma_start3A_70 : memref<16x128xi32, #tpu.memory_space<hbm>>) target(%arg7 : memref<16x128xi32, #tpu.memory_space<vmem>>) target_semaphore(%run_scoped3A_64 : memref<!tpu.dma_semaphore, #tpu.memory_space<semaphore_mem>>)
        %dma_wait3A_71 = arith.constant 0 : i32
        %dma_wait3A_72 = tpu.memref_slice %arg4[%add3A, %mul3A_32, %dma_wait3A_71] : memref<32x80x128xi32, #tpu.memory_space<hbm>> -> memref<1x16x128xi32, #tpu.memory_space<hbm>>
        %dma_wait3A_73 = tpu.memref_squeeze %dma_wait3A_72 : memref<1x16x128xi32, #tpu.memory_space<hbm>> -> memref<16x128xi32, #tpu.memory_space<hbm>>
        %dma_wait3A_74 = arith.constant 0 : i32
        %dma_wait3A_75 = tpu.memref_slice %arg4[%add3A, %mul3A_32, %dma_wait3A_74] : memref<32x80x128xi32, #tpu.memory_space<hbm>> -> memref<1x16x128xi32, #tpu.memory_space<hbm>>
        %dma_wait3A_76 = tpu.memref_squeeze %dma_wait3A_75 : memref<1x16x128xi32, #tpu.memory_space<hbm>> -> memref<16x128xi32, #tpu.memory_space<hbm>>
        tpu.wait_dma2 semaphore(%run_scoped3A_64 : memref<!tpu.dma_semaphore, #tpu.memory_space<semaphore_mem>>) src(%dma_wait3A_76 : memref<16x128xi32, #tpu.memory_space<hbm>>) dst(%arg7 : memref<16x128xi32, #tpu.memory_space<vmem>>)
        tpu.yield
      }) : () -> ()
      %dma_start3A = arith.constant 0 : i32
      %dma_start3A_33 = arith.constant 0 : i32
      %dma_start3A_34 = tpu.memref_slice %arg6[%dma_start3A, %dma_start3A_33] : memref<16x128xi32, #tpu.memory_space<vmem>> -> memref<1x128xi32, #tpu.memory_space<vmem>>
      %dma_start3A_35 = tpu.memref_squeeze %dma_start3A_34 : memref<1x128xi32, #tpu.memory_space<vmem>> -> memref<128xi32, #tpu.memory_space<vmem>>
      %dma_start3A_36 = arith.constant 0 : i32
      %dma_start3A_37 = arith.constant 0 : i32
      %dma_start3A_38 = tpu.memref_slice %arg2[%dma_start3A_36, %dma_start3A_37] : memref<10112x128xf32, #tpu.memory_space<hbm>> -> memref<10112x128xf32, #tpu.memory_space<hbm>>
      tpu.enqueue_indirect_dma source(%dma_start3A_38 : memref<10112x128xf32, #tpu.memory_space<hbm>>) target(%arg8 : memref<128x128xf32, #tpu.memory_space<vmem>>) offsets(%dma_start3A_35 : memref<128xi32, #tpu.memory_space<vmem>>) semaphore(%arg11 : memref<!tpu.dma_semaphore, #tpu.memory_space<semaphore_mem>>)
      %scan3A_39 = arith.constant 0 : i32
      %scan3A_40 = arith.constant 0 : i32
      %scan3A_41 = arith.constant 7 : i32
      %scan3A_42 = arith.addi %scan3A_40, %scan3A_41 : i32
      %scan3A_43 = arith.constant 1 : i32
      scf.for %scan3A_64 = %scan3A_40 to %scan3A_42 step %scan3A_43  : i32 {
        %mul3A_65 = arith.constant 2 : i32
        %mul3A_66 = arith.muli %mul3A_65, %scan3A_64 : i32
        %dma_wait3A_67 = arith.constant 0 : i32
        %dma_wait3A_68 = arith.constant 0 : i32
        %dma_wait3A_69 = tpu.memref_slice %arg2[%dma_wait3A_67, %dma_wait3A_68] : memref<10112x128xf32, #tpu.memory_space<hbm>> -> memref<128x128xf32, #tpu.memory_space<hbm>>
        %dma_wait3A_70 = arith.constant 0 : i32
        %dma_wait3A_71 = arith.constant 0 : i32
        %dma_wait3A_72 = tpu.memref_slice %arg2[%dma_wait3A_70, %dma_wait3A_71] : memref<10112x128xf32, #tpu.memory_space<hbm>> -> memref<128x128xf32, #tpu.memory_space<hbm>>
        tpu.wait_dma2 semaphore(%arg11 : memref<!tpu.dma_semaphore, #tpu.memory_space<semaphore_mem>>) src(%dma_wait3A_72 : memref<128x128xf32, #tpu.memory_space<hbm>>) dst(%arg8 : memref<128x128xf32, #tpu.memory_space<vmem>>)
        %add3A_73 = arith.constant 1 : i32
        %add3A_74 = arith.addi %mul3A_66, %add3A_73 : i32
        %dma_start3A_75 = arith.constant 0 : i32
        %dma_start3A_76 = tpu.memref_slice %arg6[%add3A_74, %dma_start3A_75] : memref<16x128xi32, #tpu.memory_space<vmem>> -> memref<1x128xi32, #tpu.memory_space<vmem>>
        %dma_start3A_77 = tpu.memref_squeeze %dma_start3A_76 : memref<1x128xi32, #tpu.memory_space<vmem>> -> memref<128xi32, #tpu.memory_space<vmem>>
        %dma_start3A_78 = arith.constant 0 : i32
        %dma_start3A_79 = arith.constant 0 : i32
        %dma_start3A_80 = tpu.memref_slice %arg2[%dma_start3A_78, %dma_start3A_79] : memref<10112x128xf32, #tpu.memory_space<hbm>> -> memref<10112x128xf32, #tpu.memory_space<hbm>>
        tpu.enqueue_indirect_dma source(%dma_start3A_80 : memref<10112x128xf32, #tpu.memory_space<hbm>>) target(%arg9 : memref<128x128xf32, #tpu.memory_space<vmem>>) offsets(%dma_start3A_77 : memref<128xi32, #tpu.memory_space<vmem>>) semaphore(%arg12 : memref<!tpu.dma_semaphore, #tpu.memory_space<semaphore_mem>>)
        "tpu.region"() ({
          %run_scoped3A_97 = tpu.sem_alloc : memref<!tpu.dma_semaphore, #tpu.memory_space<semaphore_mem>>
          %dma_start3A_98 = arith.constant 0 : i32
          %dma_start3A_99 = tpu.memref_slice %arg7[%mul3A_66, %dma_start3A_98] : memref<16x128xi32, #tpu.memory_space<vmem>> -> memref<1x128xi32, #tpu.memory_space<vmem>>
          %dma_start3A_100 = tpu.memref_squeeze %dma_start3A_99 : memref<1x128xi32, #tpu.memory_space<vmem>> -> memref<128xi32, #tpu.memory_space<vmem>>
          %dma_start3A_101 = arith.constant 0 : i32
          %dma_start3A_102 = arith.constant 0 : i32
          %dma_start3A_103 = tpu.memref_slice %arg10[%dma_start3A_101, %dma_start3A_102] : memref<10112x128xf32, #tpu.memory_space<vmem_shared>> -> memref<10112x128xf32, #tpu.memory_space<vmem_shared>>
          tpu.enqueue_indirect_dma source(%arg8 : memref<128x128xf32, #tpu.memory_space<vmem>>) target(%dma_start3A_103 : memref<10112x128xf32, #tpu.memory_space<vmem_shared>>) offsets(%dma_start3A_100 : memref<128xi32, #tpu.memory_space<vmem>>) semaphore(%run_scoped3A_97 : memref<!tpu.dma_semaphore, #tpu.memory_space<semaphore_mem>>) {add = true}
          %dma_wait3A_104 = arith.constant 0 : i32
          %dma_wait3A_105 = tpu.memref_slice %arg7[%mul3A_66, %dma_wait3A_104] : memref<16x128xi32, #tpu.memory_space<vmem>> -> memref<1x128xi32, #tpu.memory_space<vmem>>
          %dma_wait3A_106 = tpu.memref_squeeze %dma_wait3A_105 : memref<1x128xi32, #tpu.memory_space<vmem>> -> memref<128xi32, #tpu.memory_space<vmem>>
          %dma_wait3A_107 = arith.constant 0 : i32
          %dma_wait3A_108 = arith.constant 0 : i32
          %dma_wait3A_109 = tpu.memref_slice %arg10[%dma_wait3A_107, %dma_wait3A_108] : memref<10112x128xf32, #tpu.memory_space<vmem_shared>> -> memref<10112x128xf32, #tpu.memory_space<vmem_shared>>
          tpu.wait_indirect_dma semaphore(%run_scoped3A_97 : memref<!tpu.dma_semaphore, #tpu.memory_space<semaphore_mem>>) src(%arg8 : memref<128x128xf32, #tpu.memory_space<vmem>>) dst(%dma_wait3A_109 : memref<10112x128xf32, #tpu.memory_space<vmem_shared>>)
          tpu.yield
        }) : () -> ()
        %dma_wait3A_81 = arith.constant 0 : i32
        %dma_wait3A_82 = arith.constant 0 : i32
        %dma_wait3A_83 = tpu.memref_slice %arg2[%dma_wait3A_81, %dma_wait3A_82] : memref<10112x128xf32, #tpu.memory_space<hbm>> -> memref<128x128xf32, #tpu.memory_space<hbm>>
        %dma_wait3A_84 = arith.constant 0 : i32
        %dma_wait3A_85 = arith.constant 0 : i32
        %dma_wait3A_86 = tpu.memref_slice %arg2[%dma_wait3A_84, %dma_wait3A_85] : memref<10112x128xf32, #tpu.memory_space<hbm>> -> memref<128x128xf32, #tpu.memory_space<hbm>>
        tpu.wait_dma2 semaphore(%arg12 : memref<!tpu.dma_semaphore, #tpu.memory_space<semaphore_mem>>) src(%dma_wait3A_86 : memref<128x128xf32, #tpu.memory_space<hbm>>) dst(%arg9 : memref<128x128xf32, #tpu.memory_space<vmem>>)
        %add3A_87 = arith.constant 2 : i32
        %add3A_88 = arith.addi %mul3A_66, %add3A_87 : i32
        %dma_start3A_89 = arith.constant 0 : i32
        %dma_start3A_90 = tpu.memref_slice %arg6[%add3A_88, %dma_start3A_89] : memref<16x128xi32, #tpu.memory_space<vmem>> -> memref<1x128xi32, #tpu.memory_space<vmem>>
        %dma_start3A_91 = tpu.memref_squeeze %dma_start3A_90 : memref<1x128xi32, #tpu.memory_space<vmem>> -> memref<128xi32, #tpu.memory_space<vmem>>
        %dma_start3A_92 = arith.constant 0 : i32
        %dma_start3A_93 = arith.constant 0 : i32
        %dma_start3A_94 = tpu.memref_slice %arg2[%dma_start3A_92, %dma_start3A_93] : memref<10112x128xf32, #tpu.memory_space<hbm>> -> memref<10112x128xf32, #tpu.memory_space<hbm>>
        tpu.enqueue_indirect_dma source(%dma_start3A_94 : memref<10112x128xf32, #tpu.memory_space<hbm>>) target(%arg8 : memref<128x128xf32, #tpu.memory_space<vmem>>) offsets(%dma_start3A_91 : memref<128xi32, #tpu.memory_space<vmem>>) semaphore(%arg11 : memref<!tpu.dma_semaphore, #tpu.memory_space<semaphore_mem>>)
        %add3A_95 = arith.constant 1 : i32
        %add3A_96 = arith.addi %mul3A_66, %add3A_95 : i32
        "tpu.region"() ({
          %run_scoped3A_97 = tpu.sem_alloc : memref<!tpu.dma_semaphore, #tpu.memory_space<semaphore_mem>>
          %dma_start3A_98 = arith.constant 0 : i32
          %dma_start3A_99 = tpu.memref_slice %arg7[%add3A_96, %dma_start3A_98] : memref<16x128xi32, #tpu.memory_space<vmem>> -> memref<1x128xi32, #tpu.memory_space<vmem>>
          %dma_start3A_100 = tpu.memref_squeeze %dma_start3A_99 : memref<1x128xi32, #tpu.memory_space<vmem>> -> memref<128xi32, #tpu.memory_space<vmem>>
          %dma_start3A_101 = arith.constant 0 : i32
          %dma_start3A_102 = arith.constant 0 : i32
          %dma_start3A_103 = tpu.memref_slice %arg10[%dma_start3A_101, %dma_start3A_102] : memref<10112x128xf32, #tpu.memory_space<vmem_shared>> -> memref<10112x128xf32, #tpu.memory_space<vmem_shared>>
          tpu.enqueue_indirect_dma source(%arg9 : memref<128x128xf32, #tpu.memory_space<vmem>>) target(%dma_start3A_103 : memref<10112x128xf32, #tpu.memory_space<vmem_shared>>) offsets(%dma_start3A_100 : memref<128xi32, #tpu.memory_space<vmem>>) semaphore(%run_scoped3A_97 : memref<!tpu.dma_semaphore, #tpu.memory_space<semaphore_mem>>) {add = true}
          %dma_wait3A_104 = arith.constant 0 : i32
          %dma_wait3A_105 = tpu.memref_slice %arg7[%add3A_96, %dma_wait3A_104] : memref<16x128xi32, #tpu.memory_space<vmem>> -> memref<1x128xi32, #tpu.memory_space<vmem>>
          %dma_wait3A_106 = tpu.memref_squeeze %dma_wait3A_105 : memref<1x128xi32, #tpu.memory_space<vmem>> -> memref<128xi32, #tpu.memory_space<vmem>>
          %dma_wait3A_107 = arith.constant 0 : i32
          %dma_wait3A_108 = arith.constant 0 : i32
          %dma_wait3A_109 = tpu.memref_slice %arg10[%dma_wait3A_107, %dma_wait3A_108] : memref<10112x128xf32, #tpu.memory_space<vmem_shared>> -> memref<10112x128xf32, #tpu.memory_space<vmem_shared>>
          tpu.wait_indirect_dma semaphore(%run_scoped3A_97 : memref<!tpu.dma_semaphore, #tpu.memory_space<semaphore_mem>>) src(%arg9 : memref<128x128xf32, #tpu.memory_space<vmem>>) dst(%dma_wait3A_109 : memref<10112x128xf32, #tpu.memory_space<vmem_shared>>)
          tpu.yield
        }) : () -> ()
      }
      %scan3A_44 = arith.constant 7 : i32
      %dma_wait3A = arith.constant 0 : i32
      %dma_wait3A_45 = arith.constant 0 : i32
      %dma_wait3A_46 = tpu.memref_slice %arg2[%dma_wait3A, %dma_wait3A_45] : memref<10112x128xf32, #tpu.memory_space<hbm>> -> memref<128x128xf32, #tpu.memory_space<hbm>>
      %dma_wait3A_47 = arith.constant 0 : i32
      %dma_wait3A_48 = arith.constant 0 : i32
      %dma_wait3A_49 = tpu.memref_slice %arg2[%dma_wait3A_47, %dma_wait3A_48] : memref<10112x128xf32, #tpu.memory_space<hbm>> -> memref<128x128xf32, #tpu.memory_space<hbm>>
      tpu.wait_dma2 semaphore(%arg11 : memref<!tpu.dma_semaphore, #tpu.memory_space<semaphore_mem>>) src(%dma_wait3A_49 : memref<128x128xf32, #tpu.memory_space<hbm>>) dst(%arg8 : memref<128x128xf32, #tpu.memory_space<vmem>>)
      %dma_start3A_50 = arith.constant 15 : i32
      %dma_start3A_51 = arith.constant 0 : i32
      %dma_start3A_52 = tpu.memref_slice %arg6[%dma_start3A_50, %dma_start3A_51] : memref<16x128xi32, #tpu.memory_space<vmem>> -> memref<1x128xi32, #tpu.memory_space<vmem>>
      %dma_start3A_53 = tpu.memref_squeeze %dma_start3A_52 : memref<1x128xi32, #tpu.memory_space<vmem>> -> memref<128xi32, #tpu.memory_space<vmem>>
      %dma_start3A_54 = arith.constant 0 : i32
      %dma_start3A_55 = arith.constant 0 : i32
      %dma_start3A_56 = tpu.memref_slice %arg2[%dma_start3A_54, %dma_start3A_55] : memref<10112x128xf32, #tpu.memory_space<hbm>> -> memref<10112x128xf32, #tpu.memory_space<hbm>>
      tpu.enqueue_indirect_dma source(%dma_start3A_56 : memref<10112x128xf32, #tpu.memory_space<hbm>>) target(%arg9 : memref<128x128xf32, #tpu.memory_space<vmem>>) offsets(%dma_start3A_53 : memref<128xi32, #tpu.memory_space<vmem>>) semaphore(%arg12 : memref<!tpu.dma_semaphore, #tpu.memory_space<semaphore_mem>>)
      %run_scoped3A = arith.constant 14 : i32
      "tpu.region"() ({
        %run_scoped3A_64 = tpu.sem_alloc : memref<!tpu.dma_semaphore, #tpu.memory_space<semaphore_mem>>
        %dma_start3A_65 = arith.constant 0 : i32
        %dma_start3A_66 = tpu.memref_slice %arg7[%run_scoped3A, %dma_start3A_65] : memref<16x128xi32, #tpu.memory_space<vmem>> -> memref<1x128xi32, #tpu.memory_space<vmem>>
        %dma_start3A_67 = tpu.memref_squeeze %dma_start3A_66 : memref<1x128xi32, #tpu.memory_space<vmem>> -> memref<128xi32, #tpu.memory_space<vmem>>
        %dma_start3A_68 = arith.constant 0 : i32
        %dma_start3A_69 = arith.constant 0 : i32
        %dma_start3A_70 = tpu.memref_slice %arg10[%dma_start3A_68, %dma_start3A_69] : memref<10112x128xf32, #tpu.memory_space<vmem_shared>> -> memref<10112x128xf32, #tpu.memory_space<vmem_shared>>
        tpu.enqueue_indirect_dma source(%arg8 : memref<128x128xf32, #tpu.memory_space<vmem>>) target(%dma_start3A_70 : memref<10112x128xf32, #tpu.memory_space<vmem_shared>>) offsets(%dma_start3A_67 : memref<128xi32, #tpu.memory_space<vmem>>) semaphore(%run_scoped3A_64 : memref<!tpu.dma_semaphore, #tpu.memory_space<semaphore_mem>>) {add = true}
        %dma_wait3A_71 = arith.constant 0 : i32
        %dma_wait3A_72 = tpu.memref_slice %arg7[%run_scoped3A, %dma_wait3A_71] : memref<16x128xi32, #tpu.memory_space<vmem>> -> memref<1x128xi32, #tpu.memory_space<vmem>>
        %dma_wait3A_73 = tpu.memref_squeeze %dma_wait3A_72 : memref<1x128xi32, #tpu.memory_space<vmem>> -> memref<128xi32, #tpu.memory_space<vmem>>
        %dma_wait3A_74 = arith.constant 0 : i32
        %dma_wait3A_75 = arith.constant 0 : i32
        %dma_wait3A_76 = tpu.memref_slice %arg10[%dma_wait3A_74, %dma_wait3A_75] : memref<10112x128xf32, #tpu.memory_space<vmem_shared>> -> memref<10112x128xf32, #tpu.memory_space<vmem_shared>>
        tpu.wait_indirect_dma semaphore(%run_scoped3A_64 : memref<!tpu.dma_semaphore, #tpu.memory_space<semaphore_mem>>) src(%arg8 : memref<128x128xf32, #tpu.memory_space<vmem>>) dst(%dma_wait3A_76 : memref<10112x128xf32, #tpu.memory_space<vmem_shared>>)
        tpu.yield
      }) : () -> ()
      %dma_wait3A_57 = arith.constant 0 : i32
      %dma_wait3A_58 = arith.constant 0 : i32
      %dma_wait3A_59 = tpu.memref_slice %arg2[%dma_wait3A_57, %dma_wait3A_58] : memref<10112x128xf32, #tpu.memory_space<hbm>> -> memref<128x128xf32, #tpu.memory_space<hbm>>
      %dma_wait3A_60 = arith.constant 0 : i32
      %dma_wait3A_61 = arith.constant 0 : i32
      %dma_wait3A_62 = tpu.memref_slice %arg2[%dma_wait3A_60, %dma_wait3A_61] : memref<10112x128xf32, #tpu.memory_space<hbm>> -> memref<128x128xf32, #tpu.memory_space<hbm>>
      tpu.wait_dma2 semaphore(%arg12 : memref<!tpu.dma_semaphore, #tpu.memory_space<semaphore_mem>>) src(%dma_wait3A_62 : memref<128x128xf32, #tpu.memory_space<hbm>>) dst(%arg9 : memref<128x128xf32, #tpu.memory_space<vmem>>)
      %run_scoped3A_63 = arith.constant 15 : i32
      "tpu.region"() ({
        %run_scoped3A_64 = tpu.sem_alloc : memref<!tpu.dma_semaphore, #tpu.memory_space<semaphore_mem>>
        %dma_start3A_65 = arith.constant 0 : i32
        %dma_start3A_66 = tpu.memref_slice %arg7[%run_scoped3A_63, %dma_start3A_65] : memref<16x128xi32, #tpu.memory_space<vmem>> -> memref<1x128xi32, #tpu.memory_space<vmem>>
        %dma_start3A_67 = tpu.memref_squeeze %dma_start3A_66 : memref<1x128xi32, #tpu.memory_space<vmem>> -> memref<128xi32, #tpu.memory_space<vmem>>
        %dma_start3A_68 = arith.constant 0 : i32
        %dma_start3A_69 = arith.constant 0 : i32
        %dma_start3A_70 = tpu.memref_slice %arg10[%dma_start3A_68, %dma_start3A_69] : memref<10112x128xf32, #tpu.memory_space<vmem_shared>> -> memref<10112x128xf32, #tpu.memory_space<vmem_shared>>
        tpu.enqueue_indirect_dma source(%arg9 : memref<128x128xf32, #tpu.memory_space<vmem>>) target(%dma_start3A_70 : memref<10112x128xf32, #tpu.memory_space<vmem_shared>>) offsets(%dma_start3A_67 : memref<128xi32, #tpu.memory_space<vmem>>) semaphore(%run_scoped3A_64 : memref<!tpu.dma_semaphore, #tpu.memory_space<semaphore_mem>>) {add = true}
        %dma_wait3A_71 = arith.constant 0 : i32
        %dma_wait3A_72 = tpu.memref_slice %arg7[%run_scoped3A_63, %dma_wait3A_71] : memref<16x128xi32, #tpu.memory_space<vmem>> -> memref<1x128xi32, #tpu.memory_space<vmem>>
        %dma_wait3A_73 = tpu.memref_squeeze %dma_wait3A_72 : memref<1x128xi32, #tpu.memory_space<vmem>> -> memref<128xi32, #tpu.memory_space<vmem>>
        %dma_wait3A_74 = arith.constant 0 : i32
        %dma_wait3A_75 = arith.constant 0 : i32
        %dma_wait3A_76 = tpu.memref_slice %arg10[%dma_wait3A_74, %dma_wait3A_75] : memref<10112x128xf32, #tpu.memory_space<vmem_shared>> -> memref<10112x128xf32, #tpu.memory_space<vmem_shared>>
        tpu.wait_indirect_dma semaphore(%run_scoped3A_64 : memref<!tpu.dma_semaphore, #tpu.memory_space<semaphore_mem>>) src(%arg9 : memref<128x128xf32, #tpu.memory_space<vmem>>) dst(%dma_wait3A_76 : memref<10112x128xf32, #tpu.memory_space<vmem_shared>>)
        tpu.yield
      }) : () -> ()
    }
    %scan3A_23 = arith.constant 5 : i32
    %barrier3A_24 = arith.constant 0 : index
    tpu.barrier barrier_id(%barrier3A_24)
    %mul3A_25 = arith.constant 10112 : i32
    %mul3A_26 = arith.muli %arg0, %mul3A_25 : i32
    %add3A_27 = arith.addi %mul3A_26, %mul3A_7 : i32
    "tpu.region"() ({
      %run_scoped3A = tpu.sem_alloc : memref<!tpu.dma_semaphore, #tpu.memory_space<semaphore_mem>>
      %dma_start3A = arith.constant 0 : i32
      %dma_start3A_28 = tpu.memref_slice %arg5[%add3A_27, %dma_start3A] : memref<20224x128xf32, #tpu.memory_space<hbm>> -> memref<632x128xf32, #tpu.memory_space<hbm>>
      %dma_start3A_29 = arith.constant 0 : i32
      %dma_start3A_30 = tpu.memref_slice %arg10[%mul3A_7, %dma_start3A_29] : memref<10112x128xf32, #tpu.memory_space<vmem_shared>> -> memref<632x128xf32, #tpu.memory_space<vmem_shared>>
      tpu.enqueue_dma source(%dma_start3A_30 : memref<632x128xf32, #tpu.memory_space<vmem_shared>>) target(%dma_start3A_28 : memref<632x128xf32, #tpu.memory_space<hbm>>) target_semaphore(%run_scoped3A : memref<!tpu.dma_semaphore, #tpu.memory_space<semaphore_mem>>)
      %dma_wait3A = arith.constant 0 : i32
      %dma_wait3A_31 = tpu.memref_slice %arg5[%add3A_27, %dma_wait3A] : memref<20224x128xf32, #tpu.memory_space<hbm>> -> memref<632x128xf32, #tpu.memory_space<hbm>>
      %dma_wait3A_32 = arith.constant 0 : i32
      %dma_wait3A_33 = tpu.memref_slice %arg10[%mul3A_7, %dma_wait3A_32] : memref<10112x128xf32, #tpu.memory_space<vmem_shared>> -> memref<632x128xf32, #tpu.memory_space<vmem_shared>>
      tpu.wait_dma2 semaphore(%run_scoped3A : memref<!tpu.dma_semaphore, #tpu.memory_space<semaphore_mem>>) src(%dma_wait3A_33 : memref<632x128xf32, #tpu.memory_space<vmem_shared>>) dst(%dma_wait3A_31 : memref<632x128xf32, #tpu.memory_space<hbm>>)
      tpu.yield
    }) : () -> ()
    return
  }
}

#map = affine_map<(d0, d1) -> (0, 0)>
#map1 = affine_map<(d0, d1) -> (0, 0, 0)>
module attributes {stable_mosaic.version = 14 : i64} {
  func.func @agg_kernel(%arg0: i32, %arg1: i32, %arg2: memref<10112x128xf32, #tpu.memory_space<hbm>>, %arg3: memref<32x80x128xi32, #tpu.memory_space<hbm>>, %arg4: memref<32x80x128xi32, #tpu.memory_space<hbm>>, %arg5: memref<20224x128xf32, #tpu.memory_space<hbm>>, %arg6: memref<16x128xi32, #tpu.memory_space<vmem>>, %arg7: memref<16x128xi32, #tpu.memory_space<vmem>>, %arg8: memref<128x128xf32, #tpu.memory_space<vmem>>, %arg9: memref<128x128xf32, #tpu.memory_space<vmem>>, %arg10: memref<10112x128xf32, #tpu.memory_space<vmem_shared>>, %arg11: memref<!tpu.dma_semaphore, #tpu.memory_space<semaphore_mem>>, %arg12: memref<!tpu.dma_semaphore, #tpu.memory_space<semaphore_mem>>) attributes {dimension_semantics = [#tpu.dimension_semantics<core_parallel>, #tpu.dimension_semantics<subcore_parallel>], iteration_bounds = array<i64: 2, 16>, scalar_prefetch = 0 : i64, scratch_operands = 7 : i64, tpu.core_type = #tpu.core_type<sc_vector_subcore>, window_params = [{transform_indices = #map}, {transform_indices = #map1}, {transform_indices = #map1}, {transform_indices = #map}]} {
    %mul3A = arith.constant 2 : i32
    %mul3A_0 = arith.muli %arg1, %mul3A : i32
    %add3A = arith.addi %mul3A_0, %arg0 : i32
    %scan3A = arith.constant 0 : i32
    %scan3A_1 = arith.constant 0 : i32
    %scan3A_2 = arith.constant 1024 : i32
    %scan3A_3 = arith.addi %scan3A_1, %scan3A_2 : i32
    %scan3A_4 = arith.constant 1 : i32
    scf.for %scan3A_28 = %scan3A_1 to %scan3A_3 step %scan3A_4  : i32 {
      %broadcast_in_dim3A = arith.constant 0.000000e+00 : f32
      %broadcast_in_dim3A_29 = vector.broadcast %broadcast_in_dim3A : f32 to vector<16xf32>
      %jit3A = arith.constant 8 : i32
      %div3A = arith.divsi %scan3A_28, %jit3A : i32
      %sign3A = arith.constant 0 : i32
      %sign3A_30 = arith.cmpi sgt, %scan3A_28, %sign3A : i32
      %sign3A_31 = arith.extui %sign3A_30 : i1 to i32
      %sign3A_32 = arith.constant 0 : i32
      %sign3A_33 = arith.cmpi slt, %scan3A_28, %sign3A_32 : i32
      %sign3A_34 = arith.extui %sign3A_33 : i1 to i32
      %sign3A_35 = arith.subi %sign3A_31, %sign3A_34 : i32
      %sign3A_36 = arith.constant 0 : i32
      %sign3A_37 = arith.cmpi sgt, %jit3A, %sign3A_36 : i32
      %sign3A_38 = arith.extui %sign3A_37 : i1 to i32
      %sign3A_39 = arith.constant 0 : i32
      %sign3A_40 = arith.cmpi slt, %jit3A, %sign3A_39 : i32
      %sign3A_41 = arith.extui %sign3A_40 : i1 to i32
      %sign3A_42 = arith.subi %sign3A_38, %sign3A_41 : i32
      %ne3A = arith.cmpi ne, %sign3A_35, %sign3A_42 : i32
      %rem3A = arith.remsi %scan3A_28, %jit3A : i32
      %ne3A_43 = arith.constant 0 : i32
      %ne3A_44 = arith.cmpi ne, %rem3A, %ne3A_43 : i32
      %and3A = arith.andi %ne3A, %ne3A_44 : i1
      %sub3A = arith.constant 1 : i32
      %sub3A_45 = arith.subi %div3A, %sub3A : i32
      %select_n3A = arith.select %and3A, %sub3A_45, %div3A : i32
      %jit3A_46 = arith.constant 8 : i32
      %eq3A = arith.constant 0 : i32
      %eq3A_47 = arith.cmpi eq, %jit3A_46, %eq3A : i32
      %jit3A_48 = arith.constant 1 : i32
      %select_n3A_49 = arith.select %eq3A_47, %jit3A_48, %jit3A_46 : i32
      %rem3A_50 = arith.remsi %scan3A_28, %select_n3A_49 : i32
      %ne3A_51 = arith.constant 0 : i32
      %ne3A_52 = arith.cmpi ne, %rem3A_50, %ne3A_51 : i32
      %lt3A = arith.constant 0 : i32
      %lt3A_53 = arith.cmpi slt, %rem3A_50, %lt3A : i32
      %lt3A_54 = arith.constant 0 : i32
      %lt3A_55 = arith.cmpi slt, %select_n3A_49, %lt3A_54 : i32
      %ne3A_56 = arith.xori %lt3A_53, %lt3A_55 : i1
      %and3A_57 = arith.andi %ne3A_56, %ne3A_52 : i1
      %add3A_58 = arith.addi %rem3A_50, %select_n3A_49 : i32
      %select_n3A_59 = arith.select %and3A_57, %add3A_58, %rem3A_50 : i32
      %mul3A_60 = arith.constant 16 : i32
      %mul3A_61 = arith.muli %select_n3A_59, %mul3A_60 : i32
      %swap3A = arith.index_cast %select_n3A : i32 to index
      %swap3A_62 = arith.index_cast %mul3A_61 : i32 to index
      %swap3A_63 = tpu.vector_load %arg8[%swap3A, %swap3A_62] {strides = array<i32>} : memref<128x128xf32, #tpu.memory_space<vmem>>, vector<1x16xf32>,
      %swap3A_64 = vector.shape_cast %swap3A_63 : vector<1x16xf32> to vector<16xf32>
      %swap3A_65 = vector.shape_cast %broadcast_in_dim3A_29 : vector<16xf32> to vector<1x16xf32>
      tpu.vector_store %arg8[%swap3A, %swap3A_62], %swap3A_65 {strides = array<i32>} : memref<128x128xf32, #tpu.memory_space<vmem>>, vector<1x16xf32>,
    }
    %scan3A_5 = arith.constant 1024 : i32
    %mul3A_6 = arith.constant 632 : i32
    %mul3A_7 = arith.muli %arg1, %mul3A_6 : i32
    %add3A_8 = arith.constant 0 : i32
    %add3A_9 = arith.addi %mul3A_7, %add3A_8 : i32
    "tpu.region"() ({
      %run_scoped3A = tpu.sem_alloc : memref<!tpu.dma_semaphore, #tpu.memory_space<semaphore_mem>>
      %dma_start3A = arith.constant 0 : i32
      %dma_start3A_28 = arith.constant 0 : i32
      %dma_start3A_29 = tpu.memref_slice %arg8[%dma_start3A, %dma_start3A_28] : memref<128x128xf32, #tpu.memory_space<vmem>> -> memref<128x128xf32, #tpu.memory_space<vmem>>
      %dma_start3A_30 = arith.constant 0 : i32
      %dma_start3A_31 = tpu.memref_slice %arg10[%add3A_9, %dma_start3A_30] : memref<10112x128xf32, #tpu.memory_space<vmem_shared>> -> memref<128x128xf32, #tpu.memory_space<vmem_shared>>
      %dma_start3A_32 = arith.constant 0 : i32
      %dma_start3A_33 = tpu.memref_slice %arg10[%add3A_9, %dma_start3A_32] : memref<10112x128xf32, #tpu.memory_space<vmem_shared>> -> memref<128x128xf32, #tpu.memory_space<vmem_shared>>
      %dma_start3A_34 = arith.constant 0 : i32
      %dma_start3A_35 = arith.constant 0 : i32
      %dma_start3A_36 = tpu.memref_slice %arg8[%dma_start3A_34, %dma_start3A_35] : memref<128x128xf32, #tpu.memory_space<vmem>> -> memref<128x128xf32, #tpu.memory_space<vmem>>
      tpu.enqueue_dma source(%dma_start3A_36 : memref<128x128xf32, #tpu.memory_space<vmem>>) target(%dma_start3A_33 : memref<128x128xf32, #tpu.memory_space<vmem_shared>>) target_semaphore(%run_scoped3A : memref<!tpu.dma_semaphore, #tpu.memory_space<semaphore_mem>>)
      %dma_wait3A = arith.constant 0 : i32
      %dma_wait3A_37 = arith.constant 0 : i32
      %dma_wait3A_38 = tpu.memref_slice %arg8[%dma_wait3A, %dma_wait3A_37] : memref<128x128xf32, #tpu.memory_space<vmem>> -> memref<128x128xf32, #tpu.memory_space<vmem>>
      %dma_wait3A_39 = arith.constant 0 : i32
      %dma_wait3A_40 = tpu.memref_slice %arg10[%add3A_9, %dma_wait3A_39] : memref<10112x128xf32, #tpu.memory_space<vmem_shared>> -> memref<128x128xf32, #tpu.memory_space<vmem_shared>>
      %dma_wait3A_41 = arith.constant 0 : i32
      %dma_wait3A_42 = tpu.memref_slice %arg10[%add3A_9, %dma_wait3A_41] : memref<10112x128xf32, #tpu.memory_space<vmem_shared>> -> memref<128x128xf32, #tpu.memory_space<vmem_shared>>
      %dma_wait3A_43 = arith.constant 0 : i32
      %dma_wait3A_44 = arith.constant 0 : i32
      %dma_wait3A_45 = tpu.memref_slice %arg8[%dma_wait3A_43, %dma_wait3A_44] : memref<128x128xf32, #tpu.memory_space<vmem>> -> memref<128x128xf32, #tpu.memory_space<vmem>>
      tpu.wait_dma2 semaphore(%run_scoped3A : memref<!tpu.dma_semaphore, #tpu.memory_space<semaphore_mem>>) src(%dma_wait3A_45 : memref<128x128xf32, #tpu.memory_space<vmem>>) dst(%dma_wait3A_42 : memref<128x128xf32, #tpu.memory_space<vmem_shared>>)
      tpu.yield
    }) : () -> ()
    %add3A_10 = arith.constant 128 : i32
    %add3A_11 = arith.addi %mul3A_7, %add3A_10 : i32
    "tpu.region"() ({
      %run_scoped3A = tpu.sem_alloc : memref<!tpu.dma_semaphore, #tpu.memory_space<semaphore_mem>>
      %dma_start3A = arith.constant 0 : i32
      %dma_start3A_28 = arith.constant 0 : i32
      %dma_start3A_29 = tpu.memref_slice %arg8[%dma_start3A, %dma_start3A_28] : memref<128x128xf32, #tpu.memory_space<vmem>> -> memref<128x128xf32, #tpu.memory_space<vmem>>
      %dma_start3A_30 = arith.constant 0 : i32
      %dma_start3A_31 = tpu.memref_slice %arg10[%add3A_11, %dma_start3A_30] : memref<10112x128xf32, #tpu.memory_space<vmem_shared>> -> memref<128x128xf32, #tpu.memory_space<vmem_shared>>
      %dma_start3A_32 = arith.constant 0 : i32
      %dma_start3A_33 = tpu.memref_slice %arg10[%add3A_11, %dma_start3A_32] : memref<10112x128xf32, #tpu.memory_space<vmem_shared>> -> memref<128x128xf32, #tpu.memory_space<vmem_shared>>
      %dma_start3A_34 = arith.constant 0 : i32
      %dma_start3A_35 = arith.constant 0 : i32
      %dma_start3A_36 = tpu.memref_slice %arg8[%dma_start3A_34, %dma_start3A_35] : memref<128x128xf32, #tpu.memory_space<vmem>> -> memref<128x128xf32, #tpu.memory_space<vmem>>
      tpu.enqueue_dma source(%dma_start3A_36 : memref<128x128xf32, #tpu.memory_space<vmem>>) target(%dma_start3A_33 : memref<128x128xf32, #tpu.memory_space<vmem_shared>>) target_semaphore(%run_scoped3A : memref<!tpu.dma_semaphore, #tpu.memory_space<semaphore_mem>>)
      %dma_wait3A = arith.constant 0 : i32
      %dma_wait3A_37 = arith.constant 0 : i32
      %dma_wait3A_38 = tpu.memref_slice %arg8[%dma_wait3A, %dma_wait3A_37] : memref<128x128xf32, #tpu.memory_space<vmem>> -> memref<128x128xf32, #tpu.memory_space<vmem>>
      %dma_wait3A_39 = arith.constant 0 : i32
      %dma_wait3A_40 = tpu.memref_slice %arg10[%add3A_11, %dma_wait3A_39] : memref<10112x128xf32, #tpu.memory_space<vmem_shared>> -> memref<128x128xf32, #tpu.memory_space<vmem_shared>>
      %dma_wait3A_41 = arith.constant 0 : i32
      %dma_wait3A_42 = tpu.memref_slice %arg10[%add3A_11, %dma_wait3A_41] : memref<10112x128xf32, #tpu.memory_space<vmem_shared>> -> memref<128x128xf32, #tpu.memory_space<vmem_shared>>
      %dma_wait3A_43 = arith.constant 0 : i32
      %dma_wait3A_44 = arith.constant 0 : i32
      %dma_wait3A_45 = tpu.memref_slice %arg8[%dma_wait3A_43, %dma_wait3A_44] : memref<128x128xf32, #tpu.memory_space<vmem>> -> memref<128x128xf32, #tpu.memory_space<vmem>>
      tpu.wait_dma2 semaphore(%run_scoped3A : memref<!tpu.dma_semaphore, #tpu.memory_space<semaphore_mem>>) src(%dma_wait3A_45 : memref<128x128xf32, #tpu.memory_space<vmem>>) dst(%dma_wait3A_42 : memref<128x128xf32, #tpu.memory_space<vmem_shared>>)
      tpu.yield
    }) : () -> ()
    %add3A_12 = arith.constant 256 : i32
    %add3A_13 = arith.addi %mul3A_7, %add3A_12 : i32
    "tpu.region"() ({
      %run_scoped3A = tpu.sem_alloc : memref<!tpu.dma_semaphore, #tpu.memory_space<semaphore_mem>>
      %dma_start3A = arith.constant 0 : i32
      %dma_start3A_28 = arith.constant 0 : i32
      %dma_start3A_29 = tpu.memref_slice %arg8[%dma_start3A, %dma_start3A_28] : memref<128x128xf32, #tpu.memory_space<vmem>> -> memref<128x128xf32, #tpu.memory_space<vmem>>
      %dma_start3A_30 = arith.constant 0 : i32
      %dma_start3A_31 = tpu.memref_slice %arg10[%add3A_13, %dma_start3A_30] : memref<10112x128xf32, #tpu.memory_space<vmem_shared>> -> memref<128x128xf32, #tpu.memory_space<vmem_shared>>
      %dma_start3A_32 = arith.constant 0 : i32
      %dma_start3A_33 = tpu.memref_slice %arg10[%add3A_13, %dma_start3A_32] : memref<10112x128xf32, #tpu.memory_space<vmem_shared>> -> memref<128x128xf32, #tpu.memory_space<vmem_shared>>
      %dma_start3A_34 = arith.constant 0 : i32
      %dma_start3A_35 = arith.constant 0 : i32
      %dma_start3A_36 = tpu.memref_slice %arg8[%dma_start3A_34, %dma_start3A_35] : memref<128x128xf32, #tpu.memory_space<vmem>> -> memref<128x128xf32, #tpu.memory_space<vmem>>
      tpu.enqueue_dma source(%dma_start3A_36 : memref<128x128xf32, #tpu.memory_space<vmem>>) target(%dma_start3A_33 : memref<128x128xf32, #tpu.memory_space<vmem_shared>>) target_semaphore(%run_scoped3A : memref<!tpu.dma_semaphore, #tpu.memory_space<semaphore_mem>>)
      %dma_wait3A = arith.constant 0 : i32
      %dma_wait3A_37 = arith.constant 0 : i32
      %dma_wait3A_38 = tpu.memref_slice %arg8[%dma_wait3A, %dma_wait3A_37] : memref<128x128xf32, #tpu.memory_space<vmem>> -> memref<128x128xf32, #tpu.memory_space<vmem>>
      %dma_wait3A_39 = arith.constant 0 : i32
      %dma_wait3A_40 = tpu.memref_slice %arg10[%add3A_13, %dma_wait3A_39] : memref<10112x128xf32, #tpu.memory_space<vmem_shared>> -> memref<128x128xf32, #tpu.memory_space<vmem_shared>>
      %dma_wait3A_41 = arith.constant 0 : i32
      %dma_wait3A_42 = tpu.memref_slice %arg10[%add3A_13, %dma_wait3A_41] : memref<10112x128xf32, #tpu.memory_space<vmem_shared>> -> memref<128x128xf32, #tpu.memory_space<vmem_shared>>
      %dma_wait3A_43 = arith.constant 0 : i32
      %dma_wait3A_44 = arith.constant 0 : i32
      %dma_wait3A_45 = tpu.memref_slice %arg8[%dma_wait3A_43, %dma_wait3A_44] : memref<128x128xf32, #tpu.memory_space<vmem>> -> memref<128x128xf32, #tpu.memory_space<vmem>>
      tpu.wait_dma2 semaphore(%run_scoped3A : memref<!tpu.dma_semaphore, #tpu.memory_space<semaphore_mem>>) src(%dma_wait3A_45 : memref<128x128xf32, #tpu.memory_space<vmem>>) dst(%dma_wait3A_42 : memref<128x128xf32, #tpu.memory_space<vmem_shared>>)
      tpu.yield
    }) : () -> ()
    %add3A_14 = arith.constant 384 : i32
    %add3A_15 = arith.addi %mul3A_7, %add3A_14 : i32
    "tpu.region"() ({
      %run_scoped3A = tpu.sem_alloc : memref<!tpu.dma_semaphore, #tpu.memory_space<semaphore_mem>>
      %dma_start3A = arith.constant 0 : i32
      %dma_start3A_28 = arith.constant 0 : i32
      %dma_start3A_29 = tpu.memref_slice %arg8[%dma_start3A, %dma_start3A_28] : memref<128x128xf32, #tpu.memory_space<vmem>> -> memref<128x128xf32, #tpu.memory_space<vmem>>
      %dma_start3A_30 = arith.constant 0 : i32
      %dma_start3A_31 = tpu.memref_slice %arg10[%add3A_15, %dma_start3A_30] : memref<10112x128xf32, #tpu.memory_space<vmem_shared>> -> memref<128x128xf32, #tpu.memory_space<vmem_shared>>
      %dma_start3A_32 = arith.constant 0 : i32
      %dma_start3A_33 = tpu.memref_slice %arg10[%add3A_15, %dma_start3A_32] : memref<10112x128xf32, #tpu.memory_space<vmem_shared>> -> memref<128x128xf32, #tpu.memory_space<vmem_shared>>
      %dma_start3A_34 = arith.constant 0 : i32
      %dma_start3A_35 = arith.constant 0 : i32
      %dma_start3A_36 = tpu.memref_slice %arg8[%dma_start3A_34, %dma_start3A_35] : memref<128x128xf32, #tpu.memory_space<vmem>> -> memref<128x128xf32, #tpu.memory_space<vmem>>
      tpu.enqueue_dma source(%dma_start3A_36 : memref<128x128xf32, #tpu.memory_space<vmem>>) target(%dma_start3A_33 : memref<128x128xf32, #tpu.memory_space<vmem_shared>>) target_semaphore(%run_scoped3A : memref<!tpu.dma_semaphore, #tpu.memory_space<semaphore_mem>>)
      %dma_wait3A = arith.constant 0 : i32
      %dma_wait3A_37 = arith.constant 0 : i32
      %dma_wait3A_38 = tpu.memref_slice %arg8[%dma_wait3A, %dma_wait3A_37] : memref<128x128xf32, #tpu.memory_space<vmem>> -> memref<128x128xf32, #tpu.memory_space<vmem>>
      %dma_wait3A_39 = arith.constant 0 : i32
      %dma_wait3A_40 = tpu.memref_slice %arg10[%add3A_15, %dma_wait3A_39] : memref<10112x128xf32, #tpu.memory_space<vmem_shared>> -> memref<128x128xf32, #tpu.memory_space<vmem_shared>>
      %dma_wait3A_41 = arith.constant 0 : i32
      %dma_wait3A_42 = tpu.memref_slice %arg10[%add3A_15, %dma_wait3A_41] : memref<10112x128xf32, #tpu.memory_space<vmem_shared>> -> memref<128x128xf32, #tpu.memory_space<vmem_shared>>
      %dma_wait3A_43 = arith.constant 0 : i32
      %dma_wait3A_44 = arith.constant 0 : i32
      %dma_wait3A_45 = tpu.memref_slice %arg8[%dma_wait3A_43, %dma_wait3A_44] : memref<128x128xf32, #tpu.memory_space<vmem>> -> memref<128x128xf32, #tpu.memory_space<vmem>>
      tpu.wait_dma2 semaphore(%run_scoped3A : memref<!tpu.dma_semaphore, #tpu.memory_space<semaphore_mem>>) src(%dma_wait3A_45 : memref<128x128xf32, #tpu.memory_space<vmem>>) dst(%dma_wait3A_42 : memref<128x128xf32, #tpu.memory_space<vmem_shared>>)
      tpu.yield
    }) : () -> ()
    %add3A_16 = arith.constant 512 : i32
    %add3A_17 = arith.addi %mul3A_7, %add3A_16 : i32
    "tpu.region"() ({
      %run_scoped3A = tpu.sem_alloc : memref<!tpu.dma_semaphore, #tpu.memory_space<semaphore_mem>>
      %dma_start3A = arith.constant 0 : i32
      %dma_start3A_28 = arith.constant 0 : i32
      %dma_start3A_29 = tpu.memref_slice %arg8[%dma_start3A, %dma_start3A_28] : memref<128x128xf32, #tpu.memory_space<vmem>> -> memref<120x128xf32, #tpu.memory_space<vmem>>
      %dma_start3A_30 = arith.constant 0 : i32
      %dma_start3A_31 = tpu.memref_slice %arg10[%add3A_17, %dma_start3A_30] : memref<10112x128xf32, #tpu.memory_space<vmem_shared>> -> memref<120x128xf32, #tpu.memory_space<vmem_shared>>
      %dma_start3A_32 = arith.constant 0 : i32
      %dma_start3A_33 = tpu.memref_slice %arg10[%add3A_17, %dma_start3A_32] : memref<10112x128xf32, #tpu.memory_space<vmem_shared>> -> memref<120x128xf32, #tpu.memory_space<vmem_shared>>
      %dma_start3A_34 = arith.constant 0 : i32
      %dma_start3A_35 = arith.constant 0 : i32
      %dma_start3A_36 = tpu.memref_slice %arg8[%dma_start3A_34, %dma_start3A_35] : memref<128x128xf32, #tpu.memory_space<vmem>> -> memref<120x128xf32, #tpu.memory_space<vmem>>
      tpu.enqueue_dma source(%dma_start3A_36 : memref<120x128xf32, #tpu.memory_space<vmem>>) target(%dma_start3A_33 : memref<120x128xf32, #tpu.memory_space<vmem_shared>>) target_semaphore(%run_scoped3A : memref<!tpu.dma_semaphore, #tpu.memory_space<semaphore_mem>>)
      %dma_wait3A = arith.constant 0 : i32
      %dma_wait3A_37 = arith.constant 0 : i32
      %dma_wait3A_38 = tpu.memref_slice %arg8[%dma_wait3A, %dma_wait3A_37] : memref<128x128xf32, #tpu.memory_space<vmem>> -> memref<120x128xf32, #tpu.memory_space<vmem>>
      %dma_wait3A_39 = arith.constant 0 : i32
      %dma_wait3A_40 = tpu.memref_slice %arg10[%add3A_17, %dma_wait3A_39] : memref<10112x128xf32, #tpu.memory_space<vmem_shared>> -> memref<120x128xf32, #tpu.memory_space<vmem_shared>>
      %dma_wait3A_41 = arith.constant 0 : i32
      %dma_wait3A_42 = tpu.memref_slice %arg10[%add3A_17, %dma_wait3A_41] : memref<10112x128xf32, #tpu.memory_space<vmem_shared>> -> memref<120x128xf32, #tpu.memory_space<vmem_shared>>
      %dma_wait3A_43 = arith.constant 0 : i32
      %dma_wait3A_44 = arith.constant 0 : i32
      %dma_wait3A_45 = tpu.memref_slice %arg8[%dma_wait3A_43, %dma_wait3A_44] : memref<128x128xf32, #tpu.memory_space<vmem>> -> memref<120x128xf32, #tpu.memory_space<vmem>>
      tpu.wait_dma2 semaphore(%run_scoped3A : memref<!tpu.dma_semaphore, #tpu.memory_space<semaphore_mem>>) src(%dma_wait3A_45 : memref<120x128xf32, #tpu.memory_space<vmem>>) dst(%dma_wait3A_42 : memref<120x128xf32, #tpu.memory_space<vmem_shared>>)
      tpu.yield
    }) : () -> ()
    %barrier3A = arith.constant 0 : index
    tpu.barrier barrier_id(%barrier3A)
    %scan3A_18 = arith.constant 0 : i32
    %scan3A_19 = arith.constant 0 : i32
    %scan3A_20 = arith.constant 5 : i32
    %scan3A_21 = arith.addi %scan3A_19, %scan3A_20 : i32
    %scan3A_22 = arith.constant 1 : i32
    scf.for %scan3A_28 = %scan3A_19 to %scan3A_21 step %scan3A_22  : i32 {
      %mul3A_29 = arith.constant 16 : i32
      %mul3A_30 = arith.muli %scan3A_28, %mul3A_29 : i32
      "tpu.region"() ({
        %run_scoped3A_64 = tpu.sem_alloc : memref<!tpu.dma_semaphore, #tpu.memory_space<semaphore_mem>>
        %dma_start3A_65 = arith.constant 0 : i32
        %dma_start3A_66 = tpu.memref_slice %arg3[%add3A, %mul3A_30, %dma_start3A_65] : memref<32x80x128xi32, #tpu.memory_space<hbm>> -> memref<1x16x128xi32, #tpu.memory_space<hbm>>
        %dma_start3A_67 = tpu.memref_squeeze %dma_start3A_66 : memref<1x16x128xi32, #tpu.memory_space<hbm>> -> memref<16x128xi32, #tpu.memory_space<hbm>>
        %dma_start3A_68 = arith.constant 0 : i32
        %dma_start3A_69 = tpu.memref_slice %arg3[%add3A, %mul3A_30, %dma_start3A_68] : memref<32x80x128xi32, #tpu.memory_space<hbm>> -> memref<1x16x128xi32, #tpu.memory_space<hbm>>
        %dma_start3A_70 = tpu.memref_squeeze %dma_start3A_69 : memref<1x16x128xi32, #tpu.memory_space<hbm>> -> memref<16x128xi32, #tpu.memory_space<hbm>>
        tpu.enqueue_dma source(%dma_start3A_70 : memref<16x128xi32, #tpu.memory_space<hbm>>) target(%arg6 : memref<16x128xi32, #tpu.memory_space<vmem>>) target_semaphore(%run_scoped3A_64 : memref<!tpu.dma_semaphore, #tpu.memory_space<semaphore_mem>>)
        %dma_wait3A_71 = arith.constant 0 : i32
        %dma_wait3A_72 = tpu.memref_slice %arg3[%add3A, %mul3A_30, %dma_wait3A_71] : memref<32x80x128xi32, #tpu.memory_space<hbm>> -> memref<1x16x128xi32, #tpu.memory_space<hbm>>
        %dma_wait3A_73 = tpu.memref_squeeze %dma_wait3A_72 : memref<1x16x128xi32, #tpu.memory_space<hbm>> -> memref<16x128xi32, #tpu.memory_space<hbm>>
        %dma_wait3A_74 = arith.constant 0 : i32
        %dma_wait3A_75 = tpu.memref_slice %arg3[%add3A, %mul3A_30, %dma_wait3A_74] : memref<32x80x128xi32, #tpu.memory_space<hbm>> -> memref<1x16x128xi32, #tpu.memory_space<hbm>>
        %dma_wait3A_76 = tpu.memref_squeeze %dma_wait3A_75 : memref<1x16x128xi32, #tpu.memory_space<hbm>> -> memref<16x128xi32, #tpu.memory_space<hbm>>
        tpu.wait_dma2 semaphore(%run_scoped3A_64 : memref<!tpu.dma_semaphore, #tpu.memory_space<semaphore_mem>>) src(%dma_wait3A_76 : memref<16x128xi32, #tpu.memory_space<hbm>>) dst(%arg6 : memref<16x128xi32, #tpu.memory_space<vmem>>)
        tpu.yield
      }) : () -> ()
      %mul3A_31 = arith.constant 16 : i32
      %mul3A_32 = arith.muli %scan3A_28, %mul3A_31 : i32
      "tpu.region"() ({
        %run_scoped3A_64 = tpu.sem_alloc : memref<!tpu.dma_semaphore, #tpu.memory_space<semaphore_mem>>
        %dma_start3A_65 = arith.constant 0 : i32
        %dma_start3A_66 = tpu.memref_slice %arg4[%add3A, %mul3A_32, %dma_start3A_65] : memref<32x80x128xi32, #tpu.memory_space<hbm>> -> memref<1x16x128xi32, #tpu.memory_space<hbm>>
        %dma_start3A_67 = tpu.memref_squeeze %dma_start3A_66 : memref<1x16x128xi32, #tpu.memory_space<hbm>> -> memref<16x128xi32, #tpu.memory_space<hbm>>
        %dma_start3A_68 = arith.constant 0 : i32
        %dma_start3A_69 = tpu.memref_slice %arg4[%add3A, %mul3A_32, %dma_start3A_68] : memref<32x80x128xi32, #tpu.memory_space<hbm>> -> memref<1x16x128xi32, #tpu.memory_space<hbm>>
        %dma_start3A_70 = tpu.memref_squeeze %dma_start3A_69 : memref<1x16x128xi32, #tpu.memory_space<hbm>> -> memref<16x128xi32, #tpu.memory_space<hbm>>
        tpu.enqueue_dma source(%dma_start3A_70 : memref<16x128xi32, #tpu.memory_space<hbm>>) target(%arg7 : memref<16x128xi32, #tpu.memory_space<vmem>>) target_semaphore(%run_scoped3A_64 : memref<!tpu.dma_semaphore, #tpu.memory_space<semaphore_mem>>)
        %dma_wait3A_71 = arith.constant 0 : i32
        %dma_wait3A_72 = tpu.memref_slice %arg4[%add3A, %mul3A_32, %dma_wait3A_71] : memref<32x80x128xi32, #tpu.memory_space<hbm>> -> memref<1x16x128xi32, #tpu.memory_space<hbm>>
        %dma_wait3A_73 = tpu.memref_squeeze %dma_wait3A_72 : memref<1x16x128xi32, #tpu.memory_space<hbm>> -> memref<16x128xi32, #tpu.memory_space<hbm>>
        %dma_wait3A_74 = arith.constant 0 : i32
        %dma_wait3A_75 = tpu.memref_slice %arg4[%add3A, %mul3A_32, %dma_wait3A_74] : memref<32x80x128xi32, #tpu.memory_space<hbm>> -> memref<1x16x128xi32, #tpu.memory_space<hbm>>
        %dma_wait3A_76 = tpu.memref_squeeze %dma_wait3A_75 : memref<1x16x128xi32, #tpu.memory_space<hbm>> -> memref<16x128xi32, #tpu.memory_space<hbm>>
        tpu.wait_dma2 semaphore(%run_scoped3A_64 : memref<!tpu.dma_semaphore, #tpu.memory_space<semaphore_mem>>) src(%dma_wait3A_76 : memref<16x128xi32, #tpu.memory_space<hbm>>) dst(%arg7 : memref<16x128xi32, #tpu.memory_space<vmem>>)
        tpu.yield
      }) : () -> ()
      %dma_start3A = arith.constant 0 : i32
      %dma_start3A_33 = arith.constant 0 : i32
      %dma_start3A_34 = tpu.memref_slice %arg6[%dma_start3A, %dma_start3A_33] : memref<16x128xi32, #tpu.memory_space<vmem>> -> memref<1x128xi32, #tpu.memory_space<vmem>>
      %dma_start3A_35 = tpu.memref_squeeze %dma_start3A_34 : memref<1x128xi32, #tpu.memory_space<vmem>> -> memref<128xi32, #tpu.memory_space<vmem>>
      %dma_start3A_36 = arith.constant 0 : i32
      %dma_start3A_37 = arith.constant 0 : i32
      %dma_start3A_38 = tpu.memref_slice %arg2[%dma_start3A_36, %dma_start3A_37] : memref<10112x128xf32, #tpu.memory_space<hbm>> -> memref<10112x128xf32, #tpu.memory_space<hbm>>
      tpu.enqueue_indirect_dma source(%dma_start3A_38 : memref<10112x128xf32, #tpu.memory_space<hbm>>) target(%arg8 : memref<128x128xf32, #tpu.memory_space<vmem>>) offsets(%dma_start3A_35 : memref<128xi32, #tpu.memory_space<vmem>>) semaphore(%arg11 : memref<!tpu.dma_semaphore, #tpu.memory_space<semaphore_mem>>)
      %scan3A_39 = arith.constant 0 : i32
      %scan3A_40 = arith.constant 0 : i32
      %scan3A_41 = arith.constant 7 : i32
      %scan3A_42 = arith.addi %scan3A_40, %scan3A_41 : i32
      %scan3A_43 = arith.constant 1 : i32
      scf.for %scan3A_64 = %scan3A_40 to %scan3A_42 step %scan3A_43  : i32 {
        %mul3A_65 = arith.constant 2 : i32
        %mul3A_66 = arith.muli %mul3A_65, %scan3A_64 : i32
        %dma_wait3A_67 = arith.constant 0 : i32
        %dma_wait3A_68 = arith.constant 0 : i32
        %dma_wait3A_69 = tpu.memref_slice %arg2[%dma_wait3A_67, %dma_wait3A_68] : memref<10112x128xf32, #tpu.memory_space<hbm>> -> memref<128x128xf32, #tpu.memory_space<hbm>>
        %dma_wait3A_70 = arith.constant 0 : i32
        %dma_wait3A_71 = arith.constant 0 : i32
        %dma_wait3A_72 = tpu.memref_slice %arg2[%dma_wait3A_70, %dma_wait3A_71] : memref<10112x128xf32, #tpu.memory_space<hbm>> -> memref<128x128xf32, #tpu.memory_space<hbm>>
        tpu.wait_dma2 semaphore(%arg11 : memref<!tpu.dma_semaphore, #tpu.memory_space<semaphore_mem>>) src(%dma_wait3A_72 : memref<128x128xf32, #tpu.memory_space<hbm>>) dst(%arg8 : memref<128x128xf32, #tpu.memory_space<vmem>>)
        %add3A_73 = arith.constant 1 : i32
        %add3A_74 = arith.addi %mul3A_66, %add3A_73 : i32
        %dma_start3A_75 = arith.constant 0 : i32
        %dma_start3A_76 = tpu.memref_slice %arg6[%add3A_74, %dma_start3A_75] : memref<16x128xi32, #tpu.memory_space<vmem>> -> memref<1x128xi32, #tpu.memory_space<vmem>>
        %dma_start3A_77 = tpu.memref_squeeze %dma_start3A_76 : memref<1x128xi32, #tpu.memory_space<vmem>> -> memref<128xi32, #tpu.memory_space<vmem>>
        %dma_start3A_78 = arith.constant 0 : i32
        %dma_start3A_79 = arith.constant 0 : i32
        %dma_start3A_80 = tpu.memref_slice %arg2[%dma_start3A_78, %dma_start3A_79] : memref<10112x128xf32, #tpu.memory_space<hbm>> -> memref<10112x128xf32, #tpu.memory_space<hbm>>
        tpu.enqueue_indirect_dma source(%dma_start3A_80 : memref<10112x128xf32, #tpu.memory_space<hbm>>) target(%arg9 : memref<128x128xf32, #tpu.memory_space<vmem>>) offsets(%dma_start3A_77 : memref<128xi32, #tpu.memory_space<vmem>>) semaphore(%arg12 : memref<!tpu.dma_semaphore, #tpu.memory_space<semaphore_mem>>)
        "tpu.region"() ({
          %run_scoped3A_97 = tpu.sem_alloc : memref<!tpu.dma_semaphore, #tpu.memory_space<semaphore_mem>>
          %dma_start3A_98 = arith.constant 0 : i32
          %dma_start3A_99 = tpu.memref_slice %arg7[%mul3A_66, %dma_start3A_98] : memref<16x128xi32, #tpu.memory_space<vmem>> -> memref<1x128xi32, #tpu.memory_space<vmem>>
          %dma_start3A_100 = tpu.memref_squeeze %dma_start3A_99 : memref<1x128xi32, #tpu.memory_space<vmem>> -> memref<128xi32, #tpu.memory_space<vmem>>
          %dma_start3A_101 = arith.constant 0 : i32
          %dma_start3A_102 = arith.constant 0 : i32
          %dma_start3A_103 = tpu.memref_slice %arg10[%dma_start3A_101, %dma_start3A_102] : memref<10112x128xf32, #tpu.memory_space<vmem_shared>> -> memref<10112x128xf32, #tpu.memory_space<vmem_shared>>
          tpu.enqueue_indirect_dma source(%arg8 : memref<128x128xf32, #tpu.memory_space<vmem>>) target(%dma_start3A_103 : memref<10112x128xf32, #tpu.memory_space<vmem_shared>>) offsets(%dma_start3A_100 : memref<128xi32, #tpu.memory_space<vmem>>) semaphore(%run_scoped3A_97 : memref<!tpu.dma_semaphore, #tpu.memory_space<semaphore_mem>>) {add = true}
          %dma_wait3A_104 = arith.constant 0 : i32
          %dma_wait3A_105 = tpu.memref_slice %arg7[%mul3A_66, %dma_wait3A_104] : memref<16x128xi32, #tpu.memory_space<vmem>> -> memref<1x128xi32, #tpu.memory_space<vmem>>
          %dma_wait3A_106 = tpu.memref_squeeze %dma_wait3A_105 : memref<1x128xi32, #tpu.memory_space<vmem>> -> memref<128xi32, #tpu.memory_space<vmem>>
          %dma_wait3A_107 = arith.constant 0 : i32
          %dma_wait3A_108 = arith.constant 0 : i32
          %dma_wait3A_109 = tpu.memref_slice %arg10[%dma_wait3A_107, %dma_wait3A_108] : memref<10112x128xf32, #tpu.memory_space<vmem_shared>> -> memref<10112x128xf32, #tpu.memory_space<vmem_shared>>
          tpu.wait_indirect_dma semaphore(%run_scoped3A_97 : memref<!tpu.dma_semaphore, #tpu.memory_space<semaphore_mem>>) src(%arg8 : memref<128x128xf32, #tpu.memory_space<vmem>>) dst(%dma_wait3A_109 : memref<10112x128xf32, #tpu.memory_space<vmem_shared>>)
          tpu.yield
        }) : () -> ()
        %dma_wait3A_81 = arith.constant 0 : i32
        %dma_wait3A_82 = arith.constant 0 : i32
        %dma_wait3A_83 = tpu.memref_slice %arg2[%dma_wait3A_81, %dma_wait3A_82] : memref<10112x128xf32, #tpu.memory_space<hbm>> -> memref<128x128xf32, #tpu.memory_space<hbm>>
        %dma_wait3A_84 = arith.constant 0 : i32
        %dma_wait3A_85 = arith.constant 0 : i32
        %dma_wait3A_86 = tpu.memref_slice %arg2[%dma_wait3A_84, %dma_wait3A_85] : memref<10112x128xf32, #tpu.memory_space<hbm>> -> memref<128x128xf32, #tpu.memory_space<hbm>>
        tpu.wait_dma2 semaphore(%arg12 : memref<!tpu.dma_semaphore, #tpu.memory_space<semaphore_mem>>) src(%dma_wait3A_86 : memref<128x128xf32, #tpu.memory_space<hbm>>) dst(%arg9 : memref<128x128xf32, #tpu.memory_space<vmem>>)
        %add3A_87 = arith.constant 2 : i32
        %add3A_88 = arith.addi %mul3A_66, %add3A_87 : i32
        %dma_start3A_89 = arith.constant 0 : i32
        %dma_start3A_90 = tpu.memref_slice %arg6[%add3A_88, %dma_start3A_89] : memref<16x128xi32, #tpu.memory_space<vmem>> -> memref<1x128xi32, #tpu.memory_space<vmem>>
        %dma_start3A_91 = tpu.memref_squeeze %dma_start3A_90 : memref<1x128xi32, #tpu.memory_space<vmem>> -> memref<128xi32, #tpu.memory_space<vmem>>
        %dma_start3A_92 = arith.constant 0 : i32
        %dma_start3A_93 = arith.constant 0 : i32
        %dma_start3A_94 = tpu.memref_slice %arg2[%dma_start3A_92, %dma_start3A_93] : memref<10112x128xf32, #tpu.memory_space<hbm>> -> memref<10112x128xf32, #tpu.memory_space<hbm>>
        tpu.enqueue_indirect_dma source(%dma_start3A_94 : memref<10112x128xf32, #tpu.memory_space<hbm>>) target(%arg8 : memref<128x128xf32, #tpu.memory_space<vmem>>) offsets(%dma_start3A_91 : memref<128xi32, #tpu.memory_space<vmem>>) semaphore(%arg11 : memref<!tpu.dma_semaphore, #tpu.memory_space<semaphore_mem>>)
        %add3A_95 = arith.constant 1 : i32
        %add3A_96 = arith.addi %mul3A_66, %add3A_95 : i32
        "tpu.region"() ({
          %run_scoped3A_97 = tpu.sem_alloc : memref<!tpu.dma_semaphore, #tpu.memory_space<semaphore_mem>>
          %dma_start3A_98 = arith.constant 0 : i32
          %dma_start3A_99 = tpu.memref_slice %arg7[%add3A_96, %dma_start3A_98] : memref<16x128xi32, #tpu.memory_space<vmem>> -> memref<1x128xi32, #tpu.memory_space<vmem>>
          %dma_start3A_100 = tpu.memref_squeeze %dma_start3A_99 : memref<1x128xi32, #tpu.memory_space<vmem>> -> memref<128xi32, #tpu.memory_space<vmem>>
          %dma_start3A_101 = arith.constant 0 : i32
          %dma_start3A_102 = arith.constant 0 : i32
          %dma_start3A_103 = tpu.memref_slice %arg10[%dma_start3A_101, %dma_start3A_102] : memref<10112x128xf32, #tpu.memory_space<vmem_shared>> -> memref<10112x128xf32, #tpu.memory_space<vmem_shared>>
          tpu.enqueue_indirect_dma source(%arg9 : memref<128x128xf32, #tpu.memory_space<vmem>>) target(%dma_start3A_103 : memref<10112x128xf32, #tpu.memory_space<vmem_shared>>) offsets(%dma_start3A_100 : memref<128xi32, #tpu.memory_space<vmem>>) semaphore(%run_scoped3A_97 : memref<!tpu.dma_semaphore, #tpu.memory_space<semaphore_mem>>) {add = true}
          %dma_wait3A_104 = arith.constant 0 : i32
          %dma_wait3A_105 = tpu.memref_slice %arg7[%add3A_96, %dma_wait3A_104] : memref<16x128xi32, #tpu.memory_space<vmem>> -> memref<1x128xi32, #tpu.memory_space<vmem>>
          %dma_wait3A_106 = tpu.memref_squeeze %dma_wait3A_105 : memref<1x128xi32, #tpu.memory_space<vmem>> -> memref<128xi32, #tpu.memory_space<vmem>>
          %dma_wait3A_107 = arith.constant 0 : i32
          %dma_wait3A_108 = arith.constant 0 : i32
          %dma_wait3A_109 = tpu.memref_slice %arg10[%dma_wait3A_107, %dma_wait3A_108] : memref<10112x128xf32, #tpu.memory_space<vmem_shared>> -> memref<10112x128xf32, #tpu.memory_space<vmem_shared>>
          tpu.wait_indirect_dma semaphore(%run_scoped3A_97 : memref<!tpu.dma_semaphore, #tpu.memory_space<semaphore_mem>>) src(%arg9 : memref<128x128xf32, #tpu.memory_space<vmem>>) dst(%dma_wait3A_109 : memref<10112x128xf32, #tpu.memory_space<vmem_shared>>)
          tpu.yield
        }) : () -> ()
      }
      %scan3A_44 = arith.constant 7 : i32
      %dma_wait3A = arith.constant 0 : i32
      %dma_wait3A_45 = arith.constant 0 : i32
      %dma_wait3A_46 = tpu.memref_slice %arg2[%dma_wait3A, %dma_wait3A_45] : memref<10112x128xf32, #tpu.memory_space<hbm>> -> memref<128x128xf32, #tpu.memory_space<hbm>>
      %dma_wait3A_47 = arith.constant 0 : i32
      %dma_wait3A_48 = arith.constant 0 : i32
      %dma_wait3A_49 = tpu.memref_slice %arg2[%dma_wait3A_47, %dma_wait3A_48] : memref<10112x128xf32, #tpu.memory_space<hbm>> -> memref<128x128xf32, #tpu.memory_space<hbm>>
      tpu.wait_dma2 semaphore(%arg11 : memref<!tpu.dma_semaphore, #tpu.memory_space<semaphore_mem>>) src(%dma_wait3A_49 : memref<128x128xf32, #tpu.memory_space<hbm>>) dst(%arg8 : memref<128x128xf32, #tpu.memory_space<vmem>>)
      %dma_start3A_50 = arith.constant 15 : i32
      %dma_start3A_51 = arith.constant 0 : i32
      %dma_start3A_52 = tpu.memref_slice %arg6[%dma_start3A_50, %dma_start3A_51] : memref<16x128xi32, #tpu.memory_space<vmem>> -> memref<1x128xi32, #tpu.memory_space<vmem>>
      %dma_start3A_53 = tpu.memref_squeeze %dma_start3A_52 : memref<1x128xi32, #tpu.memory_space<vmem>> -> memref<128xi32, #tpu.memory_space<vmem>>
      %dma_start3A_54 = arith.constant 0 : i32
      %dma_start3A_55 = arith.constant 0 : i32
      %dma_start3A_56 = tpu.memref_slice %arg2[%dma_start3A_54, %dma_start3A_55] : memref<10112x128xf32, #tpu.memory_space<hbm>> -> memref<10112x128xf32, #tpu.memory_space<hbm>>
      tpu.enqueue_indirect_dma source(%dma_start3A_56 : memref<10112x128xf32, #tpu.memory_space<hbm>>) target(%arg9 : memref<128x128xf32, #tpu.memory_space<vmem>>) offsets(%dma_start3A_53 : memref<128xi32, #tpu.memory_space<vmem>>) semaphore(%arg12 : memref<!tpu.dma_semaphore, #tpu.memory_space<semaphore_mem>>)
      %run_scoped3A = arith.constant 14 : i32
      "tpu.region"() ({
        %run_scoped3A_64 = tpu.sem_alloc : memref<!tpu.dma_semaphore, #tpu.memory_space<semaphore_mem>>
        %dma_start3A_65 = arith.constant 0 : i32
        %dma_start3A_66 = tpu.memref_slice %arg7[%run_scoped3A, %dma_start3A_65] : memref<16x128xi32, #tpu.memory_space<vmem>> -> memref<1x128xi32, #tpu.memory_space<vmem>>
        %dma_start3A_67 = tpu.memref_squeeze %dma_start3A_66 : memref<1x128xi32, #tpu.memory_space<vmem>> -> memref<128xi32, #tpu.memory_space<vmem>>
        %dma_start3A_68 = arith.constant 0 : i32
        %dma_start3A_69 = arith.constant 0 : i32
        %dma_start3A_70 = tpu.memref_slice %arg10[%dma_start3A_68, %dma_start3A_69] : memref<10112x128xf32, #tpu.memory_space<vmem_shared>> -> memref<10112x128xf32, #tpu.memory_space<vmem_shared>>
        tpu.enqueue_indirect_dma source(%arg8 : memref<128x128xf32, #tpu.memory_space<vmem>>) target(%dma_start3A_70 : memref<10112x128xf32, #tpu.memory_space<vmem_shared>>) offsets(%dma_start3A_67 : memref<128xi32, #tpu.memory_space<vmem>>) semaphore(%run_scoped3A_64 : memref<!tpu.dma_semaphore, #tpu.memory_space<semaphore_mem>>) {add = true}
        %dma_wait3A_71 = arith.constant 0 : i32
        %dma_wait3A_72 = tpu.memref_slice %arg7[%run_scoped3A, %dma_wait3A_71] : memref<16x128xi32, #tpu.memory_space<vmem>> -> memref<1x128xi32, #tpu.memory_space<vmem>>
        %dma_wait3A_73 = tpu.memref_squeeze %dma_wait3A_72 : memref<1x128xi32, #tpu.memory_space<vmem>> -> memref<128xi32, #tpu.memory_space<vmem>>
        %dma_wait3A_74 = arith.constant 0 : i32
        %dma_wait3A_75 = arith.constant 0 : i32
        %dma_wait3A_76 = tpu.memref_slice %arg10[%dma_wait3A_74, %dma_wait3A_75] : memref<10112x128xf32, #tpu.memory_space<vmem_shared>> -> memref<10112x128xf32, #tpu.memory_space<vmem_shared>>
        tpu.wait_indirect_dma semaphore(%run_scoped3A_64 : memref<!tpu.dma_semaphore, #tpu.memory_space<semaphore_mem>>) src(%arg8 : memref<128x128xf32, #tpu.memory_space<vmem>>) dst(%dma_wait3A_76 : memref<10112x128xf32, #tpu.memory_space<vmem_shared>>)
        tpu.yield
      }) : () -> ()
      %dma_wait3A_57 = arith.constant 0 : i32
      %dma_wait3A_58 = arith.constant 0 : i32
      %dma_wait3A_59 = tpu.memref_slice %arg2[%dma_wait3A_57, %dma_wait3A_58] : memref<10112x128xf32, #tpu.memory_space<hbm>> -> memref<128x128xf32, #tpu.memory_space<hbm>>
      %dma_wait3A_60 = arith.constant 0 : i32
      %dma_wait3A_61 = arith.constant 0 : i32
      %dma_wait3A_62 = tpu.memref_slice %arg2[%dma_wait3A_60, %dma_wait3A_61] : memref<10112x128xf32, #tpu.memory_space<hbm>> -> memref<128x128xf32, #tpu.memory_space<hbm>>
      tpu.wait_dma2 semaphore(%arg12 : memref<!tpu.dma_semaphore, #tpu.memory_space<semaphore_mem>>) src(%dma_wait3A_62 : memref<128x128xf32, #tpu.memory_space<hbm>>) dst(%arg9 : memref<128x128xf32, #tpu.memory_space<vmem>>)
      %run_scoped3A_63 = arith.constant 15 : i32
      "tpu.region"() ({
        %run_scoped3A_64 = tpu.sem_alloc : memref<!tpu.dma_semaphore, #tpu.memory_space<semaphore_mem>>
        %dma_start3A_65 = arith.constant 0 : i32
        %dma_start3A_66 = tpu.memref_slice %arg7[%run_scoped3A_63, %dma_start3A_65] : memref<16x128xi32, #tpu.memory_space<vmem>> -> memref<1x128xi32, #tpu.memory_space<vmem>>
        %dma_start3A_67 = tpu.memref_squeeze %dma_start3A_66 : memref<1x128xi32, #tpu.memory_space<vmem>> -> memref<128xi32, #tpu.memory_space<vmem>>
        %dma_start3A_68 = arith.constant 0 : i32
        %dma_start3A_69 = arith.constant 0 : i32
        %dma_start3A_70 = tpu.memref_slice %arg10[%dma_start3A_68, %dma_start3A_69] : memref<10112x128xf32, #tpu.memory_space<vmem_shared>> -> memref<10112x128xf32, #tpu.memory_space<vmem_shared>>
        tpu.enqueue_indirect_dma source(%arg9 : memref<128x128xf32, #tpu.memory_space<vmem>>) target(%dma_start3A_70 : memref<10112x128xf32, #tpu.memory_space<vmem_shared>>) offsets(%dma_start3A_67 : memref<128xi32, #tpu.memory_space<vmem>>) semaphore(%run_scoped3A_64 : memref<!tpu.dma_semaphore, #tpu.memory_space<semaphore_mem>>) {add = true}
        %dma_wait3A_71 = arith.constant 0 : i32
        %dma_wait3A_72 = tpu.memref_slice %arg7[%run_scoped3A_63, %dma_wait3A_71] : memref<16x128xi32, #tpu.memory_space<vmem>> -> memref<1x128xi32, #tpu.memory_space<vmem>>
        %dma_wait3A_73 = tpu.memref_squeeze %dma_wait3A_72 : memref<1x128xi32, #tpu.memory_space<vmem>> -> memref<128xi32, #tpu.memory_space<vmem>>
        %dma_wait3A_74 = arith.constant 0 : i32
        %dma_wait3A_75 = arith.constant 0 : i32
        %dma_wait3A_76 = tpu.memref_slice %arg10[%dma_wait3A_74, %dma_wait3A_75] : memref<10112x128xf32, #tpu.memory_space<vmem_shared>> -> memref<10112x128xf32, #tpu.memory_space<vmem_shared>>
        tpu.wait_indirect_dma semaphore(%run_scoped3A_64 : memref<!tpu.dma_semaphore, #tpu.memory_space<semaphore_mem>>) src(%arg9 : memref<128x128xf32, #tpu.memory_space<vmem>>) dst(%dma_wait3A_76 : memref<10112x128xf32, #tpu.memory_space<vmem_shared>>)
        tpu.yield
      }) : () -> ()
    }
    %scan3A_23 = arith.constant 5 : i32
    %barrier3A_24 = arith.constant 0 : index
    tpu.barrier barrier_id(%barrier3A_24)
    %mul3A_25 = arith.constant 10112 : i32
    %mul3A_26 = arith.muli %arg0, %mul3A_25 : i32
    %add3A_27 = arith.addi %mul3A_26, %mul3A_7 : i32
    "tpu.region"() ({
      %run_scoped3A = tpu.sem_alloc : memref<!tpu.dma_semaphore, #tpu.memory_space<semaphore_mem>>
      %dma_start3A = arith.constant 0 : i32
      %dma_start3A_28 = tpu.memref_slice %arg5[%add3A_27, %dma_start3A] : memref<20224x128xf32, #tpu.memory_space<hbm>> -> memref<632x128xf32, #tpu.memory_space<hbm>>
      %dma_start3A_29 = arith.constant 0 : i32
      %dma_start3A_30 = tpu.memref_slice %arg10[%mul3A_7, %dma_start3A_29] : memref<10112x128xf32, #tpu.memory_space<vmem_shared>> -> memref<632x128xf32, #tpu.memory_space<vmem_shared>>
      tpu.enqueue_dma source(%dma_start3A_30 : memref<632x128xf32, #tpu.memory_space<vmem_shared>>) target(%dma_start3A_28 : memref<632x128xf32, #tpu.memory_space<hbm>>) target_semaphore(%run_scoped3A : memref<!tpu.dma_semaphore, #tpu.memory_space<semaphore_mem>>)
      %dma_wait3A = arith.constant 0 : i32
      %dma_wait3A_31 = tpu.memref_slice %arg5[%add3A_27, %dma_wait3A] : memref<20224x128xf32, #tpu.memory_space<hbm>> -> memref<632x128xf32, #tpu.memory_space<hbm>>
      %dma_wait3A_32 = arith.constant 0 : i32
      %dma_wait3A_33 = tpu.memref_slice %arg10[%mul3A_7, %dma_wait3A_32] : memref<10112x128xf32, #tpu.memory_space<vmem_shared>> -> memref<632x128xf32, #tpu.memory_space<vmem_shared>>
      tpu.wait_dma2 semaphore(%run_scoped3A : memref<!tpu.dma_semaphore, #tpu.memory_space<semaphore_mem>>) src(%dma_wait3A_33 : memref<632x128xf32, #tpu.memory_space<vmem_shared>>) dst(%dma_wait3A_31 : memref<632x128xf32, #tpu.memory_space<hbm>>)
      tpu.yield
    }) : () -> ()
    return
  }
}

module attributes {stable_mosaic.version = 14 : i64} {
  func.func @_enc_body(%arg0: i32, %arg1: memref<2528x128xf32, #tpu.memory_space<vmem>>, %arg2: memref<2528x1xi32, #tpu.memory_space<vmem>>, %arg3: memref<128x128xf32, #tpu.memory_space<vmem>>, %arg4: memref<1x128xf32, #tpu.memory_space<vmem>>, %arg5: memref<128x128xf32, #tpu.memory_space<vmem>>, %arg6: memref<2528x128xf32, #tpu.memory_space<vmem>>, %arg7: memref<64x128xf32, #tpu.memory_space<vmem>>, %arg8: memref<64x128xf32, #tpu.memory_space<vmem>>) attributes {dimension_semantics = [#tpu.dimension_semantics<arbitrary>], iteration_bounds = array<i64: 4>, scalar_prefetch = 0 : i64, scratch_operands = 1 : i64, tpu.core_type = #tpu.core_type<tc>, window_params = [{transform_indices = @transform_0, window_bounds = array<i64: 2528, 128>}, {transform_indices = @transform_1, window_bounds = array<i64: 2528, 1>}, {pipeline_mode = #tpu.pipeline_mode<synchronous>, transform_indices = @transform_2, window_bounds = array<i64: 128, 128>}, {pipeline_mode = #tpu.pipeline_mode<synchronous>, transform_indices = @transform_3, window_bounds = array<i64: 1, 128>}, {pipeline_mode = #tpu.pipeline_mode<synchronous>, transform_indices = @transform_4, window_bounds = array<i64: 128, 128>}, {transform_indices = @transform_5, window_bounds = array<i64: 2528, 128>}, {pipeline_mode = #tpu.pipeline_mode<synchronous>, transform_indices = @transform_6, window_bounds = array<i64: 64, 128>}]} {
    %get3A = arith.constant 0 : index
    %get3A_0 = arith.constant 0 : index
    %get3A_1 = vector.load %arg1[%get3A, %get3A_0] : memref<2528x128xf32, #tpu.memory_space<vmem>>, vector<2528x128xf32>
    %get3A_2 = arith.constant 0 : index
    %get3A_3 = arith.constant 0 : index
    %get3A_4 = vector.load %arg3[%get3A_2, %get3A_3] : memref<128x128xf32, #tpu.memory_space<vmem>>, vector<128x128xf32>
    %dot_general3A = arith.constant dense<0.000000e+00> : vector<2528x128xf32>
    %dot_general3A_5 = tpu.matmul %get3A_1, %get3A_4, %dot_general3A {dimension_numbers = #tpu.dot_dimension_numbers<[1], [0], [0], [1], [0, 0, 1, 1], [], []>, transpose_lhs_hint = false} : vector<2528x128xf32>, vector<128x128xf32>, vector<2528x128xf32> -> vector<2528x128xf32>
    %get3A_6 = arith.constant 0 : index
    %get3A_7 = arith.constant 0 : index
    %get3A_8 = vector.load %arg4[%get3A_6, %get3A_7] : memref<1x128xf32, #tpu.memory_space<vmem>>, vector<1x128xf32>
    %add3A = vector.broadcast %get3A_8 : vector<1x128xf32> to vector<2528x128xf32>
    %add3A_9 = arith.addf %dot_general3A_5, %add3A : vector<2528x128xf32>
    %swap3A = arith.constant 0 : index
    %swap3A_10 = arith.constant 0 : index
    %swap3A_11 = vector.load %arg6[%swap3A, %swap3A_10] : memref<2528x128xf32, #tpu.memory_space<vmem>>, vector<2528x128xf32>
    tpu.vector_store %arg6[%swap3A, %swap3A_10], %add3A_9 {strides = array<i32>} : memref<2528x128xf32, #tpu.memory_space<vmem>>, vector<2528x128xf32>,
    %get3A_12 = arith.constant 0 : index
    %get3A_13 = arith.constant 0 : index
    %get3A_14 = vector.load %arg2[%get3A_12, %get3A_13] : memref<2528x1xi32, #tpu.memory_space<vmem>>, vector<2528x1xi32>
    %iota3A = tpu.iota {dimensions = array<i32: 1>} : vector<1x64xi32>
    %eq3A = vector.broadcast %get3A_14 : vector<2528x1xi32> to vector<2528x64xi32>
    %eq3A_15 = vector.broadcast %iota3A : vector<1x64xi32> to vector<2528x64xi32>
    %eq3A_16 = arith.cmpi eq, %eq3A, %eq3A_15 : vector<2528x64xi32>
    %convert_element_type3A = arith.extui %eq3A_16 : vector<2528x64xi1> to vector<2528x64xi32>
    %convert_element_type3A_17 = arith.sitofp %convert_element_type3A : vector<2528x64xi32> to vector<2528x64xf32>
    %dot_general3A_18 = arith.constant dense<0.000000e+00> : vector<64x128xf32>
    %dot_general3A_19 = tpu.matmul %convert_element_type3A_17, %get3A_1, %dot_general3A_18 {dimension_numbers = #tpu.dot_dimension_numbers<[0], [0], [1], [1], [0, 1, 1, 1], [], []>, transpose_lhs_hint = false} : vector<2528x64xf32>, vector<2528x128xf32>, vector<64x128xf32> -> vector<64x128xf32>
    %eq3A_20 = arith.constant 0 : i32
    %eq3A_21 = arith.cmpi eq, %arg0, %eq3A_20 : i32
    %convert_element_type3A_22 = arith.extui %eq3A_21 : i1 to i32
    %cond3A = arith.constant 0 : i32
    %cond3A_23 = arith.cmpi ne, %convert_element_type3A_22, %cond3A : i32
    scf.if %cond3A_23 {
      %swap3A_33 = arith.constant 0 : index
      %swap3A_34 = arith.constant 0 : index
      %swap3A_35 = vector.load %arg8[%swap3A_33, %swap3A_34] : memref<64x128xf32, #tpu.memory_space<vmem>>, vector<64x128xf32>
      tpu.vector_store %arg8[%swap3A_33, %swap3A_34], %dot_general3A_19 {strides = array<i32>} : memref<64x128xf32, #tpu.memory_space<vmem>>, vector<64x128xf32>,
    } else {
    }
    %gt3A = arith.constant 0 : i32
    %gt3A_24 = arith.cmpi sgt, %arg0, %gt3A : i32
    %convert_element_type3A_25 = arith.extui %gt3A_24 : i1 to i32
    %cond3A_26 = arith.constant 0 : i32
    %cond3A_27 = arith.cmpi ne, %convert_element_type3A_25, %cond3A_26 : i32
    scf.if %cond3A_27 {
      %get3A_33 = arith.constant 0 : index
      %get3A_34 = arith.constant 0 : index
      %get3A_35 = vector.load %arg8[%get3A_33, %get3A_34] : memref<64x128xf32, #tpu.memory_space<vmem>>, vector<64x128xf32>
      %add3A_36 = arith.addf %get3A_35, %dot_general3A_19 : vector<64x128xf32>
      %swap3A_37 = arith.constant 0 : index
      %swap3A_38 = arith.constant 0 : index
      %swap3A_39 = vector.load %arg8[%swap3A_37, %swap3A_38] : memref<64x128xf32, #tpu.memory_space<vmem>>, vector<64x128xf32>
      tpu.vector_store %arg8[%swap3A_37, %swap3A_38], %add3A_36 {strides = array<i32>} : memref<64x128xf32, #tpu.memory_space<vmem>>, vector<64x128xf32>,
    } else {
    }
    %eq3A_28 = arith.constant 3 : i32
    %eq3A_29 = arith.cmpi eq, %arg0, %eq3A_28 : i32
    %convert_element_type3A_30 = arith.extui %eq3A_29 : i1 to i32
    %cond3A_31 = arith.constant 0 : i32
    %cond3A_32 = arith.cmpi ne, %convert_element_type3A_30, %cond3A_31 : i32
    scf.if %cond3A_32 {
      %get3A_33 = arith.constant 0 : index
      %get3A_34 = arith.constant 0 : index
      %get3A_35 = vector.load %arg8[%get3A_33, %get3A_34] : memref<64x128xf32, #tpu.memory_space<vmem>>, vector<64x128xf32>
      %get3A_36 = arith.constant 0 : index
      %get3A_37 = arith.constant 0 : index
      %get3A_38 = vector.load %arg5[%get3A_36, %get3A_37] : memref<128x128xf32, #tpu.memory_space<vmem>>, vector<128x128xf32>
      %dot_general3A_39 = arith.constant dense<0.000000e+00> : vector<64x128xf32>
      %dot_general3A_40 = tpu.matmul %get3A_35, %get3A_38, %dot_general3A_39 {dimension_numbers = #tpu.dot_dimension_numbers<[1], [0], [0], [1], [0, 0, 1, 1], [], []>, transpose_lhs_hint = false} : vector<64x128xf32>, vector<128x128xf32>, vector<64x128xf32> -> vector<64x128xf32>
      %swap3A_41 = arith.constant 0 : index
      %swap3A_42 = arith.constant 0 : index
      %swap3A_43 = vector.load %arg7[%swap3A_41, %swap3A_42] : memref<64x128xf32, #tpu.memory_space<vmem>>, vector<64x128xf32>
      tpu.vector_store %arg7[%swap3A_41, %swap3A_42], %dot_general3A_40 {strides = array<i32>} : memref<64x128xf32, #tpu.memory_space<vmem>>, vector<64x128xf32>,
    } else {
    }
    return
  }
  func.func @transform_0(%arg0: i32) -> (i32, i32) {
    %c0_i32 = arith.constant 0 : i32
    %c0_i32_0 = arith.constant 0 : i32
    return %arg0, %c0_i32 : i32, i32
  }
  func.func @transform_1(%arg0: i32) -> (i32, i32) {
    %c0_i32 = arith.constant 0 : i32
    %c0_i32_0 = arith.constant 0 : i32
    return %arg0, %c0_i32 : i32, i32
  }
  func.func @transform_2(%arg0: i32) -> (i32, i32) {
    %c0_i32 = arith.constant 0 : i32
    %c0_i32_0 = arith.constant 0 : i32
    %c0_i32_1 = arith.constant 0 : i32
    return %c0_i32, %c0_i32_0 : i32, i32
  }
  func.func @transform_3(%arg0: i32) -> (i32, i32) {
    %c0_i32 = arith.constant 0 : i32
    %c0_i32_0 = arith.constant 0 : i32
    %c0_i32_1 = arith.constant 0 : i32
    return %c0_i32, %c0_i32_0 : i32, i32
  }
  func.func @transform_4(%arg0: i32) -> (i32, i32) {
    %c0_i32 = arith.constant 0 : i32
    %c0_i32_0 = arith.constant 0 : i32
    %c0_i32_1 = arith.constant 0 : i32
    return %c0_i32, %c0_i32_0 : i32, i32
  }
  func.func @transform_5(%arg0: i32) -> (i32, i32) {
    %c0_i32 = arith.constant 0 : i32
    %c0_i32_0 = arith.constant 0 : i32
    return %arg0, %c0_i32 : i32, i32
  }
  func.func @transform_6(%arg0: i32) -> (i32, i32) {
    %c0_i32 = arith.constant 0 : i32
    %c0_i32_0 = arith.constant 0 : i32
    %c0_i32_1 = arith.constant 0 : i32
    return %c0_i32, %c0_i32_0 : i32, i32
  }
}

module attributes {stable_mosaic.version = 14 : i64} {
  func.func @_layer_body(%arg0: i32, %arg1: memref<2528x128xf32, #tpu.memory_space<vmem>>, %arg2: memref<2x2528x128xf32, #tpu.memory_space<vmem>>, %arg3: memref<2528x1xi32, #tpu.memory_space<vmem>>, %arg4: memref<128x128xf32, #tpu.memory_space<vmem>>, %arg5: memref<1x128xf32, #tpu.memory_space<vmem>>, %arg6: memref<128x128xf32, #tpu.memory_space<vmem>>, %arg7: memref<1x128xf32, #tpu.memory_space<vmem>>, %arg8: memref<128x128xf32, #tpu.memory_space<vmem>>, %arg9: memref<2528x128xf32, #tpu.memory_space<vmem>>, %arg10: memref<64x128xf32, #tpu.memory_space<vmem>>, %arg11: memref<64x128xf32, #tpu.memory_space<vmem>>) attributes {dimension_semantics = [#tpu.dimension_semantics<arbitrary>], iteration_bounds = array<i64: 4>, scalar_prefetch = 0 : i64, scratch_operands = 1 : i64, tpu.core_type = #tpu.core_type<tc>, window_params = [{transform_indices = @transform_0, window_bounds = array<i64: 2528, 128>}, {transform_indices = @transform_1, window_bounds = array<i64: 2, 2528, 128>}, {transform_indices = @transform_2, window_bounds = array<i64: 2528, 1>}, {pipeline_mode = #tpu.pipeline_mode<synchronous>, transform_indices = @transform_3, window_bounds = array<i64: 128, 128>}, {pipeline_mode = #tpu.pipeline_mode<synchronous>, transform_indices = @transform_4, window_bounds = array<i64: 1, 128>}, {pipeline_mode = #tpu.pipeline_mode<synchronous>, transform_indices = @transform_5, window_bounds = array<i64: 128, 128>}, {pipeline_mode = #tpu.pipeline_mode<synchronous>, transform_indices = @transform_6, window_bounds = array<i64: 1, 128>}, {pipeline_mode = #tpu.pipeline_mode<synchronous>, transform_indices = @transform_7, window_bounds = array<i64: 128, 128>}, {transform_indices = @transform_8, window_bounds = array<i64: 2528, 128>}, {pipeline_mode = #tpu.pipeline_mode<synchronous>, transform_indices = @transform_9, window_bounds = array<i64: 64, 128>}]} {
    %get3A = arith.constant 0 : index
    %get3A_0 = arith.constant 0 : index
    %get3A_1 = vector.load %arg1[%get3A, %get3A_0] : memref<2528x128xf32, #tpu.memory_space<vmem>>, vector<2528x128xf32>
    %get3A_2 = arith.constant 0 : index
    %get3A_3 = arith.constant 0 : index
    %get3A_4 = arith.constant 0 : index
    %get3A_5 = vector.load %arg2[%get3A_2, %get3A_3, %get3A_4] : memref<2x2528x128xf32, #tpu.memory_space<vmem>>, vector<1x2528x128xf32>
    %get3A_6 = vector.shape_cast %get3A_5 : vector<1x2528x128xf32> to vector<2528x128xf32>
    %add3A = arith.addf %get3A_1, %get3A_6 : vector<2528x128xf32>
    %get3A_7 = arith.constant 1 : index
    %get3A_8 = arith.constant 0 : index
    %get3A_9 = arith.constant 0 : index
    %get3A_10 = vector.load %arg2[%get3A_7, %get3A_8, %get3A_9] : memref<2x2528x128xf32, #tpu.memory_space<vmem>>, vector<1x2528x128xf32>
    %get3A_11 = vector.shape_cast %get3A_10 : vector<1x2528x128xf32> to vector<2528x128xf32>
    %add3A_12 = arith.addf %add3A, %get3A_11 : vector<2528x128xf32>
    %get3A_13 = arith.constant 0 : index
    %get3A_14 = arith.constant 0 : index
    %get3A_15 = vector.load %arg4[%get3A_13, %get3A_14] : memref<128x128xf32, #tpu.memory_space<vmem>>, vector<128x128xf32>
    %dot_general3A = arith.constant dense<0.000000e+00> : vector<2528x128xf32>
    %dot_general3A_16 = tpu.matmul %add3A_12, %get3A_15, %dot_general3A {dimension_numbers = #tpu.dot_dimension_numbers<[1], [0], [0], [1], [0, 0, 1, 1], [], []>, transpose_lhs_hint = false} : vector<2528x128xf32>, vector<128x128xf32>, vector<2528x128xf32> -> vector<2528x128xf32>
    %get3A_17 = arith.constant 0 : index
    %get3A_18 = arith.constant 0 : index
    %get3A_19 = vector.load %arg5[%get3A_17, %get3A_18] : memref<1x128xf32, #tpu.memory_space<vmem>>, vector<1x128xf32>
    %add3A_20 = vector.broadcast %get3A_19 : vector<1x128xf32> to vector<2528x128xf32>
    %add3A_21 = arith.addf %dot_general3A_16, %add3A_20 : vector<2528x128xf32>
    %max3A = arith.constant 0.000000e+00 : f32
    %max3A_22 = vector.broadcast %max3A : f32 to vector<2528x128xf32>
    %max3A_23 = arith.maximumf %add3A_21, %max3A_22 : vector<2528x128xf32>
    %get3A_24 = arith.constant 0 : index
    %get3A_25 = arith.constant 0 : index
    %get3A_26 = vector.load %arg6[%get3A_24, %get3A_25] : memref<128x128xf32, #tpu.memory_space<vmem>>, vector<128x128xf32>
    %dot_general3A_27 = arith.constant dense<0.000000e+00> : vector<2528x128xf32>
    %dot_general3A_28 = tpu.matmul %max3A_23, %get3A_26, %dot_general3A_27 {dimension_numbers = #tpu.dot_dimension_numbers<[1], [0], [0], [1], [0, 0, 1, 1], [], []>, transpose_lhs_hint = false} : vector<2528x128xf32>, vector<128x128xf32>, vector<2528x128xf32> -> vector<2528x128xf32>
    %get3A_29 = arith.constant 0 : index
    %get3A_30 = arith.constant 0 : index
    %get3A_31 = vector.load %arg7[%get3A_29, %get3A_30] : memref<1x128xf32, #tpu.memory_space<vmem>>, vector<1x128xf32>
    %add3A_32 = vector.broadcast %get3A_31 : vector<1x128xf32> to vector<2528x128xf32>
    %add3A_33 = arith.addf %dot_general3A_28, %add3A_32 : vector<2528x128xf32>
    %max3A_34 = arith.constant 0.000000e+00 : f32
    %max3A_35 = vector.broadcast %max3A_34 : f32 to vector<2528x128xf32>
    %max3A_36 = arith.maximumf %add3A_33, %max3A_35 : vector<2528x128xf32>
    %swap3A = arith.constant 0 : index
    %swap3A_37 = arith.constant 0 : index
    %swap3A_38 = vector.load %arg9[%swap3A, %swap3A_37] : memref<2528x128xf32, #tpu.memory_space<vmem>>, vector<2528x128xf32>
    tpu.vector_store %arg9[%swap3A, %swap3A_37], %max3A_36 {strides = array<i32>} : memref<2528x128xf32, #tpu.memory_space<vmem>>, vector<2528x128xf32>,
    %get3A_39 = arith.constant 0 : index
    %get3A_40 = arith.constant 0 : index
    %get3A_41 = vector.load %arg3[%get3A_39, %get3A_40] : memref<2528x1xi32, #tpu.memory_space<vmem>>, vector<2528x1xi32>
    %iota3A = tpu.iota {dimensions = array<i32: 1>} : vector<1x64xi32>
    %eq3A = vector.broadcast %get3A_41 : vector<2528x1xi32> to vector<2528x64xi32>
    %eq3A_42 = vector.broadcast %iota3A : vector<1x64xi32> to vector<2528x64xi32>
    %eq3A_43 = arith.cmpi eq, %eq3A, %eq3A_42 : vector<2528x64xi32>
    %convert_element_type3A = arith.extui %eq3A_43 : vector<2528x64xi1> to vector<2528x64xi32>
    %convert_element_type3A_44 = arith.sitofp %convert_element_type3A : vector<2528x64xi32> to vector<2528x64xf32>
    %dot_general3A_45 = arith.constant dense<0.000000e+00> : vector<64x128xf32>
    %dot_general3A_46 = tpu.matmul %convert_element_type3A_44, %max3A_36, %dot_general3A_45 {dimension_numbers = #tpu.dot_dimension_numbers<[0], [0], [1], [1], [0, 1, 1, 1], [], []>, transpose_lhs_hint = false} : vector<2528x64xf32>, vector<2528x128xf32>, vector<64x128xf32> -> vector<64x128xf32>
    %eq3A_47 = arith.constant 0 : i32
    %eq3A_48 = arith.cmpi eq, %arg0, %eq3A_47 : i32
    %convert_element_type3A_49 = arith.extui %eq3A_48 : i1 to i32
    %cond3A = arith.constant 0 : i32
    %cond3A_50 = arith.cmpi ne, %convert_element_type3A_49, %cond3A : i32
    scf.if %cond3A_50 {
      %swap3A_60 = arith.constant 0 : index
      %swap3A_61 = arith.constant 0 : index
      %swap3A_62 = vector.load %arg11[%swap3A_60, %swap3A_61] : memref<64x128xf32, #tpu.memory_space<vmem>>, vector<64x128xf32>
      tpu.vector_store %arg11[%swap3A_60, %swap3A_61], %dot_general3A_46 {strides = array<i32>} : memref<64x128xf32, #tpu.memory_space<vmem>>, vector<64x128xf32>,
    } else {
    }
    %gt3A = arith.constant 0 : i32
    %gt3A_51 = arith.cmpi sgt, %arg0, %gt3A : i32
    %convert_element_type3A_52 = arith.extui %gt3A_51 : i1 to i32
    %cond3A_53 = arith.constant 0 : i32
    %cond3A_54 = arith.cmpi ne, %convert_element_type3A_52, %cond3A_53 : i32
    scf.if %cond3A_54 {
      %get3A_60 = arith.constant 0 : index
      %get3A_61 = arith.constant 0 : index
      %get3A_62 = vector.load %arg11[%get3A_60, %get3A_61] : memref<64x128xf32, #tpu.memory_space<vmem>>, vector<64x128xf32>
      %add3A_63 = arith.addf %get3A_62, %dot_general3A_46 : vector<64x128xf32>
      %swap3A_64 = arith.constant 0 : index
      %swap3A_65 = arith.constant 0 : index
      %swap3A_66 = vector.load %arg11[%swap3A_64, %swap3A_65] : memref<64x128xf32, #tpu.memory_space<vmem>>, vector<64x128xf32>
      tpu.vector_store %arg11[%swap3A_64, %swap3A_65], %add3A_63 {strides = array<i32>} : memref<64x128xf32, #tpu.memory_space<vmem>>, vector<64x128xf32>,
    } else {
    }
    %eq3A_55 = arith.constant 3 : i32
    %eq3A_56 = arith.cmpi eq, %arg0, %eq3A_55 : i32
    %convert_element_type3A_57 = arith.extui %eq3A_56 : i1 to i32
    %cond3A_58 = arith.constant 0 : i32
    %cond3A_59 = arith.cmpi ne, %convert_element_type3A_57, %cond3A_58 : i32
    scf.if %cond3A_59 {
      %get3A_60 = arith.constant 0 : index
      %get3A_61 = arith.constant 0 : index
      %get3A_62 = vector.load %arg11[%get3A_60, %get3A_61] : memref<64x128xf32, #tpu.memory_space<vmem>>, vector<64x128xf32>
      %get3A_63 = arith.constant 0 : index
      %get3A_64 = arith.constant 0 : index
      %get3A_65 = vector.load %arg8[%get3A_63, %get3A_64] : memref<128x128xf32, #tpu.memory_space<vmem>>, vector<128x128xf32>
      %dot_general3A_66 = arith.constant dense<0.000000e+00> : vector<64x128xf32>
      %dot_general3A_67 = tpu.matmul %get3A_62, %get3A_65, %dot_general3A_66 {dimension_numbers = #tpu.dot_dimension_numbers<[1], [0], [0], [1], [0, 0, 1, 1], [], []>, transpose_lhs_hint = false} : vector<64x128xf32>, vector<128x128xf32>, vector<64x128xf32> -> vector<64x128xf32>
      %swap3A_68 = arith.constant 0 : index
      %swap3A_69 = arith.constant 0 : index
      %swap3A_70 = vector.load %arg10[%swap3A_68, %swap3A_69] : memref<64x128xf32, #tpu.memory_space<vmem>>, vector<64x128xf32>
      tpu.vector_store %arg10[%swap3A_68, %swap3A_69], %dot_general3A_67 {strides = array<i32>} : memref<64x128xf32, #tpu.memory_space<vmem>>, vector<64x128xf32>,
    } else {
    }
    return
  }
  func.func @transform_0(%arg0: i32) -> (i32, i32) {
    %c0_i32 = arith.constant 0 : i32
    %c0_i32_0 = arith.constant 0 : i32
    return %arg0, %c0_i32 : i32, i32
  }
  func.func @transform_1(%arg0: i32) -> (i32, i32, i32) {
    %c0_i32 = arith.constant 0 : i32
    %c0_i32_0 = arith.constant 0 : i32
    %c0_i32_1 = arith.constant 0 : i32
    return %c0_i32, %arg0, %c0_i32_0 : i32, i32, i32
  }
  func.func @transform_2(%arg0: i32) -> (i32, i32) {
    %c0_i32 = arith.constant 0 : i32
    %c0_i32_0 = arith.constant 0 : i32
    return %arg0, %c0_i32 : i32, i32
  }
  func.func @transform_3(%arg0: i32) -> (i32, i32) {
    %c0_i32 = arith.constant 0 : i32
    %c0_i32_0 = arith.constant 0 : i32
    %c0_i32_1 = arith.constant 0 : i32
    return %c0_i32, %c0_i32_0 : i32, i32
  }
  func.func @transform_4(%arg0: i32) -> (i32, i32) {
    %c0_i32 = arith.constant 0 : i32
    %c0_i32_0 = arith.constant 0 : i32
    %c0_i32_1 = arith.constant 0 : i32
    return %c0_i32, %c0_i32_0 : i32, i32
  }
  func.func @transform_5(%arg0: i32) -> (i32, i32) {
    %c0_i32 = arith.constant 0 : i32
    %c0_i32_0 = arith.constant 0 : i32
    %c0_i32_1 = arith.constant 0 : i32
    return %c0_i32, %c0_i32_0 : i32, i32
  }
  func.func @transform_6(%arg0: i32) -> (i32, i32) {
    %c0_i32 = arith.constant 0 : i32
    %c0_i32_0 = arith.constant 0 : i32
    %c0_i32_1 = arith.constant 0 : i32
    return %c0_i32, %c0_i32_0 : i32, i32
  }
  func.func @transform_7(%arg0: i32) -> (i32, i32) {
    %c0_i32 = arith.constant 0 : i32
    %c0_i32_0 = arith.constant 0 : i32
    %c0_i32_1 = arith.constant 0 : i32
    return %c0_i32, %c0_i32_0 : i32, i32
  }
  func.func @transform_8(%arg0: i32) -> (i32, i32) {
    %c0_i32 = arith.constant 0 : i32
    %c0_i32_0 = arith.constant 0 : i32
    return %arg0, %c0_i32 : i32, i32
  }
  func.func @transform_9(%arg0: i32) -> (i32, i32) {
    %c0_i32 = arith.constant 0 : i32
    %c0_i32_0 = arith.constant 0 : i32
    %c0_i32_1 = arith.constant 0 : i32
    return %c0_i32, %c0_i32_0 : i32, i32
  }
}

module attributes {stable_mosaic.version = 14 : i64} {
  func.func @_layer_body(%arg0: i32, %arg1: memref<2528x128xf32, #tpu.memory_space<vmem>>, %arg2: memref<2x2528x128xf32, #tpu.memory_space<vmem>>, %arg3: memref<2528x1xi32, #tpu.memory_space<vmem>>, %arg4: memref<128x128xf32, #tpu.memory_space<vmem>>, %arg5: memref<1x128xf32, #tpu.memory_space<vmem>>, %arg6: memref<128x128xf32, #tpu.memory_space<vmem>>, %arg7: memref<1x128xf32, #tpu.memory_space<vmem>>, %arg8: memref<128x128xf32, #tpu.memory_space<vmem>>, %arg9: memref<2528x128xf32, #tpu.memory_space<vmem>>, %arg10: memref<64x128xf32, #tpu.memory_space<vmem>>, %arg11: memref<64x128xf32, #tpu.memory_space<vmem>>) attributes {dimension_semantics = [#tpu.dimension_semantics<arbitrary>], iteration_bounds = array<i64: 4>, scalar_prefetch = 0 : i64, scratch_operands = 1 : i64, tpu.core_type = #tpu.core_type<tc>, window_params = [{transform_indices = @transform_0, window_bounds = array<i64: 2528, 128>}, {transform_indices = @transform_1, window_bounds = array<i64: 2, 2528, 128>}, {transform_indices = @transform_2, window_bounds = array<i64: 2528, 1>}, {pipeline_mode = #tpu.pipeline_mode<synchronous>, transform_indices = @transform_3, window_bounds = array<i64: 128, 128>}, {pipeline_mode = #tpu.pipeline_mode<synchronous>, transform_indices = @transform_4, window_bounds = array<i64: 1, 128>}, {pipeline_mode = #tpu.pipeline_mode<synchronous>, transform_indices = @transform_5, window_bounds = array<i64: 128, 128>}, {pipeline_mode = #tpu.pipeline_mode<synchronous>, transform_indices = @transform_6, window_bounds = array<i64: 1, 128>}, {pipeline_mode = #tpu.pipeline_mode<synchronous>, transform_indices = @transform_7, window_bounds = array<i64: 128, 128>}, {transform_indices = @transform_8, window_bounds = array<i64: 2528, 128>}, {pipeline_mode = #tpu.pipeline_mode<synchronous>, transform_indices = @transform_9, window_bounds = array<i64: 64, 128>}]} {
    %get3A = arith.constant 0 : index
    %get3A_0 = arith.constant 0 : index
    %get3A_1 = vector.load %arg1[%get3A, %get3A_0] : memref<2528x128xf32, #tpu.memory_space<vmem>>, vector<2528x128xf32>
    %get3A_2 = arith.constant 0 : index
    %get3A_3 = arith.constant 0 : index
    %get3A_4 = arith.constant 0 : index
    %get3A_5 = vector.load %arg2[%get3A_2, %get3A_3, %get3A_4] : memref<2x2528x128xf32, #tpu.memory_space<vmem>>, vector<1x2528x128xf32>
    %get3A_6 = vector.shape_cast %get3A_5 : vector<1x2528x128xf32> to vector<2528x128xf32>
    %add3A = arith.addf %get3A_1, %get3A_6 : vector<2528x128xf32>
    %get3A_7 = arith.constant 1 : index
    %get3A_8 = arith.constant 0 : index
    %get3A_9 = arith.constant 0 : index
    %get3A_10 = vector.load %arg2[%get3A_7, %get3A_8, %get3A_9] : memref<2x2528x128xf32, #tpu.memory_space<vmem>>, vector<1x2528x128xf32>
    %get3A_11 = vector.shape_cast %get3A_10 : vector<1x2528x128xf32> to vector<2528x128xf32>
    %add3A_12 = arith.addf %add3A, %get3A_11 : vector<2528x128xf32>
    %get3A_13 = arith.constant 0 : index
    %get3A_14 = arith.constant 0 : index
    %get3A_15 = vector.load %arg4[%get3A_13, %get3A_14] : memref<128x128xf32, #tpu.memory_space<vmem>>, vector<128x128xf32>
    %dot_general3A = arith.constant dense<0.000000e+00> : vector<2528x128xf32>
    %dot_general3A_16 = tpu.matmul %add3A_12, %get3A_15, %dot_general3A {dimension_numbers = #tpu.dot_dimension_numbers<[1], [0], [0], [1], [0, 0, 1, 1], [], []>, transpose_lhs_hint = false} : vector<2528x128xf32>, vector<128x128xf32>, vector<2528x128xf32> -> vector<2528x128xf32>
    %get3A_17 = arith.constant 0 : index
    %get3A_18 = arith.constant 0 : index
    %get3A_19 = vector.load %arg5[%get3A_17, %get3A_18] : memref<1x128xf32, #tpu.memory_space<vmem>>, vector<1x128xf32>
    %add3A_20 = vector.broadcast %get3A_19 : vector<1x128xf32> to vector<2528x128xf32>
    %add3A_21 = arith.addf %dot_general3A_16, %add3A_20 : vector<2528x128xf32>
    %max3A = arith.constant 0.000000e+00 : f32
    %max3A_22 = vector.broadcast %max3A : f32 to vector<2528x128xf32>
    %max3A_23 = arith.maximumf %add3A_21, %max3A_22 : vector<2528x128xf32>
    %get3A_24 = arith.constant 0 : index
    %get3A_25 = arith.constant 0 : index
    %get3A_26 = vector.load %arg6[%get3A_24, %get3A_25] : memref<128x128xf32, #tpu.memory_space<vmem>>, vector<128x128xf32>
    %dot_general3A_27 = arith.constant dense<0.000000e+00> : vector<2528x128xf32>
    %dot_general3A_28 = tpu.matmul %max3A_23, %get3A_26, %dot_general3A_27 {dimension_numbers = #tpu.dot_dimension_numbers<[1], [0], [0], [1], [0, 0, 1, 1], [], []>, transpose_lhs_hint = false} : vector<2528x128xf32>, vector<128x128xf32>, vector<2528x128xf32> -> vector<2528x128xf32>
    %get3A_29 = arith.constant 0 : index
    %get3A_30 = arith.constant 0 : index
    %get3A_31 = vector.load %arg7[%get3A_29, %get3A_30] : memref<1x128xf32, #tpu.memory_space<vmem>>, vector<1x128xf32>
    %add3A_32 = vector.broadcast %get3A_31 : vector<1x128xf32> to vector<2528x128xf32>
    %add3A_33 = arith.addf %dot_general3A_28, %add3A_32 : vector<2528x128xf32>
    %max3A_34 = arith.constant 0.000000e+00 : f32
    %max3A_35 = vector.broadcast %max3A_34 : f32 to vector<2528x128xf32>
    %max3A_36 = arith.maximumf %add3A_33, %max3A_35 : vector<2528x128xf32>
    %swap3A = arith.constant 0 : index
    %swap3A_37 = arith.constant 0 : index
    %swap3A_38 = vector.load %arg9[%swap3A, %swap3A_37] : memref<2528x128xf32, #tpu.memory_space<vmem>>, vector<2528x128xf32>
    tpu.vector_store %arg9[%swap3A, %swap3A_37], %max3A_36 {strides = array<i32>} : memref<2528x128xf32, #tpu.memory_space<vmem>>, vector<2528x128xf32>,
    %get3A_39 = arith.constant 0 : index
    %get3A_40 = arith.constant 0 : index
    %get3A_41 = vector.load %arg3[%get3A_39, %get3A_40] : memref<2528x1xi32, #tpu.memory_space<vmem>>, vector<2528x1xi32>
    %iota3A = tpu.iota {dimensions = array<i32: 1>} : vector<1x64xi32>
    %eq3A = vector.broadcast %get3A_41 : vector<2528x1xi32> to vector<2528x64xi32>
    %eq3A_42 = vector.broadcast %iota3A : vector<1x64xi32> to vector<2528x64xi32>
    %eq3A_43 = arith.cmpi eq, %eq3A, %eq3A_42 : vector<2528x64xi32>
    %convert_element_type3A = arith.extui %eq3A_43 : vector<2528x64xi1> to vector<2528x64xi32>
    %convert_element_type3A_44 = arith.sitofp %convert_element_type3A : vector<2528x64xi32> to vector<2528x64xf32>
    %dot_general3A_45 = arith.constant dense<0.000000e+00> : vector<64x128xf32>
    %dot_general3A_46 = tpu.matmul %convert_element_type3A_44, %max3A_36, %dot_general3A_45 {dimension_numbers = #tpu.dot_dimension_numbers<[0], [0], [1], [1], [0, 1, 1, 1], [], []>, transpose_lhs_hint = false} : vector<2528x64xf32>, vector<2528x128xf32>, vector<64x128xf32> -> vector<64x128xf32>
    %eq3A_47 = arith.constant 0 : i32
    %eq3A_48 = arith.cmpi eq, %arg0, %eq3A_47 : i32
    %convert_element_type3A_49 = arith.extui %eq3A_48 : i1 to i32
    %cond3A = arith.constant 0 : i32
    %cond3A_50 = arith.cmpi ne, %convert_element_type3A_49, %cond3A : i32
    scf.if %cond3A_50 {
      %swap3A_60 = arith.constant 0 : index
      %swap3A_61 = arith.constant 0 : index
      %swap3A_62 = vector.load %arg11[%swap3A_60, %swap3A_61] : memref<64x128xf32, #tpu.memory_space<vmem>>, vector<64x128xf32>
      tpu.vector_store %arg11[%swap3A_60, %swap3A_61], %dot_general3A_46 {strides = array<i32>} : memref<64x128xf32, #tpu.memory_space<vmem>>, vector<64x128xf32>,
    } else {
    }
    %gt3A = arith.constant 0 : i32
    %gt3A_51 = arith.cmpi sgt, %arg0, %gt3A : i32
    %convert_element_type3A_52 = arith.extui %gt3A_51 : i1 to i32
    %cond3A_53 = arith.constant 0 : i32
    %cond3A_54 = arith.cmpi ne, %convert_element_type3A_52, %cond3A_53 : i32
    scf.if %cond3A_54 {
      %get3A_60 = arith.constant 0 : index
      %get3A_61 = arith.constant 0 : index
      %get3A_62 = vector.load %arg11[%get3A_60, %get3A_61] : memref<64x128xf32, #tpu.memory_space<vmem>>, vector<64x128xf32>
      %add3A_63 = arith.addf %get3A_62, %dot_general3A_46 : vector<64x128xf32>
      %swap3A_64 = arith.constant 0 : index
      %swap3A_65 = arith.constant 0 : index
      %swap3A_66 = vector.load %arg11[%swap3A_64, %swap3A_65] : memref<64x128xf32, #tpu.memory_space<vmem>>, vector<64x128xf32>
      tpu.vector_store %arg11[%swap3A_64, %swap3A_65], %add3A_63 {strides = array<i32>} : memref<64x128xf32, #tpu.memory_space<vmem>>, vector<64x128xf32>,
    } else {
    }
    %eq3A_55 = arith.constant 3 : i32
    %eq3A_56 = arith.cmpi eq, %arg0, %eq3A_55 : i32
    %convert_element_type3A_57 = arith.extui %eq3A_56 : i1 to i32
    %cond3A_58 = arith.constant 0 : i32
    %cond3A_59 = arith.cmpi ne, %convert_element_type3A_57, %cond3A_58 : i32
    scf.if %cond3A_59 {
      %get3A_60 = arith.constant 0 : index
      %get3A_61 = arith.constant 0 : index
      %get3A_62 = vector.load %arg11[%get3A_60, %get3A_61] : memref<64x128xf32, #tpu.memory_space<vmem>>, vector<64x128xf32>
      %get3A_63 = arith.constant 0 : index
      %get3A_64 = arith.constant 0 : index
      %get3A_65 = vector.load %arg8[%get3A_63, %get3A_64] : memref<128x128xf32, #tpu.memory_space<vmem>>, vector<128x128xf32>
      %dot_general3A_66 = arith.constant dense<0.000000e+00> : vector<64x128xf32>
      %dot_general3A_67 = tpu.matmul %get3A_62, %get3A_65, %dot_general3A_66 {dimension_numbers = #tpu.dot_dimension_numbers<[1], [0], [0], [1], [0, 0, 1, 1], [], []>, transpose_lhs_hint = false} : vector<64x128xf32>, vector<128x128xf32>, vector<64x128xf32> -> vector<64x128xf32>
      %swap3A_68 = arith.constant 0 : index
      %swap3A_69 = arith.constant 0 : index
      %swap3A_70 = vector.load %arg10[%swap3A_68, %swap3A_69] : memref<64x128xf32, #tpu.memory_space<vmem>>, vector<64x128xf32>
      tpu.vector_store %arg10[%swap3A_68, %swap3A_69], %dot_general3A_67 {strides = array<i32>} : memref<64x128xf32, #tpu.memory_space<vmem>>, vector<64x128xf32>,
    } else {
    }
    return
  }
  func.func @transform_0(%arg0: i32) -> (i32, i32) {
    %c0_i32 = arith.constant 0 : i32
    %c0_i32_0 = arith.constant 0 : i32
    return %arg0, %c0_i32 : i32, i32
  }
  func.func @transform_1(%arg0: i32) -> (i32, i32, i32) {
    %c0_i32 = arith.constant 0 : i32
    %c0_i32_0 = arith.constant 0 : i32
    %c0_i32_1 = arith.constant 0 : i32
    return %c0_i32, %arg0, %c0_i32_0 : i32, i32, i32
  }
  func.func @transform_2(%arg0: i32) -> (i32, i32) {
    %c0_i32 = arith.constant 0 : i32
    %c0_i32_0 = arith.constant 0 : i32
    return %arg0, %c0_i32 : i32, i32
  }
  func.func @transform_3(%arg0: i32) -> (i32, i32) {
    %c0_i32 = arith.constant 0 : i32
    %c0_i32_0 = arith.constant 0 : i32
    %c0_i32_1 = arith.constant 0 : i32
    return %c0_i32, %c0_i32_0 : i32, i32
  }
  func.func @transform_4(%arg0: i32) -> (i32, i32) {
    %c0_i32 = arith.constant 0 : i32
    %c0_i32_0 = arith.constant 0 : i32
    %c0_i32_1 = arith.constant 0 : i32
    return %c0_i32, %c0_i32_0 : i32, i32
  }
  func.func @transform_5(%arg0: i32) -> (i32, i32) {
    %c0_i32 = arith.constant 0 : i32
    %c0_i32_0 = arith.constant 0 : i32
    %c0_i32_1 = arith.constant 0 : i32
    return %c0_i32, %c0_i32_0 : i32, i32
  }
  func.func @transform_6(%arg0: i32) -> (i32, i32) {
    %c0_i32 = arith.constant 0 : i32
    %c0_i32_0 = arith.constant 0 : i32
    %c0_i32_1 = arith.constant 0 : i32
    return %c0_i32, %c0_i32_0 : i32, i32
  }
  func.func @transform_7(%arg0: i32) -> (i32, i32) {
    %c0_i32 = arith.constant 0 : i32
    %c0_i32_0 = arith.constant 0 : i32
    %c0_i32_1 = arith.constant 0 : i32
    return %c0_i32, %c0_i32_0 : i32, i32
  }
  func.func @transform_8(%arg0: i32) -> (i32, i32) {
    %c0_i32 = arith.constant 0 : i32
    %c0_i32_0 = arith.constant 0 : i32
    return %arg0, %c0_i32 : i32, i32
  }
  func.func @transform_9(%arg0: i32) -> (i32, i32) {
    %c0_i32 = arith.constant 0 : i32
    %c0_i32_0 = arith.constant 0 : i32
    %c0_i32_1 = arith.constant 0 : i32
    return %c0_i32, %c0_i32_0 : i32, i32
  }
}

</mosaic_0001>

<sc_bundles>
// kernel: kernel.11.cloned.1.call-start
scs
__scs_entry_jumppad:
0x0: {  	(pc) =	sbr.rel $0x88, $3  }
0x1: {  	(tag) =	ssettag $0x0;
	lr =	simm.s32 $0x1  }
0x2: {  	[smem:$0x3F8F] =	sst lr;
	_ =	strace $0xD0000000  }
0x3: {  	_ = 	snop  }
0x4: {  	_ = 	snop  }
0x5: {  	_ = 	snop  }
0x6: {  	_ = 	snop  }
0x7: {  	_ = 	snop  }
__scs_overlays_trampoline_lowered:
0x8: {  	[smem:$0x3F9E] =	sst s0  }
0x9: {  	[smem:$0x3F9F] =	sst s1  }
0xa: {  	[smem:$0x3FA0] =	sst s2  }
0xb: {  	[smem:$0x3FA1] =	sst s3  }
0xc: {  	[smem:$0x3FA2] =	sst s4  }
0xd: {  	[smem:$0x3FA3] =	sst s5  }
0xe: {  	[smem:$0x3FA4] =	sst s6  }
0xf: {  	[smem:$0x3FA5] =	sst s7  }
0x10: {  	[smem:$0x3FA6] =	sst s8  }
0x11: {  	[smem:$0x3FA7] =	sst s9;
	s0 =	simm.s32 @!p0 $0x0  }
0x12: {  	s1 =	sld [smem:$0x3F8D];
	s0 =	simm.s32 @p0 $0x1  }
0x13: {  	[smem:$0x3FA8] =	sst s0;
	s0 =	simm.s32 @!p1 $0x0  }
0x14: {  	s2 =	sld [smem:$0x3F8C];
	s0 =	simm.s32 @p1 $0x1  }
0x15: {  	[smem:$0x3FA9] =	sst s0;
	s0 =	simm.s32 @!p2 $0x0  }
0x16: {  	s3 =	sld [smem:$0x3FDB];
	s0 =	simm.s32 @p2 $0x1  }
0x17: {  	s4 =	simm.s32 $0x1BF5;
	[smem:$0x3FAB] =	sst s0  }
0x18: {  	s0 =	sld [smem:$0x3F8E];
	_ =	swait.ge [sflag:s4], $0x0  }
0x19: {  	s7 =	sld [smem:$0x3F8F]  }
0x1a: {  	s8 =	sadd.s32 $0xFFFFE003, lr  }
0x1b: {  	s9 =	sadd.s32 $0xFFFFFEF7, lr;
	s5 =	simm.s32 $0xFFFFFFFF;
	p2 =	slt.u32 s8, $0xFFFFF086  }
0x1c: {  	p1 =	slt.u32 s9, $0xF7A;
	s5 =	simm.s32 @!p2 $0x0  }
0x1d: {  	s5 =	simm.s32 @p1 $0x1;
	p0 =	seq.s32 s7, s2  }
0x1e: {  	s7 =	smul.u32 @!p0 $0xF7A, s2;
	p2 =	seq.s32 @!p0 s5, $0x0  }
0x1f: {  	s9 =	smul.u32 $0xF7A, s1;
	s8 =	simm.s32 @!p0 $0x1BF5;
	p2 =	por !p2, p0  }
0x20: {  	[sflag:s8] =	ssyncset.s32 @!p0 $0xFFFFF086;
	s6 =	sadd.s32 @!p0 s3, s7;
	s7 =	simm.s32 @!p0 $0x108  }
0x21: {  	s3 =	sadd.s32 s3, s9;
	s6 =	sadd.s32 @!p0 $0x88, s6;
	s7 =	simm.s32 @p2 $0x1082  }
0x22: {  	[simem:s7], [sflag:s8] =	dma.local @!p0 [hbm:s6], $0xF7A  }
0x23: {  	s9 =	sor.u32 $0xD0000000, s2;
	s6 =	simm.s32 $0x108;
	_ =	swait.ge @!p0 [sflag:s8], $0x0  }
0x24: {  	s3 =	sadd.s32 $0x88, s3;
	s6 =	simm.s32 @!p1 $0x1082;
	[sflag:s4] =	ssyncset.s32 $0xFFFFF086  }
0x25: {  	[simem:s6], [sflag:s4] =	dma.local [hbm:s3], $0xF7A  }
0x26: {  	[smem:$0x3F8F] =	sst s1;
	(tag) =	ssettag s2;
	_ =	strace s9  }
0x27: {  	s1 =	sld [smem:$0x3F9F]  }
0x28: {  	s2 =	sld [smem:$0x3FA0]  }
0x29: {  	s4 =	sld [smem:$0x3FA2]  }
0x2a: {  	p0 =	seq.s32 s5, $0x0;
	s5 =	sld [smem:$0x3FA3]  }
0x2b: {  	s6 =	sld [smem:$0x3FA4]  }
0x2c: {  	s7 =	sld [smem:$0x3FA5]  }
0x2d: {  	s3 =	simm.s32 $0x108;
	s8 =	sld [smem:$0x3FA6]  }
0x2e: {  	s3 =	simm.s32 @!p0 $0x1082;
	s9 =	sld [smem:$0x3FA7]  }
0x2f: {  	lr =	sadd.s32 s0, s3;
	s0 =	sld [smem:$0x3F9E]  }
0x30: {  	s3 =	sld [smem:$0x3FA1]  }
0x31: {  	[smem:$0x3FAA] =	sst s10  }
0x32: {  	s10 =	sld [smem:$0x3FA8];
	_ =	sdelay $0x3  }
0x33: {  	p0 =	seq.s32 s10, $0x1;
	s10 =	sld [smem:$0x3FAA];
	_ =	sdelay $0x3  }
0x34: {  	[smem:$0x3FAA] =	sst s10  }
0x35: {  	s10 =	sld [smem:$0x3FA9];
	_ =	sdelay $0x3  }
0x36: {  	p1 =	seq.s32 s10, $0x1;
	s10 =	sld [smem:$0x3FAA];
	_ =	sdelay $0x3  }
0x37: {  	[smem:$0x3FAA] =	sst s10  }
0x38: {  	s10 =	sld [smem:$0x3FAB]  }
0x39: {  	_ = 	snop;
	(pc) =	sbr.ind lr, $3  }
0x3a: {  	_ = 	snop  }
0x3b: {  	_ = 	snop  }
0x3c: {  	p2 =	seq.s32 s10, $0x1;
	s10 =	sld [smem:$0x3FAA]  }
0x3d: {  	_ =	shalt  }
0x3e: {  	_ =	shalt  }
0x3f: {  	_ =	shalt  }
0x40: {  	_ =	shalt  }
0x41: {  	_ =	shalt  }
0x42: {  	_ =	shalt  }
0x43: {  	_ =	shalt  }
0x44: {  	_ =	shalt  }
0x45: {  	_ =	shalt  }
0x46: {  	_ =	shalt  }
0x47: {  	_ =	shalt  }
0x48: {  	_ =	shalt  }
0x49: {  	_ =	shalt  }
0x4a: {  	_ =	shalt  }
0x4b: {  	_ =	shalt  }
0x4c: {  	_ =	shalt  }
0x4d: {  	_ =	shalt  }
0x4e: {  	_ =	shalt  }
0x4f: {  	_ =	shalt  }
0x50: {  	_ =	shalt  }
0x51: {  	_ =	shalt  }
0x52: {  	_ =	shalt  }
0x53: {  	_ =	shalt  }
0x54: {  	_ =	shalt  }
0x55: {  	_ =	shalt  }
0x56: {  	_ =	shalt  }
0x57: {  	_ =	shalt  }
0x58: {  	_ =	shalt  }
0x59: {  	_ =	shalt  }
0x5a: {  	_ =	shalt  }
0x5b: {  	_ =	shalt  }
0x5c: {  	_ =	shalt  }
0x5d: {  	_ =	shalt  }
0x5e: {  	_ =	shalt  }
0x5f: {  	_ =	shalt  }
0x60: {  	_ =	shalt  }
0x61: {  	_ =	shalt  }
0x62: {  	_ =	shalt  }
0x63: {  	_ =	shalt  }
0x64: {  	_ =	shalt  }
0x65: {  	_ =	shalt  }
0x66: {  	_ =	shalt  }
0x67: {  	_ =	shalt  }
0x68: {  	_ =	shalt  }
0x69: {  	_ =	shalt  }
0x6a: {  	_ =	shalt  }
0x6b: {  	_ =	shalt  }
0x6c: {  	_ =	shalt  }
0x6d: {  	_ =	shalt  }
0x6e: {  	_ =	shalt  }
0x6f: {  	_ =	shalt  }
0x70: {  	_ =	shalt  }
0x71: {  	_ =	shalt  }
0x72: {  	_ =	shalt  }
0x73: {  	_ =	shalt  }
0x74: {  	_ =	shalt  }
0x75: {  	_ =	shalt  }
0x76: {  	_ =	shalt  }
0x77: {  	_ =	shalt  }
0x78: {  	_ =	shalt  }
0x79: {  	_ =	shalt  }
0x7a: {  	_ =	shalt  }
0x7b: {  	_ =	shalt  }
0x7c: {  	_ =	shalt  }
0x7d: {  	_ =	shalt  }
0x7e: {  	_ =	shalt  }
0x7f: {  	_ =	shalt  }
0x80: {  	_ =	shalt  }
0x81: {  	_ =	shalt  }
0x82: {  	_ =	shalt  }
0x83: {  	_ =	shalt  }
0x84: {  	_ =	shalt  }
0x85: {  	_ =	shalt  }
0x86: {  	_ =	shalt  }
0x87: {  	_ =	shalt  }
.Lfunc_end0:
.L_simem_size_0:
called_computation_lowered:
.L_overlay_start_0:
0x88: {  	s2 =	sld [smem:$0x3FD9]  }
0x89: {  	s3 =	sld [smem:$0x3FFE];
	_ =	sdelay $0x1  }
0x8a: {  	s1 =	srdreg.scid  }
0x8b: {  	s0 =	sand.u32 $0x1, s1  }
0x8c: {  	s16 =	sshll.u32 s0, $0xA;
	s2 =	sadd.s32 s3, s2  }
0x8d: {  	s2 =	sadd.s32 s2, s16  }
0x8e: {  	[smem:$0x3FB6] =	sst s2  }
0x8f: {  	_ = 	snop  }
0x90: {  	(tm) =	ssettm $0x1  }
0x91: {  	s17 =	sld [smem:$0x3FFB];
	_ =	sdelay $0x3  }
0x92: {  	_ =	strace s17  }
0x93: {  	s2 =	sld [smem:$0x3FFC];
	_ =	sdelay $0x3  }
0x94: {  	_ =	strace s2  }
0x95: {  	s2 =	sld [smem:$0x3FFD];
	_ =	sdelay $0x3  }
0x96: {  	_ =	strace s2  }
0x97: {  	_ =	strace $0x8FFFFFFF  }
0x98: {  	s18 =	sld [smem:$0x3FDB];
	_ =	sdelay $0x1  }
0x99: {  	s19 =	simm.s32 $_scs_section_size  }
0x9a: {  	s4 =	simm.s32 $_size__tile_overlayer_lowered;
	s5 =	simm.s32 $_tile_overlayer_lowered  }
0x9b: {  	s22 =	simm.s32 $0x1BFF;
	s21 =	sshll.u32 s5, $0x1;
	s2 =	sadd.s32 s19, s18  }
0x9c: {  	s6 =	simm.s32 $0x0;
	s20 =	sshll.u32 s4, $0x1;
	s4 =	sadd.s32 s21, s2  }
0x9d: {  	[timem:s6], [sflag:s22] =	dma.local [hbm:s4], s20  }
0x9e: {  	_ =	swait.ge [sflag:s22], s20  }
0x9f: {  	s3 =	ssub.s32 $0x0, s20;
	[sflag:s22] =	ssyncset.done $0x0  }
0xa0: {  	[sflag:s22] =	ssyncadd.s32 s3;
	_ =	sdelay $0x1  }
0xa1: {  	s23 =	simm.s32 $0x1B8B  }
0xa2: {  	_ =	swait.ge [sflag:s23], $0x1  }
0xa3: {  	[sflag:s23] =	ssyncset.done $0x0  }
0xa4: {  	s25 =	simm.s32 $0x1B8E;
	s24 =	sld [smem:$0x3FFE];
	[sflag:s23] =	ssyncadd.s32 $0xFFFFFFFF  }
0xa5: {  	s26 =	simm.s32 $execute0_lowered;
	[smem:$0x3FD2] =	sst s25  }
0xa6: {  	s4 =	sshll.u32 s26, $0x1;
	_ =	strace $0x80000046;
	[dreg:$0x1] =	wrdreg $0xFFFFFFFF  }
0xa7: {  	s28 =	simm.s32 $_size_execute0_lowered;
	s2 =	sadd.s32 s2, s4;
	[dreg:$0x0] =	wrdreg $0x0  }
0xa8: {  	s4 =	sshll.u32 s28, $0x1;
	[dreg:$0x2] =	wrdreg s2  }
0xa9: {  	[dreg:$0x3] =	wrdreg s4  }
0xaa: {  	[dreg:$0x4] =	wrdreg $0xC0  }
0xab: {  	_ =	task [dreg:s6], $0x5FFFF  }
0xac: {  	[dreg:$0x1] =	wrdreg $0xFFFFFFFF  }
0xad: {  	[dreg:$0x0] =	wrdreg $0x60  }
0xae: {  	[dreg:$0x2] =	wrdreg s24  }
0xaf: {  	[dreg:$0x3] =	wrdreg $0x90000  }
0xb0: {  	[dreg:$0x4] =	wrdreg $0x9  }
0xb1: {  	_ =	task.clear_ibuf [dreg:s6], $0x5FFFF;
	_ =	strace $0x90000046  }
0xb2: {  	s29 =	simm.s32 $0x9;
	_ =	strace $0x80000048  }
0xb3: {  	_ =	swait.ge [sflag:s29], $0x1  }
0xb4: {  	[sflag:s29] =	ssyncadd.s32 $0xFFFFFFFF  }
0xb5: {  	_ =	strace $0x90000048  }
0xb6: {  	_ =	sfence  }
0xb7: {  	s30 =	sld [smem:$0x0];
	_ =	sdelay $0x2  }
0xb8: {  	s31 =	sshll.u32 s1, $0xD;
	s1 =	sshrl.u32 s1, $0x2  }
0xb9: {  	s3 =	sand.u32 $0x4000, s31;
	s1 =	sadd.s32 s1, s30  }
0xba: {  	s0 =	sor.u32 s3, s0;
	s1 =	sshll.u32 s1, $0x11  }
0xbb: {  	s0 =	sor.u32 s1, s0  }
0xbc: {  	s0 =	sadd.s32 $0x8F2B, s0  }
0xbd: {  	[sflag:s0] =	ssyncadd.remote.s32 $0x1  }
0xbe: {  	_ =	sfence.sel $0xFFFF  }
0xbf: {  	[dreg:$0x0] =	wrdreg $0xFFFFFFFF;
	(pc) =	sbr.abs _section_cstart, $3  }
0xc0: {  	[dreg:$0x1] =	wrdreg $0xFFFFFFFF  }
0xc1: {  	_ =	task.clear_ibuf [dreg:s6], $0x2FFFF;
	_ =	strace $0x9FFFFFFF  }
0xc2: {  	(tm) =	ssettm $0x7FFFFFFF  }
0xc3: {  	_ =	shalt  }
tec
execute0_lowered:
.L_overlay_start_1:
0x0: {  	(tag) =	ssettag $0x1  }
0x1: {  	s0 =	srdreg.scid  }
0x2: {  	s8 =	stileid.u32;
	s1 =	rddreg [dreg:$0x0]  }
0x3: {  	s2 =	rddreg [dreg:$0x1];
	s3 =	simm.s32 $0x0;
	s13 =	simm.s32 $0x100  }
0x4: {  	s14 =	simm.s32 $0x880;
	s16 =	simm.s32 $0x180;
	s18 =	simm.s32 $0x900  }
0x5: {  	s19 =	simm.s32 $0x200;
	s20 =	simm.s32 $0x980;
	[smem:$0x7FF] =	sst s3  }
0x6: {  	s21 =	simm.s32 $0x280;
	_ =	strace $0x80000047;
	[dreg:$0x5] =	wrdreg s13  }
0x7: {  	s22 =	simm.s32 $0xA00;
	s23 =	simm.s32 $0x300;
	[dreg:$0x6] =	wrdreg s14  }
0x8: {  	s24 =	simm.s32 $0xA80;
	s28 =	simm.s32 $0x600;
	[dreg:$0x7] =	wrdreg s16  }
0x9: {  	s29 =	simm.s32 $0xD80;
	s4 =	smul.u32 $0x5000, s8;
	[dreg:$0x8] =	wrdreg s18  }
0xa: {  	s30 =	simm.s32 $0x680;
	s25 =	smul.u32 $0x2780, s8;
	[dreg:$0x9] =	wrdreg s19  }
0xb: {  	s0 =	sand.u32 $0x1, s0;
	s8 =	smul.u32 $0x4F000, s8;
	[dreg:$0xa] =	wrdreg s20  }
0xc: {  	s31 =	simm.s32 $0xE00;
	s5 =	smul.u32 $0x2800, s0;
	[dreg:$0xb] =	wrdreg s21  }
0xd: {  	s7 =	smul.u32 $0x27800, s0;
	s0 =	ssub.s32 $0x2, s0;
	[dreg:$0xc] =	wrdreg s22  }
0xe: {  	s13 =	simm.s32 $0x3;
	s14 =	simm.s32 $0x800;
	[dreg:$0xd] =	wrdreg s23  }
0xf: {  	[dreg:$0xe] =	wrdreg s24;
	s16 =	simm.s32 $0x1;
	s18 =	simm.s32 $0x2  }
0x10: {  	s19 =	simm.s32 $0x400;
	s20 =	simm.s32 $0xB80;
	s21 =	simm.s32 $0x480  }
0x11: {  	s22 =	simm.s32 $0xC00;
	s23 =	simm.s32 $0x500;
	s24 =	simm.s32 $0xC80  }
0x12: {  	s26 =	sshrl.u32 s0, $0x1;
	s10 =	sshrl.u32 s8, $0x2;
	s8 =	simm.s32 $0xF80  }
0x13: {  	s4 =	sadd.s32 s5, s4;
	s5 =	sadd.s32 s25, s7;
	s12 =	sadd.s32 s10, s2  }
0x14: {  	s0 =	ssub.s32 s0, s26;
	s25 =	simm.s32 $0x380;
	[dreg:$0x11] =	wrdreg s12  }
0x15: {  	s26 =	simm.s32 $0xB00;
	s6 =	sshrl.u32 s4, $0x3;
	[dreg:$0xf] =	wrdreg s25  }
0x16: {  	s4 =	sadd.s32 $0x18C00, s1;
	s7 =	sadd.s32 $0x4000, s12;
	[dreg:$0x10] =	wrdreg s26  }
0x17: {  	s15 =	sadd.s32 $0x8000, s12;
	s17 =	sadd.s32 $0xC000, s12;
	[dreg:$0x12] =	wrdreg s7  }
0x18: {  	s0 =	smax.u32 s0, $0x1;
	s25 =	simm.s32 $0x580;
	[dreg:$0x13] =	wrdreg s15  }
0x19: {  	s26 =	simm.s32 $0xD00;
	s6 =	sadd.s32 s6, s1;
	[dreg:$0x14] =	wrdreg s17  }
0x1a: {  	s1 =	sadd.s32 s5, s1;
	[dreg:$0x17] =	wrdreg s0;
	s9 =	sadd.s32 $0x4C00, s6  }
0x1b: {  	s15 =	simm.s32 $0x80;
	s11 =	sadd.s32 $0xEC00, s6;
	[dreg:$0x3] =	wrdreg s9  }
0x1c: {  	s17 =	simm.s32 $0x5000;
	s6 =	sadd.s32 $0x10000, s12;
	[dreg:$0x4] =	wrdreg s11  }
0x1d: {  	s0 =	simm.s32 $0xE80;
	s1 =	sadd.s32 $0x40400, s1;
	[dreg:$0x15] =	wrdreg s6  }
0x1e: {  	s7 =	simm.s32 $0xF00;
	s12 =	simm.s32 $0x1000;
	[dreg:$0x16] =	wrdreg s1  }
0x1f: {  	v0 =	vimm.f32 $0.0e+00;
	s1 =	simm.s32 $0x700;
	s6 =	simm.s32 $0x780;
	s9 =	simm.s32 $0x0  }
.LBB2_1:
0x20: {  	s5 =	sand.u32 $0xFE00, s3  }
0x21: {  	[dreg:$0x18] =	wrdreg s9;
	s11 =	sand.u32 $0x70, s3;
	s5 =	sshrl.u32 s5, $0x2  }
0x22: {  	s10 =	simm.s32 $0x40;
	s5 =	sor.u32 s11, s5;
	s11 =	simm.s32 $0x0  }
.LBB2_2:
0x23: {  	p0 =	sne.s32 s10, $0xFFC0  }
0x24: {  	[tilespmem:s5+$0x1000] =	vst v0;
	s11 =	sadd.s32 $0x10, s11;
	s5 =	smov.u32 s10;
	s10 =	sadd.s32 $0x40, s10  }
.Ltmp0:
0x25: {  	(pc) =	sbr.rel @p0 .LBB2_2-.Ltmp0, $4  }
0x26: {  	_ = 	snop  }
0x27: {  	s5 =	sand.u32 $0xFE00, s5  }
0x28: {  	s9 =	sand.u32 $0x70, s11;
	s5 =	sshrl.u32 s5, $0x2  }
0x29: {  	s5 =	sor.u32 s9, s5  }
0x2a: {  	[tilespmem:s5+$0x1000] =	vst v0;
	s10 =	rddreg [dreg:$0x11]  }
0x2b: {  	[spmem:s10] =	stream.linear.scatter [tilespmem:s12], [sflag:$0x3], $0x4000, $0x38;
	[tilespmem:$0x1CC00] =	vst v63  }
0x2c: {  	_ =	swait.ge [sflag:s13], $0x4000  }
0x2d: {  	[sflag:s13] =	ssyncset.done $0x0  }
0x2e: {  	s11 =	rddreg [dreg:$0x12];
	[sflag:s13] =	ssyncadd.s32 $0xFFFFC000  }
0x2f: {  	[spmem:s11] =	stream.linear.scatter [tilespmem:s12], [sflag:$0x3], $0x4000, $0x38;
	[tilespmem:$0x1CC00] =	vst v63  }
0x30: {  	_ =	swait.ge [sflag:s13], $0x4000  }
0x31: {  	[sflag:s13] =	ssyncset.done $0x0  }
0x32: {  	s9 =	rddreg [dreg:$0x13];
	[sflag:s13] =	ssyncadd.s32 $0xFFFFC000  }
0x33: {  	[spmem:s9] =	stream.linear.scatter [tilespmem:s12], [sflag:$0x3], $0x4000, $0x38;
	[tilespmem:$0x1CC00] =	vst v63  }
0x34: {  	_ =	swait.ge [sflag:s13], $0x4000  }
0x35: {  	[sflag:s13] =	ssyncset.done $0x0  }
0x36: {  	s10 =	rddreg [dreg:$0x14];
	[sflag:s13] =	ssyncadd.s32 $0xFFFFC000  }
0x37: {  	[spmem:s10] =	stream.linear.scatter [tilespmem:s12], [sflag:$0x3], $0x4000, $0x38;
	[tilespmem:$0x1CC00] =	vst v63  }
0x38: {  	_ =	swait.ge [sflag:s13], $0x4000  }
0x39: {  	[sflag:s13] =	ssyncset.done $0x0  }
0x3a: {  	s11 =	rddreg [dreg:$0x15];
	[sflag:s13] =	ssyncadd.s32 $0xFFFFC000  }
0x3b: {  	[spmem:s11] =	stream.linear.scatter [tilespmem:s12], [sflag:$0x3], $0x3C00, $0x38;
	[tilespmem:$0x1CC00] =	vst v63  }
0x3c: {  	_ =	swait.ge [sflag:s13], $0x3C00  }
0x3d: {  	[sflag:s13] =	ssyncset.done $0x0  }
0x3e: {  	[sflag:s13] =	ssyncadd.s32 $0xFFFFC400  }
0x3f: {  	[bflag:$0x0] =	sbarrier.arrive $0xFFFF  }
0x40: {  	s9 =	rddreg [dreg:$0x4]  }
0x41: {  	s5 =	sadd.s32 $0x0, s9  }
0x42: {  	[tilespmem:s3], [sflag:$0x3] =	stream.linear.gather [hbm4b:s5+s3], $0x800, $0x38;
	[tilespmem:$0x1CC00] =	vst v63  }
0x43: {  	_ =	swait.ge [sflag:s13], $0x800  }
0x44: {  	s10 =	rddreg [dreg:$0x3];
	[sflag:s13] =	ssyncset.done $0x0  }
0x45: {  	[sflag:s13] =	ssyncadd.s32 $0xFFFFF800;
	s5 =	sadd.s32 $0x0, s10  }
0x46: {  	[tilespmem:s14], [sflag:$0x3] =	stream.linear.gather [hbm4b:s5+s3], $0x800, $0x38;
	[tilespmem:$0x1CC00] =	vst v63  }
0x47: {  	_ =	swait.ge [sflag:s13], $0x800  }
0x48: {  	[sflag:s13] =	ssyncset.done $0x0  }
0x49: {  	[sflag:s13] =	ssyncadd.s32 $0xFFFFF800  }
0x4a: {  	[tilespmem:s12], [sflag:$0x1] =	stream.indirect.gather [hbm4b:s4+s15], $0x80, s3, s15, $0xb8;
	[tilespmem:$0x1CC00] =	vst v63  }
0x4b: {  	_ =	swait.ge [sflag:s16], $0x4000  }
0x4c: {  	[sflag:s16] =	ssyncset.done $0x0  }
0x4d: {  	[sflag:s16] =	ssyncadd.s32 $0xFFFFC000  }
0x4e: {  	[tilespmem:s17], [sflag:$0x2] =	stream.indirect.gather [hbm4b:s4+s15], $0x80, s15, s15, $0xb8;
	[tilespmem:$0x1CC00] =	vst v63  }
0x4f: {  	_ = 	snop  }
0x50: {  	[spmem:s2] =	stream.indirect.scatter.add.f32 [tilespmem:s12], [sflag:$0x3], $0x80, s14, s15, $0xb8;
	[tilespmem:$0x1CC00] =	vst v63  }
0x51: {  	_ =	swait.ge [sflag:s13], $0x4000  }
0x52: {  	[sflag:s13] =	ssyncset.done $0x0  }
0x53: {  	[sflag:s13] =	ssyncadd.s32 $0xFFFFC000  }
0x54: {  	_ =	swait.ge [sflag:s18], $0x4000  }
0x55: {  	[sflag:s18] =	ssyncset.done $0x0  }
0x56: {  	s11 =	rddreg [dreg:$0x5];
	[sflag:s18] =	ssyncadd.s32 $0xFFFFC000  }
0x57: {  	[tilespmem:s12], [sflag:$0x1] =	stream.indirect.gather [hbm4b:s4+s15], $0x80, s11, s15, $0xb8;
	[tilespmem:$0x1CC00] =	vst v63  }
0x58: {  	s9 =	rddreg [dreg:$0x6]  }
0x59: {  	[spmem:s2] =	stream.indirect.scatter.add.f32 [tilespmem:s17], [sflag:$0x3], $0x80, s9, s15, $0xb8;
	[tilespmem:$0x1CC00] =	vst v63  }
0x5a: {  	_ =	swait.ge [sflag:s13], $0x4000  }
0x5b: {  	[sflag:s13] =	ssyncset.done $0x0  }
0x5c: {  	[sflag:s13] =	ssyncadd.s32 $0xFFFFC000  }
0x5d: {  	_ =	swait.ge [sflag:s16], $0x4000  }
0x5e: {  	[sflag:s16] =	ssyncset.done $0x0  }
0x5f: {  	s10 =	rddreg [dreg:$0x7];
	[sflag:s16] =	ssyncadd.s32 $0xFFFFC000  }
0x60: {  	[tilespmem:s17], [sflag:$0x2] =	stream.indirect.gather [hbm4b:s4+s15], $0x80, s10, s15, $0xb8;
	[tilespmem:$0x1CC00] =	vst v63  }
0x61: {  	s11 =	rddreg [dreg:$0x8]  }
0x62: {  	[spmem:s2] =	stream.indirect.scatter.add.f32 [tilespmem:s12], [sflag:$0x3], $0x80, s11, s15, $0xb8;
	[tilespmem:$0x1CC00] =	vst v63  }
0x63: {  	_ =	swait.ge [sflag:s13], $0x4000  }
0x64: {  	[sflag:s13] =	ssyncset.done $0x0  }
0x65: {  	[sflag:s13] =	ssyncadd.s32 $0xFFFFC000  }
0x66: {  	_ =	swait.ge [sflag:s18], $0x4000  }
0x67: {  	[sflag:s18] =	ssyncset.done $0x0  }
0x68: {  	s10 =	rddreg [dreg:$0x9];
	[sflag:s18] =	ssyncadd.s32 $0xFFFFC000  }
0x69: {  	[tilespmem:s12], [sflag:$0x1] =	stream.indirect.gather [hbm4b:s4+s15], $0x80, s10, s15, $0xb8;
	[tilespmem:$0x1CC00] =	vst v63  }
0x6a: {  	s11 =	rddreg [dreg:$0xa]  }
0x6b: {  	[spmem:s2] =	stream.indirect.scatter.add.f32 [tilespmem:s17], [sflag:$0x3], $0x80, s11, s15, $0xb8;
	[tilespmem:$0x1CC00] =	vst v63  }
0x6c: {  	_ =	swait.ge [sflag:s13], $0x4000  }
0x6d: {  	[sflag:s13] =	ssyncset.done $0x0  }
0x6e: {  	[sflag:s13] =	ssyncadd.s32 $0xFFFFC000  }
0x6f: {  	_ =	swait.ge [sflag:s16], $0x4000  }
0x70: {  	[sflag:s16] =	ssyncset.done $0x0  }
0x71: {  	s10 =	rddreg [dreg:$0xb];
	[sflag:s16] =	ssyncadd.s32 $0xFFFFC000  }
0x72: {  	[tilespmem:s17], [sflag:$0x2] =	stream.indirect.gather [hbm4b:s4+s15], $0x80, s10, s15, $0xb8;
	[tilespmem:$0x1CC00] =	vst v63  }
0x73: {  	s11 =	rddreg [dreg:$0xc]  }
0x74: {  	[spmem:s2] =	stream.indirect.scatter.add.f32 [tilespmem:s12], [sflag:$0x3], $0x80, s11, s15, $0xb8;
	[tilespmem:$0x1CC00] =	vst v63  }
0x75: {  	_ =	swait.ge [sflag:s13], $0x4000  }
0x76: {  	[sflag:s13] =	ssyncset.done $0x0  }
0x77: {  	[sflag:s13] =	ssyncadd.s32 $0xFFFFC000  }
0x78: {  	_ =	swait.ge [sflag:s18], $0x4000  }
0x79: {  	[sflag:s18] =	ssyncset.done $0x0  }
0x7a: {  	s10 =	rddreg [dreg:$0xd];
	[sflag:s18] =	ssyncadd.s32 $0xFFFFC000  }
0x7b: {  	[tilespmem:s12], [sflag:$0x1] =	stream.indirect.gather [hbm4b:s4+s15], $0x80, s10, s15, $0xb8;
	[tilespmem:$0x1CC00] =	vst v63  }
0x7c: {  	s11 =	rddreg [dreg:$0xe]  }
0x7d: {  	[spmem:s2] =	stream.indirect.scatter.add.f32 [tilespmem:s17], [sflag:$0x3], $0x80, s11, s15, $0xb8;
	[tilespmem:$0x1CC00] =	vst v63  }
0x7e: {  	_ =	swait.ge [sflag:s13], $0x4000  }
0x7f: {  	[sflag:s13] =	ssyncset.done $0x0  }
0x80: {  	[sflag:s13] =	ssyncadd.s32 $0xFFFFC000  }
0x81: {  	_ =	swait.ge [sflag:s16], $0x4000  }
0x82: {  	[sflag:s16] =	ssyncset.done $0x0  }
0x83: {  	s10 =	rddreg [dreg:$0xf];
	[sflag:s16] =	ssyncadd.s32 $0xFFFFC000  }
0x84: {  	[tilespmem:s17], [sflag:$0x2] =	stream.indirect.gather [hbm4b:s4+s15], $0x80, s10, s15, $0xb8;
	[tilespmem:$0x1CC00] =	vst v63  }
0x85: {  	s11 =	rddreg [dreg:$0x10]  }
0x86: {  	[spmem:s2] =	stream.indirect.scatter.add.f32 [tilespmem:s12], [sflag:$0x3], $0x80, s11, s15, $0xb8;
	[tilespmem:$0x1CC00] =	vst v63  }
0x87: {  	_ =	swait.ge [sflag:s13], $0x4000  }
0x88: {  	[sflag:s13] =	ssyncset.done $0x0  }
0x89: {  	[sflag:s13] =	ssyncadd.s32 $0xFFFFC000  }
0x8a: {  	_ =	swait.ge [sflag:s18], $0x4000  }
0x8b: {  	[sflag:s18] =	ssyncset.done $0x0  }
0x8c: {  	[sflag:s18] =	ssyncadd.s32 $0xFFFFC000  }
0x8d: {  	[tilespmem:s12], [sflag:$0x1] =	stream.indirect.gather [hbm4b:s4+s15], $0x80, s19, s15, $0xb8;
	[tilespmem:$0x1CC00] =	vst v63  }
0x8e: {  	_ = 	snop  }
0x8f: {  	[spmem:s2] =	stream.indirect.scatter.add.f32 [tilespmem:s17], [sflag:$0x3], $0x80, s20, s15, $0xb8;
	[tilespmem:$0x1CC00] =	vst v63  }
0x90: {  	_ =	swait.ge [sflag:s13], $0x4000  }
0x91: {  	[sflag:s13] =	ssyncset.done $0x0  }
0x92: {  	[sflag:s13] =	ssyncadd.s32 $0xFFFFC000  }
0x93: {  	_ =	swait.ge [sflag:s16], $0x4000  }
0x94: {  	[sflag:s16] =	ssyncset.done $0x0  }
0x95: {  	[sflag:s16] =	ssyncadd.s32 $0xFFFFC000  }
0x96: {  	[tilespmem:s17], [sflag:$0x2] =	stream.indirect.gather [hbm4b:s4+s15], $0x80, s21, s15, $0xb8;
	[tilespmem:$0x1CC00] =	vst v63  }
0x97: {  	_ = 	snop  }
0x98: {  	[spmem:s2] =	stream.indirect.scatter.add.f32 [tilespmem:s12], [sflag:$0x3], $0x80, s22, s15, $0xb8;
	[tilespmem:$0x1CC00] =	vst v63  }
0x99: {  	_ =	swait.ge [sflag:s13], $0x4000  }
0x9a: {  	[sflag:s13] =	ssyncset.done $0x0  }
0x9b: {  	[sflag:s13] =	ssyncadd.s32 $0xFFFFC000  }
0x9c: {  	_ =	swait.ge [sflag:s18], $0x4000  }
0x9d: {  	[sflag:s18] =	ssyncset.done $0x0  }
0x9e: {  	[sflag:s18] =	ssyncadd.s32 $0xFFFFC000  }
0x9f: {  	[tilespmem:s12], [sflag:$0x1] =	stream.indirect.gather [hbm4b:s4+s15], $0x80, s23, s15, $0xb8;
	[tilespmem:$0x1CC00] =	vst v63  }
0xa0: {  	_ = 	snop  }
0xa1: {  	[spmem:s2] =	stream.indirect.scatter.add.f32 [tilespmem:s17], [sflag:$0x3], $0x80, s24, s15, $0xb8;
	[tilespmem:$0x1CC00] =	vst v63  }
0xa2: {  	_ =	swait.ge [sflag:s13], $0x4000  }
0xa3: {  	[sflag:s13] =	ssyncset.done $0x0  }
0xa4: {  	[sflag:s13] =	ssyncadd.s32 $0xFFFFC000  }
0xa5: {  	_ =	swait.ge [sflag:s16], $0x4000  }
0xa6: {  	[sflag:s16] =	ssyncset.done $0x0  }
0xa7: {  	[sflag:s16] =	ssyncadd.s32 $0xFFFFC000  }
0xa8: {  	[tilespmem:s17], [sflag:$0x2] =	stream.indirect.gather [hbm4b:s4+s15], $0x80, s25, s15, $0xb8;
	[tilespmem:$0x1CC00] =	vst v63  }
0xa9: {  	_ = 	snop  }
0xaa: {  	[spmem:s2] =	stream.indirect.scatter.add.f32 [tilespmem:s12], [sflag:$0x3], $0x80, s26, s15, $0xb8;
	[tilespmem:$0x1CC00] =	vst v63  }
0xab: {  	_ =	swait.ge [sflag:s13], $0x4000  }
0xac: {  	[sflag:s13] =	ssyncset.done $0x0  }
0xad: {  	[sflag:s13] =	ssyncadd.s32 $0xFFFFC000  }
0xae: {  	_ =	swait.ge [sflag:s18], $0x4000  }
0xaf: {  	[sflag:s18] =	ssyncset.done $0x0  }
0xb0: {  	[sflag:s18] =	ssyncadd.s32 $0xFFFFC000  }
0xb1: {  	[tilespmem:s12], [sflag:$0x1] =	stream.indirect.gather [hbm4b:s4+s15], $0x80, s28, s15, $0xb8;
	[tilespmem:$0x1CC00] =	vst v63  }
0xb2: {  	_ = 	snop  }
0xb3: {  	[spmem:s2] =	stream.indirect.scatter.add.f32 [tilespmem:s17], [sflag:$0x3], $0x80, s29, s15, $0xb8;
	[tilespmem:$0x1CC00] =	vst v63  }
0xb4: {  	_ =	swait.ge [sflag:s13], $0x4000  }
0xb5: {  	[sflag:s13] =	ssyncset.done $0x0  }
0xb6: {  	[sflag:s13] =	ssyncadd.s32 $0xFFFFC000  }
0xb7: {  	_ =	swait.ge [sflag:s16], $0x4000  }
0xb8: {  	[sflag:s16] =	ssyncset.done $0x0  }
0xb9: {  	[sflag:s16] =	ssyncadd.s32 $0xFFFFC000  }
0xba: {  	[tilespmem:s17], [sflag:$0x2] =	stream.indirect.gather [hbm4b:s4+s15], $0x80, s30, s15, $0xb8;
	[tilespmem:$0x1CC00] =	vst v63  }
0xbb: {  	_ = 	snop  }
0xbc: {  	[spmem:s2] =	stream.indirect.scatter.add.f32 [tilespmem:s12], [sflag:$0x3], $0x80, s31, s15, $0xb8;
	[tilespmem:$0x1CC00] =	vst v63  }
0xbd: {  	_ =	swait.ge [sflag:s13], $0x4000  }
0xbe: {  	[sflag:s13] =	ssyncset.done $0x0  }
0xbf: {  	[sflag:s13] =	ssyncadd.s32 $0xFFFFC000  }
0xc0: {  	_ =	swait.ge [sflag:s18], $0x4000  }
0xc1: {  	[sflag:s18] =	ssyncset.done $0x0  }
0xc2: {  	[sflag:s18] =	ssyncadd.s32 $0xFFFFC000  }
0xc3: {  	[tilespmem:s12], [sflag:$0x1] =	stream.indirect.gather [hbm4b:s4+s15], $0x80, s1, s15, $0xb8;
	[tilespmem:$0x1CC00] =	vst v63  }
0xc4: {  	_ = 	snop  }
0xc5: {  	[spmem:s2] =	stream.indirect.scatter.add.f32 [tilespmem:s17], [sflag:$0x3], $0x80, s0, s15, $0xb8;
	[tilespmem:$0x1CC00] =	vst v63  }
0xc6: {  	_ =	swait.ge [sflag:s13], $0x4000  }
0xc7: {  	[sflag:s13] =	ssyncset.done $0x0  }
0xc8: {  	[sflag:s13] =	ssyncadd.s32 $0xFFFFC000  }
0xc9: {  	_ =	swait.ge [sflag:s16], $0x4000  }
0xca: {  	[sflag:s16] =	ssyncset.done $0x0  }
0xcb: {  	[sflag:s16] =	ssyncadd.s32 $0xFFFFC000  }
0xcc: {  	[tilespmem:s17], [sflag:$0x2] =	stream.indirect.gather [hbm4b:s4+s15], $0x80, s6, s15, $0xb8;
	[tilespmem:$0x1CC00] =	vst v63  }
0xcd: {  	_ = 	snop  }
0xce: {  	[spmem:s2] =	stream.indirect.scatter.add.f32 [tilespmem:s12], [sflag:$0x3], $0x80, s7, s15, $0xb8;
	[tilespmem:$0x1CC00] =	vst v63  }
0xcf: {  	_ =	swait.ge [sflag:s13], $0x4000  }
0xd0: {  	[sflag:s13] =	ssyncset.done $0x0  }
0xd1: {  	[sflag:s13] =	ssyncadd.s32 $0xFFFFC000  }
0xd2: {  	_ =	swait.ge [sflag:s18], $0x4000  }
0xd3: {  	[sflag:s18] =	ssyncset.done $0x0  }
0xd4: {  	[sflag:s18] =	ssyncadd.s32 $0xFFFFC000  }
0xd5: {  	[spmem:s2] =	stream.indirect.scatter.add.f32 [tilespmem:s17], [sflag:$0x3], $0x80, s8, s15, $0xb8;
	[tilespmem:$0x1CC00] =	vst v63  }
0xd6: {  	s10 =	simm.s32 $0x100;
	_ =	swait.ge [sflag:s13], $0x4000  }
0xd7: {  	s11 =	simm.s32 $0x200;
	s5 =	rddreg [dreg:$0x4];
	[sflag:s13] =	ssyncset.done $0x0  }
.LBB2_4:
0xd8: {  	[sflag:s13] =	ssyncadd.s32 $0xFFFFC000;
	s5 =	sadd.s32 s10, s5  }
0xd9: {  	[tilespmem:s3], [sflag:$0x3] =	stream.linear.gather [hbm4b:s5+s3], $0x800, $0x38;
	[tilespmem:$0x1CC00] =	vst v63  }
0xda: {  	_ =	swait.ge [sflag:s13], $0x800  }
0xdb: {  	s5 =	rddreg [dreg:$0x3];
	[sflag:s13] =	ssyncset.done $0x0  }
0xdc: {  	[sflag:s13] =	ssyncadd.s32 $0xFFFFF800;
	s5 =	sadd.s32 s10, s5  }
0xdd: {  	[tilespmem:s14], [sflag:$0x3] =	stream.linear.gather [hbm4b:s5+s3], $0x800, $0x38;
	[tilespmem:$0x1CC00] =	vst v63  }
0xde: {  	_ =	swait.ge [sflag:s13], $0x800  }
0xdf: {  	[sflag:s13] =	ssyncset.done $0x0  }
0xe0: {  	[sflag:s13] =	ssyncadd.s32 $0xFFFFF800  }
0xe1: {  	[tilespmem:s12], [sflag:$0x1] =	stream.indirect.gather [hbm4b:s4+s15], $0x80, s3, s15, $0xb8;
	[tilespmem:$0x1CC00] =	vst v63  }
0xe2: {  	_ =	swait.ge [sflag:s16], $0x4000  }
0xe3: {  	[sflag:s16] =	ssyncset.done $0x0  }
0xe4: {  	[sflag:s16] =	ssyncadd.s32 $0xFFFFC000  }
0xe5: {  	[tilespmem:s17], [sflag:$0x2] =	stream.indirect.gather [hbm4b:s4+s15], $0x80, s15, s15, $0xb8;
	[tilespmem:$0x1CC00] =	vst v63  }
0xe6: {  	_ = 	snop  }
0xe7: {  	[spmem:s2] =	stream.indirect.scatter.add.f32 [tilespmem:s12], [sflag:$0x3], $0x80, s14, s15, $0xb8;
	[tilespmem:$0x1CC00] =	vst v63  }
0xe8: {  	_ =	swait.ge [sflag:s13], $0x4000  }
0xe9: {  	[sflag:s13] =	ssyncset.done $0x0  }
0xea: {  	[sflag:s13] =	ssyncadd.s32 $0xFFFFC000  }
0xeb: {  	_ =	swait.ge [sflag:s18], $0x4000  }
0xec: {  	[sflag:s18] =	ssyncset.done $0x0  }
0xed: {  	s9 =	smov.u32 s11;
	s5 =	rddreg [dreg:$0x5];
	[sflag:s18] =	ssyncadd.s32 $0xFFFFC000  }
0xee: {  	[tilespmem:s12], [sflag:$0x1] =	stream.indirect.gather [hbm4b:s4+s15], $0x80, s5, s15, $0xb8;
	[tilespmem:$0x1CC00] =	vst v63  }
0xef: {  	s10 =	smov.u32 s9;
	s9 =	rddreg [dreg:$0x6]  }
0xf0: {  	[spmem:s2] =	stream.indirect.scatter.add.f32 [tilespmem:s17], [sflag:$0x3], $0x80, s9, s15, $0xb8;
	[tilespmem:$0x1CC00] =	vst v63  }
0xf1: {  	_ =	swait.ge [sflag:s13], $0x4000  }
0xf2: {  	[sflag:s13] =	ssyncset.done $0x0  }
0xf3: {  	[sflag:s13] =	ssyncadd.s32 $0xFFFFC000  }
0xf4: {  	_ =	swait.ge [sflag:s16], $0x4000  }
0xf5: {  	[sflag:s16] =	ssyncset.done $0x0  }
0xf6: {  	s5 =	rddreg [dreg:$0x7];
	[sflag:s16] =	ssyncadd.s32 $0xFFFFC000  }
0xf7: {  	[tilespmem:s17], [sflag:$0x2] =	stream.indirect.gather [hbm4b:s4+s15], $0x80, s5, s15, $0xb8;
	[tilespmem:$0x1CC00] =	vst v63  }
0xf8: {  	s9 =	rddreg [dreg:$0x8]  }
0xf9: {  	[spmem:s2] =	stream.indirect.scatter.add.f32 [tilespmem:s12], [sflag:$0x3], $0x80, s9, s15, $0xb8;
	[tilespmem:$0x1CC00] =	vst v63  }
0xfa: {  	_ =	swait.ge [sflag:s13], $0x4000  }
0xfb: {  	[sflag:s13] =	ssyncset.done $0x0  }
0xfc: {  	[sflag:s13] =	ssyncadd.s32 $0xFFFFC000  }
0xfd: {  	_ =	swait.ge [sflag:s18], $0x4000  }
0xfe: {  	[sflag:s18] =	ssyncset.done $0x0  }
0xff: {  	s5 =	rddreg [dreg:$0x9];
	[sflag:s18] =	ssyncadd.s32 $0xFFFFC000  }
0x100: {  	[tilespmem:s12], [sflag:$0x1] =	stream.indirect.gather [hbm4b:s4+s15], $0x80, s5, s15, $0xb8;
	[tilespmem:$0x1CC00] =	vst v63  }
0x101: {  	s9 =	rddreg [dreg:$0xa]  }
0x102: {  	[spmem:s2] =	stream.indirect.scatter.add.f32 [tilespmem:s17], [sflag:$0x3], $0x80, s9, s15, $0xb8;
	[tilespmem:$0x1CC00] =	vst v63  }
0x103: {  	_ =	swait.ge [sflag:s13], $0x4000  }
0x104: {  	[sflag:s13] =	ssyncset.done $0x0  }
0x105: {  	[sflag:s13] =	ssyncadd.s32 $0xFFFFC000  }
0x106: {  	_ =	swait.ge [sflag:s16], $0x4000  }
0x107: {  	[sflag:s16] =	ssyncset.done $0x0  }
0x108: {  	s5 =	rddreg [dreg:$0xb];
	[sflag:s16] =	ssyncadd.s32 $0xFFFFC000  }
0x109: {  	[tilespmem:s17], [sflag:$0x2] =	stream.indirect.gather [hbm4b:s4+s15], $0x80, s5, s15, $0xb8;
	[tilespmem:$0x1CC00] =	vst v63  }
0x10a: {  	s9 =	rddreg [dreg:$0xc]  }
0x10b: {  	[spmem:s2] =	stream.indirect.scatter.add.f32 [tilespmem:s12], [sflag:$0x3], $0x80, s9, s15, $0xb8;
	[tilespmem:$0x1CC00] =	vst v63  }
0x10c: {  	_ =	swait.ge [sflag:s13], $0x4000  }
0x10d: {  	[sflag:s13] =	ssyncset.done $0x0  }
0x10e: {  	[sflag:s13] =	ssyncadd.s32 $0xFFFFC000  }
0x10f: {  	_ =	swait.ge [sflag:s18], $0x4000  }
0x110: {  	[sflag:s18] =	ssyncset.done $0x0  }
0x111: {  	s5 =	rddreg [dreg:$0xd];
	[sflag:s18] =	ssyncadd.s32 $0xFFFFC000  }
0x112: {  	[tilespmem:s12], [sflag:$0x1] =	stream.indirect.gather [hbm4b:s4+s15], $0x80, s5, s15, $0xb8;
	[tilespmem:$0x1CC00] =	vst v63  }
0x113: {  	s9 =	rddreg [dreg:$0xe]  }
0x114: {  	[spmem:s2] =	stream.indirect.scatter.add.f32 [tilespmem:s17], [sflag:$0x3], $0x80, s9, s15, $0xb8;
	[tilespmem:$0x1CC00] =	vst v63  }
0x115: {  	_ =	swait.ge [sflag:s13], $0x4000  }
0x116: {  	[sflag:s13] =	ssyncset.done $0x0  }
0x117: {  	[sflag:s13] =	ssyncadd.s32 $0xFFFFC000  }
0x118: {  	_ =	swait.ge [sflag:s16], $0x4000  }
0x119: {  	[sflag:s16] =	ssyncset.done $0x0  }
0x11a: {  	s5 =	rddreg [dreg:$0xf];
	[sflag:s16] =	ssyncadd.s32 $0xFFFFC000  }
0x11b: {  	[tilespmem:s17], [sflag:$0x2] =	stream.indirect.gather [hbm4b:s4+s15], $0x80, s5, s15, $0xb8;
	[tilespmem:$0x1CC00] =	vst v63  }
0x11c: {  	s9 =	rddreg [dreg:$0x10]  }
0x11d: {  	[spmem:s2] =	stream.indirect.scatter.add.f32 [tilespmem:s12], [sflag:$0x3], $0x80, s9, s15, $0xb8;
	[tilespmem:$0x1CC00] =	vst v63  }
0x11e: {  	_ =	swait.ge [sflag:s13], $0x4000  }
0x11f: {  	[sflag:s13] =	ssyncset.done $0x0  }
0x120: {  	[sflag:s13] =	ssyncadd.s32 $0xFFFFC000  }
0x121: {  	_ =	swait.ge [sflag:s18], $0x4000  }
0x122: {  	[sflag:s18] =	ssyncset.done $0x0  }
0x123: {  	[sflag:s18] =	ssyncadd.s32 $0xFFFFC000  }
0x124: {  	[tilespmem:s12], [sflag:$0x1] =	stream.indirect.gather [hbm4b:s4+s15], $0x80, s19, s15, $0xb8;
	[tilespmem:$0x1CC00] =	vst v63  }
0x125: {  	_ = 	snop  }
0x126: {  	[spmem:s2] =	stream.indirect.scatter.add.f32 [tilespmem:s17], [sflag:$0x3], $0x80, s20, s15, $0xb8;
	[tilespmem:$0x1CC00] =	vst v63  }
0x127: {  	_ =	swait.ge [sflag:s13], $0x4000  }
0x128: {  	[sflag:s13] =	ssyncset.done $0x0  }
0x129: {  	[sflag:s13] =	ssyncadd.s32 $0xFFFFC000  }
0x12a: {  	_ =	swait.ge [sflag:s16], $0x4000  }
0x12b: {  	[sflag:s16] =	ssyncset.done $0x0  }
0x12c: {  	[sflag:s16] =	ssyncadd.s32 $0xFFFFC000  }
0x12d: {  	[tilespmem:s17], [sflag:$0x2] =	stream.indirect.gather [hbm4b:s4+s15], $0x80, s21, s15, $0xb8;
	[tilespmem:$0x1CC00] =	vst v63  }
0x12e: {  	_ = 	snop  }
0x12f: {  	[spmem:s2] =	stream.indirect.scatter.add.f32 [tilespmem:s12], [sflag:$0x3], $0x80, s22, s15, $0xb8;
	[tilespmem:$0x1CC00] =	vst v63  }
0x130: {  	_ =	swait.ge [sflag:s13], $0x4000  }
0x131: {  	[sflag:s13] =	ssyncset.done $0x0  }
0x132: {  	[sflag:s13] =	ssyncadd.s32 $0xFFFFC000  }
0x133: {  	_ =	swait.ge [sflag:s18], $0x4000  }
0x134: {  	[sflag:s18] =	ssyncset.done $0x0  }
0x135: {  	[sflag:s18] =	ssyncadd.s32 $0xFFFFC000  }
0x136: {  	[tilespmem:s12], [sflag:$0x1] =	stream.indirect.gather [hbm4b:s4+s15], $0x80, s23, s15, $0xb8;
	[tilespmem:$0x1CC00] =	vst v63  }
0x137: {  	_ = 	snop  }
0x138: {  	[spmem:s2] =	stream.indirect.scatter.add.f32 [tilespmem:s17], [sflag:$0x3], $0x80, s24, s15, $0xb8;
	[tilespmem:$0x1CC00] =	vst v63  }
0x139: {  	_ =	swait.ge [sflag:s13], $0x4000  }
0x13a: {  	[sflag:s13] =	ssyncset.done $0x0  }
0x13b: {  	[sflag:s13] =	ssyncadd.s32 $0xFFFFC000  }
0x13c: {  	_ =	swait.ge [sflag:s16], $0x4000  }
0x13d: {  	[sflag:s16] =	ssyncset.done $0x0  }
0x13e: {  	[sflag:s16] =	ssyncadd.s32 $0xFFFFC000  }
0x13f: {  	[tilespmem:s17], [sflag:$0x2] =	stream.indirect.gather [hbm4b:s4+s15], $0x80, s25, s15, $0xb8;
	[tilespmem:$0x1CC00] =	vst v63  }
0x140: {  	_ = 	snop  }
0x141: {  	[spmem:s2] =	stream.indirect.scatter.add.f32 [tilespmem:s12], [sflag:$0x3], $0x80, s26, s15, $0xb8;
	[tilespmem:$0x1CC00] =	vst v63  }
0x142: {  	_ =	swait.ge [sflag:s13], $0x4000  }
0x143: {  	[sflag:s13] =	ssyncset.done $0x0  }
0x144: {  	[sflag:s13] =	ssyncadd.s32 $0xFFFFC000  }
0x145: {  	_ =	swait.ge [sflag:s18], $0x4000  }
0x146: {  	[sflag:s18] =	ssyncset.done $0x0  }
0x147: {  	[sflag:s18] =	ssyncadd.s32 $0xFFFFC000  }
0x148: {  	[tilespmem:s12], [sflag:$0x1] =	stream.indirect.gather [hbm4b:s4+s15], $0x80, s28, s15, $0xb8;
	[tilespmem:$0x1CC00] =	vst v63  }
0x149: {  	_ = 	snop  }
0x14a: {  	[spmem:s2] =	stream.indirect.scatter.add.f32 [tilespmem:s17], [sflag:$0x3], $0x80, s29, s15, $0xb8;
	[tilespmem:$0x1CC00] =	vst v63  }
0x14b: {  	_ =	swait.ge [sflag:s13], $0x4000  }
0x14c: {  	[sflag:s13] =	ssyncset.done $0x0  }
0x14d: {  	[sflag:s13] =	ssyncadd.s32 $0xFFFFC000  }
0x14e: {  	_ =	swait.ge [sflag:s16], $0x4000  }
0x14f: {  	[sflag:s16] =	ssyncset.done $0x0  }
0x150: {  	[sflag:s16] =	ssyncadd.s32 $0xFFFFC000  }
0x151: {  	[tilespmem:s17], [sflag:$0x2] =	stream.indirect.gather [hbm4b:s4+s15], $0x80, s30, s15, $0xb8;
	[tilespmem:$0x1CC00] =	vst v63  }
0x152: {  	_ = 	snop  }
0x153: {  	[spmem:s2] =	stream.indirect.scatter.add.f32 [tilespmem:s12], [sflag:$0x3], $0x80, s31, s15, $0xb8;
	[tilespmem:$0x1CC00] =	vst v63  }
0x154: {  	_ =	swait.ge [sflag:s13], $0x4000  }
0x155: {  	[sflag:s13] =	ssyncset.done $0x0  }
0x156: {  	[sflag:s13] =	ssyncadd.s32 $0xFFFFC000  }
0x157: {  	_ =	swait.ge [sflag:s18], $0x4000  }
0x158: {  	[sflag:s18] =	ssyncset.done $0x0  }
0x159: {  	[sflag:s18] =	ssyncadd.s32 $0xFFFFC000  }
0x15a: {  	[tilespmem:s12], [sflag:$0x1] =	stream.indirect.gather [hbm4b:s4+s15], $0x80, s1, s15, $0xb8;
	[tilespmem:$0x1CC00] =	vst v63  }
0x15b: {  	_ = 	snop  }
0x15c: {  	[spmem:s2] =	stream.indirect.scatter.add.f32 [tilespmem:s17], [sflag:$0x3], $0x80, s0, s15, $0xb8;
	[tilespmem:$0x1CC00] =	vst v63  }
0x15d: {  	_ =	swait.ge [sflag:s13], $0x4000  }
0x15e: {  	[sflag:s13] =	ssyncset.done $0x0  }
0x15f: {  	[sflag:s13] =	ssyncadd.s32 $0xFFFFC000  }
0x160: {  	_ =	swait.ge [sflag:s16], $0x4000  }
0x161: {  	[sflag:s16] =	ssyncset.done $0x0  }
0x162: {  	[sflag:s16] =	ssyncadd.s32 $0xFFFFC000  }
0x163: {  	[tilespmem:s17], [sflag:$0x2] =	stream.indirect.gather [hbm4b:s4+s15], $0x80, s6, s15, $0xb8;
	[tilespmem:$0x1CC00] =	vst v63  }
0x164: {  	_ = 	snop  }
0x165: {  	[spmem:s2] =	stream.indirect.scatter.add.f32 [tilespmem:s12], [sflag:$0x3], $0x80, s7, s15, $0xb8;
	[tilespmem:$0x1CC00] =	vst v63  }
0x166: {  	_ =	swait.ge [sflag:s13], $0x4000  }
0x167: {  	[sflag:s13] =	ssyncset.done $0x0  }
0x168: {  	[sflag:s13] =	ssyncadd.s32 $0xFFFFC000  }
0x169: {  	p0 =	sne.s32 s11, $0x400;
	_ =	swait.ge [sflag:s18], $0x4000  }
.Ltmp1:
0x16a: {  	[sflag:s18] =	ssyncset.done $0x0;
	(pc) =	sbr.rel @p0 .LBB2_4-.Ltmp1, $4  }
0x16b: {  	[sflag:s18] =	ssyncadd.s32 $0xFFFFC000  }
0x16c: {  	[spmem:s2] =	stream.indirect.scatter.add.f32 [tilespmem:s17], [sflag:$0x3], $0x80, s8, s15, $0xb8;
	[tilespmem:$0x1CC00] =	vst v63  }
0x16d: {  	_ =	swait.ge [sflag:s13], $0x4000  }
0x16e: {  	s11 =	sadd.s32 $0x100, s11;
	s5 =	rddreg [dreg:$0x4];
	[sflag:s13] =	ssyncset.done $0x0  }
0x16f: {  	[sflag:s13] =	ssyncadd.s32 $0xFFFFC000;
	s5 =	sadd.s32 s10, s5  }
0x170: {  	[tilespmem:s3], [sflag:$0x3] =	stream.linear.gather [hbm4b:s5+s3], $0x800, $0x38;
	[tilespmem:$0x1CC00] =	vst v63  }
0x171: {  	_ =	swait.ge [sflag:s13], $0x800  }
0x172: {  	s9 =	rddreg [dreg:$0x3];
	[sflag:s13] =	ssyncset.done $0x0  }
0x173: {  	[sflag:s13] =	ssyncadd.s32 $0xFFFFF800;
	s5 =	sadd.s32 s10, s9  }
0x174: {  	[tilespmem:s14], [sflag:$0x3] =	stream.linear.gather [hbm4b:s5+s3], $0x800, $0x38;
	[tilespmem:$0x1CC00] =	vst v63  }
0x175: {  	_ =	swait.ge [sflag:s13], $0x800  }
0x176: {  	[sflag:s13] =	ssyncset.done $0x0  }
0x177: {  	[sflag:s13] =	ssyncadd.s32 $0xFFFFF800  }
0x178: {  	[tilespmem:s12], [sflag:$0x1] =	stream.indirect.gather [hbm4b:s4+s15], $0x80, s3, s15, $0xb8;
	[tilespmem:$0x1CC00] =	vst v63  }
0x179: {  	_ =	swait.ge [sflag:s16], $0x4000  }
0x17a: {  	[sflag:s16] =	ssyncset.done $0x0  }
0x17b: {  	[sflag:s16] =	ssyncadd.s32 $0xFFFFC000  }
0x17c: {  	[tilespmem:s17], [sflag:$0x2] =	stream.indirect.gather [hbm4b:s4+s15], $0x80, s15, s15, $0xb8;
	[tilespmem:$0x1CC00] =	vst v63  }
0x17d: {  	_ = 	snop  }
0x17e: {  	[spmem:s2] =	stream.indirect.scatter.add.f32 [tilespmem:s12], [sflag:$0x3], $0x80, s14, s15, $0xb8;
	[tilespmem:$0x1CC00] =	vst v63  }
0x17f: {  	_ =	swait.ge [sflag:s13], $0x4000  }
0x180: {  	[sflag:s13] =	ssyncset.done $0x0  }
0x181: {  	[sflag:s13] =	ssyncadd.s32 $0xFFFFC000  }
0x182: {  	_ =	swait.ge [sflag:s18], $0x4000  }
0x183: {  	[sflag:s18] =	ssyncset.done $0x0  }
0x184: {  	s11 =	rddreg [dreg:$0x5];
	[sflag:s18] =	ssyncadd.s32 $0xFFFFC000  }
0x185: {  	[tilespmem:s12], [sflag:$0x1] =	stream.indirect.gather [hbm4b:s4+s15], $0x80, s11, s15, $0xb8;
	[tilespmem:$0x1CC00] =	vst v63  }
0x186: {  	s9 =	rddreg [dreg:$0x6]  }
0x187: {  	[spmem:s2] =	stream.indirect.scatter.add.f32 [tilespmem:s17], [sflag:$0x3], $0x80, s9, s15, $0xb8;
	[tilespmem:$0x1CC00] =	vst v63  }
0x188: {  	_ =	swait.ge [sflag:s13], $0x4000  }
0x189: {  	[sflag:s13] =	ssyncset.done $0x0  }
0x18a: {  	[sflag:s13] =	ssyncadd.s32 $0xFFFFC000  }
0x18b: {  	_ =	swait.ge [sflag:s16], $0x4000  }
0x18c: {  	[sflag:s16] =	ssyncset.done $0x0  }
0x18d: {  	s10 =	rddreg [dreg:$0x7];
	[sflag:s16] =	ssyncadd.s32 $0xFFFFC000  }
0x18e: {  	[tilespmem:s17], [sflag:$0x2] =	stream.indirect.gather [hbm4b:s4+s15], $0x80, s10, s15, $0xb8;
	[tilespmem:$0x1CC00] =	vst v63  }
0x18f: {  	s11 =	rddreg [dreg:$0x8]  }
0x190: {  	[spmem:s2] =	stream.indirect.scatter.add.f32 [tilespmem:s12], [sflag:$0x3], $0x80, s11, s15, $0xb8;
	[tilespmem:$0x1CC00] =	vst v63  }
0x191: {  	_ =	swait.ge [sflag:s13], $0x4000  }
0x192: {  	[sflag:s13] =	ssyncset.done $0x0  }
0x193: {  	[sflag:s13] =	ssyncadd.s32 $0xFFFFC000  }
0x194: {  	_ =	swait.ge [sflag:s18], $0x4000  }
0x195: {  	[sflag:s18] =	ssyncset.done $0x0  }
0x196: {  	s10 =	rddreg [dreg:$0x9];
	[sflag:s18] =	ssyncadd.s32 $0xFFFFC000  }
0x197: {  	[tilespmem:s12], [sflag:$0x1] =	stream.indirect.gather [hbm4b:s4+s15], $0x80, s10, s15, $0xb8;
	[tilespmem:$0x1CC00] =	vst v63  }
0x198: {  	s11 =	rddreg [dreg:$0xa]  }
0x199: {  	[spmem:s2] =	stream.indirect.scatter.add.f32 [tilespmem:s17], [sflag:$0x3], $0x80, s11, s15, $0xb8;
	[tilespmem:$0x1CC00] =	vst v63  }
0x19a: {  	_ =	swait.ge [sflag:s13], $0x4000  }
0x19b: {  	[sflag:s13] =	ssyncset.done $0x0  }
0x19c: {  	[sflag:s13] =	ssyncadd.s32 $0xFFFFC000  }
0x19d: {  	_ =	swait.ge [sflag:s16], $0x4000  }
0x19e: {  	[sflag:s16] =	ssyncset.done $0x0  }
0x19f: {  	s10 =	rddreg [dreg:$0xb];
	[sflag:s16] =	ssyncadd.s32 $0xFFFFC000  }
0x1a0: {  	[tilespmem:s17], [sflag:$0x2] =	stream.indirect.gather [hbm4b:s4+s15], $0x80, s10, s15, $0xb8;
	[tilespmem:$0x1CC00] =	vst v63  }
0x1a1: {  	s11 =	rddreg [dreg:$0xc]  }
0x1a2: {  	[spmem:s2] =	stream.indirect.scatter.add.f32 [tilespmem:s12], [sflag:$0x3], $0x80, s11, s15, $0xb8;
	[tilespmem:$0x1CC00] =	vst v63  }
0x1a3: {  	_ =	swait.ge [sflag:s13], $0x4000  }
0x1a4: {  	[sflag:s13] =	ssyncset.done $0x0  }
0x1a5: {  	[sflag:s13] =	ssyncadd.s32 $0xFFFFC000  }
0x1a6: {  	_ =	swait.ge [sflag:s18], $0x4000  }
0x1a7: {  	[sflag:s18] =	ssyncset.done $0x0  }
0x1a8: {  	s10 =	rddreg [dreg:$0xd];
	[sflag:s18] =	ssyncadd.s32 $0xFFFFC000  }
0x1a9: {  	[tilespmem:s12], [sflag:$0x1] =	stream.indirect.gather [hbm4b:s4+s15], $0x80, s10, s15, $0xb8;
	[tilespmem:$0x1CC00] =	vst v63  }
0x1aa: {  	s11 =	rddreg [dreg:$0xe]  }
0x1ab: {  	[spmem:s2] =	stream.indirect.scatter.add.f32 [tilespmem:s17], [sflag:$0x3], $0x80, s11, s15, $0xb8;
	[tilespmem:$0x1CC00] =	vst v63  }
0x1ac: {  	_ =	swait.ge [sflag:s13], $0x4000  }
0x1ad: {  	[sflag:s13] =	ssyncset.done $0x0  }
0x1ae: {  	[sflag:s13] =	ssyncadd.s32 $0xFFFFC000  }
0x1af: {  	_ =	swait.ge [sflag:s16], $0x4000  }
0x1b0: {  	[sflag:s16] =	ssyncset.done $0x0  }
0x1b1: {  	s10 =	rddreg [dreg:$0xf];
	[sflag:s16] =	ssyncadd.s32 $0xFFFFC000  }
0x1b2: {  	[tilespmem:s17], [sflag:$0x2] =	stream.indirect.gather [hbm4b:s4+s15], $0x80, s10, s15, $0xb8;
	[tilespmem:$0x1CC00] =	vst v63  }
0x1b3: {  	s11 =	rddreg [dreg:$0x10]  }
0x1b4: {  	[spmem:s2] =	stream.indirect.scatter.add.f32 [tilespmem:s12], [sflag:$0x3], $0x80, s11, s15, $0xb8;
	[tilespmem:$0x1CC00] =	vst v63  }
0x1b5: {  	_ =	swait.ge [sflag:s13], $0x4000  }
0x1b6: {  	[sflag:s13] =	ssyncset.done $0x0  }
0x1b7: {  	[sflag:s13] =	ssyncadd.s32 $0xFFFFC000  }
0x1b8: {  	_ =	swait.ge [sflag:s18], $0x4000  }
0x1b9: {  	[sflag:s18] =	ssyncset.done $0x0  }
0x1ba: {  	[sflag:s18] =	ssyncadd.s32 $0xFFFFC000  }
0x1bb: {  	[tilespmem:s12], [sflag:$0x1] =	stream.indirect.gather [hbm4b:s4+s15], $0x80, s19, s15, $0xb8;
	[tilespmem:$0x1CC00] =	vst v63  }
0x1bc: {  	_ = 	snop  }
0x1bd: {  	[spmem:s2] =	stream.indirect.scatter.add.f32 [tilespmem:s17], [sflag:$0x3], $0x80, s20, s15, $0xb8;
	[tilespmem:$0x1CC00] =	vst v63  }
0x1be: {  	_ =	swait.ge [sflag:s13], $0x4000  }
0x1bf: {  	[sflag:s13] =	ssyncset.done $0x0  }
0x1c0: {  	[sflag:s13] =	ssyncadd.s32 $0xFFFFC000  }
0x1c1: {  	_ =	swait.ge [sflag:s16], $0x4000  }
0x1c2: {  	[sflag:s16] =	ssyncset.done $0x0  }
0x1c3: {  	[sflag:s16] =	ssyncadd.s32 $0xFFFFC000  }
0x1c4: {  	[tilespmem:s17], [sflag:$0x2] =	stream.indirect.gather [hbm4b:s4+s15], $0x80, s21, s15, $0xb8;
	[tilespmem:$0x1CC00] =	vst v63  }
0x1c5: {  	_ = 	snop  }
0x1c6: {  	[spmem:s2] =	stream.indirect.scatter.add.f32 [tilespmem:s12], [sflag:$0x3], $0x80, s22, s15, $0xb8;
	[tilespmem:$0x1CC00] =	vst v63  }
0x1c7: {  	_ =	swait.ge [sflag:s13], $0x4000  }
0x1c8: {  	[sflag:s13] =	ssyncset.done $0x0  }
0x1c9: {  	[sflag:s13] =	ssyncadd.s32 $0xFFFFC000  }
0x1ca: {  	_ =	swait.ge [sflag:s18], $0x4000  }
0x1cb: {  	[sflag:s18] =	ssyncset.done $0x0  }
0x1cc: {  	[sflag:s18] =	ssyncadd.s32 $0xFFFFC000  }
0x1cd: {  	[tilespmem:s12], [sflag:$0x1] =	stream.indirect.gather [hbm4b:s4+s15], $0x80, s23, s15, $0xb8;
	[tilespmem:$0x1CC00] =	vst v63  }
0x1ce: {  	_ = 	snop  }
0x1cf: {  	[spmem:s2] =	stream.indirect.scatter.add.f32 [tilespmem:s17], [sflag:$0x3], $0x80, s24, s15, $0xb8;
	[tilespmem:$0x1CC00] =	vst v63  }
0x1d0: {  	_ =	swait.ge [sflag:s13], $0x4000  }
0x1d1: {  	[sflag:s13] =	ssyncset.done $0x0  }
0x1d2: {  	[sflag:s13] =	ssyncadd.s32 $0xFFFFC000  }
0x1d3: {  	_ =	swait.ge [sflag:s16], $0x4000  }
0x1d4: {  	[sflag:s16] =	ssyncset.done $0x0  }
0x1d5: {  	[sflag:s16] =	ssyncadd.s32 $0xFFFFC000  }
0x1d6: {  	[tilespmem:s17], [sflag:$0x2] =	stream.indirect.gather [hbm4b:s4+s15], $0x80, s25, s15, $0xb8;
	[tilespmem:$0x1CC00] =	vst v63  }
0x1d7: {  	_ = 	snop  }
0x1d8: {  	[spmem:s2] =	stream.indirect.scatter.add.f32 [tilespmem:s12], [sflag:$0x3], $0x80, s26, s15, $0xb8;
	[tilespmem:$0x1CC00] =	vst v63  }
0x1d9: {  	_ =	swait.ge [sflag:s13], $0x4000  }
0x1da: {  	[sflag:s13] =	ssyncset.done $0x0  }
0x1db: {  	[sflag:s13] =	ssyncadd.s32 $0xFFFFC000  }
0x1dc: {  	_ =	swait.ge [sflag:s18], $0x4000  }
0x1dd: {  	[sflag:s18] =	ssyncset.done $0x0  }
0x1de: {  	[sflag:s18] =	ssyncadd.s32 $0xFFFFC000  }
0x1df: {  	[tilespmem:s12], [sflag:$0x1] =	stream.indirect.gather [hbm4b:s4+s15], $0x80, s28, s15, $0xb8;
	[tilespmem:$0x1CC00] =	vst v63  }
0x1e0: {  	_ = 	snop  }
0x1e1: {  	[spmem:s2] =	stream.indirect.scatter.add.f32 [tilespmem:s17], [sflag:$0x3], $0x80, s29, s15, $0xb8;
	[tilespmem:$0x1CC00] =	vst v63  }
0x1e2: {  	_ =	swait.ge [sflag:s13], $0x4000  }
0x1e3: {  	[sflag:s13] =	ssyncset.done $0x0  }
0x1e4: {  	[sflag:s13] =	ssyncadd.s32 $0xFFFFC000  }
0x1e5: {  	_ =	swait.ge [sflag:s16], $0x4000  }
0x1e6: {  	[sflag:s16] =	ssyncset.done $0x0  }
0x1e7: {  	[sflag:s16] =	ssyncadd.s32 $0xFFFFC000  }
0x1e8: {  	[tilespmem:s17], [sflag:$0x2] =	stream.indirect.gather [hbm4b:s4+s15], $0x80, s30, s15, $0xb8;
	[tilespmem:$0x1CC00] =	vst v63  }
0x1e9: {  	_ = 	snop  }
0x1ea: {  	[spmem:s2] =	stream.indirect.scatter.add.f32 [tilespmem:s12], [sflag:$0x3], $0x80, s31, s15, $0xb8;
	[tilespmem:$0x1CC00] =	vst v63  }
0x1eb: {  	_ =	swait.ge [sflag:s13], $0x4000  }
0x1ec: {  	[sflag:s13] =	ssyncset.done $0x0  }
0x1ed: {  	[sflag:s13] =	ssyncadd.s32 $0xFFFFC000  }
0x1ee: {  	_ =	swait.ge [sflag:s18], $0x4000  }
0x1ef: {  	[sflag:s18] =	ssyncset.done $0x0  }
0x1f0: {  	[sflag:s18] =	ssyncadd.s32 $0xFFFFC000  }
0x1f1: {  	[tilespmem:s12], [sflag:$0x1] =	stream.indirect.gather [hbm4b:s4+s15], $0x80, s1, s15, $0xb8;
	[tilespmem:$0x1CC00] =	vst v63  }
0x1f2: {  	_ = 	snop  }
0x1f3: {  	[spmem:s2] =	stream.indirect.scatter.add.f32 [tilespmem:s17], [sflag:$0x3], $0x80, s0, s15, $0xb8;
	[tilespmem:$0x1CC00] =	vst v63  }
0x1f4: {  	_ =	swait.ge [sflag:s13], $0x4000  }
0x1f5: {  	[sflag:s13] =	ssyncset.done $0x0  }
0x1f6: {  	[sflag:s13] =	ssyncadd.s32 $0xFFFFC000  }
0x1f7: {  	_ =	swait.ge [sflag:s16], $0x4000  }
0x1f8: {  	[sflag:s16] =	ssyncset.done $0x0  }
0x1f9: {  	[sflag:s16] =	ssyncadd.s32 $0xFFFFC000  }
0x1fa: {  	[tilespmem:s17], [sflag:$0x2] =	stream.indirect.gather [hbm4b:s4+s15], $0x80, s6, s15, $0xb8;
	[tilespmem:$0x1CC00] =	vst v63  }
0x1fb: {  	_ = 	snop  }
0x1fc: {  	[spmem:s2] =	stream.indirect.scatter.add.f32 [tilespmem:s12], [sflag:$0x3], $0x80, s7, s15, $0xb8;
	[tilespmem:$0x1CC00] =	vst v63  }
0x1fd: {  	_ =	swait.ge [sflag:s13], $0x4000  }
0x1fe: {  	[sflag:s13] =	ssyncset.done $0x0  }
0x1ff: {  	[sflag:s13] =	ssyncadd.s32 $0xFFFFC000  }
0x200: {  	_ =	swait.ge [sflag:s18], $0x4000  }
0x201: {  	[sflag:s18] =	ssyncset.done $0x0  }
0x202: {  	[sflag:s18] =	ssyncadd.s32 $0xFFFFC000  }
0x203: {  	[spmem:s2] =	stream.indirect.scatter.add.f32 [tilespmem:s17], [sflag:$0x3], $0x80, s8, s15, $0xb8;
	[tilespmem:$0x1CC00] =	vst v63  }
0x204: {  	_ =	swait.ge [sflag:s13], $0x4000  }
0x205: {  	[sflag:s13] =	ssyncset.done $0x0  }
0x206: {  	[sflag:s13] =	ssyncadd.s32 $0xFFFFC000  }
0x207: {  	s9 =	stileid.u32;
	[bflag:$0x0] =	sbarrier.arrive $0xFFFF  }
0x208: {  	s5 =	sshll.u32 s9, $0x6;
	s10 =	rddreg [dreg:$0x11]  }
0x209: {  	s5 =	sor.u32 $0x1C03, s5;
	s11 =	rddreg [dreg:$0x16];
	s9 =	sshrl.u32 s10, $0x3  }
0x20a: {  	[hbm:s11], [sflag:s5] =	dma.local [spmem:s9], $0x2780  }
0x20b: {  	_ =	swait.ge [sflag:s13], $0x2780  }
0x20c: {  	s10 =	rddreg [dreg:$0x18]  }
0x20d: {  	s11 =	rddreg [dreg:$0x17];
	s9 =	sadd.s32 $0x1, s10  }
0x20e: {  	p0 =	sne.s32 s9, s11  }
.Ltmp2:
0x20f: {  	_ = 	snop;
	(pc) =	sbr.rel @p0 .LBB2_1-.Ltmp2, $3  }
0x210: {  	_ =	sdelay $0x1  }
0x211: {  	[sflag:s13] =	ssyncset.done $0x0  }
0x212: {  	[sflag:s13] =	ssyncadd.s32 $0xFFFFD880  }
0x213: {  	_ =	sfence.sel $0x180000  }
0x214: {  	[bflag:$0x0] =	sbarrier.arrive $0xFFFF  }
0x215: {  	_ =	strace $0x90000047  }
0x216: {  	s0 =	stileid.u32;
	[bflag:$0x2] =	sbarrier.arrive $0xFFFF  }
0x217: {  	p0 =	sne.s32 s0, $0x0;
	s0 =	rddreg [dreg:$0x2]  }
0x218: {  	s0 =	sadd.s32 @!p0 $0x100000, s0  }
0x219: {  	[sflag:s0] =	ssyncadd.tile.s32 @!p0 $0x1;
	_ =	shalt  }
.Lfunc_end2:
_tile_overlayer_lowered:
.L_overlay_start_2:
0x21a: {  	(tag) =	ssettag $0x2  }
0x21b: {  	s0 =	rddreg [dreg:$0x0];
	s2 =	stileid.u32  }
0x21c: {  	s1 =	rddreg [dreg:$0x1];
	p0 =	sne.s32 s2, $0x0  }
0x21d: {  	s3 =	rddreg [dreg:$0x2];
	[bflag:$0x3] =	sbarrier.arrive $0xFFFF;
	s2 =	simm.s32 @!p0 $0x1C03  }
0x21e: {  	[timem:s3], [sflag:s2] =	dma.local @!p0 [hbm:s0], s1  }
0x21f: {  	s0 =	simm.s32 @!p0 $0x3  }
0x220: {  	_ =	swait.ge @!p0 [sflag:s0], s1  }
0x221: {  	s1 =	ssub.s32 @!p0 $0x0, s1;
	[sflag:s0] =	ssyncset.done @!p0 $0x0  }
0x222: {  	[sflag:s0] =	ssyncadd.s32 @!p0 s1  }
0x223: {  	[bflag:$0x3] =	sbarrier.arrive $0xFFFF  }
0x224: {  	_ =	shalt  }

// kernel: kernel.14.cloned.1.call-start
scs
__scs_entry_jumppad:
0x0: {  	(pc) =	sbr.rel $0x88, $3  }
0x1: {  	(tag) =	ssettag $0x0;
	lr =	simm.s32 $0x1  }
0x2: {  	[smem:$0x3F8F] =	sst lr;
	_ =	strace $0xD0000000  }
0x3: {  	_ = 	snop  }
0x4: {  	_ = 	snop  }
0x5: {  	_ = 	snop  }
0x6: {  	_ = 	snop  }
0x7: {  	_ = 	snop  }
__scs_overlays_trampoline_lowered:
0x8: {  	[smem:$0x3F9E] =	sst s0  }
0x9: {  	[smem:$0x3F9F] =	sst s1  }
0xa: {  	[smem:$0x3FA0] =	sst s2  }
0xb: {  	[smem:$0x3FA1] =	sst s3  }
0xc: {  	[smem:$0x3FA2] =	sst s4  }
0xd: {  	[smem:$0x3FA3] =	sst s5  }
0xe: {  	[smem:$0x3FA4] =	sst s6  }
0xf: {  	[smem:$0x3FA5] =	sst s7  }
0x10: {  	[smem:$0x3FA6] =	sst s8  }
0x11: {  	[smem:$0x3FA7] =	sst s9;
	s0 =	simm.s32 @!p0 $0x0  }
0x12: {  	s1 =	sld [smem:$0x3F8D];
	s0 =	simm.s32 @p0 $0x1  }
0x13: {  	[smem:$0x3FA8] =	sst s0;
	s0 =	simm.s32 @!p1 $0x0  }
0x14: {  	s2 =	sld [smem:$0x3F8C];
	s0 =	simm.s32 @p1 $0x1  }
0x15: {  	[smem:$0x3FA9] =	sst s0;
	s0 =	simm.s32 @!p2 $0x0  }
0x16: {  	s3 =	sld [smem:$0x3FDB];
	s0 =	simm.s32 @p2 $0x1  }
0x17: {  	s4 =	simm.s32 $0x1BF5;
	[smem:$0x3FAB] =	sst s0  }
0x18: {  	s0 =	sld [smem:$0x3F8E];
	_ =	swait.ge [sflag:s4], $0x0  }
0x19: {  	s7 =	sld [smem:$0x3F8F]  }
0x1a: {  	s8 =	sadd.s32 $0xFFFFE003, lr  }
0x1b: {  	s9 =	sadd.s32 $0xFFFFFEF7, lr;
	s5 =	simm.s32 $0xFFFFFFFF;
	p2 =	slt.u32 s8, $0xFFFFF086  }
0x1c: {  	p1 =	slt.u32 s9, $0xF7A;
	s5 =	simm.s32 @!p2 $0x0  }
0x1d: {  	s5 =	simm.s32 @p1 $0x1;
	p0 =	seq.s32 s7, s2  }
0x1e: {  	s7 =	smul.u32 @!p0 $0xF7A, s2;
	p2 =	seq.s32 @!p0 s5, $0x0  }
0x1f: {  	s9 =	smul.u32 $0xF7A, s1;
	s8 =	simm.s32 @!p0 $0x1BF5;
	p2 =	por !p2, p0  }
0x20: {  	[sflag:s8] =	ssyncset.s32 @!p0 $0xFFFFF086;
	s6 =	sadd.s32 @!p0 s3, s7;
	s7 =	simm.s32 @!p0 $0x108  }
0x21: {  	s3 =	sadd.s32 s3, s9;
	s6 =	sadd.s32 @!p0 $0x88, s6;
	s7 =	simm.s32 @p2 $0x1082  }
0x22: {  	[simem:s7], [sflag:s8] =	dma.local @!p0 [hbm:s6], $0xF7A  }
0x23: {  	s9 =	sor.u32 $0xD0000000, s2;
	s6 =	simm.s32 $0x108;
	_ =	swait.ge @!p0 [sflag:s8], $0x0  }
0x24: {  	s3 =	sadd.s32 $0x88, s3;
	s6 =	simm.s32 @!p1 $0x1082;
	[sflag:s4] =	ssyncset.s32 $0xFFFFF086  }
0x25: {  	[simem:s6], [sflag:s4] =	dma.local [hbm:s3], $0xF7A  }
0x26: {  	[smem:$0x3F8F] =	sst s1;
	(tag) =	ssettag s2;
	_ =	strace s9  }
0x27: {  	s1 =	sld [smem:$0x3F9F]  }
0x28: {  	s2 =	sld [smem:$0x3FA0]  }
0x29: {  	s4 =	sld [smem:$0x3FA2]  }
0x2a: {  	p0 =	seq.s32 s5, $0x0;
	s5 =	sld [smem:$0x3FA3]  }
0x2b: {  	s6 =	sld [smem:$0x3FA4]  }
0x2c: {  	s7 =	sld [smem:$0x3FA5]  }
0x2d: {  	s3 =	simm.s32 $0x108;
	s8 =	sld [smem:$0x3FA6]  }
0x2e: {  	s3 =	simm.s32 @!p0 $0x1082;
	s9 =	sld [smem:$0x3FA7]  }
0x2f: {  	lr =	sadd.s32 s0, s3;
	s0 =	sld [smem:$0x3F9E]  }
0x30: {  	s3 =	sld [smem:$0x3FA1]  }
0x31: {  	[smem:$0x3FAA] =	sst s10  }
0x32: {  	s10 =	sld [smem:$0x3FA8];
	_ =	sdelay $0x3  }
0x33: {  	p0 =	seq.s32 s10, $0x1;
	s10 =	sld [smem:$0x3FAA];
	_ =	sdelay $0x3  }
0x34: {  	[smem:$0x3FAA] =	sst s10  }
0x35: {  	s10 =	sld [smem:$0x3FA9];
	_ =	sdelay $0x3  }
0x36: {  	p1 =	seq.s32 s10, $0x1;
	s10 =	sld [smem:$0x3FAA];
	_ =	sdelay $0x3  }
0x37: {  	[smem:$0x3FAA] =	sst s10  }
0x38: {  	s10 =	sld [smem:$0x3FAB]  }
0x39: {  	_ = 	snop;
	(pc) =	sbr.ind lr, $3  }
0x3a: {  	_ = 	snop  }
0x3b: {  	_ = 	snop  }
0x3c: {  	p2 =	seq.s32 s10, $0x1;
	s10 =	sld [smem:$0x3FAA]  }
0x3d: {  	_ =	shalt  }
0x3e: {  	_ =	shalt  }
0x3f: {  	_ =	shalt  }
0x40: {  	_ =	shalt  }
0x41: {  	_ =	shalt  }
0x42: {  	_ =	shalt  }
0x43: {  	_ =	shalt  }
0x44: {  	_ =	shalt  }
0x45: {  	_ =	shalt  }
0x46: {  	_ =	shalt  }
0x47: {  	_ =	shalt  }
0x48: {  	_ =	shalt  }
0x49: {  	_ =	shalt  }
0x4a: {  	_ =	shalt  }
0x4b: {  	_ =	shalt  }
0x4c: {  	_ =	shalt  }
0x4d: {  	_ =	shalt  }
0x4e: {  	_ =	shalt  }
0x4f: {  	_ =	shalt  }
0x50: {  	_ =	shalt  }
0x51: {  	_ =	shalt  }
0x52: {  	_ =	shalt  }
0x53: {  	_ =	shalt  }
0x54: {  	_ =	shalt  }
0x55: {  	_ =	shalt  }
0x56: {  	_ =	shalt  }
0x57: {  	_ =	shalt  }
0x58: {  	_ =	shalt  }
0x59: {  	_ =	shalt  }
0x5a: {  	_ =	shalt  }
0x5b: {  	_ =	shalt  }
0x5c: {  	_ =	shalt  }
0x5d: {  	_ =	shalt  }
0x5e: {  	_ =	shalt  }
0x5f: {  	_ =	shalt  }
0x60: {  	_ =	shalt  }
0x61: {  	_ =	shalt  }
0x62: {  	_ =	shalt  }
0x63: {  	_ =	shalt  }
0x64: {  	_ =	shalt  }
0x65: {  	_ =	shalt  }
0x66: {  	_ =	shalt  }
0x67: {  	_ =	shalt  }
0x68: {  	_ =	shalt  }
0x69: {  	_ =	shalt  }
0x6a: {  	_ =	shalt  }
0x6b: {  	_ =	shalt  }
0x6c: {  	_ =	shalt  }
0x6d: {  	_ =	shalt  }
0x6e: {  	_ =	shalt  }
0x6f: {  	_ =	shalt  }
0x70: {  	_ =	shalt  }
0x71: {  	_ =	shalt  }
0x72: {  	_ =	shalt  }
0x73: {  	_ =	shalt  }
0x74: {  	_ =	shalt  }
0x75: {  	_ =	shalt  }
0x76: {  	_ =	shalt  }
0x77: {  	_ =	shalt  }
0x78: {  	_ =	shalt  }
0x79: {  	_ =	shalt  }
0x7a: {  	_ =	shalt  }
0x7b: {  	_ =	shalt  }
0x7c: {  	_ =	shalt  }
0x7d: {  	_ =	shalt  }
0x7e: {  	_ =	shalt  }
0x7f: {  	_ =	shalt  }
0x80: {  	_ =	shalt  }
0x81: {  	_ =	shalt  }
0x82: {  	_ =	shalt  }
0x83: {  	_ =	shalt  }
0x84: {  	_ =	shalt  }
0x85: {  	_ =	shalt  }
0x86: {  	_ =	shalt  }
0x87: {  	_ =	shalt  }
.Lfunc_end0:
.L_simem_size_0:
called_computation.1_lowered:
.L_overlay_start_0:
0x88: {  	s2 =	sld [smem:$0x3FD9]  }
0x89: {  	s3 =	sld [smem:$0x3FFE];
	_ =	sdelay $0x1  }
0x8a: {  	s1 =	srdreg.scid  }
0x8b: {  	s0 =	sand.u32 $0x1, s1  }
0x8c: {  	s16 =	sshll.u32 s0, $0xA;
	s2 =	sadd.s32 s3, s2  }
0x8d: {  	s2 =	sadd.s32 s2, s16  }
0x8e: {  	[smem:$0x3FB6] =	sst s2  }
0x8f: {  	_ = 	snop  }
0x90: {  	(tm) =	ssettm $0x1  }
0x91: {  	s17 =	sld [smem:$0x3FFB];
	_ =	sdelay $0x3  }
0x92: {  	_ =	strace s17  }
0x93: {  	s2 =	sld [smem:$0x3FFC];
	_ =	sdelay $0x3  }
0x94: {  	_ =	strace s2  }
0x95: {  	s2 =	sld [smem:$0x3FFD];
	_ =	sdelay $0x3  }
0x96: {  	_ =	strace s2  }
0x97: {  	_ =	strace $0x8FFFFFFF  }
0x98: {  	s18 =	sld [smem:$0x3FDB];
	_ =	sdelay $0x1  }
0x99: {  	s19 =	simm.s32 $_scs_section_size  }
0x9a: {  	s4 =	simm.s32 $_size__tile_overlayer_lowered;
	s5 =	simm.s32 $_tile_overlayer_lowered  }
0x9b: {  	s22 =	simm.s32 $0x1BFF;
	s21 =	sshll.u32 s5, $0x1;
	s2 =	sadd.s32 s19, s18  }
0x9c: {  	s6 =	simm.s32 $0x0;
	s20 =	sshll.u32 s4, $0x1;
	s4 =	sadd.s32 s21, s2  }
0x9d: {  	[timem:s6], [sflag:s22] =	dma.local [hbm:s4], s20  }
0x9e: {  	_ =	swait.ge [sflag:s22], s20  }
0x9f: {  	s3 =	ssub.s32 $0x0, s20;
	[sflag:s22] =	ssyncset.done $0x0  }
0xa0: {  	[sflag:s22] =	ssyncadd.s32 s3;
	_ =	sdelay $0x1  }
0xa1: {  	s23 =	simm.s32 $0x1B8B  }
0xa2: {  	_ =	swait.ge [sflag:s23], $0x1  }
0xa3: {  	[sflag:s23] =	ssyncset.done $0x0  }
0xa4: {  	s25 =	simm.s32 $0x1B8E;
	s24 =	sld [smem:$0x3FFE];
	[sflag:s23] =	ssyncadd.s32 $0xFFFFFFFF  }
0xa5: {  	s26 =	simm.s32 $execute0_lowered;
	[smem:$0x3FD2] =	sst s25  }
0xa6: {  	s4 =	sshll.u32 s26, $0x1;
	_ =	strace $0x80000049;
	[dreg:$0x1] =	wrdreg $0xFFFFFFFF  }
0xa7: {  	s28 =	simm.s32 $_size_execute0_lowered;
	s2 =	sadd.s32 s2, s4;
	[dreg:$0x0] =	wrdreg $0x0  }
0xa8: {  	s4 =	sshll.u32 s28, $0x1;
	[dreg:$0x2] =	wrdreg s2  }
0xa9: {  	[dreg:$0x3] =	wrdreg s4  }
0xaa: {  	[dreg:$0x4] =	wrdreg $0xC0  }
0xab: {  	_ =	task [dreg:s6], $0x5FFFF  }
0xac: {  	[dreg:$0x1] =	wrdreg $0xFFFFFFFF  }
0xad: {  	[dreg:$0x0] =	wrdreg $0x60  }
0xae: {  	[dreg:$0x2] =	wrdreg s24  }
0xaf: {  	[dreg:$0x3] =	wrdreg $0x90000  }
0xb0: {  	[dreg:$0x4] =	wrdreg $0x9  }
0xb1: {  	_ =	task.clear_ibuf [dreg:s6], $0x5FFFF;
	_ =	strace $0x90000049  }
0xb2: {  	s29 =	simm.s32 $0x9;
	_ =	strace $0x8000004B  }
0xb3: {  	_ =	swait.ge [sflag:s29], $0x1  }
0xb4: {  	[sflag:s29] =	ssyncadd.s32 $0xFFFFFFFF  }
0xb5: {  	_ =	strace $0x9000004B  }
0xb6: {  	_ =	sfence  }
0xb7: {  	s30 =	sld [smem:$0x0];
	_ =	sdelay $0x2  }
0xb8: {  	s31 =	sshll.u32 s1, $0xD;
	s1 =	sshrl.u32 s1, $0x2  }
0xb9: {  	s3 =	sand.u32 $0x4000, s31;
	s1 =	sadd.s32 s1, s30  }
0xba: {  	s0 =	sor.u32 s3, s0;
	s1 =	sshll.u32 s1, $0x11  }
0xbb: {  	s0 =	sor.u32 s1, s0  }
0xbc: {  	s0 =	sadd.s32 $0x8F2B, s0  }
0xbd: {  	[sflag:s0] =	ssyncadd.remote.s32 $0x1  }
0xbe: {  	_ =	sfence.sel $0xFFFF  }
0xbf: {  	[dreg:$0x0] =	wrdreg $0xFFFFFFFF;
	(pc) =	sbr.abs _section_cstart, $3  }
0xc0: {  	[dreg:$0x1] =	wrdreg $0xFFFFFFFF  }
0xc1: {  	_ =	task.clear_ibuf [dreg:s6], $0x2FFFF;
	_ =	strace $0x9FFFFFFF  }
0xc2: {  	(tm) =	ssettm $0x7FFFFFFF  }
0xc3: {  	_ =	shalt  }
tec
execute0_lowered:
.L_overlay_start_1:
0x0: {  	(tag) =	ssettag $0x1  }
0x1: {  	s0 =	srdreg.scid  }
0x2: {  	s8 =	stileid.u32;
	s1 =	rddreg [dreg:$0x0]  }
0x3: {  	s2 =	rddreg [dreg:$0x1];
	s3 =	simm.s32 $0x0;
	s13 =	simm.s32 $0x100  }
0x4: {  	s14 =	simm.s32 $0x880;
	s16 =	simm.s32 $0x180;
	s18 =	simm.s32 $0x900  }
0x5: {  	s19 =	simm.s32 $0x200;
	s20 =	simm.s32 $0x980;
	[smem:$0x7FF] =	sst s3  }
0x6: {  	s21 =	simm.s32 $0x280;
	_ =	strace $0x8000004A;
	[dreg:$0x5] =	wrdreg s13  }
0x7: {  	s22 =	simm.s32 $0xA00;
	s23 =	simm.s32 $0x300;
	[dreg:$0x6] =	wrdreg s14  }
0x8: {  	s24 =	simm.s32 $0xA80;
	s28 =	simm.s32 $0x600;
	[dreg:$0x7] =	wrdreg s16  }
0x9: {  	s29 =	simm.s32 $0xD80;
	s4 =	smul.u32 $0x5000, s8;
	[dreg:$0x8] =	wrdreg s18  }
0xa: {  	s30 =	simm.s32 $0x680;
	s25 =	smul.u32 $0x2780, s8;
	[dreg:$0x9] =	wrdreg s19  }
0xb: {  	s0 =	sand.u32 $0x1, s0;
	s8 =	smul.u32 $0x4F000, s8;
	[dreg:$0xa] =	wrdreg s20  }
0xc: {  	s31 =	simm.s32 $0xE00;
	s5 =	smul.u32 $0x2800, s0;
	[dreg:$0xb] =	wrdreg s21  }
0xd: {  	s7 =	smul.u32 $0x27800, s0;
	s0 =	ssub.s32 $0x2, s0;
	[dreg:$0xc] =	wrdreg s22  }
0xe: {  	s13 =	simm.s32 $0x3;
	s14 =	simm.s32 $0x800;
	[dreg:$0xd] =	wrdreg s23  }
0xf: {  	[dreg:$0xe] =	wrdreg s24;
	s16 =	simm.s32 $0x1;
	s18 =	simm.s32 $0x2  }
0x10: {  	s19 =	simm.s32 $0x400;
	s20 =	simm.s32 $0xB80;
	s21 =	simm.s32 $0x480  }
0x11: {  	s22 =	simm.s32 $0xC00;
	s23 =	simm.s32 $0x500;
	s24 =	simm.s32 $0xC80  }
0x12: {  	s26 =	sshrl.u32 s0, $0x1;
	s10 =	sshrl.u32 s8, $0x2;
	s8 =	simm.s32 $0xF80  }
0x13: {  	s4 =	sadd.s32 s5, s4;
	s5 =	sadd.s32 s25, s7;
	s12 =	sadd.s32 s10, s2  }
0x14: {  	s0 =	ssub.s32 s0, s26;
	s25 =	simm.s32 $0x380;
	[dreg:$0x11] =	wrdreg s12  }
0x15: {  	s26 =	simm.s32 $0xB00;
	s6 =	sshrl.u32 s4, $0x3;
	[dreg:$0xf] =	wrdreg s25  }
0x16: {  	s4 =	sadd.s32 $0x18C00, s1;
	s7 =	sadd.s32 $0x4000, s12;
	[dreg:$0x10] =	wrdreg s26  }
0x17: {  	s15 =	sadd.s32 $0x8000, s12;
	s17 =	sadd.s32 $0xC000, s12;
	[dreg:$0x12] =	wrdreg s7  }
0x18: {  	s0 =	smax.u32 s0, $0x1;
	s25 =	simm.s32 $0x580;
	[dreg:$0x13] =	wrdreg s15  }
0x19: {  	s26 =	simm.s32 $0xD00;
	s6 =	sadd.s32 s6, s1;
	[dreg:$0x14] =	wrdreg s17  }
0x1a: {  	s1 =	sadd.s32 s5, s1;
	[dreg:$0x17] =	wrdreg s0;
	s9 =	sadd.s32 $0x4C00, s6  }
0x1b: {  	s15 =	simm.s32 $0x80;
	s11 =	sadd.s32 $0xEC00, s6;
	[dreg:$0x3] =	wrdreg s9  }
0x1c: {  	s17 =	simm.s32 $0x5000;
	s6 =	sadd.s32 $0x10000, s12;
	[dreg:$0x4] =	wrdreg s11  }
0x1d: {  	s0 =	simm.s32 $0xE80;
	s1 =	sadd.s32 $0x40400, s1;
	[dreg:$0x15] =	wrdreg s6  }
0x1e: {  	s7 =	simm.s32 $0xF00;
	s12 =	simm.s32 $0x1000;
	[dreg:$0x16] =	wrdreg s1  }
0x1f: {  	v0 =	vimm.f32 $0.0e+00;
	s1 =	simm.s32 $0x700;
	s6 =	simm.s32 $0x780;
	s9 =	simm.s32 $0x0  }
.LBB2_1:
0x20: {  	s5 =	sand.u32 $0xFE00, s3  }
0x21: {  	[dreg:$0x18] =	wrdreg s9;
	s11 =	sand.u32 $0x70, s3;
	s5 =	sshrl.u32 s5, $0x2  }
0x22: {  	s10 =	simm.s32 $0x40;
	s5 =	sor.u32 s11, s5;
	s11 =	simm.s32 $0x0  }
.LBB2_2:
0x23: {  	p0 =	sne.s32 s10, $0xFFC0  }
0x24: {  	[tilespmem:s5+$0x1000] =	vst v0;
	s11 =	sadd.s32 $0x10, s11;
	s5 =	smov.u32 s10;
	s10 =	sadd.s32 $0x40, s10  }
.Ltmp0:
0x25: {  	(pc) =	sbr.rel @p0 .LBB2_2-.Ltmp0, $4  }
0x26: {  	_ = 	snop  }
0x27: {  	s5 =	sand.u32 $0xFE00, s5  }
0x28: {  	s9 =	sand.u32 $0x70, s11;
	s5 =	sshrl.u32 s5, $0x2  }
0x29: {  	s5 =	sor.u32 s9, s5  }
0x2a: {  	[tilespmem:s5+$0x1000] =	vst v0;
	s10 =	rddreg [dreg:$0x11]  }
0x2b: {  	[spmem:s10] =	stream.linear.scatter [tilespmem:s12], [sflag:$0x3], $0x4000, $0x38;
	[tilespmem:$0x1CC00] =	vst v63  }
0x2c: {  	_ =	swait.ge [sflag:s13], $0x4000  }
0x2d: {  	[sflag:s13] =	ssyncset.done $0x0  }
0x2e: {  	s11 =	rddreg [dreg:$0x12];
	[sflag:s13] =	ssyncadd.s32 $0xFFFFC000  }
0x2f: {  	[spmem:s11] =	stream.linear.scatter [tilespmem:s12], [sflag:$0x3], $0x4000, $0x38;
	[tilespmem:$0x1CC00] =	vst v63  }
0x30: {  	_ =	swait.ge [sflag:s13], $0x4000  }
0x31: {  	[sflag:s13] =	ssyncset.done $0x0  }
0x32: {  	s9 =	rddreg [dreg:$0x13];
	[sflag:s13] =	ssyncadd.s32 $0xFFFFC000  }
0x33: {  	[spmem:s9] =	stream.linear.scatter [tilespmem:s12], [sflag:$0x3], $0x4000, $0x38;
	[tilespmem:$0x1CC00] =	vst v63  }
0x34: {  	_ =	swait.ge [sflag:s13], $0x4000  }
0x35: {  	[sflag:s13] =	ssyncset.done $0x0  }
0x36: {  	s10 =	rddreg [dreg:$0x14];
	[sflag:s13] =	ssyncadd.s32 $0xFFFFC000  }
0x37: {  	[spmem:s10] =	stream.linear.scatter [tilespmem:s12], [sflag:$0x3], $0x4000, $0x38;
	[tilespmem:$0x1CC00] =	vst v63  }
0x38: {  	_ =	swait.ge [sflag:s13], $0x4000  }
0x39: {  	[sflag:s13] =	ssyncset.done $0x0  }
0x3a: {  	s11 =	rddreg [dreg:$0x15];
	[sflag:s13] =	ssyncadd.s32 $0xFFFFC000  }
0x3b: {  	[spmem:s11] =	stream.linear.scatter [tilespmem:s12], [sflag:$0x3], $0x3C00, $0x38;
	[tilespmem:$0x1CC00] =	vst v63  }
0x3c: {  	_ =	swait.ge [sflag:s13], $0x3C00  }
0x3d: {  	[sflag:s13] =	ssyncset.done $0x0  }
0x3e: {  	[sflag:s13] =	ssyncadd.s32 $0xFFFFC400  }
0x3f: {  	[bflag:$0x0] =	sbarrier.arrive $0xFFFF  }
0x40: {  	s9 =	rddreg [dreg:$0x4]  }
0x41: {  	s5 =	sadd.s32 $0x0, s9  }
0x42: {  	[tilespmem:s3], [sflag:$0x3] =	stream.linear.gather [hbm4b:s5+s3], $0x800, $0x38;
	[tilespmem:$0x1CC00] =	vst v63  }
0x43: {  	_ =	swait.ge [sflag:s13], $0x800  }
0x44: {  	s10 =	rddreg [dreg:$0x3];
	[sflag:s13] =	ssyncset.done $0x0  }
0x45: {  	[sflag:s13] =	ssyncadd.s32 $0xFFFFF800;
	s5 =	sadd.s32 $0x0, s10  }
0x46: {  	[tilespmem:s14], [sflag:$0x3] =	stream.linear.gather [hbm4b:s5+s3], $0x800, $0x38;
	[tilespmem:$0x1CC00] =	vst v63  }
0x47: {  	_ =	swait.ge [sflag:s13], $0x800  }
0x48: {  	[sflag:s13] =	ssyncset.done $0x0  }
0x49: {  	[sflag:s13] =	ssyncadd.s32 $0xFFFFF800  }
0x4a: {  	[tilespmem:s12], [sflag:$0x1] =	stream.indirect.gather [hbm4b:s4+s15], $0x80, s3, s15, $0xb8;
	[tilespmem:$0x1CC00] =	vst v63  }
0x4b: {  	_ =	swait.ge [sflag:s16], $0x4000  }
0x4c: {  	[sflag:s16] =	ssyncset.done $0x0  }
0x4d: {  	[sflag:s16] =	ssyncadd.s32 $0xFFFFC000  }
0x4e: {  	[tilespmem:s17], [sflag:$0x2] =	stream.indirect.gather [hbm4b:s4+s15], $0x80, s15, s15, $0xb8;
	[tilespmem:$0x1CC00] =	vst v63  }
0x4f: {  	_ = 	snop  }
0x50: {  	[spmem:s2] =	stream.indirect.scatter.add.f32 [tilespmem:s12], [sflag:$0x3], $0x80, s14, s15, $0xb8;
	[tilespmem:$0x1CC00] =	vst v63  }
0x51: {  	_ =	swait.ge [sflag:s13], $0x4000  }
0x52: {  	[sflag:s13] =	ssyncset.done $0x0  }
0x53: {  	[sflag:s13] =	ssyncadd.s32 $0xFFFFC000  }
0x54: {  	_ =	swait.ge [sflag:s18], $0x4000  }
0x55: {  	[sflag:s18] =	ssyncset.done $0x0  }
0x56: {  	s11 =	rddreg [dreg:$0x5];
	[sflag:s18] =	ssyncadd.s32 $0xFFFFC000  }
0x57: {  	[tilespmem:s12], [sflag:$0x1] =	stream.indirect.gather [hbm4b:s4+s15], $0x80, s11, s15, $0xb8;
	[tilespmem:$0x1CC00] =	vst v63  }
0x58: {  	s9 =	rddreg [dreg:$0x6]  }
0x59: {  	[spmem:s2] =	stream.indirect.scatter.add.f32 [tilespmem:s17], [sflag:$0x3], $0x80, s9, s15, $0xb8;
	[tilespmem:$0x1CC00] =	vst v63  }
0x5a: {  	_ =	swait.ge [sflag:s13], $0x4000  }
0x5b: {  	[sflag:s13] =	ssyncset.done $0x0  }
0x5c: {  	[sflag:s13] =	ssyncadd.s32 $0xFFFFC000  }
0x5d: {  	_ =	swait.ge [sflag:s16], $0x4000  }
0x5e: {  	[sflag:s16] =	ssyncset.done $0x0  }
0x5f: {  	s10 =	rddreg [dreg:$0x7];
	[sflag:s16] =	ssyncadd.s32 $0xFFFFC000  }
0x60: {  	[tilespmem:s17], [sflag:$0x2] =	stream.indirect.gather [hbm4b:s4+s15], $0x80, s10, s15, $0xb8;
	[tilespmem:$0x1CC00] =	vst v63  }
0x61: {  	s11 =	rddreg [dreg:$0x8]  }
0x62: {  	[spmem:s2] =	stream.indirect.scatter.add.f32 [tilespmem:s12], [sflag:$0x3], $0x80, s11, s15, $0xb8;
	[tilespmem:$0x1CC00] =	vst v63  }
0x63: {  	_ =	swait.ge [sflag:s13], $0x4000  }
0x64: {  	[sflag:s13] =	ssyncset.done $0x0  }
0x65: {  	[sflag:s13] =	ssyncadd.s32 $0xFFFFC000  }
0x66: {  	_ =	swait.ge [sflag:s18], $0x4000  }
0x67: {  	[sflag:s18] =	ssyncset.done $0x0  }
0x68: {  	s10 =	rddreg [dreg:$0x9];
	[sflag:s18] =	ssyncadd.s32 $0xFFFFC000  }
0x69: {  	[tilespmem:s12], [sflag:$0x1] =	stream.indirect.gather [hbm4b:s4+s15], $0x80, s10, s15, $0xb8;
	[tilespmem:$0x1CC00] =	vst v63  }
0x6a: {  	s11 =	rddreg [dreg:$0xa]  }
0x6b: {  	[spmem:s2] =	stream.indirect.scatter.add.f32 [tilespmem:s17], [sflag:$0x3], $0x80, s11, s15, $0xb8;
	[tilespmem:$0x1CC00] =	vst v63  }
0x6c: {  	_ =	swait.ge [sflag:s13], $0x4000  }
0x6d: {  	[sflag:s13] =	ssyncset.done $0x0  }
0x6e: {  	[sflag:s13] =	ssyncadd.s32 $0xFFFFC000  }
0x6f: {  	_ =	swait.ge [sflag:s16], $0x4000  }
0x70: {  	[sflag:s16] =	ssyncset.done $0x0  }
0x71: {  	s10 =	rddreg [dreg:$0xb];
	[sflag:s16] =	ssyncadd.s32 $0xFFFFC000  }
0x72: {  	[tilespmem:s17], [sflag:$0x2] =	stream.indirect.gather [hbm4b:s4+s15], $0x80, s10, s15, $0xb8;
	[tilespmem:$0x1CC00] =	vst v63  }
0x73: {  	s11 =	rddreg [dreg:$0xc]  }
0x74: {  	[spmem:s2] =	stream.indirect.scatter.add.f32 [tilespmem:s12], [sflag:$0x3], $0x80, s11, s15, $0xb8;
	[tilespmem:$0x1CC00] =	vst v63  }
0x75: {  	_ =	swait.ge [sflag:s13], $0x4000  }
0x76: {  	[sflag:s13] =	ssyncset.done $0x0  }
0x77: {  	[sflag:s13] =	ssyncadd.s32 $0xFFFFC000  }
0x78: {  	_ =	swait.ge [sflag:s18], $0x4000  }
0x79: {  	[sflag:s18] =	ssyncset.done $0x0  }
0x7a: {  	s10 =	rddreg [dreg:$0xd];
	[sflag:s18] =	ssyncadd.s32 $0xFFFFC000  }
0x7b: {  	[tilespmem:s12], [sflag:$0x1] =	stream.indirect.gather [hbm4b:s4+s15], $0x80, s10, s15, $0xb8;
	[tilespmem:$0x1CC00] =	vst v63  }
0x7c: {  	s11 =	rddreg [dreg:$0xe]  }
0x7d: {  	[spmem:s2] =	stream.indirect.scatter.add.f32 [tilespmem:s17], [sflag:$0x3], $0x80, s11, s15, $0xb8;
	[tilespmem:$0x1CC00] =	vst v63  }
0x7e: {  	_ =	swait.ge [sflag:s13], $0x4000  }
0x7f: {  	[sflag:s13] =	ssyncset.done $0x0  }
0x80: {  	[sflag:s13] =	ssyncadd.s32 $0xFFFFC000  }
0x81: {  	_ =	swait.ge [sflag:s16], $0x4000  }
0x82: {  	[sflag:s16] =	ssyncset.done $0x0  }
0x83: {  	s10 =	rddreg [dreg:$0xf];
	[sflag:s16] =	ssyncadd.s32 $0xFFFFC000  }
0x84: {  	[tilespmem:s17], [sflag:$0x2] =	stream.indirect.gather [hbm4b:s4+s15], $0x80, s10, s15, $0xb8;
	[tilespmem:$0x1CC00] =	vst v63  }
0x85: {  	s11 =	rddreg [dreg:$0x10]  }
0x86: {  	[spmem:s2] =	stream.indirect.scatter.add.f32 [tilespmem:s12], [sflag:$0x3], $0x80, s11, s15, $0xb8;
	[tilespmem:$0x1CC00] =	vst v63  }
0x87: {  	_ =	swait.ge [sflag:s13], $0x4000  }
0x88: {  	[sflag:s13] =	ssyncset.done $0x0  }
0x89: {  	[sflag:s13] =	ssyncadd.s32 $0xFFFFC000  }
0x8a: {  	_ =	swait.ge [sflag:s18], $0x4000  }
0x8b: {  	[sflag:s18] =	ssyncset.done $0x0  }
0x8c: {  	[sflag:s18] =	ssyncadd.s32 $0xFFFFC000  }
0x8d: {  	[tilespmem:s12], [sflag:$0x1] =	stream.indirect.gather [hbm4b:s4+s15], $0x80, s19, s15, $0xb8;
	[tilespmem:$0x1CC00] =	vst v63  }
0x8e: {  	_ = 	snop  }
0x8f: {  	[spmem:s2] =	stream.indirect.scatter.add.f32 [tilespmem:s17], [sflag:$0x3], $0x80, s20, s15, $0xb8;
	[tilespmem:$0x1CC00] =	vst v63  }
0x90: {  	_ =	swait.ge [sflag:s13], $0x4000  }
0x91: {  	[sflag:s13] =	ssyncset.done $0x0  }
0x92: {  	[sflag:s13] =	ssyncadd.s32 $0xFFFFC000  }
0x93: {  	_ =	swait.ge [sflag:s16], $0x4000  }
0x94: {  	[sflag:s16] =	ssyncset.done $0x0  }
0x95: {  	[sflag:s16] =	ssyncadd.s32 $0xFFFFC000  }
0x96: {  	[tilespmem:s17], [sflag:$0x2] =	stream.indirect.gather [hbm4b:s4+s15], $0x80, s21, s15, $0xb8;
	[tilespmem:$0x1CC00] =	vst v63  }
0x97: {  	_ = 	snop  }
0x98: {  	[spmem:s2] =	stream.indirect.scatter.add.f32 [tilespmem:s12], [sflag:$0x3], $0x80, s22, s15, $0xb8;
	[tilespmem:$0x1CC00] =	vst v63  }
0x99: {  	_ =	swait.ge [sflag:s13], $0x4000  }
0x9a: {  	[sflag:s13] =	ssyncset.done $0x0  }
0x9b: {  	[sflag:s13] =	ssyncadd.s32 $0xFFFFC000  }
0x9c: {  	_ =	swait.ge [sflag:s18], $0x4000  }
0x9d: {  	[sflag:s18] =	ssyncset.done $0x0  }
0x9e: {  	[sflag:s18] =	ssyncadd.s32 $0xFFFFC000  }
0x9f: {  	[tilespmem:s12], [sflag:$0x1] =	stream.indirect.gather [hbm4b:s4+s15], $0x80, s23, s15, $0xb8;
	[tilespmem:$0x1CC00] =	vst v63  }
0xa0: {  	_ = 	snop  }
0xa1: {  	[spmem:s2] =	stream.indirect.scatter.add.f32 [tilespmem:s17], [sflag:$0x3], $0x80, s24, s15, $0xb8;
	[tilespmem:$0x1CC00] =	vst v63  }
0xa2: {  	_ =	swait.ge [sflag:s13], $0x4000  }
0xa3: {  	[sflag:s13] =	ssyncset.done $0x0  }
0xa4: {  	[sflag:s13] =	ssyncadd.s32 $0xFFFFC000  }
0xa5: {  	_ =	swait.ge [sflag:s16], $0x4000  }
0xa6: {  	[sflag:s16] =	ssyncset.done $0x0  }
0xa7: {  	[sflag:s16] =	ssyncadd.s32 $0xFFFFC000  }
0xa8: {  	[tilespmem:s17], [sflag:$0x2] =	stream.indirect.gather [hbm4b:s4+s15], $0x80, s25, s15, $0xb8;
	[tilespmem:$0x1CC00] =	vst v63  }
0xa9: {  	_ = 	snop  }
0xaa: {  	[spmem:s2] =	stream.indirect.scatter.add.f32 [tilespmem:s12], [sflag:$0x3], $0x80, s26, s15, $0xb8;
	[tilespmem:$0x1CC00] =	vst v63  }
0xab: {  	_ =	swait.ge [sflag:s13], $0x4000  }
0xac: {  	[sflag:s13] =	ssyncset.done $0x0  }
0xad: {  	[sflag:s13] =	ssyncadd.s32 $0xFFFFC000  }
0xae: {  	_ =	swait.ge [sflag:s18], $0x4000  }
0xaf: {  	[sflag:s18] =	ssyncset.done $0x0  }
0xb0: {  	[sflag:s18] =	ssyncadd.s32 $0xFFFFC000  }
0xb1: {  	[tilespmem:s12], [sflag:$0x1] =	stream.indirect.gather [hbm4b:s4+s15], $0x80, s28, s15, $0xb8;
	[tilespmem:$0x1CC00] =	vst v63  }
0xb2: {  	_ = 	snop  }
0xb3: {  	[spmem:s2] =	stream.indirect.scatter.add.f32 [tilespmem:s17], [sflag:$0x3], $0x80, s29, s15, $0xb8;
	[tilespmem:$0x1CC00] =	vst v63  }
0xb4: {  	_ =	swait.ge [sflag:s13], $0x4000  }
0xb5: {  	[sflag:s13] =	ssyncset.done $0x0  }
0xb6: {  	[sflag:s13] =	ssyncadd.s32 $0xFFFFC000  }
0xb7: {  	_ =	swait.ge [sflag:s16], $0x4000  }
0xb8: {  	[sflag:s16] =	ssyncset.done $0x0  }
0xb9: {  	[sflag:s16] =	ssyncadd.s32 $0xFFFFC000  }
0xba: {  	[tilespmem:s17], [sflag:$0x2] =	stream.indirect.gather [hbm4b:s4+s15], $0x80, s30, s15, $0xb8;
	[tilespmem:$0x1CC00] =	vst v63  }
0xbb: {  	_ = 	snop  }
0xbc: {  	[spmem:s2] =	stream.indirect.scatter.add.f32 [tilespmem:s12], [sflag:$0x3], $0x80, s31, s15, $0xb8;
	[tilespmem:$0x1CC00] =	vst v63  }
0xbd: {  	_ =	swait.ge [sflag:s13], $0x4000  }
0xbe: {  	[sflag:s13] =	ssyncset.done $0x0  }
0xbf: {  	[sflag:s13] =	ssyncadd.s32 $0xFFFFC000  }
0xc0: {  	_ =	swait.ge [sflag:s18], $0x4000  }
0xc1: {  	[sflag:s18] =	ssyncset.done $0x0  }
0xc2: {  	[sflag:s18] =	ssyncadd.s32 $0xFFFFC000  }
0xc3: {  	[tilespmem:s12], [sflag:$0x1] =	stream.indirect.gather [hbm4b:s4+s15], $0x80, s1, s15, $0xb8;
	[tilespmem:$0x1CC00] =	vst v63  }
0xc4: {  	_ = 	snop  }
0xc5: {  	[spmem:s2] =	stream.indirect.scatter.add.f32 [tilespmem:s17], [sflag:$0x3], $0x80, s0, s15, $0xb8;
	[tilespmem:$0x1CC00] =	vst v63  }
0xc6: {  	_ =	swait.ge [sflag:s13], $0x4000  }
0xc7: {  	[sflag:s13] =	ssyncset.done $0x0  }
0xc8: {  	[sflag:s13] =	ssyncadd.s32 $0xFFFFC000  }
0xc9: {  	_ =	swait.ge [sflag:s16], $0x4000  }
0xca: {  	[sflag:s16] =	ssyncset.done $0x0  }
0xcb: {  	[sflag:s16] =	ssyncadd.s32 $0xFFFFC000  }
0xcc: {  	[tilespmem:s17], [sflag:$0x2] =	stream.indirect.gather [hbm4b:s4+s15], $0x80, s6, s15, $0xb8;
	[tilespmem:$0x1CC00] =	vst v63  }
0xcd: {  	_ = 	snop  }
0xce: {  	[spmem:s2] =	stream.indirect.scatter.add.f32 [tilespmem:s12], [sflag:$0x3], $0x80, s7, s15, $0xb8;
	[tilespmem:$0x1CC00] =	vst v63  }
0xcf: {  	_ =	swait.ge [sflag:s13], $0x4000  }
0xd0: {  	[sflag:s13] =	ssyncset.done $0x0  }
0xd1: {  	[sflag:s13] =	ssyncadd.s32 $0xFFFFC000  }
0xd2: {  	_ =	swait.ge [sflag:s18], $0x4000  }
0xd3: {  	[sflag:s18] =	ssyncset.done $0x0  }
0xd4: {  	[sflag:s18] =	ssyncadd.s32 $0xFFFFC000  }
0xd5: {  	[spmem:s2] =	stream.indirect.scatter.add.f32 [tilespmem:s17], [sflag:$0x3], $0x80, s8, s15, $0xb8;
	[tilespmem:$0x1CC00] =	vst v63  }
0xd6: {  	s10 =	simm.s32 $0x100;
	_ =	swait.ge [sflag:s13], $0x4000  }
0xd7: {  	s11 =	simm.s32 $0x200;
	s5 =	rddreg [dreg:$0x4];
	[sflag:s13] =	ssyncset.done $0x0  }
.LBB2_4:
0xd8: {  	[sflag:s13] =	ssyncadd.s32 $0xFFFFC000;
	s5 =	sadd.s32 s10, s5  }
0xd9: {  	[tilespmem:s3], [sflag:$0x3] =	stream.linear.gather [hbm4b:s5+s3], $0x800, $0x38;
	[tilespmem:$0x1CC00] =	vst v63  }
0xda: {  	_ =	swait.ge [sflag:s13], $0x800  }
0xdb: {  	s5 =	rddreg [dreg:$0x3];
	[sflag:s13] =	ssyncset.done $0x0  }
0xdc: {  	[sflag:s13] =	ssyncadd.s32 $0xFFFFF800;
	s5 =	sadd.s32 s10, s5  }
0xdd: {  	[tilespmem:s14], [sflag:$0x3] =	stream.linear.gather [hbm4b:s5+s3], $0x800, $0x38;
	[tilespmem:$0x1CC00] =	vst v63  }
0xde: {  	_ =	swait.ge [sflag:s13], $0x800  }
0xdf: {  	[sflag:s13] =	ssyncset.done $0x0  }
0xe0: {  	[sflag:s13] =	ssyncadd.s32 $0xFFFFF800  }
0xe1: {  	[tilespmem:s12], [sflag:$0x1] =	stream.indirect.gather [hbm4b:s4+s15], $0x80, s3, s15, $0xb8;
	[tilespmem:$0x1CC00] =	vst v63  }
0xe2: {  	_ =	swait.ge [sflag:s16], $0x4000  }
0xe3: {  	[sflag:s16] =	ssyncset.done $0x0  }
0xe4: {  	[sflag:s16] =	ssyncadd.s32 $0xFFFFC000  }
0xe5: {  	[tilespmem:s17], [sflag:$0x2] =	stream.indirect.gather [hbm4b:s4+s15], $0x80, s15, s15, $0xb8;
	[tilespmem:$0x1CC00] =	vst v63  }
0xe6: {  	_ = 	snop  }
0xe7: {  	[spmem:s2] =	stream.indirect.scatter.add.f32 [tilespmem:s12], [sflag:$0x3], $0x80, s14, s15, $0xb8;
	[tilespmem:$0x1CC00] =	vst v63  }
0xe8: {  	_ =	swait.ge [sflag:s13], $0x4000  }
0xe9: {  	[sflag:s13] =	ssyncset.done $0x0  }
0xea: {  	[sflag:s13] =	ssyncadd.s32 $0xFFFFC000  }
0xeb: {  	_ =	swait.ge [sflag:s18], $0x4000  }
0xec: {  	[sflag:s18] =	ssyncset.done $0x0  }
0xed: {  	s9 =	smov.u32 s11;
	s5 =	rddreg [dreg:$0x5];
	[sflag:s18] =	ssyncadd.s32 $0xFFFFC000  }
0xee: {  	[tilespmem:s12], [sflag:$0x1] =	stream.indirect.gather [hbm4b:s4+s15], $0x80, s5, s15, $0xb8;
	[tilespmem:$0x1CC00] =	vst v63  }
0xef: {  	s10 =	smov.u32 s9;
	s9 =	rddreg [dreg:$0x6]  }
0xf0: {  	[spmem:s2] =	stream.indirect.scatter.add.f32 [tilespmem:s17], [sflag:$0x3], $0x80, s9, s15, $0xb8;
	[tilespmem:$0x1CC00] =	vst v63  }
0xf1: {  	_ =	swait.ge [sflag:s13], $0x4000  }
0xf2: {  	[sflag:s13] =	ssyncset.done $0x0  }
0xf3: {  	[sflag:s13] =	ssyncadd.s32 $0xFFFFC000  }
0xf4: {  	_ =	swait.ge [sflag:s16], $0x4000  }
0xf5: {  	[sflag:s16] =	ssyncset.done $0x0  }
0xf6: {  	s5 =	rddreg [dreg:$0x7];
	[sflag:s16] =	ssyncadd.s32 $0xFFFFC000  }
0xf7: {  	[tilespmem:s17], [sflag:$0x2] =	stream.indirect.gather [hbm4b:s4+s15], $0x80, s5, s15, $0xb8;
	[tilespmem:$0x1CC00] =	vst v63  }
0xf8: {  	s9 =	rddreg [dreg:$0x8]  }
0xf9: {  	[spmem:s2] =	stream.indirect.scatter.add.f32 [tilespmem:s12], [sflag:$0x3], $0x80, s9, s15, $0xb8;
	[tilespmem:$0x1CC00] =	vst v63  }
0xfa: {  	_ =	swait.ge [sflag:s13], $0x4000  }
0xfb: {  	[sflag:s13] =	ssyncset.done $0x0  }
0xfc: {  	[sflag:s13] =	ssyncadd.s32 $0xFFFFC000  }
0xfd: {  	_ =	swait.ge [sflag:s18], $0x4000  }
0xfe: {  	[sflag:s18] =	ssyncset.done $0x0  }
0xff: {  	s5 =	rddreg [dreg:$0x9];
	[sflag:s18] =	ssyncadd.s32 $0xFFFFC000  }
0x100: {  	[tilespmem:s12], [sflag:$0x1] =	stream.indirect.gather [hbm4b:s4+s15], $0x80, s5, s15, $0xb8;
	[tilespmem:$0x1CC00] =	vst v63  }
0x101: {  	s9 =	rddreg [dreg:$0xa]  }
0x102: {  	[spmem:s2] =	stream.indirect.scatter.add.f32 [tilespmem:s17], [sflag:$0x3], $0x80, s9, s15, $0xb8;
	[tilespmem:$0x1CC00] =	vst v63  }
0x103: {  	_ =	swait.ge [sflag:s13], $0x4000  }
0x104: {  	[sflag:s13] =	ssyncset.done $0x0  }
0x105: {  	[sflag:s13] =	ssyncadd.s32 $0xFFFFC000  }
0x106: {  	_ =	swait.ge [sflag:s16], $0x4000  }
0x107: {  	[sflag:s16] =	ssyncset.done $0x0  }
0x108: {  	s5 =	rddreg [dreg:$0xb];
	[sflag:s16] =	ssyncadd.s32 $0xFFFFC000  }
0x109: {  	[tilespmem:s17], [sflag:$0x2] =	stream.indirect.gather [hbm4b:s4+s15], $0x80, s5, s15, $0xb8;
	[tilespmem:$0x1CC00] =	vst v63  }
0x10a: {  	s9 =	rddreg [dreg:$0xc]  }
0x10b: {  	[spmem:s2] =	stream.indirect.scatter.add.f32 [tilespmem:s12], [sflag:$0x3], $0x80, s9, s15, $0xb8;
	[tilespmem:$0x1CC00] =	vst v63  }
0x10c: {  	_ =	swait.ge [sflag:s13], $0x4000  }
0x10d: {  	[sflag:s13] =	ssyncset.done $0x0  }
0x10e: {  	[sflag:s13] =	ssyncadd.s32 $0xFFFFC000  }
0x10f: {  	_ =	swait.ge [sflag:s18], $0x4000  }
0x110: {  	[sflag:s18] =	ssyncset.done $0x0  }
0x111: {  	s5 =	rddreg [dreg:$0xd];
	[sflag:s18] =	ssyncadd.s32 $0xFFFFC000  }
0x112: {  	[tilespmem:s12], [sflag:$0x1] =	stream.indirect.gather [hbm4b:s4+s15], $0x80, s5, s15, $0xb8;
	[tilespmem:$0x1CC00] =	vst v63  }
0x113: {  	s9 =	rddreg [dreg:$0xe]  }
0x114: {  	[spmem:s2] =	stream.indirect.scatter.add.f32 [tilespmem:s17], [sflag:$0x3], $0x80, s9, s15, $0xb8;
	[tilespmem:$0x1CC00] =	vst v63  }
0x115: {  	_ =	swait.ge [sflag:s13], $0x4000  }
0x116: {  	[sflag:s13] =	ssyncset.done $0x0  }
0x117: {  	[sflag:s13] =	ssyncadd.s32 $0xFFFFC000  }
0x118: {  	_ =	swait.ge [sflag:s16], $0x4000  }
0x119: {  	[sflag:s16] =	ssyncset.done $0x0  }
0x11a: {  	s5 =	rddreg [dreg:$0xf];
	[sflag:s16] =	ssyncadd.s32 $0xFFFFC000  }
0x11b: {  	[tilespmem:s17], [sflag:$0x2] =	stream.indirect.gather [hbm4b:s4+s15], $0x80, s5, s15, $0xb8;
	[tilespmem:$0x1CC00] =	vst v63  }
0x11c: {  	s9 =	rddreg [dreg:$0x10]  }
0x11d: {  	[spmem:s2] =	stream.indirect.scatter.add.f32 [tilespmem:s12], [sflag:$0x3], $0x80, s9, s15, $0xb8;
	[tilespmem:$0x1CC00] =	vst v63  }
0x11e: {  	_ =	swait.ge [sflag:s13], $0x4000  }
0x11f: {  	[sflag:s13] =	ssyncset.done $0x0  }
0x120: {  	[sflag:s13] =	ssyncadd.s32 $0xFFFFC000  }
0x121: {  	_ =	swait.ge [sflag:s18], $0x4000  }
0x122: {  	[sflag:s18] =	ssyncset.done $0x0  }
0x123: {  	[sflag:s18] =	ssyncadd.s32 $0xFFFFC000  }
0x124: {  	[tilespmem:s12], [sflag:$0x1] =	stream.indirect.gather [hbm4b:s4+s15], $0x80, s19, s15, $0xb8;
	[tilespmem:$0x1CC00] =	vst v63  }
0x125: {  	_ = 	snop  }
0x126: {  	[spmem:s2] =	stream.indirect.scatter.add.f32 [tilespmem:s17], [sflag:$0x3], $0x80, s20, s15, $0xb8;
	[tilespmem:$0x1CC00] =	vst v63  }
0x127: {  	_ =	swait.ge [sflag:s13], $0x4000  }
0x128: {  	[sflag:s13] =	ssyncset.done $0x0  }
0x129: {  	[sflag:s13] =	ssyncadd.s32 $0xFFFFC000  }
0x12a: {  	_ =	swait.ge [sflag:s16], $0x4000  }
0x12b: {  	[sflag:s16] =	ssyncset.done $0x0  }
0x12c: {  	[sflag:s16] =	ssyncadd.s32 $0xFFFFC000  }
0x12d: {  	[tilespmem:s17], [sflag:$0x2] =	stream.indirect.gather [hbm4b:s4+s15], $0x80, s21, s15, $0xb8;
	[tilespmem:$0x1CC00] =	vst v63  }
0x12e: {  	_ = 	snop  }
0x12f: {  	[spmem:s2] =	stream.indirect.scatter.add.f32 [tilespmem:s12], [sflag:$0x3], $0x80, s22, s15, $0xb8;
	[tilespmem:$0x1CC00] =	vst v63  }
0x130: {  	_ =	swait.ge [sflag:s13], $0x4000  }
0x131: {  	[sflag:s13] =	ssyncset.done $0x0  }
0x132: {  	[sflag:s13] =	ssyncadd.s32 $0xFFFFC000  }
0x133: {  	_ =	swait.ge [sflag:s18], $0x4000  }
0x134: {  	[sflag:s18] =	ssyncset.done $0x0  }
0x135: {  	[sflag:s18] =	ssyncadd.s32 $0xFFFFC000  }
0x136: {  	[tilespmem:s12], [sflag:$0x1] =	stream.indirect.gather [hbm4b:s4+s15], $0x80, s23, s15, $0xb8;
	[tilespmem:$0x1CC00] =	vst v63  }
0x137: {  	_ = 	snop  }
0x138: {  	[spmem:s2] =	stream.indirect.scatter.add.f32 [tilespmem:s17], [sflag:$0x3], $0x80, s24, s15, $0xb8;
	[tilespmem:$0x1CC00] =	vst v63  }
0x139: {  	_ =	swait.ge [sflag:s13], $0x4000  }
0x13a: {  	[sflag:s13] =	ssyncset.done $0x0  }
0x13b: {  	[sflag:s13] =	ssyncadd.s32 $0xFFFFC000  }
0x13c: {  	_ =	swait.ge [sflag:s16], $0x4000  }
0x13d: {  	[sflag:s16] =	ssyncset.done $0x0  }
0x13e: {  	[sflag:s16] =	ssyncadd.s32 $0xFFFFC000  }
0x13f: {  	[tilespmem:s17], [sflag:$0x2] =	stream.indirect.gather [hbm4b:s4+s15], $0x80, s25, s15, $0xb8;
	[tilespmem:$0x1CC00] =	vst v63  }
0x140: {  	_ = 	snop  }
0x141: {  	[spmem:s2] =	stream.indirect.scatter.add.f32 [tilespmem:s12], [sflag:$0x3], $0x80, s26, s15, $0xb8;
	[tilespmem:$0x1CC00] =	vst v63  }
0x142: {  	_ =	swait.ge [sflag:s13], $0x4000  }
0x143: {  	[sflag:s13] =	ssyncset.done $0x0  }
0x144: {  	[sflag:s13] =	ssyncadd.s32 $0xFFFFC000  }
0x145: {  	_ =	swait.ge [sflag:s18], $0x4000  }
0x146: {  	[sflag:s18] =	ssyncset.done $0x0  }
0x147: {  	[sflag:s18] =	ssyncadd.s32 $0xFFFFC000  }
0x148: {  	[tilespmem:s12], [sflag:$0x1] =	stream.indirect.gather [hbm4b:s4+s15], $0x80, s28, s15, $0xb8;
	[tilespmem:$0x1CC00] =	vst v63  }
0x149: {  	_ = 	snop  }
0x14a: {  	[spmem:s2] =	stream.indirect.scatter.add.f32 [tilespmem:s17], [sflag:$0x3], $0x80, s29, s15, $0xb8;
	[tilespmem:$0x1CC00] =	vst v63  }
0x14b: {  	_ =	swait.ge [sflag:s13], $0x4000  }
0x14c: {  	[sflag:s13] =	ssyncset.done $0x0  }
0x14d: {  	[sflag:s13] =	ssyncadd.s32 $0xFFFFC000  }
0x14e: {  	_ =	swait.ge [sflag:s16], $0x4000  }
0x14f: {  	[sflag:s16] =	ssyncset.done $0x0  }
0x150: {  	[sflag:s16] =	ssyncadd.s32 $0xFFFFC000  }
0x151: {  	[tilespmem:s17], [sflag:$0x2] =	stream.indirect.gather [hbm4b:s4+s15], $0x80, s30, s15, $0xb8;
	[tilespmem:$0x1CC00] =	vst v63  }
0x152: {  	_ = 	snop  }
0x153: {  	[spmem:s2] =	stream.indirect.scatter.add.f32 [tilespmem:s12], [sflag:$0x3], $0x80, s31, s15, $0xb8;
	[tilespmem:$0x1CC00] =	vst v63  }
0x154: {  	_ =	swait.ge [sflag:s13], $0x4000  }
0x155: {  	[sflag:s13] =	ssyncset.done $0x0  }
0x156: {  	[sflag:s13] =	ssyncadd.s32 $0xFFFFC000  }
0x157: {  	_ =	swait.ge [sflag:s18], $0x4000  }
0x158: {  	[sflag:s18] =	ssyncset.done $0x0  }
0x159: {  	[sflag:s18] =	ssyncadd.s32 $0xFFFFC000  }
0x15a: {  	[tilespmem:s12], [sflag:$0x1] =	stream.indirect.gather [hbm4b:s4+s15], $0x80, s1, s15, $0xb8;
	[tilespmem:$0x1CC00] =	vst v63  }
0x15b: {  	_ = 	snop  }
0x15c: {  	[spmem:s2] =	stream.indirect.scatter.add.f32 [tilespmem:s17], [sflag:$0x3], $0x80, s0, s15, $0xb8;
	[tilespmem:$0x1CC00] =	vst v63  }
0x15d: {  	_ =	swait.ge [sflag:s13], $0x4000  }
0x15e: {  	[sflag:s13] =	ssyncset.done $0x0  }
0x15f: {  	[sflag:s13] =	ssyncadd.s32 $0xFFFFC000  }
0x160: {  	_ =	swait.ge [sflag:s16], $0x4000  }
0x161: {  	[sflag:s16] =	ssyncset.done $0x0  }
0x162: {  	[sflag:s16] =	ssyncadd.s32 $0xFFFFC000  }
0x163: {  	[tilespmem:s17], [sflag:$0x2] =	stream.indirect.gather [hbm4b:s4+s15], $0x80, s6, s15, $0xb8;
	[tilespmem:$0x1CC00] =	vst v63  }
0x164: {  	_ = 	snop  }
0x165: {  	[spmem:s2] =	stream.indirect.scatter.add.f32 [tilespmem:s12], [sflag:$0x3], $0x80, s7, s15, $0xb8;
	[tilespmem:$0x1CC00] =	vst v63  }
0x166: {  	_ =	swait.ge [sflag:s13], $0x4000  }
0x167: {  	[sflag:s13] =	ssyncset.done $0x0  }
0x168: {  	[sflag:s13] =	ssyncadd.s32 $0xFFFFC000  }
0x169: {  	p0 =	sne.s32 s11, $0x400;
	_ =	swait.ge [sflag:s18], $0x4000  }
.Ltmp1:
0x16a: {  	[sflag:s18] =	ssyncset.done $0x0;
	(pc) =	sbr.rel @p0 .LBB2_4-.Ltmp1, $4  }
0x16b: {  	[sflag:s18] =	ssyncadd.s32 $0xFFFFC000  }
0x16c: {  	[spmem:s2] =	stream.indirect.scatter.add.f32 [tilespmem:s17], [sflag:$0x3], $0x80, s8, s15, $0xb8;
	[tilespmem:$0x1CC00] =	vst v63  }
0x16d: {  	_ =	swait.ge [sflag:s13], $0x4000  }
0x16e: {  	s11 =	sadd.s32 $0x100, s11;
	s5 =	rddreg [dreg:$0x4];
	[sflag:s13] =	ssyncset.done $0x0  }
0x16f: {  	[sflag:s13] =	ssyncadd.s32 $0xFFFFC000;
	s5 =	sadd.s32 s10, s5  }
0x170: {  	[tilespmem:s3], [sflag:$0x3] =	stream.linear.gather [hbm4b:s5+s3], $0x800, $0x38;
	[tilespmem:$0x1CC00] =	vst v63  }
0x171: {  	_ =	swait.ge [sflag:s13], $0x800  }
0x172: {  	s9 =	rddreg [dreg:$0x3];
	[sflag:s13] =	ssyncset.done $0x0  }
0x173: {  	[sflag:s13] =	ssyncadd.s32 $0xFFFFF800;
	s5 =	sadd.s32 s10, s9  }
0x174: {  	[tilespmem:s14], [sflag:$0x3] =	stream.linear.gather [hbm4b:s5+s3], $0x800, $0x38;
	[tilespmem:$0x1CC00] =	vst v63  }
0x175: {  	_ =	swait.ge [sflag:s13], $0x800  }
0x176: {  	[sflag:s13] =	ssyncset.done $0x0  }
0x177: {  	[sflag:s13] =	ssyncadd.s32 $0xFFFFF800  }
0x178: {  	[tilespmem:s12], [sflag:$0x1] =	stream.indirect.gather [hbm4b:s4+s15], $0x80, s3, s15, $0xb8;
	[tilespmem:$0x1CC00] =	vst v63  }
0x179: {  	_ =	swait.ge [sflag:s16], $0x4000  }
0x17a: {  	[sflag:s16] =	ssyncset.done $0x0  }
0x17b: {  	[sflag:s16] =	ssyncadd.s32 $0xFFFFC000  }
0x17c: {  	[tilespmem:s17], [sflag:$0x2] =	stream.indirect.gather [hbm4b:s4+s15], $0x80, s15, s15, $0xb8;
	[tilespmem:$0x1CC00] =	vst v63  }
0x17d: {  	_ = 	snop  }
0x17e: {  	[spmem:s2] =	stream.indirect.scatter.add.f32 [tilespmem:s12], [sflag:$0x3], $0x80, s14, s15, $0xb8;
	[tilespmem:$0x1CC00] =	vst v63  }
0x17f: {  	_ =	swait.ge [sflag:s13], $0x4000  }
0x180: {  	[sflag:s13] =	ssyncset.done $0x0  }
0x181: {  	[sflag:s13] =	ssyncadd.s32 $0xFFFFC000  }
0x182: {  	_ =	swait.ge [sflag:s18], $0x4000  }
0x183: {  	[sflag:s18] =	ssyncset.done $0x0  }
0x184: {  	s11 =	rddreg [dreg:$0x5];
	[sflag:s18] =	ssyncadd.s32 $0xFFFFC000  }
0x185: {  	[tilespmem:s12], [sflag:$0x1] =	stream.indirect.gather [hbm4b:s4+s15], $0x80, s11, s15, $0xb8;
	[tilespmem:$0x1CC00] =	vst v63  }
0x186: {  	s9 =	rddreg [dreg:$0x6]  }
0x187: {  	[spmem:s2] =	stream.indirect.scatter.add.f32 [tilespmem:s17], [sflag:$0x3], $0x80, s9, s15, $0xb8;
	[tilespmem:$0x1CC00] =	vst v63  }
0x188: {  	_ =	swait.ge [sflag:s13], $0x4000  }
0x189: {  	[sflag:s13] =	ssyncset.done $0x0  }
0x18a: {  	[sflag:s13] =	ssyncadd.s32 $0xFFFFC000  }
0x18b: {  	_ =	swait.ge [sflag:s16], $0x4000  }
0x18c: {  	[sflag:s16] =	ssyncset.done $0x0  }
0x18d: {  	s10 =	rddreg [dreg:$0x7];
	[sflag:s16] =	ssyncadd.s32 $0xFFFFC000  }
0x18e: {  	[tilespmem:s17], [sflag:$0x2] =	stream.indirect.gather [hbm4b:s4+s15], $0x80, s10, s15, $0xb8;
	[tilespmem:$0x1CC00] =	vst v63  }
0x18f: {  	s11 =	rddreg [dreg:$0x8]  }
0x190: {  	[spmem:s2] =	stream.indirect.scatter.add.f32 [tilespmem:s12], [sflag:$0x3], $0x80, s11, s15, $0xb8;
	[tilespmem:$0x1CC00] =	vst v63  }
0x191: {  	_ =	swait.ge [sflag:s13], $0x4000  }
0x192: {  	[sflag:s13] =	ssyncset.done $0x0  }
0x193: {  	[sflag:s13] =	ssyncadd.s32 $0xFFFFC000  }
0x194: {  	_ =	swait.ge [sflag:s18], $0x4000  }
0x195: {  	[sflag:s18] =	ssyncset.done $0x0  }
0x196: {  	s10 =	rddreg [dreg:$0x9];
	[sflag:s18] =	ssyncadd.s32 $0xFFFFC000  }
0x197: {  	[tilespmem:s12], [sflag:$0x1] =	stream.indirect.gather [hbm4b:s4+s15], $0x80, s10, s15, $0xb8;
	[tilespmem:$0x1CC00] =	vst v63  }
0x198: {  	s11 =	rddreg [dreg:$0xa]  }
0x199: {  	[spmem:s2] =	stream.indirect.scatter.add.f32 [tilespmem:s17], [sflag:$0x3], $0x80, s11, s15, $0xb8;
	[tilespmem:$0x1CC00] =	vst v63  }
0x19a: {  	_ =	swait.ge [sflag:s13], $0x4000  }
0x19b: {  	[sflag:s13] =	ssyncset.done $0x0  }
0x19c: {  	[sflag:s13] =	ssyncadd.s32 $0xFFFFC000  }
0x19d: {  	_ =	swait.ge [sflag:s16], $0x4000  }
0x19e: {  	[sflag:s16] =	ssyncset.done $0x0  }
0x19f: {  	s10 =	rddreg [dreg:$0xb];
	[sflag:s16] =	ssyncadd.s32 $0xFFFFC000  }
0x1a0: {  	[tilespmem:s17], [sflag:$0x2] =	stream.indirect.gather [hbm4b:s4+s15], $0x80, s10, s15, $0xb8;
	[tilespmem:$0x1CC00] =	vst v63  }
0x1a1: {  	s11 =	rddreg [dreg:$0xc]  }
0x1a2: {  	[spmem:s2] =	stream.indirect.scatter.add.f32 [tilespmem:s12], [sflag:$0x3], $0x80, s11, s15, $0xb8;
	[tilespmem:$0x1CC00] =	vst v63  }
0x1a3: {  	_ =	swait.ge [sflag:s13], $0x4000  }
0x1a4: {  	[sflag:s13] =	ssyncset.done $0x0  }
0x1a5: {  	[sflag:s13] =	ssyncadd.s32 $0xFFFFC000  }
0x1a6: {  	_ =	swait.ge [sflag:s18], $0x4000  }
0x1a7: {  	[sflag:s18] =	ssyncset.done $0x0  }
0x1a8: {  	s10 =	rddreg [dreg:$0xd];
	[sflag:s18] =	ssyncadd.s32 $0xFFFFC000  }
0x1a9: {  	[tilespmem:s12], [sflag:$0x1] =	stream.indirect.gather [hbm4b:s4+s15], $0x80, s10, s15, $0xb8;
	[tilespmem:$0x1CC00] =	vst v63  }
0x1aa: {  	s11 =	rddreg [dreg:$0xe]  }
0x1ab: {  	[spmem:s2] =	stream.indirect.scatter.add.f32 [tilespmem:s17], [sflag:$0x3], $0x80, s11, s15, $0xb8;
	[tilespmem:$0x1CC00] =	vst v63  }
0x1ac: {  	_ =	swait.ge [sflag:s13], $0x4000  }
0x1ad: {  	[sflag:s13] =	ssyncset.done $0x0  }
0x1ae: {  	[sflag:s13] =	ssyncadd.s32 $0xFFFFC000  }
0x1af: {  	_ =	swait.ge [sflag:s16], $0x4000  }
0x1b0: {  	[sflag:s16] =	ssyncset.done $0x0  }
0x1b1: {  	s10 =	rddreg [dreg:$0xf];
	[sflag:s16] =	ssyncadd.s32 $0xFFFFC000  }
0x1b2: {  	[tilespmem:s17], [sflag:$0x2] =	stream.indirect.gather [hbm4b:s4+s15], $0x80, s10, s15, $0xb8;
	[tilespmem:$0x1CC00] =	vst v63  }
0x1b3: {  	s11 =	rddreg [dreg:$0x10]  }
0x1b4: {  	[spmem:s2] =	stream.indirect.scatter.add.f32 [tilespmem:s12], [sflag:$0x3], $0x80, s11, s15, $0xb8;
	[tilespmem:$0x1CC00] =	vst v63  }
0x1b5: {  	_ =	swait.ge [sflag:s13], $0x4000  }
0x1b6: {  	[sflag:s13] =	ssyncset.done $0x0  }
0x1b7: {  	[sflag:s13] =	ssyncadd.s32 $0xFFFFC000  }
0x1b8: {  	_ =	swait.ge [sflag:s18], $0x4000  }
0x1b9: {  	[sflag:s18] =	ssyncset.done $0x0  }
0x1ba: {  	[sflag:s18] =	ssyncadd.s32 $0xFFFFC000  }
0x1bb: {  	[tilespmem:s12], [sflag:$0x1] =	stream.indirect.gather [hbm4b:s4+s15], $0x80, s19, s15, $0xb8;
	[tilespmem:$0x1CC00] =	vst v63  }
0x1bc: {  	_ = 	snop  }
0x1bd: {  	[spmem:s2] =	stream.indirect.scatter.add.f32 [tilespmem:s17], [sflag:$0x3], $0x80, s20, s15, $0xb8;
	[tilespmem:$0x1CC00] =	vst v63  }
0x1be: {  	_ =	swait.ge [sflag:s13], $0x4000  }
0x1bf: {  	[sflag:s13] =	ssyncset.done $0x0  }
0x1c0: {  	[sflag:s13] =	ssyncadd.s32 $0xFFFFC000  }
0x1c1: {  	_ =	swait.ge [sflag:s16], $0x4000  }
0x1c2: {  	[sflag:s16] =	ssyncset.done $0x0  }
0x1c3: {  	[sflag:s16] =	ssyncadd.s32 $0xFFFFC000  }
0x1c4: {  	[tilespmem:s17], [sflag:$0x2] =	stream.indirect.gather [hbm4b:s4+s15], $0x80, s21, s15, $0xb8;
	[tilespmem:$0x1CC00] =	vst v63  }
0x1c5: {  	_ = 	snop  }
0x1c6: {  	[spmem:s2] =	stream.indirect.scatter.add.f32 [tilespmem:s12], [sflag:$0x3], $0x80, s22, s15, $0xb8;
	[tilespmem:$0x1CC00] =	vst v63  }
0x1c7: {  	_ =	swait.ge [sflag:s13], $0x4000  }
0x1c8: {  	[sflag:s13] =	ssyncset.done $0x0  }
0x1c9: {  	[sflag:s13] =	ssyncadd.s32 $0xFFFFC000  }
0x1ca: {  	_ =	swait.ge [sflag:s18], $0x4000  }
0x1cb: {  	[sflag:s18] =	ssyncset.done $0x0  }
0x1cc: {  	[sflag:s18] =	ssyncadd.s32 $0xFFFFC000  }
0x1cd: {  	[tilespmem:s12], [sflag:$0x1] =	stream.indirect.gather [hbm4b:s4+s15], $0x80, s23, s15, $0xb8;
	[tilespmem:$0x1CC00] =	vst v63  }
0x1ce: {  	_ = 	snop  }
0x1cf: {  	[spmem:s2] =	stream.indirect.scatter.add.f32 [tilespmem:s17], [sflag:$0x3], $0x80, s24, s15, $0xb8;
	[tilespmem:$0x1CC00] =	vst v63  }
0x1d0: {  	_ =	swait.ge [sflag:s13], $0x4000  }
0x1d1: {  	[sflag:s13] =	ssyncset.done $0x0  }
0x1d2: {  	[sflag:s13] =	ssyncadd.s32 $0xFFFFC000  }
0x1d3: {  	_ =	swait.ge [sflag:s16], $0x4000  }
0x1d4: {  	[sflag:s16] =	ssyncset.done $0x0  }
0x1d5: {  	[sflag:s16] =	ssyncadd.s32 $0xFFFFC000  }
0x1d6: {  	[tilespmem:s17], [sflag:$0x2] =	stream.indirect.gather [hbm4b:s4+s15], $0x80, s25, s15, $0xb8;
	[tilespmem:$0x1CC00] =	vst v63  }
0x1d7: {  	_ = 	snop  }
0x1d8: {  	[spmem:s2] =	stream.indirect.scatter.add.f32 [tilespmem:s12], [sflag:$0x3], $0x80, s26, s15, $0xb8;
	[tilespmem:$0x1CC00] =	vst v63  }
0x1d9: {  	_ =	swait.ge [sflag:s13], $0x4000  }
0x1da: {  	[sflag:s13] =	ssyncset.done $0x0  }
0x1db: {  	[sflag:s13] =	ssyncadd.s32 $0xFFFFC000  }
0x1dc: {  	_ =	swait.ge [sflag:s18], $0x4000  }
0x1dd: {  	[sflag:s18] =	ssyncset.done $0x0  }
0x1de: {  	[sflag:s18] =	ssyncadd.s32 $0xFFFFC000  }
0x1df: {  	[tilespmem:s12], [sflag:$0x1] =	stream.indirect.gather [hbm4b:s4+s15], $0x80, s28, s15, $0xb8;
	[tilespmem:$0x1CC00] =	vst v63  }
0x1e0: {  	_ = 	snop  }
0x1e1: {  	[spmem:s2] =	stream.indirect.scatter.add.f32 [tilespmem:s17], [sflag:$0x3], $0x80, s29, s15, $0xb8;
	[tilespmem:$0x1CC00] =	vst v63  }
0x1e2: {  	_ =	swait.ge [sflag:s13], $0x4000  }
0x1e3: {  	[sflag:s13] =	ssyncset.done $0x0  }
0x1e4: {  	[sflag:s13] =	ssyncadd.s32 $0xFFFFC000  }
0x1e5: {  	_ =	swait.ge [sflag:s16], $0x4000  }
0x1e6: {  	[sflag:s16] =	ssyncset.done $0x0  }
0x1e7: {  	[sflag:s16] =	ssyncadd.s32 $0xFFFFC000  }
0x1e8: {  	[tilespmem:s17], [sflag:$0x2] =	stream.indirect.gather [hbm4b:s4+s15], $0x80, s30, s15, $0xb8;
	[tilespmem:$0x1CC00] =	vst v63  }
0x1e9: {  	_ = 	snop  }
0x1ea: {  	[spmem:s2] =	stream.indirect.scatter.add.f32 [tilespmem:s12], [sflag:$0x3], $0x80, s31, s15, $0xb8;
	[tilespmem:$0x1CC00] =	vst v63  }
0x1eb: {  	_ =	swait.ge [sflag:s13], $0x4000  }
0x1ec: {  	[sflag:s13] =	ssyncset.done $0x0  }
0x1ed: {  	[sflag:s13] =	ssyncadd.s32 $0xFFFFC000  }
0x1ee: {  	_ =	swait.ge [sflag:s18], $0x4000  }
0x1ef: {  	[sflag:s18] =	ssyncset.done $0x0  }
0x1f0: {  	[sflag:s18] =	ssyncadd.s32 $0xFFFFC000  }
0x1f1: {  	[tilespmem:s12], [sflag:$0x1] =	stream.indirect.gather [hbm4b:s4+s15], $0x80, s1, s15, $0xb8;
	[tilespmem:$0x1CC00] =	vst v63  }
0x1f2: {  	_ = 	snop  }
0x1f3: {  	[spmem:s2] =	stream.indirect.scatter.add.f32 [tilespmem:s17], [sflag:$0x3], $0x80, s0, s15, $0xb8;
	[tilespmem:$0x1CC00] =	vst v63  }
0x1f4: {  	_ =	swait.ge [sflag:s13], $0x4000  }
0x1f5: {  	[sflag:s13] =	ssyncset.done $0x0  }
0x1f6: {  	[sflag:s13] =	ssyncadd.s32 $0xFFFFC000  }
0x1f7: {  	_ =	swait.ge [sflag:s16], $0x4000  }
0x1f8: {  	[sflag:s16] =	ssyncset.done $0x0  }
0x1f9: {  	[sflag:s16] =	ssyncadd.s32 $0xFFFFC000  }
0x1fa: {  	[tilespmem:s17], [sflag:$0x2] =	stream.indirect.gather [hbm4b:s4+s15], $0x80, s6, s15, $0xb8;
	[tilespmem:$0x1CC00] =	vst v63  }
0x1fb: {  	_ = 	snop  }
0x1fc: {  	[spmem:s2] =	stream.indirect.scatter.add.f32 [tilespmem:s12], [sflag:$0x3], $0x80, s7, s15, $0xb8;
	[tilespmem:$0x1CC00] =	vst v63  }
0x1fd: {  	_ =	swait.ge [sflag:s13], $0x4000  }
0x1fe: {  	[sflag:s13] =	ssyncset.done $0x0  }
0x1ff: {  	[sflag:s13] =	ssyncadd.s32 $0xFFFFC000  }
0x200: {  	_ =	swait.ge [sflag:s18], $0x4000  }
0x201: {  	[sflag:s18] =	ssyncset.done $0x0  }
0x202: {  	[sflag:s18] =	ssyncadd.s32 $0xFFFFC000  }
0x203: {  	[spmem:s2] =	stream.indirect.scatter.add.f32 [tilespmem:s17], [sflag:$0x3], $0x80, s8, s15, $0xb8;
	[tilespmem:$0x1CC00] =	vst v63  }
0x204: {  	_ =	swait.ge [sflag:s13], $0x4000  }
0x205: {  	[sflag:s13] =	ssyncset.done $0x0  }
0x206: {  	[sflag:s13] =	ssyncadd.s32 $0xFFFFC000  }
0x207: {  	s9 =	stileid.u32;
	[bflag:$0x0] =	sbarrier.arrive $0xFFFF  }
0x208: {  	s5 =	sshll.u32 s9, $0x6;
	s10 =	rddreg [dreg:$0x11]  }
0x209: {  	s5 =	sor.u32 $0x1C03, s5;
	s11 =	rddreg [dreg:$0x16];
	s9 =	sshrl.u32 s10, $0x3  }
0x20a: {  	[hbm:s11], [sflag:s5] =	dma.local [spmem:s9], $0x2780  }
0x20b: {  	_ =	swait.ge [sflag:s13], $0x2780  }
0x20c: {  	s10 =	rddreg [dreg:$0x18]  }
0x20d: {  	s11 =	rddreg [dreg:$0x17];
	s9 =	sadd.s32 $0x1, s10  }
0x20e: {  	p0 =	sne.s32 s9, s11  }
.Ltmp2:
0x20f: {  	_ = 	snop;
	(pc) =	sbr.rel @p0 .LBB2_1-.Ltmp2, $3  }
0x210: {  	_ =	sdelay $0x1  }
0x211: {  	[sflag:s13] =	ssyncset.done $0x0  }
0x212: {  	[sflag:s13] =	ssyncadd.s32 $0xFFFFD880  }
0x213: {  	_ =	sfence.sel $0x180000  }
0x214: {  	[bflag:$0x0] =	sbarrier.arrive $0xFFFF  }
0x215: {  	_ =	strace $0x9000004A  }
0x216: {  	s0 =	stileid.u32;
	[bflag:$0x2] =	sbarrier.arrive $0xFFFF  }
0x217: {  	p0 =	sne.s32 s0, $0x0;
	s0 =	rddreg [dreg:$0x2]  }
0x218: {  	s0 =	sadd.s32 @!p0 $0x100000, s0  }
0x219: {  	[sflag:s0] =	ssyncadd.tile.s32 @!p0 $0x1;
	_ =	shalt  }
.Lfunc_end2:
_tile_overlayer_lowered:
.L_overlay_start_2:
0x21a: {  	(tag) =	ssettag $0x2  }
0x21b: {  	s0 =	rddreg [dreg:$0x0];
	s2 =	stileid.u32  }
0x21c: {  	s1 =	rddreg [dreg:$0x1];
	p0 =	sne.s32 s2, $0x0  }
0x21d: {  	s3 =	rddreg [dreg:$0x2];
	[bflag:$0x3] =	sbarrier.arrive $0xFFFF;
	s2 =	simm.s32 @!p0 $0x1C03  }
0x21e: {  	[timem:s3], [sflag:s2] =	dma.local @!p0 [hbm:s0], s1  }
0x21f: {  	s0 =	simm.s32 @!p0 $0x3  }
0x220: {  	_ =	swait.ge @!p0 [sflag:s0], s1  }
0x221: {  	s1 =	ssub.s32 @!p0 $0x0, s1;
	[sflag:s0] =	ssyncset.done @!p0 $0x0  }
0x222: {  	[sflag:s0] =	ssyncadd.s32 @!p0 s1  }
0x223: {  	[bflag:$0x3] =	sbarrier.arrive $0xFFFF  }
0x224: {  	_ =	shalt  }

// kernel: kernel.17.cloned.1.call-start
scs
__scs_entry_jumppad:
0x0: {  	(pc) =	sbr.rel $0x88, $3  }
0x1: {  	(tag) =	ssettag $0x0;
	lr =	simm.s32 $0x1  }
0x2: {  	[smem:$0x3F8F] =	sst lr;
	_ =	strace $0xD0000000  }
0x3: {  	_ = 	snop  }
0x4: {  	_ = 	snop  }
0x5: {  	_ = 	snop  }
0x6: {  	_ = 	snop  }
0x7: {  	_ = 	snop  }
__scs_overlays_trampoline_lowered:
0x8: {  	[smem:$0x3F9E] =	sst s0  }
0x9: {  	[smem:$0x3F9F] =	sst s1  }
0xa: {  	[smem:$0x3FA0] =	sst s2  }
0xb: {  	[smem:$0x3FA1] =	sst s3  }
0xc: {  	[smem:$0x3FA2] =	sst s4  }
0xd: {  	[smem:$0x3FA3] =	sst s5  }
0xe: {  	[smem:$0x3FA4] =	sst s6  }
0xf: {  	[smem:$0x3FA5] =	sst s7  }
0x10: {  	[smem:$0x3FA6] =	sst s8  }
0x11: {  	[smem:$0x3FA7] =	sst s9;
	s0 =	simm.s32 @!p0 $0x0  }
0x12: {  	s1 =	sld [smem:$0x3F8D];
	s0 =	simm.s32 @p0 $0x1  }
0x13: {  	[smem:$0x3FA8] =	sst s0;
	s0 =	simm.s32 @!p1 $0x0  }
0x14: {  	s2 =	sld [smem:$0x3F8C];
	s0 =	simm.s32 @p1 $0x1  }
0x15: {  	[smem:$0x3FA9] =	sst s0;
	s0 =	simm.s32 @!p2 $0x0  }
0x16: {  	s3 =	sld [smem:$0x3FDB];
	s0 =	simm.s32 @p2 $0x1  }
0x17: {  	s4 =	simm.s32 $0x1BF5;
	[smem:$0x3FAB] =	sst s0  }
0x18: {  	s0 =	sld [smem:$0x3F8E];
	_ =	swait.ge [sflag:s4], $0x0  }
0x19: {  	s7 =	sld [smem:$0x3F8F]  }
0x1a: {  	s8 =	sadd.s32 $0xFFFFE003, lr  }
0x1b: {  	s9 =	sadd.s32 $0xFFFFFEF7, lr;
	s5 =	simm.s32 $0xFFFFFFFF;
	p2 =	slt.u32 s8, $0xFFFFF086  }
0x1c: {  	p1 =	slt.u32 s9, $0xF7A;
	s5 =	simm.s32 @!p2 $0x0  }
0x1d: {  	s5 =	simm.s32 @p1 $0x1;
	p0 =	seq.s32 s7, s2  }
0x1e: {  	s7 =	smul.u32 @!p0 $0xF7A, s2;
	p2 =	seq.s32 @!p0 s5, $0x0  }
0x1f: {  	s9 =	smul.u32 $0xF7A, s1;
	s8 =	simm.s32 @!p0 $0x1BF5;
	p2 =	por !p2, p0  }
0x20: {  	[sflag:s8] =	ssyncset.s32 @!p0 $0xFFFFF086;
	s6 =	sadd.s32 @!p0 s3, s7;
	s7 =	simm.s32 @!p0 $0x108  }
0x21: {  	s3 =	sadd.s32 s3, s9;
	s6 =	sadd.s32 @!p0 $0x88, s6;
	s7 =	simm.s32 @p2 $0x1082  }
0x22: {  	[simem:s7], [sflag:s8] =	dma.local @!p0 [hbm:s6], $0xF7A  }
0x23: {  	s9 =	sor.u32 $0xD0000000, s2;
	s6 =	simm.s32 $0x108;
	_ =	swait.ge @!p0 [sflag:s8], $0x0  }
0x24: {  	s3 =	sadd.s32 $0x88, s3;
	s6 =	simm.s32 @!p1 $0x1082;
	[sflag:s4] =	ssyncset.s32 $0xFFFFF086  }
0x25: {  	[simem:s6], [sflag:s4] =	dma.local [hbm:s3], $0xF7A  }
0x26: {  	[smem:$0x3F8F] =	sst s1;
	(tag) =	ssettag s2;
	_ =	strace s9  }
0x27: {  	s1 =	sld [smem:$0x3F9F]  }
0x28: {  	s2 =	sld [smem:$0x3FA0]  }
0x29: {  	s4 =	sld [smem:$0x3FA2]  }
0x2a: {  	p0 =	seq.s32 s5, $0x0;
	s5 =	sld [smem:$0x3FA3]  }
0x2b: {  	s6 =	sld [smem:$0x3FA4]  }
0x2c: {  	s7 =	sld [smem:$0x3FA5]  }
0x2d: {  	s3 =	simm.s32 $0x108;
	s8 =	sld [smem:$0x3FA6]  }
0x2e: {  	s3 =	simm.s32 @!p0 $0x1082;
	s9 =	sld [smem:$0x3FA7]  }
0x2f: {  	lr =	sadd.s32 s0, s3;
	s0 =	sld [smem:$0x3F9E]  }
0x30: {  	s3 =	sld [smem:$0x3FA1]  }
0x31: {  	[smem:$0x3FAA] =	sst s10  }
0x32: {  	s10 =	sld [smem:$0x3FA8];
	_ =	sdelay $0x3  }
0x33: {  	p0 =	seq.s32 s10, $0x1;
	s10 =	sld [smem:$0x3FAA];
	_ =	sdelay $0x3  }
0x34: {  	[smem:$0x3FAA] =	sst s10  }
0x35: {  	s10 =	sld [smem:$0x3FA9];
	_ =	sdelay $0x3  }
0x36: {  	p1 =	seq.s32 s10, $0x1;
	s10 =	sld [smem:$0x3FAA];
	_ =	sdelay $0x3  }
0x37: {  	[smem:$0x3FAA] =	sst s10  }
0x38: {  	s10 =	sld [smem:$0x3FAB]  }
0x39: {  	_ = 	snop;
	(pc) =	sbr.ind lr, $3  }
0x3a: {  	_ = 	snop  }
0x3b: {  	_ = 	snop  }
0x3c: {  	p2 =	seq.s32 s10, $0x1;
	s10 =	sld [smem:$0x3FAA]  }
0x3d: {  	_ =	shalt  }
0x3e: {  	_ =	shalt  }
0x3f: {  	_ =	shalt  }
0x40: {  	_ =	shalt  }
0x41: {  	_ =	shalt  }
0x42: {  	_ =	shalt  }
0x43: {  	_ =	shalt  }
0x44: {  	_ =	shalt  }
0x45: {  	_ =	shalt  }
0x46: {  	_ =	shalt  }
0x47: {  	_ =	shalt  }
0x48: {  	_ =	shalt  }
0x49: {  	_ =	shalt  }
0x4a: {  	_ =	shalt  }
0x4b: {  	_ =	shalt  }
0x4c: {  	_ =	shalt  }
0x4d: {  	_ =	shalt  }
0x4e: {  	_ =	shalt  }
0x4f: {  	_ =	shalt  }
0x50: {  	_ =	shalt  }
0x51: {  	_ =	shalt  }
0x52: {  	_ =	shalt  }
0x53: {  	_ =	shalt  }
0x54: {  	_ =	shalt  }
0x55: {  	_ =	shalt  }
0x56: {  	_ =	shalt  }
0x57: {  	_ =	shalt  }
0x58: {  	_ =	shalt  }
0x59: {  	_ =	shalt  }
0x5a: {  	_ =	shalt  }
0x5b: {  	_ =	shalt  }
0x5c: {  	_ =	shalt  }
0x5d: {  	_ =	shalt  }
0x5e: {  	_ =	shalt  }
0x5f: {  	_ =	shalt  }
0x60: {  	_ =	shalt  }
0x61: {  	_ =	shalt  }
0x62: {  	_ =	shalt  }
0x63: {  	_ =	shalt  }
0x64: {  	_ =	shalt  }
0x65: {  	_ =	shalt  }
0x66: {  	_ =	shalt  }
0x67: {  	_ =	shalt  }
0x68: {  	_ =	shalt  }
0x69: {  	_ =	shalt  }
0x6a: {  	_ =	shalt  }
0x6b: {  	_ =	shalt  }
0x6c: {  	_ =	shalt  }
0x6d: {  	_ =	shalt  }
0x6e: {  	_ =	shalt  }
0x6f: {  	_ =	shalt  }
0x70: {  	_ =	shalt  }
0x71: {  	_ =	shalt  }
0x72: {  	_ =	shalt  }
0x73: {  	_ =	shalt  }
0x74: {  	_ =	shalt  }
0x75: {  	_ =	shalt  }
0x76: {  	_ =	shalt  }
0x77: {  	_ =	shalt  }
0x78: {  	_ =	shalt  }
0x79: {  	_ =	shalt  }
0x7a: {  	_ =	shalt  }
0x7b: {  	_ =	shalt  }
0x7c: {  	_ =	shalt  }
0x7d: {  	_ =	shalt  }
0x7e: {  	_ =	shalt  }
0x7f: {  	_ =	shalt  }
0x80: {  	_ =	shalt  }
0x81: {  	_ =	shalt  }
0x82: {  	_ =	shalt  }
0x83: {  	_ =	shalt  }
0x84: {  	_ =	shalt  }
0x85: {  	_ =	shalt  }
0x86: {  	_ =	shalt  }
0x87: {  	_ =	shalt  }
.Lfunc_end0:
.L_simem_size_0:
called_computation.2_lowered:
.L_overlay_start_0:
0x88: {  	s2 =	sld [smem:$0x3FD9]  }
0x89: {  	s3 =	sld [smem:$0x3FFE];
	_ =	sdelay $0x1  }
0x8a: {  	s1 =	srdreg.scid  }
0x8b: {  	s0 =	sand.u32 $0x1, s1  }
0x8c: {  	s16 =	sshll.u32 s0, $0xA;
	s2 =	sadd.s32 s3, s2  }
0x8d: {  	s2 =	sadd.s32 s2, s16  }
0x8e: {  	[smem:$0x3FB6] =	sst s2  }
0x8f: {  	_ = 	snop  }
0x90: {  	(tm) =	ssettm $0x1  }
0x91: {  	s17 =	sld [smem:$0x3FFB];
	_ =	sdelay $0x3  }
0x92: {  	_ =	strace s17  }
0x93: {  	s2 =	sld [smem:$0x3FFC];
	_ =	sdelay $0x3  }
0x94: {  	_ =	strace s2  }
0x95: {  	s2 =	sld [smem:$0x3FFD];
	_ =	sdelay $0x3  }
0x96: {  	_ =	strace s2  }
0x97: {  	_ =	strace $0x8FFFFFFF  }
0x98: {  	s18 =	sld [smem:$0x3FDB];
	_ =	sdelay $0x1  }
0x99: {  	s19 =	simm.s32 $_scs_section_size  }
0x9a: {  	s4 =	simm.s32 $_size__tile_overlayer_lowered;
	s5 =	simm.s32 $_tile_overlayer_lowered  }
0x9b: {  	s22 =	simm.s32 $0x1BFF;
	s21 =	sshll.u32 s5, $0x1;
	s2 =	sadd.s32 s19, s18  }
0x9c: {  	s6 =	simm.s32 $0x0;
	s20 =	sshll.u32 s4, $0x1;
	s4 =	sadd.s32 s21, s2  }
0x9d: {  	[timem:s6], [sflag:s22] =	dma.local [hbm:s4], s20  }
0x9e: {  	_ =	swait.ge [sflag:s22], s20  }
0x9f: {  	s3 =	ssub.s32 $0x0, s20;
	[sflag:s22] =	ssyncset.done $0x0  }
0xa0: {  	[sflag:s22] =	ssyncadd.s32 s3;
	_ =	sdelay $0x1  }
0xa1: {  	s23 =	simm.s32 $0x1B8B  }
0xa2: {  	_ =	swait.ge [sflag:s23], $0x1  }
0xa3: {  	[sflag:s23] =	ssyncset.done $0x0  }
0xa4: {  	s25 =	simm.s32 $0x1B8E;
	s24 =	sld [smem:$0x3FFE];
	[sflag:s23] =	ssyncadd.s32 $0xFFFFFFFF  }
0xa5: {  	s26 =	simm.s32 $execute0_lowered;
	[smem:$0x3FD2] =	sst s25  }
0xa6: {  	s4 =	sshll.u32 s26, $0x1;
	_ =	strace $0x8000004C;
	[dreg:$0x1] =	wrdreg $0xFFFFFFFF  }
0xa7: {  	s28 =	simm.s32 $_size_execute0_lowered;
	s2 =	sadd.s32 s2, s4;
	[dreg:$0x0] =	wrdreg $0x0  }
0xa8: {  	s4 =	sshll.u32 s28, $0x1;
	[dreg:$0x2] =	wrdreg s2  }
0xa9: {  	[dreg:$0x3] =	wrdreg s4  }
0xaa: {  	[dreg:$0x4] =	wrdreg $0xC0  }
0xab: {  	_ =	task [dreg:s6], $0x5FFFF  }
0xac: {  	[dreg:$0x1] =	wrdreg $0xFFFFFFFF  }
0xad: {  	[dreg:$0x0] =	wrdreg $0x60  }
0xae: {  	[dreg:$0x2] =	wrdreg s24  }
0xaf: {  	[dreg:$0x3] =	wrdreg $0x90000  }
0xb0: {  	[dreg:$0x4] =	wrdreg $0x9  }
0xb1: {  	_ =	task.clear_ibuf [dreg:s6], $0x5FFFF;
	_ =	strace $0x9000004C  }
0xb2: {  	s29 =	simm.s32 $0x9;
	_ =	strace $0x8000004E  }
0xb3: {  	_ =	swait.ge [sflag:s29], $0x1  }
0xb4: {  	[sflag:s29] =	ssyncadd.s32 $0xFFFFFFFF  }
0xb5: {  	_ =	strace $0x9000004E  }
0xb6: {  	_ =	sfence  }
0xb7: {  	s30 =	sld [smem:$0x0];
	_ =	sdelay $0x2  }
0xb8: {  	s31 =	sshll.u32 s1, $0xD;
	s1 =	sshrl.u32 s1, $0x2  }
0xb9: {  	s3 =	sand.u32 $0x4000, s31;
	s1 =	sadd.s32 s1, s30  }
0xba: {  	s0 =	sor.u32 s3, s0;
	s1 =	sshll.u32 s1, $0x11  }
0xbb: {  	s0 =	sor.u32 s1, s0  }
0xbc: {  	s0 =	sadd.s32 $0x8F2B, s0  }
0xbd: {  	[sflag:s0] =	ssyncadd.remote.s32 $0x1  }
0xbe: {  	_ =	sfence.sel $0xFFFF  }
0xbf: {  	[dreg:$0x0] =	wrdreg $0xFFFFFFFF;
	(pc) =	sbr.abs _section_cstart, $3  }
0xc0: {  	[dreg:$0x1] =	wrdreg $0xFFFFFFFF  }
0xc1: {  	_ =	task.clear_ibuf [dreg:s6], $0x2FFFF;
	_ =	strace $0x9FFFFFFF  }
0xc2: {  	(tm) =	ssettm $0x7FFFFFFF  }
0xc3: {  	_ =	shalt  }
tec
execute0_lowered:
.L_overlay_start_1:
0x0: {  	(tag) =	ssettag $0x1  }
0x1: {  	s0 =	srdreg.scid  }
0x2: {  	s8 =	stileid.u32;
	s1 =	rddreg [dreg:$0x0]  }
0x3: {  	s2 =	rddreg [dreg:$0x1];
	s3 =	simm.s32 $0x0;
	s13 =	simm.s32 $0x100  }
0x4: {  	s14 =	simm.s32 $0x880;
	s16 =	simm.s32 $0x180;
	s18 =	simm.s32 $0x900  }
0x5: {  	s19 =	simm.s32 $0x200;
	s20 =	simm.s32 $0x980;
	[smem:$0x7FF] =	sst s3  }
0x6: {  	s21 =	simm.s32 $0x280;
	_ =	strace $0x8000004D;
	[dreg:$0x5] =	wrdreg s13  }
0x7: {  	s22 =	simm.s32 $0xA00;
	s23 =	simm.s32 $0x300;
	[dreg:$0x6] =	wrdreg s14  }
0x8: {  	s24 =	simm.s32 $0xA80;
	s28 =	simm.s32 $0x600;
	[dreg:$0x7] =	wrdreg s16  }
0x9: {  	s29 =	simm.s32 $0xD80;
	s4 =	smul.u32 $0x5000, s8;
	[dreg:$0x8] =	wrdreg s18  }
0xa: {  	s30 =	simm.s32 $0x680;
	s25 =	smul.u32 $0x2780, s8;
	[dreg:$0x9] =	wrdreg s19  }
0xb: {  	s0 =	sand.u32 $0x1, s0;
	s8 =	smul.u32 $0x4F000, s8;
	[dreg:$0xa] =	wrdreg s20  }
0xc: {  	s31 =	simm.s32 $0xE00;
	s5 =	smul.u32 $0x2800, s0;
	[dreg:$0xb] =	wrdreg s21  }
0xd: {  	s7 =	smul.u32 $0x27800, s0;
	s0 =	ssub.s32 $0x2, s0;
	[dreg:$0xc] =	wrdreg s22  }
0xe: {  	s13 =	simm.s32 $0x3;
	s14 =	simm.s32 $0x800;
	[dreg:$0xd] =	wrdreg s23  }
0xf: {  	[dreg:$0xe] =	wrdreg s24;
	s16 =	simm.s32 $0x1;
	s18 =	simm.s32 $0x2  }
0x10: {  	s19 =	simm.s32 $0x400;
	s20 =	simm.s32 $0xB80;
	s21 =	simm.s32 $0x480  }
0x11: {  	s22 =	simm.s32 $0xC00;
	s23 =	simm.s32 $0x500;
	s24 =	simm.s32 $0xC80  }
0x12: {  	s26 =	sshrl.u32 s0, $0x1;
	s10 =	sshrl.u32 s8, $0x2;
	s8 =	simm.s32 $0xF80  }
0x13: {  	s4 =	sadd.s32 s5, s4;
	s5 =	sadd.s32 s25, s7;
	s12 =	sadd.s32 s10, s2  }
0x14: {  	s0 =	ssub.s32 s0, s26;
	s25 =	simm.s32 $0x380;
	[dreg:$0x11] =	wrdreg s12  }
0x15: {  	s26 =	simm.s32 $0xB00;
	s6 =	sshrl.u32 s4, $0x3;
	[dreg:$0xf] =	wrdreg s25  }
0x16: {  	s4 =	sadd.s32 $0x18C00, s1;
	s7 =	sadd.s32 $0x4000, s12;
	[dreg:$0x10] =	wrdreg s26  }
0x17: {  	s15 =	sadd.s32 $0x8000, s12;
	s17 =	sadd.s32 $0xC000, s12;
	[dreg:$0x12] =	wrdreg s7  }
0x18: {  	s0 =	smax.u32 s0, $0x1;
	s25 =	simm.s32 $0x580;
	[dreg:$0x13] =	wrdreg s15  }
0x19: {  	s26 =	simm.s32 $0xD00;
	s6 =	sadd.s32 s6, s1;
	[dreg:$0x14] =	wrdreg s17  }
0x1a: {  	s1 =	sadd.s32 s5, s1;
	[dreg:$0x17] =	wrdreg s0;
	s9 =	sadd.s32 $0x4C00, s6  }
0x1b: {  	s15 =	simm.s32 $0x80;
	s11 =	sadd.s32 $0xEC00, s6;
	[dreg:$0x3] =	wrdreg s9  }
0x1c: {  	s17 =	simm.s32 $0x5000;
	s6 =	sadd.s32 $0x10000, s12;
	[dreg:$0x4] =	wrdreg s11  }
0x1d: {  	s0 =	simm.s32 $0xE80;
	s1 =	sadd.s32 $0x40400, s1;
	[dreg:$0x15] =	wrdreg s6  }
0x1e: {  	s7 =	simm.s32 $0xF00;
	s12 =	simm.s32 $0x1000;
	[dreg:$0x16] =	wrdreg s1  }
0x1f: {  	v0 =	vimm.f32 $0.0e+00;
	s1 =	simm.s32 $0x700;
	s6 =	simm.s32 $0x780;
	s9 =	simm.s32 $0x0  }
.LBB2_1:
0x20: {  	s5 =	sand.u32 $0xFE00, s3  }
0x21: {  	[dreg:$0x18] =	wrdreg s9;
	s11 =	sand.u32 $0x70, s3;
	s5 =	sshrl.u32 s5, $0x2  }
0x22: {  	s10 =	simm.s32 $0x40;
	s5 =	sor.u32 s11, s5;
	s11 =	simm.s32 $0x0  }
.LBB2_2:
0x23: {  	p0 =	sne.s32 s10, $0xFFC0  }
0x24: {  	[tilespmem:s5+$0x1000] =	vst v0;
	s11 =	sadd.s32 $0x10, s11;
	s5 =	smov.u32 s10;
	s10 =	sadd.s32 $0x40, s10  }
.Ltmp0:
0x25: {  	(pc) =	sbr.rel @p0 .LBB2_2-.Ltmp0, $4  }
0x26: {  	_ = 	snop  }
0x27: {  	s5 =	sand.u32 $0xFE00, s5  }
0x28: {  	s9 =	sand.u32 $0x70, s11;
	s5 =	sshrl.u32 s5, $0x2  }
0x29: {  	s5 =	sor.u32 s9, s5  }
0x2a: {  	[tilespmem:s5+$0x1000] =	vst v0;
	s10 =	rddreg [dreg:$0x11]  }
0x2b: {  	[spmem:s10] =	stream.linear.scatter [tilespmem:s12], [sflag:$0x3], $0x4000, $0x38;
	[tilespmem:$0x1CC00] =	vst v63  }
0x2c: {  	_ =	swait.ge [sflag:s13], $0x4000  }
0x2d: {  	[sflag:s13] =	ssyncset.done $0x0  }
0x2e: {  	s11 =	rddreg [dreg:$0x12];
	[sflag:s13] =	ssyncadd.s32 $0xFFFFC000  }
0x2f: {  	[spmem:s11] =	stream.linear.scatter [tilespmem:s12], [sflag:$0x3], $0x4000, $0x38;
	[tilespmem:$0x1CC00] =	vst v63  }
0x30: {  	_ =	swait.ge [sflag:s13], $0x4000  }
0x31: {  	[sflag:s13] =	ssyncset.done $0x0  }
0x32: {  	s9 =	rddreg [dreg:$0x13];
	[sflag:s13] =	ssyncadd.s32 $0xFFFFC000  }
0x33: {  	[spmem:s9] =	stream.linear.scatter [tilespmem:s12], [sflag:$0x3], $0x4000, $0x38;
	[tilespmem:$0x1CC00] =	vst v63  }
0x34: {  	_ =	swait.ge [sflag:s13], $0x4000  }
0x35: {  	[sflag:s13] =	ssyncset.done $0x0  }
0x36: {  	s10 =	rddreg [dreg:$0x14];
	[sflag:s13] =	ssyncadd.s32 $0xFFFFC000  }
0x37: {  	[spmem:s10] =	stream.linear.scatter [tilespmem:s12], [sflag:$0x3], $0x4000, $0x38;
	[tilespmem:$0x1CC00] =	vst v63  }
0x38: {  	_ =	swait.ge [sflag:s13], $0x4000  }
0x39: {  	[sflag:s13] =	ssyncset.done $0x0  }
0x3a: {  	s11 =	rddreg [dreg:$0x15];
	[sflag:s13] =	ssyncadd.s32 $0xFFFFC000  }
0x3b: {  	[spmem:s11] =	stream.linear.scatter [tilespmem:s12], [sflag:$0x3], $0x3C00, $0x38;
	[tilespmem:$0x1CC00] =	vst v63  }
0x3c: {  	_ =	swait.ge [sflag:s13], $0x3C00  }
0x3d: {  	[sflag:s13] =	ssyncset.done $0x0  }
0x3e: {  	[sflag:s13] =	ssyncadd.s32 $0xFFFFC400  }
0x3f: {  	[bflag:$0x0] =	sbarrier.arrive $0xFFFF  }
0x40: {  	s9 =	rddreg [dreg:$0x4]  }
0x41: {  	s5 =	sadd.s32 $0x0, s9  }
0x42: {  	[tilespmem:s3], [sflag:$0x3] =	stream.linear.gather [hbm4b:s5+s3], $0x800, $0x38;
	[tilespmem:$0x1CC00] =	vst v63  }
0x43: {  	_ =	swait.ge [sflag:s13], $0x800  }
0x44: {  	s10 =	rddreg [dreg:$0x3];
	[sflag:s13] =	ssyncset.done $0x0  }
0x45: {  	[sflag:s13] =	ssyncadd.s32 $0xFFFFF800;
	s5 =	sadd.s32 $0x0, s10  }
0x46: {  	[tilespmem:s14], [sflag:$0x3] =	stream.linear.gather [hbm4b:s5+s3], $0x800, $0x38;
	[tilespmem:$0x1CC00] =	vst v63  }
0x47: {  	_ =	swait.ge [sflag:s13], $0x800  }
0x48: {  	[sflag:s13] =	ssyncset.done $0x0  }
0x49: {  	[sflag:s13] =	ssyncadd.s32 $0xFFFFF800  }
0x4a: {  	[tilespmem:s12], [sflag:$0x1] =	stream.indirect.gather [hbm4b:s4+s15], $0x80, s3, s15, $0xb8;
	[tilespmem:$0x1CC00] =	vst v63  }
0x4b: {  	_ =	swait.ge [sflag:s16], $0x4000  }
0x4c: {  	[sflag:s16] =	ssyncset.done $0x0  }
0x4d: {  	[sflag:s16] =	ssyncadd.s32 $0xFFFFC000  }
0x4e: {  	[tilespmem:s17], [sflag:$0x2] =	stream.indirect.gather [hbm4b:s4+s15], $0x80, s15, s15, $0xb8;
	[tilespmem:$0x1CC00] =	vst v63  }
0x4f: {  	_ = 	snop  }
0x50: {  	[spmem:s2] =	stream.indirect.scatter.add.f32 [tilespmem:s12], [sflag:$0x3], $0x80, s14, s15, $0xb8;
	[tilespmem:$0x1CC00] =	vst v63  }
0x51: {  	_ =	swait.ge [sflag:s13], $0x4000  }
0x52: {  	[sflag:s13] =	ssyncset.done $0x0  }
0x53: {  	[sflag:s13] =	ssyncadd.s32 $0xFFFFC000  }
0x54: {  	_ =	swait.ge [sflag:s18], $0x4000  }
0x55: {  	[sflag:s18] =	ssyncset.done $0x0  }
0x56: {  	s11 =	rddreg [dreg:$0x5];
	[sflag:s18] =	ssyncadd.s32 $0xFFFFC000  }
0x57: {  	[tilespmem:s12], [sflag:$0x1] =	stream.indirect.gather [hbm4b:s4+s15], $0x80, s11, s15, $0xb8;
	[tilespmem:$0x1CC00] =	vst v63  }
0x58: {  	s9 =	rddreg [dreg:$0x6]  }
0x59: {  	[spmem:s2] =	stream.indirect.scatter.add.f32 [tilespmem:s17], [sflag:$0x3], $0x80, s9, s15, $0xb8;
	[tilespmem:$0x1CC00] =	vst v63  }
0x5a: {  	_ =	swait.ge [sflag:s13], $0x4000  }
0x5b: {  	[sflag:s13] =	ssyncset.done $0x0  }
0x5c: {  	[sflag:s13] =	ssyncadd.s32 $0xFFFFC000  }
0x5d: {  	_ =	swait.ge [sflag:s16], $0x4000  }
0x5e: {  	[sflag:s16] =	ssyncset.done $0x0  }
0x5f: {  	s10 =	rddreg [dreg:$0x7];
	[sflag:s16] =	ssyncadd.s32 $0xFFFFC000  }
0x60: {  	[tilespmem:s17], [sflag:$0x2] =	stream.indirect.gather [hbm4b:s4+s15], $0x80, s10, s15, $0xb8;
	[tilespmem:$0x1CC00] =	vst v63  }
0x61: {  	s11 =	rddreg [dreg:$0x8]  }
0x62: {  	[spmem:s2] =	stream.indirect.scatter.add.f32 [tilespmem:s12], [sflag:$0x3], $0x80, s11, s15, $0xb8;
	[tilespmem:$0x1CC00] =	vst v63  }
0x63: {  	_ =	swait.ge [sflag:s13], $0x4000  }
0x64: {  	[sflag:s13] =	ssyncset.done $0x0  }
0x65: {  	[sflag:s13] =	ssyncadd.s32 $0xFFFFC000  }
0x66: {  	_ =	swait.ge [sflag:s18], $0x4000  }
0x67: {  	[sflag:s18] =	ssyncset.done $0x0  }
0x68: {  	s10 =	rddreg [dreg:$0x9];
	[sflag:s18] =	ssyncadd.s32 $0xFFFFC000  }
0x69: {  	[tilespmem:s12], [sflag:$0x1] =	stream.indirect.gather [hbm4b:s4+s15], $0x80, s10, s15, $0xb8;
	[tilespmem:$0x1CC00] =	vst v63  }
0x6a: {  	s11 =	rddreg [dreg:$0xa]  }
0x6b: {  	[spmem:s2] =	stream.indirect.scatter.add.f32 [tilespmem:s17], [sflag:$0x3], $0x80, s11, s15, $0xb8;
	[tilespmem:$0x1CC00] =	vst v63  }
0x6c: {  	_ =	swait.ge [sflag:s13], $0x4000  }
0x6d: {  	[sflag:s13] =	ssyncset.done $0x0  }
0x6e: {  	[sflag:s13] =	ssyncadd.s32 $0xFFFFC000  }
0x6f: {  	_ =	swait.ge [sflag:s16], $0x4000  }
0x70: {  	[sflag:s16] =	ssyncset.done $0x0  }
0x71: {  	s10 =	rddreg [dreg:$0xb];
	[sflag:s16] =	ssyncadd.s32 $0xFFFFC000  }
0x72: {  	[tilespmem:s17], [sflag:$0x2] =	stream.indirect.gather [hbm4b:s4+s15], $0x80, s10, s15, $0xb8;
	[tilespmem:$0x1CC00] =	vst v63  }
0x73: {  	s11 =	rddreg [dreg:$0xc]  }
0x74: {  	[spmem:s2] =	stream.indirect.scatter.add.f32 [tilespmem:s12], [sflag:$0x3], $0x80, s11, s15, $0xb8;
	[tilespmem:$0x1CC00] =	vst v63  }
0x75: {  	_ =	swait.ge [sflag:s13], $0x4000  }
0x76: {  	[sflag:s13] =	ssyncset.done $0x0  }
0x77: {  	[sflag:s13] =	ssyncadd.s32 $0xFFFFC000  }
0x78: {  	_ =	swait.ge [sflag:s18], $0x4000  }
0x79: {  	[sflag:s18] =	ssyncset.done $0x0  }
0x7a: {  	s10 =	rddreg [dreg:$0xd];
	[sflag:s18] =	ssyncadd.s32 $0xFFFFC000  }
0x7b: {  	[tilespmem:s12], [sflag:$0x1] =	stream.indirect.gather [hbm4b:s4+s15], $0x80, s10, s15, $0xb8;
	[tilespmem:$0x1CC00] =	vst v63  }
0x7c: {  	s11 =	rddreg [dreg:$0xe]  }
0x7d: {  	[spmem:s2] =	stream.indirect.scatter.add.f32 [tilespmem:s17], [sflag:$0x3], $0x80, s11, s15, $0xb8;
	[tilespmem:$0x1CC00] =	vst v63  }
0x7e: {  	_ =	swait.ge [sflag:s13], $0x4000  }
0x7f: {  	[sflag:s13] =	ssyncset.done $0x0  }
0x80: {  	[sflag:s13] =	ssyncadd.s32 $0xFFFFC000  }
0x81: {  	_ =	swait.ge [sflag:s16], $0x4000  }
0x82: {  	[sflag:s16] =	ssyncset.done $0x0  }
0x83: {  	s10 =	rddreg [dreg:$0xf];
	[sflag:s16] =	ssyncadd.s32 $0xFFFFC000  }
0x84: {  	[tilespmem:s17], [sflag:$0x2] =	stream.indirect.gather [hbm4b:s4+s15], $0x80, s10, s15, $0xb8;
	[tilespmem:$0x1CC00] =	vst v63  }
0x85: {  	s11 =	rddreg [dreg:$0x10]  }
0x86: {  	[spmem:s2] =	stream.indirect.scatter.add.f32 [tilespmem:s12], [sflag:$0x3], $0x80, s11, s15, $0xb8;
	[tilespmem:$0x1CC00] =	vst v63  }
0x87: {  	_ =	swait.ge [sflag:s13], $0x4000  }
0x88: {  	[sflag:s13] =	ssyncset.done $0x0  }
0x89: {  	[sflag:s13] =	ssyncadd.s32 $0xFFFFC000  }
0x8a: {  	_ =	swait.ge [sflag:s18], $0x4000  }
0x8b: {  	[sflag:s18] =	ssyncset.done $0x0  }
0x8c: {  	[sflag:s18] =	ssyncadd.s32 $0xFFFFC000  }
0x8d: {  	[tilespmem:s12], [sflag:$0x1] =	stream.indirect.gather [hbm4b:s4+s15], $0x80, s19, s15, $0xb8;
	[tilespmem:$0x1CC00] =	vst v63  }
0x8e: {  	_ = 	snop  }
0x8f: {  	[spmem:s2] =	stream.indirect.scatter.add.f32 [tilespmem:s17], [sflag:$0x3], $0x80, s20, s15, $0xb8;
	[tilespmem:$0x1CC00] =	vst v63  }
0x90: {  	_ =	swait.ge [sflag:s13], $0x4000  }
0x91: {  	[sflag:s13] =	ssyncset.done $0x0  }
0x92: {  	[sflag:s13] =	ssyncadd.s32 $0xFFFFC000  }
0x93: {  	_ =	swait.ge [sflag:s16], $0x4000  }
0x94: {  	[sflag:s16] =	ssyncset.done $0x0  }
0x95: {  	[sflag:s16] =	ssyncadd.s32 $0xFFFFC000  }
0x96: {  	[tilespmem:s17], [sflag:$0x2] =	stream.indirect.gather [hbm4b:s4+s15], $0x80, s21, s15, $0xb8;
	[tilespmem:$0x1CC00] =	vst v63  }
0x97: {  	_ = 	snop  }
0x98: {  	[spmem:s2] =	stream.indirect.scatter.add.f32 [tilespmem:s12], [sflag:$0x3], $0x80, s22, s15, $0xb8;
	[tilespmem:$0x1CC00] =	vst v63  }
0x99: {  	_ =	swait.ge [sflag:s13], $0x4000  }
0x9a: {  	[sflag:s13] =	ssyncset.done $0x0  }
0x9b: {  	[sflag:s13] =	ssyncadd.s32 $0xFFFFC000  }
0x9c: {  	_ =	swait.ge [sflag:s18], $0x4000  }
0x9d: {  	[sflag:s18] =	ssyncset.done $0x0  }
0x9e: {  	[sflag:s18] =	ssyncadd.s32 $0xFFFFC000  }
0x9f: {  	[tilespmem:s12], [sflag:$0x1] =	stream.indirect.gather [hbm4b:s4+s15], $0x80, s23, s15, $0xb8;
	[tilespmem:$0x1CC00] =	vst v63  }
0xa0: {  	_ = 	snop  }
0xa1: {  	[spmem:s2] =	stream.indirect.scatter.add.f32 [tilespmem:s17], [sflag:$0x3], $0x80, s24, s15, $0xb8;
	[tilespmem:$0x1CC00] =	vst v63  }
0xa2: {  	_ =	swait.ge [sflag:s13], $0x4000  }
0xa3: {  	[sflag:s13] =	ssyncset.done $0x0  }
0xa4: {  	[sflag:s13] =	ssyncadd.s32 $0xFFFFC000  }
0xa5: {  	_ =	swait.ge [sflag:s16], $0x4000  }
0xa6: {  	[sflag:s16] =	ssyncset.done $0x0  }
0xa7: {  	[sflag:s16] =	ssyncadd.s32 $0xFFFFC000  }
0xa8: {  	[tilespmem:s17], [sflag:$0x2] =	stream.indirect.gather [hbm4b:s4+s15], $0x80, s25, s15, $0xb8;
	[tilespmem:$0x1CC00] =	vst v63  }
0xa9: {  	_ = 	snop  }
0xaa: {  	[spmem:s2] =	stream.indirect.scatter.add.f32 [tilespmem:s12], [sflag:$0x3], $0x80, s26, s15, $0xb8;
	[tilespmem:$0x1CC00] =	vst v63  }
0xab: {  	_ =	swait.ge [sflag:s13], $0x4000  }
0xac: {  	[sflag:s13] =	ssyncset.done $0x0  }
0xad: {  	[sflag:s13] =	ssyncadd.s32 $0xFFFFC000  }
0xae: {  	_ =	swait.ge [sflag:s18], $0x4000  }
0xaf: {  	[sflag:s18] =	ssyncset.done $0x0  }
0xb0: {  	[sflag:s18] =	ssyncadd.s32 $0xFFFFC000  }
0xb1: {  	[tilespmem:s12], [sflag:$0x1] =	stream.indirect.gather [hbm4b:s4+s15], $0x80, s28, s15, $0xb8;
	[tilespmem:$0x1CC00] =	vst v63  }
0xb2: {  	_ = 	snop  }
0xb3: {  	[spmem:s2] =	stream.indirect.scatter.add.f32 [tilespmem:s17], [sflag:$0x3], $0x80, s29, s15, $0xb8;
	[tilespmem:$0x1CC00] =	vst v63  }
0xb4: {  	_ =	swait.ge [sflag:s13], $0x4000  }
0xb5: {  	[sflag:s13] =	ssyncset.done $0x0  }
0xb6: {  	[sflag:s13] =	ssyncadd.s32 $0xFFFFC000  }
0xb7: {  	_ =	swait.ge [sflag:s16], $0x4000  }
0xb8: {  	[sflag:s16] =	ssyncset.done $0x0  }
0xb9: {  	[sflag:s16] =	ssyncadd.s32 $0xFFFFC000  }
0xba: {  	[tilespmem:s17], [sflag:$0x2] =	stream.indirect.gather [hbm4b:s4+s15], $0x80, s30, s15, $0xb8;
	[tilespmem:$0x1CC00] =	vst v63  }
0xbb: {  	_ = 	snop  }
0xbc: {  	[spmem:s2] =	stream.indirect.scatter.add.f32 [tilespmem:s12], [sflag:$0x3], $0x80, s31, s15, $0xb8;
	[tilespmem:$0x1CC00] =	vst v63  }
0xbd: {  	_ =	swait.ge [sflag:s13], $0x4000  }
0xbe: {  	[sflag:s13] =	ssyncset.done $0x0  }
0xbf: {  	[sflag:s13] =	ssyncadd.s32 $0xFFFFC000  }
0xc0: {  	_ =	swait.ge [sflag:s18], $0x4000  }
0xc1: {  	[sflag:s18] =	ssyncset.done $0x0  }
0xc2: {  	[sflag:s18] =	ssyncadd.s32 $0xFFFFC000  }
0xc3: {  	[tilespmem:s12], [sflag:$0x1] =	stream.indirect.gather [hbm4b:s4+s15], $0x80, s1, s15, $0xb8;
	[tilespmem:$0x1CC00] =	vst v63  }
0xc4: {  	_ = 	snop  }
0xc5: {  	[spmem:s2] =	stream.indirect.scatter.add.f32 [tilespmem:s17], [sflag:$0x3], $0x80, s0, s15, $0xb8;
	[tilespmem:$0x1CC00] =	vst v63  }
0xc6: {  	_ =	swait.ge [sflag:s13], $0x4000  }
0xc7: {  	[sflag:s13] =	ssyncset.done $0x0  }
0xc8: {  	[sflag:s13] =	ssyncadd.s32 $0xFFFFC000  }
0xc9: {  	_ =	swait.ge [sflag:s16], $0x4000  }
0xca: {  	[sflag:s16] =	ssyncset.done $0x0  }
0xcb: {  	[sflag:s16] =	ssyncadd.s32 $0xFFFFC000  }
0xcc: {  	[tilespmem:s17], [sflag:$0x2] =	stream.indirect.gather [hbm4b:s4+s15], $0x80, s6, s15, $0xb8;
	[tilespmem:$0x1CC00] =	vst v63  }
0xcd: {  	_ = 	snop  }
0xce: {  	[spmem:s2] =	stream.indirect.scatter.add.f32 [tilespmem:s12], [sflag:$0x3], $0x80, s7, s15, $0xb8;
	[tilespmem:$0x1CC00] =	vst v63  }
0xcf: {  	_ =	swait.ge [sflag:s13], $0x4000  }
0xd0: {  	[sflag:s13] =	ssyncset.done $0x0  }
0xd1: {  	[sflag:s13] =	ssyncadd.s32 $0xFFFFC000  }
0xd2: {  	_ =	swait.ge [sflag:s18], $0x4000  }
0xd3: {  	[sflag:s18] =	ssyncset.done $0x0  }
0xd4: {  	[sflag:s18] =	ssyncadd.s32 $0xFFFFC000  }
0xd5: {  	[spmem:s2] =	stream.indirect.scatter.add.f32 [tilespmem:s17], [sflag:$0x3], $0x80, s8, s15, $0xb8;
	[tilespmem:$0x1CC00] =	vst v63  }
0xd6: {  	s10 =	simm.s32 $0x100;
	_ =	swait.ge [sflag:s13], $0x4000  }
0xd7: {  	s11 =	simm.s32 $0x200;
	s5 =	rddreg [dreg:$0x4];
	[sflag:s13] =	ssyncset.done $0x0  }
.LBB2_4:
0xd8: {  	[sflag:s13] =	ssyncadd.s32 $0xFFFFC000;
	s5 =	sadd.s32 s10, s5  }
0xd9: {  	[tilespmem:s3], [sflag:$0x3] =	stream.linear.gather [hbm4b:s5+s3], $0x800, $0x38;
	[tilespmem:$0x1CC00] =	vst v63  }
0xda: {  	_ =	swait.ge [sflag:s13], $0x800  }
0xdb: {  	s5 =	rddreg [dreg:$0x3];
	[sflag:s13] =	ssyncset.done $0x0  }
0xdc: {  	[sflag:s13] =	ssyncadd.s32 $0xFFFFF800;
	s5 =	sadd.s32 s10, s5  }
0xdd: {  	[tilespmem:s14], [sflag:$0x3] =	stream.linear.gather [hbm4b:s5+s3], $0x800, $0x38;
	[tilespmem:$0x1CC00] =	vst v63  }
0xde: {  	_ =	swait.ge [sflag:s13], $0x800  }
0xdf: {  	[sflag:s13] =	ssyncset.done $0x0  }
0xe0: {  	[sflag:s13] =	ssyncadd.s32 $0xFFFFF800  }
0xe1: {  	[tilespmem:s12], [sflag:$0x1] =	stream.indirect.gather [hbm4b:s4+s15], $0x80, s3, s15, $0xb8;
	[tilespmem:$0x1CC00] =	vst v63  }
0xe2: {  	_ =	swait.ge [sflag:s16], $0x4000  }
0xe3: {  	[sflag:s16] =	ssyncset.done $0x0  }
0xe4: {  	[sflag:s16] =	ssyncadd.s32 $0xFFFFC000  }
0xe5: {  	[tilespmem:s17], [sflag:$0x2] =	stream.indirect.gather [hbm4b:s4+s15], $0x80, s15, s15, $0xb8;
	[tilespmem:$0x1CC00] =	vst v63  }
0xe6: {  	_ = 	snop  }
0xe7: {  	[spmem:s2] =	stream.indirect.scatter.add.f32 [tilespmem:s12], [sflag:$0x3], $0x80, s14, s15, $0xb8;
	[tilespmem:$0x1CC00] =	vst v63  }
0xe8: {  	_ =	swait.ge [sflag:s13], $0x4000  }
0xe9: {  	[sflag:s13] =	ssyncset.done $0x0  }
0xea: {  	[sflag:s13] =	ssyncadd.s32 $0xFFFFC000  }
0xeb: {  	_ =	swait.ge [sflag:s18], $0x4000  }
0xec: {  	[sflag:s18] =	ssyncset.done $0x0  }
0xed: {  	s9 =	smov.u32 s11;
	s5 =	rddreg [dreg:$0x5];
	[sflag:s18] =	ssyncadd.s32 $0xFFFFC000  }
0xee: {  	[tilespmem:s12], [sflag:$0x1] =	stream.indirect.gather [hbm4b:s4+s15], $0x80, s5, s15, $0xb8;
	[tilespmem:$0x1CC00] =	vst v63  }
0xef: {  	s10 =	smov.u32 s9;
	s9 =	rddreg [dreg:$0x6]  }
0xf0: {  	[spmem:s2] =	stream.indirect.scatter.add.f32 [tilespmem:s17], [sflag:$0x3], $0x80, s9, s15, $0xb8;
	[tilespmem:$0x1CC00] =	vst v63  }
0xf1: {  	_ =	swait.ge [sflag:s13], $0x4000  }
0xf2: {  	[sflag:s13] =	ssyncset.done $0x0  }
0xf3: {  	[sflag:s13] =	ssyncadd.s32 $0xFFFFC000  }
0xf4: {  	_ =	swait.ge [sflag:s16], $0x4000  }
0xf5: {  	[sflag:s16] =	ssyncset.done $0x0  }
0xf6: {  	s5 =	rddreg [dreg:$0x7];
	[sflag:s16] =	ssyncadd.s32 $0xFFFFC000  }
0xf7: {  	[tilespmem:s17], [sflag:$0x2] =	stream.indirect.gather [hbm4b:s4+s15], $0x80, s5, s15, $0xb8;
	[tilespmem:$0x1CC00] =	vst v63  }
0xf8: {  	s9 =	rddreg [dreg:$0x8]  }
0xf9: {  	[spmem:s2] =	stream.indirect.scatter.add.f32 [tilespmem:s12], [sflag:$0x3], $0x80, s9, s15, $0xb8;
	[tilespmem:$0x1CC00] =	vst v63  }
0xfa: {  	_ =	swait.ge [sflag:s13], $0x4000  }
0xfb: {  	[sflag:s13] =	ssyncset.done $0x0  }
0xfc: {  	[sflag:s13] =	ssyncadd.s32 $0xFFFFC000  }
0xfd: {  	_ =	swait.ge [sflag:s18], $0x4000  }
0xfe: {  	[sflag:s18] =	ssyncset.done $0x0  }
0xff: {  	s5 =	rddreg [dreg:$0x9];
	[sflag:s18] =	ssyncadd.s32 $0xFFFFC000  }
0x100: {  	[tilespmem:s12], [sflag:$0x1] =	stream.indirect.gather [hbm4b:s4+s15], $0x80, s5, s15, $0xb8;
	[tilespmem:$0x1CC00] =	vst v63  }
0x101: {  	s9 =	rddreg [dreg:$0xa]  }
0x102: {  	[spmem:s2] =	stream.indirect.scatter.add.f32 [tilespmem:s17], [sflag:$0x3], $0x80, s9, s15, $0xb8;
	[tilespmem:$0x1CC00] =	vst v63  }
0x103: {  	_ =	swait.ge [sflag:s13], $0x4000  }
0x104: {  	[sflag:s13] =	ssyncset.done $0x0  }
0x105: {  	[sflag:s13] =	ssyncadd.s32 $0xFFFFC000  }
0x106: {  	_ =	swait.ge [sflag:s16], $0x4000  }
0x107: {  	[sflag:s16] =	ssyncset.done $0x0  }
0x108: {  	s5 =	rddreg [dreg:$0xb];
	[sflag:s16] =	ssyncadd.s32 $0xFFFFC000  }
0x109: {  	[tilespmem:s17], [sflag:$0x2] =	stream.indirect.gather [hbm4b:s4+s15], $0x80, s5, s15, $0xb8;
	[tilespmem:$0x1CC00] =	vst v63  }
0x10a: {  	s9 =	rddreg [dreg:$0xc]  }
0x10b: {  	[spmem:s2] =	stream.indirect.scatter.add.f32 [tilespmem:s12], [sflag:$0x3], $0x80, s9, s15, $0xb8;
	[tilespmem:$0x1CC00] =	vst v63  }
0x10c: {  	_ =	swait.ge [sflag:s13], $0x4000  }
0x10d: {  	[sflag:s13] =	ssyncset.done $0x0  }
0x10e: {  	[sflag:s13] =	ssyncadd.s32 $0xFFFFC000  }
0x10f: {  	_ =	swait.ge [sflag:s18], $0x4000  }
0x110: {  	[sflag:s18] =	ssyncset.done $0x0  }
0x111: {  	s5 =	rddreg [dreg:$0xd];
	[sflag:s18] =	ssyncadd.s32 $0xFFFFC000  }
0x112: {  	[tilespmem:s12], [sflag:$0x1] =	stream.indirect.gather [hbm4b:s4+s15], $0x80, s5, s15, $0xb8;
	[tilespmem:$0x1CC00] =	vst v63  }
0x113: {  	s9 =	rddreg [dreg:$0xe]  }
0x114: {  	[spmem:s2] =	stream.indirect.scatter.add.f32 [tilespmem:s17], [sflag:$0x3], $0x80, s9, s15, $0xb8;
	[tilespmem:$0x1CC00] =	vst v63  }
0x115: {  	_ =	swait.ge [sflag:s13], $0x4000  }
0x116: {  	[sflag:s13] =	ssyncset.done $0x0  }
0x117: {  	[sflag:s13] =	ssyncadd.s32 $0xFFFFC000  }
0x118: {  	_ =	swait.ge [sflag:s16], $0x4000  }
0x119: {  	[sflag:s16] =	ssyncset.done $0x0  }
0x11a: {  	s5 =	rddreg [dreg:$0xf];
	[sflag:s16] =	ssyncadd.s32 $0xFFFFC000  }
0x11b: {  	[tilespmem:s17], [sflag:$0x2] =	stream.indirect.gather [hbm4b:s4+s15], $0x80, s5, s15, $0xb8;
	[tilespmem:$0x1CC00] =	vst v63  }
0x11c: {  	s9 =	rddreg [dreg:$0x10]  }
0x11d: {  	[spmem:s2] =	stream.indirect.scatter.add.f32 [tilespmem:s12], [sflag:$0x3], $0x80, s9, s15, $0xb8;
	[tilespmem:$0x1CC00] =	vst v63  }
0x11e: {  	_ =	swait.ge [sflag:s13], $0x4000  }
0x11f: {  	[sflag:s13] =	ssyncset.done $0x0  }
0x120: {  	[sflag:s13] =	ssyncadd.s32 $0xFFFFC000  }
0x121: {  	_ =	swait.ge [sflag:s18], $0x4000  }
0x122: {  	[sflag:s18] =	ssyncset.done $0x0  }
0x123: {  	[sflag:s18] =	ssyncadd.s32 $0xFFFFC000  }
0x124: {  	[tilespmem:s12], [sflag:$0x1] =	stream.indirect.gather [hbm4b:s4+s15], $0x80, s19, s15, $0xb8;
	[tilespmem:$0x1CC00] =	vst v63  }
0x125: {  	_ = 	snop  }
0x126: {  	[spmem:s2] =	stream.indirect.scatter.add.f32 [tilespmem:s17], [sflag:$0x3], $0x80, s20, s15, $0xb8;
	[tilespmem:$0x1CC00] =	vst v63  }
0x127: {  	_ =	swait.ge [sflag:s13], $0x4000  }
0x128: {  	[sflag:s13] =	ssyncset.done $0x0  }
0x129: {  	[sflag:s13] =	ssyncadd.s32 $0xFFFFC000  }
0x12a: {  	_ =	swait.ge [sflag:s16], $0x4000  }
0x12b: {  	[sflag:s16] =	ssyncset.done $0x0  }
0x12c: {  	[sflag:s16] =	ssyncadd.s32 $0xFFFFC000  }
0x12d: {  	[tilespmem:s17], [sflag:$0x2] =	stream.indirect.gather [hbm4b:s4+s15], $0x80, s21, s15, $0xb8;
	[tilespmem:$0x1CC00] =	vst v63  }
0x12e: {  	_ = 	snop  }
0x12f: {  	[spmem:s2] =	stream.indirect.scatter.add.f32 [tilespmem:s12], [sflag:$0x3], $0x80, s22, s15, $0xb8;
	[tilespmem:$0x1CC00] =	vst v63  }
0x130: {  	_ =	swait.ge [sflag:s13], $0x4000  }
0x131: {  	[sflag:s13] =	ssyncset.done $0x0  }
0x132: {  	[sflag:s13] =	ssyncadd.s32 $0xFFFFC000  }
0x133: {  	_ =	swait.ge [sflag:s18], $0x4000  }
0x134: {  	[sflag:s18] =	ssyncset.done $0x0  }
0x135: {  	[sflag:s18] =	ssyncadd.s32 $0xFFFFC000  }
0x136: {  	[tilespmem:s12], [sflag:$0x1] =	stream.indirect.gather [hbm4b:s4+s15], $0x80, s23, s15, $0xb8;
	[tilespmem:$0x1CC00] =	vst v63  }
0x137: {  	_ = 	snop  }
0x138: {  	[spmem:s2] =	stream.indirect.scatter.add.f32 [tilespmem:s17], [sflag:$0x3], $0x80, s24, s15, $0xb8;
	[tilespmem:$0x1CC00] =	vst v63  }
0x139: {  	_ =	swait.ge [sflag:s13], $0x4000  }
0x13a: {  	[sflag:s13] =	ssyncset.done $0x0  }
0x13b: {  	[sflag:s13] =	ssyncadd.s32 $0xFFFFC000  }
0x13c: {  	_ =	swait.ge [sflag:s16], $0x4000  }
0x13d: {  	[sflag:s16] =	ssyncset.done $0x0  }
0x13e: {  	[sflag:s16] =	ssyncadd.s32 $0xFFFFC000  }
0x13f: {  	[tilespmem:s17], [sflag:$0x2] =	stream.indirect.gather [hbm4b:s4+s15], $0x80, s25, s15, $0xb8;
	[tilespmem:$0x1CC00] =	vst v63  }
0x140: {  	_ = 	snop  }
0x141: {  	[spmem:s2] =	stream.indirect.scatter.add.f32 [tilespmem:s12], [sflag:$0x3], $0x80, s26, s15, $0xb8;
	[tilespmem:$0x1CC00] =	vst v63  }
0x142: {  	_ =	swait.ge [sflag:s13], $0x4000  }
0x143: {  	[sflag:s13] =	ssyncset.done $0x0  }
0x144: {  	[sflag:s13] =	ssyncadd.s32 $0xFFFFC000  }
0x145: {  	_ =	swait.ge [sflag:s18], $0x4000  }
0x146: {  	[sflag:s18] =	ssyncset.done $0x0  }
0x147: {  	[sflag:s18] =	ssyncadd.s32 $0xFFFFC000  }
0x148: {  	[tilespmem:s12], [sflag:$0x1] =	stream.indirect.gather [hbm4b:s4+s15], $0x80, s28, s15, $0xb8;
	[tilespmem:$0x1CC00] =	vst v63  }
0x149: {  	_ = 	snop  }
0x14a: {  	[spmem:s2] =	stream.indirect.scatter.add.f32 [tilespmem:s17], [sflag:$0x3], $0x80, s29, s15, $0xb8;
	[tilespmem:$0x1CC00] =	vst v63  }
0x14b: {  	_ =	swait.ge [sflag:s13], $0x4000  }
0x14c: {  	[sflag:s13] =	ssyncset.done $0x0  }
0x14d: {  	[sflag:s13] =	ssyncadd.s32 $0xFFFFC000  }
0x14e: {  	_ =	swait.ge [sflag:s16], $0x4000  }
0x14f: {  	[sflag:s16] =	ssyncset.done $0x0  }
0x150: {  	[sflag:s16] =	ssyncadd.s32 $0xFFFFC000  }
0x151: {  	[tilespmem:s17], [sflag:$0x2] =	stream.indirect.gather [hbm4b:s4+s15], $0x80, s30, s15, $0xb8;
	[tilespmem:$0x1CC00] =	vst v63  }
0x152: {  	_ = 	snop  }
0x153: {  	[spmem:s2] =	stream.indirect.scatter.add.f32 [tilespmem:s12], [sflag:$0x3], $0x80, s31, s15, $0xb8;
	[tilespmem:$0x1CC00] =	vst v63  }
0x154: {  	_ =	swait.ge [sflag:s13], $0x4000  }
0x155: {  	[sflag:s13] =	ssyncset.done $0x0  }
0x156: {  	[sflag:s13] =	ssyncadd.s32 $0xFFFFC000  }
0x157: {  	_ =	swait.ge [sflag:s18], $0x4000  }
0x158: {  	[sflag:s18] =	ssyncset.done $0x0  }
0x159: {  	[sflag:s18] =	ssyncadd.s32 $0xFFFFC000  }
0x15a: {  	[tilespmem:s12], [sflag:$0x1] =	stream.indirect.gather [hbm4b:s4+s15], $0x80, s1, s15, $0xb8;
	[tilespmem:$0x1CC00] =	vst v63  }
0x15b: {  	_ = 	snop  }
0x15c: {  	[spmem:s2] =	stream.indirect.scatter.add.f32 [tilespmem:s17], [sflag:$0x3], $0x80, s0, s15, $0xb8;
	[tilespmem:$0x1CC00] =	vst v63  }
0x15d: {  	_ =	swait.ge [sflag:s13], $0x4000  }
0x15e: {  	[sflag:s13] =	ssyncset.done $0x0  }
0x15f: {  	[sflag:s13] =	ssyncadd.s32 $0xFFFFC000  }
0x160: {  	_ =	swait.ge [sflag:s16], $0x4000  }
0x161: {  	[sflag:s16] =	ssyncset.done $0x0  }
0x162: {  	[sflag:s16] =	ssyncadd.s32 $0xFFFFC000  }
0x163: {  	[tilespmem:s17], [sflag:$0x2] =	stream.indirect.gather [hbm4b:s4+s15], $0x80, s6, s15, $0xb8;
	[tilespmem:$0x1CC00] =	vst v63  }
0x164: {  	_ = 	snop  }
0x165: {  	[spmem:s2] =	stream.indirect.scatter.add.f32 [tilespmem:s12], [sflag:$0x3], $0x80, s7, s15, $0xb8;
	[tilespmem:$0x1CC00] =	vst v63  }
0x166: {  	_ =	swait.ge [sflag:s13], $0x4000  }
0x167: {  	[sflag:s13] =	ssyncset.done $0x0  }
0x168: {  	[sflag:s13] =	ssyncadd.s32 $0xFFFFC000  }
0x169: {  	p0 =	sne.s32 s11, $0x400;
	_ =	swait.ge [sflag:s18], $0x4000  }
.Ltmp1:
0x16a: {  	[sflag:s18] =	ssyncset.done $0x0;
	(pc) =	sbr.rel @p0 .LBB2_4-.Ltmp1, $4  }
0x16b: {  	[sflag:s18] =	ssyncadd.s32 $0xFFFFC000  }
0x16c: {  	[spmem:s2] =	stream.indirect.scatter.add.f32 [tilespmem:s17], [sflag:$0x3], $0x80, s8, s15, $0xb8;
	[tilespmem:$0x1CC00] =	vst v63  }
0x16d: {  	_ =	swait.ge [sflag:s13], $0x4000  }
0x16e: {  	s11 =	sadd.s32 $0x100, s11;
	s5 =	rddreg [dreg:$0x4];
	[sflag:s13] =	ssyncset.done $0x0  }
0x16f: {  	[sflag:s13] =	ssyncadd.s32 $0xFFFFC000;
	s5 =	sadd.s32 s10, s5  }
0x170: {  	[tilespmem:s3], [sflag:$0x3] =	stream.linear.gather [hbm4b:s5+s3], $0x800, $0x38;
	[tilespmem:$0x1CC00] =	vst v63  }
0x171: {  	_ =	swait.ge [sflag:s13], $0x800  }
0x172: {  	s9 =	rddreg [dreg:$0x3];
	[sflag:s13] =	ssyncset.done $0x0  }
0x173: {  	[sflag:s13] =	ssyncadd.s32 $0xFFFFF800;
	s5 =	sadd.s32 s10, s9  }
0x174: {  	[tilespmem:s14], [sflag:$0x3] =	stream.linear.gather [hbm4b:s5+s3], $0x800, $0x38;
	[tilespmem:$0x1CC00] =	vst v63  }
0x175: {  	_ =	swait.ge [sflag:s13], $0x800  }
0x176: {  	[sflag:s13] =	ssyncset.done $0x0  }
0x177: {  	[sflag:s13] =	ssyncadd.s32 $0xFFFFF800  }
0x178: {  	[tilespmem:s12], [sflag:$0x1] =	stream.indirect.gather [hbm4b:s4+s15], $0x80, s3, s15, $0xb8;
	[tilespmem:$0x1CC00] =	vst v63  }
0x179: {  	_ =	swait.ge [sflag:s16], $0x4000  }
0x17a: {  	[sflag:s16] =	ssyncset.done $0x0  }
0x17b: {  	[sflag:s16] =	ssyncadd.s32 $0xFFFFC000  }
0x17c: {  	[tilespmem:s17], [sflag:$0x2] =	stream.indirect.gather [hbm4b:s4+s15], $0x80, s15, s15, $0xb8;
	[tilespmem:$0x1CC00] =	vst v63  }
0x17d: {  	_ = 	snop  }
0x17e: {  	[spmem:s2] =	stream.indirect.scatter.add.f32 [tilespmem:s12], [sflag:$0x3], $0x80, s14, s15, $0xb8;
	[tilespmem:$0x1CC00] =	vst v63  }
0x17f: {  	_ =	swait.ge [sflag:s13], $0x4000  }
0x180: {  	[sflag:s13] =	ssyncset.done $0x0  }
0x181: {  	[sflag:s13] =	ssyncadd.s32 $0xFFFFC000  }
0x182: {  	_ =	swait.ge [sflag:s18], $0x4000  }
0x183: {  	[sflag:s18] =	ssyncset.done $0x0  }
0x184: {  	s11 =	rddreg [dreg:$0x5];
	[sflag:s18] =	ssyncadd.s32 $0xFFFFC000  }
0x185: {  	[tilespmem:s12], [sflag:$0x1] =	stream.indirect.gather [hbm4b:s4+s15], $0x80, s11, s15, $0xb8;
	[tilespmem:$0x1CC00] =	vst v63  }
0x186: {  	s9 =	rddreg [dreg:$0x6]  }
0x187: {  	[spmem:s2] =	stream.indirect.scatter.add.f32 [tilespmem:s17], [sflag:$0x3], $0x80, s9, s15, $0xb8;
	[tilespmem:$0x1CC00] =	vst v63  }
0x188: {  	_ =	swait.ge [sflag:s13], $0x4000  }
0x189: {  	[sflag:s13] =	ssyncset.done $0x0  }
0x18a: {  	[sflag:s13] =	ssyncadd.s32 $0xFFFFC000  }
0x18b: {  	_ =	swait.ge [sflag:s16], $0x4000  }
0x18c: {  	[sflag:s16] =	ssyncset.done $0x0  }
0x18d: {  	s10 =	rddreg [dreg:$0x7];
	[sflag:s16] =	ssyncadd.s32 $0xFFFFC000  }
0x18e: {  	[tilespmem:s17], [sflag:$0x2] =	stream.indirect.gather [hbm4b:s4+s15], $0x80, s10, s15, $0xb8;
	[tilespmem:$0x1CC00] =	vst v63  }
0x18f: {  	s11 =	rddreg [dreg:$0x8]  }
0x190: {  	[spmem:s2] =	stream.indirect.scatter.add.f32 [tilespmem:s12], [sflag:$0x3], $0x80, s11, s15, $0xb8;
	[tilespmem:$0x1CC00] =	vst v63  }
0x191: {  	_ =	swait.ge [sflag:s13], $0x4000  }
0x192: {  	[sflag:s13] =	ssyncset.done $0x0  }
0x193: {  	[sflag:s13] =	ssyncadd.s32 $0xFFFFC000  }
0x194: {  	_ =	swait.ge [sflag:s18], $0x4000  }
0x195: {  	[sflag:s18] =	ssyncset.done $0x0  }
0x196: {  	s10 =	rddreg [dreg:$0x9];
	[sflag:s18] =	ssyncadd.s32 $0xFFFFC000  }
0x197: {  	[tilespmem:s12], [sflag:$0x1] =	stream.indirect.gather [hbm4b:s4+s15], $0x80, s10, s15, $0xb8;
	[tilespmem:$0x1CC00] =	vst v63  }
0x198: {  	s11 =	rddreg [dreg:$0xa]  }
0x199: {  	[spmem:s2] =	stream.indirect.scatter.add.f32 [tilespmem:s17], [sflag:$0x3], $0x80, s11, s15, $0xb8;
	[tilespmem:$0x1CC00] =	vst v63  }
0x19a: {  	_ =	swait.ge [sflag:s13], $0x4000  }
0x19b: {  	[sflag:s13] =	ssyncset.done $0x0  }
0x19c: {  	[sflag:s13] =	ssyncadd.s32 $0xFFFFC000  }
0x19d: {  	_ =	swait.ge [sflag:s16], $0x4000  }
0x19e: {  	[sflag:s16] =	ssyncset.done $0x0  }
0x19f: {  	s10 =	rddreg [dreg:$0xb];
	[sflag:s16] =	ssyncadd.s32 $0xFFFFC000  }
0x1a0: {  	[tilespmem:s17], [sflag:$0x2] =	stream.indirect.gather [hbm4b:s4+s15], $0x80, s10, s15, $0xb8;
	[tilespmem:$0x1CC00] =	vst v63  }
0x1a1: {  	s11 =	rddreg [dreg:$0xc]  }
0x1a2: {  	[spmem:s2] =	stream.indirect.scatter.add.f32 [tilespmem:s12], [sflag:$0x3], $0x80, s11, s15, $0xb8;
	[tilespmem:$0x1CC00] =	vst v63  }
0x1a3: {  	_ =	swait.ge [sflag:s13], $0x4000  }
0x1a4: {  	[sflag:s13] =	ssyncset.done $0x0  }
0x1a5: {  	[sflag:s13] =	ssyncadd.s32 $0xFFFFC000  }
0x1a6: {  	_ =	swait.ge [sflag:s18], $0x4000  }
0x1a7: {  	[sflag:s18] =	ssyncset.done $0x0  }
0x1a8: {  	s10 =	rddreg [dreg:$0xd];
	[sflag:s18] =	ssyncadd.s32 $0xFFFFC000  }
0x1a9: {  	[tilespmem:s12], [sflag:$0x1] =	stream.indirect.gather [hbm4b:s4+s15], $0x80, s10, s15, $0xb8;
	[tilespmem:$0x1CC00] =	vst v63  }
0x1aa: {  	s11 =	rddreg [dreg:$0xe]  }
0x1ab: {  	[spmem:s2] =	stream.indirect.scatter.add.f32 [tilespmem:s17], [sflag:$0x3], $0x80, s11, s15, $0xb8;
	[tilespmem:$0x1CC00] =	vst v63  }
0x1ac: {  	_ =	swait.ge [sflag:s13], $0x4000  }
0x1ad: {  	[sflag:s13] =	ssyncset.done $0x0  }
0x1ae: {  	[sflag:s13] =	ssyncadd.s32 $0xFFFFC000  }
0x1af: {  	_ =	swait.ge [sflag:s16], $0x4000  }
0x1b0: {  	[sflag:s16] =	ssyncset.done $0x0  }
0x1b1: {  	s10 =	rddreg [dreg:$0xf];
	[sflag:s16] =	ssyncadd.s32 $0xFFFFC000  }
0x1b2: {  	[tilespmem:s17], [sflag:$0x2] =	stream.indirect.gather [hbm4b:s4+s15], $0x80, s10, s15, $0xb8;
	[tilespmem:$0x1CC00] =	vst v63  }
0x1b3: {  	s11 =	rddreg [dreg:$0x10]  }
0x1b4: {  	[spmem:s2] =	stream.indirect.scatter.add.f32 [tilespmem:s12], [sflag:$0x3], $0x80, s11, s15, $0xb8;
	[tilespmem:$0x1CC00] =	vst v63  }
0x1b5: {  	_ =	swait.ge [sflag:s13], $0x4000  }
0x1b6: {  	[sflag:s13] =	ssyncset.done $0x0  }
0x1b7: {  	[sflag:s13] =	ssyncadd.s32 $0xFFFFC000  }
0x1b8: {  	_ =	swait.ge [sflag:s18], $0x4000  }
0x1b9: {  	[sflag:s18] =	ssyncset.done $0x0  }
0x1ba: {  	[sflag:s18] =	ssyncadd.s32 $0xFFFFC000  }
0x1bb: {  	[tilespmem:s12], [sflag:$0x1] =	stream.indirect.gather [hbm4b:s4+s15], $0x80, s19, s15, $0xb8;
	[tilespmem:$0x1CC00] =	vst v63  }
0x1bc: {  	_ = 	snop  }
0x1bd: {  	[spmem:s2] =	stream.indirect.scatter.add.f32 [tilespmem:s17], [sflag:$0x3], $0x80, s20, s15, $0xb8;
	[tilespmem:$0x1CC00] =	vst v63  }
0x1be: {  	_ =	swait.ge [sflag:s13], $0x4000  }
0x1bf: {  	[sflag:s13] =	ssyncset.done $0x0  }
0x1c0: {  	[sflag:s13] =	ssyncadd.s32 $0xFFFFC000  }
0x1c1: {  	_ =	swait.ge [sflag:s16], $0x4000  }
0x1c2: {  	[sflag:s16] =	ssyncset.done $0x0  }
0x1c3: {  	[sflag:s16] =	ssyncadd.s32 $0xFFFFC000  }
0x1c4: {  	[tilespmem:s17], [sflag:$0x2] =	stream.indirect.gather [hbm4b:s4+s15], $0x80, s21, s15, $0xb8;
	[tilespmem:$0x1CC00] =	vst v63  }
0x1c5: {  	_ = 	snop  }
0x1c6: {  	[spmem:s2] =	stream.indirect.scatter.add.f32 [tilespmem:s12], [sflag:$0x3], $0x80, s22, s15, $0xb8;
	[tilespmem:$0x1CC00] =	vst v63  }
0x1c7: {  	_ =	swait.ge [sflag:s13], $0x4000  }
0x1c8: {  	[sflag:s13] =	ssyncset.done $0x0  }
0x1c9: {  	[sflag:s13] =	ssyncadd.s32 $0xFFFFC000  }
0x1ca: {  	_ =	swait.ge [sflag:s18], $0x4000  }
0x1cb: {  	[sflag:s18] =	ssyncset.done $0x0  }
0x1cc: {  	[sflag:s18] =	ssyncadd.s32 $0xFFFFC000  }
0x1cd: {  	[tilespmem:s12], [sflag:$0x1] =	stream.indirect.gather [hbm4b:s4+s15], $0x80, s23, s15, $0xb8;
	[tilespmem:$0x1CC00] =	vst v63  }
0x1ce: {  	_ = 	snop  }
0x1cf: {  	[spmem:s2] =	stream.indirect.scatter.add.f32 [tilespmem:s17], [sflag:$0x3], $0x80, s24, s15, $0xb8;
	[tilespmem:$0x1CC00] =	vst v63  }
0x1d0: {  	_ =	swait.ge [sflag:s13], $0x4000  }
0x1d1: {  	[sflag:s13] =	ssyncset.done $0x0  }
0x1d2: {  	[sflag:s13] =	ssyncadd.s32 $0xFFFFC000  }
0x1d3: {  	_ =	swait.ge [sflag:s16], $0x4000  }
0x1d4: {  	[sflag:s16] =	ssyncset.done $0x0  }
0x1d5: {  	[sflag:s16] =	ssyncadd.s32 $0xFFFFC000  }
0x1d6: {  	[tilespmem:s17], [sflag:$0x2] =	stream.indirect.gather [hbm4b:s4+s15], $0x80, s25, s15, $0xb8;
	[tilespmem:$0x1CC00] =	vst v63  }
0x1d7: {  	_ = 	snop  }
0x1d8: {  	[spmem:s2] =	stream.indirect.scatter.add.f32 [tilespmem:s12], [sflag:$0x3], $0x80, s26, s15, $0xb8;
	[tilespmem:$0x1CC00] =	vst v63  }
0x1d9: {  	_ =	swait.ge [sflag:s13], $0x4000  }
0x1da: {  	[sflag:s13] =	ssyncset.done $0x0  }
0x1db: {  	[sflag:s13] =	ssyncadd.s32 $0xFFFFC000  }
0x1dc: {  	_ =	swait.ge [sflag:s18], $0x4000  }
0x1dd: {  	[sflag:s18] =	ssyncset.done $0x0  }
0x1de: {  	[sflag:s18] =	ssyncadd.s32 $0xFFFFC000  }
0x1df: {  	[tilespmem:s12], [sflag:$0x1] =	stream.indirect.gather [hbm4b:s4+s15], $0x80, s28, s15, $0xb8;
	[tilespmem:$0x1CC00] =	vst v63  }
0x1e0: {  	_ = 	snop  }
0x1e1: {  	[spmem:s2] =	stream.indirect.scatter.add.f32 [tilespmem:s17], [sflag:$0x3], $0x80, s29, s15, $0xb8;
	[tilespmem:$0x1CC00] =	vst v63  }
0x1e2: {  	_ =	swait.ge [sflag:s13], $0x4000  }
0x1e3: {  	[sflag:s13] =	ssyncset.done $0x0  }
0x1e4: {  	[sflag:s13] =	ssyncadd.s32 $0xFFFFC000  }
0x1e5: {  	_ =	swait.ge [sflag:s16], $0x4000  }
0x1e6: {  	[sflag:s16] =	ssyncset.done $0x0  }
0x1e7: {  	[sflag:s16] =	ssyncadd.s32 $0xFFFFC000  }
0x1e8: {  	[tilespmem:s17], [sflag:$0x2] =	stream.indirect.gather [hbm4b:s4+s15], $0x80, s30, s15, $0xb8;
	[tilespmem:$0x1CC00] =	vst v63  }
0x1e9: {  	_ = 	snop  }
0x1ea: {  	[spmem:s2] =	stream.indirect.scatter.add.f32 [tilespmem:s12], [sflag:$0x3], $0x80, s31, s15, $0xb8;
	[tilespmem:$0x1CC00] =	vst v63  }
0x1eb: {  	_ =	swait.ge [sflag:s13], $0x4000  }
0x1ec: {  	[sflag:s13] =	ssyncset.done $0x0  }
0x1ed: {  	[sflag:s13] =	ssyncadd.s32 $0xFFFFC000  }
0x1ee: {  	_ =	swait.ge [sflag:s18], $0x4000  }
0x1ef: {  	[sflag:s18] =	ssyncset.done $0x0  }
0x1f0: {  	[sflag:s18] =	ssyncadd.s32 $0xFFFFC000  }
0x1f1: {  	[tilespmem:s12], [sflag:$0x1] =	stream.indirect.gather [hbm4b:s4+s15], $0x80, s1, s15, $0xb8;
	[tilespmem:$0x1CC00] =	vst v63  }
0x1f2: {  	_ = 	snop  }
0x1f3: {  	[spmem:s2] =	stream.indirect.scatter.add.f32 [tilespmem:s17], [sflag:$0x3], $0x80, s0, s15, $0xb8;
	[tilespmem:$0x1CC00] =	vst v63  }
0x1f4: {  	_ =	swait.ge [sflag:s13], $0x4000  }
0x1f5: {  	[sflag:s13] =	ssyncset.done $0x0  }
0x1f6: {  	[sflag:s13] =	ssyncadd.s32 $0xFFFFC000  }
0x1f7: {  	_ =	swait.ge [sflag:s16], $0x4000  }
0x1f8: {  	[sflag:s16] =	ssyncset.done $0x0  }
0x1f9: {  	[sflag:s16] =	ssyncadd.s32 $0xFFFFC000  }
0x1fa: {  	[tilespmem:s17], [sflag:$0x2] =	stream.indirect.gather [hbm4b:s4+s15], $0x80, s6, s15, $0xb8;
	[tilespmem:$0x1CC00] =	vst v63  }
0x1fb: {  	_ = 	snop  }
0x1fc: {  	[spmem:s2] =	stream.indirect.scatter.add.f32 [tilespmem:s12], [sflag:$0x3], $0x80, s7, s15, $0xb8;
	[tilespmem:$0x1CC00] =	vst v63  }
0x1fd: {  	_ =	swait.ge [sflag:s13], $0x4000  }
0x1fe: {  	[sflag:s13] =	ssyncset.done $0x0  }
0x1ff: {  	[sflag:s13] =	ssyncadd.s32 $0xFFFFC000  }
0x200: {  	_ =	swait.ge [sflag:s18], $0x4000  }
0x201: {  	[sflag:s18] =	ssyncset.done $0x0  }
0x202: {  	[sflag:s18] =	ssyncadd.s32 $0xFFFFC000  }
0x203: {  	[spmem:s2] =	stream.indirect.scatter.add.f32 [tilespmem:s17], [sflag:$0x3], $0x80, s8, s15, $0xb8;
	[tilespmem:$0x1CC00] =	vst v63  }
0x204: {  	_ =	swait.ge [sflag:s13], $0x4000  }
0x205: {  	[sflag:s13] =	ssyncset.done $0x0  }
0x206: {  	[sflag:s13] =	ssyncadd.s32 $0xFFFFC000  }
0x207: {  	s9 =	stileid.u32;
	[bflag:$0x0] =	sbarrier.arrive $0xFFFF  }
0x208: {  	s5 =	sshll.u32 s9, $0x6;
	s10 =	rddreg [dreg:$0x11]  }
0x209: {  	s5 =	sor.u32 $0x1C03, s5;
	s11 =	rddreg [dreg:$0x16];
	s9 =	sshrl.u32 s10, $0x3  }
0x20a: {  	[hbm:s11], [sflag:s5] =	dma.local [spmem:s9], $0x2780  }
0x20b: {  	_ =	swait.ge [sflag:s13], $0x2780  }
0x20c: {  	s10 =	rddreg [dreg:$0x18]  }
0x20d: {  	s11 =	rddreg [dreg:$0x17];
	s9 =	sadd.s32 $0x1, s10  }
0x20e: {  	p0 =	sne.s32 s9, s11  }
.Ltmp2:
0x20f: {  	_ = 	snop;
	(pc) =	sbr.rel @p0 .LBB2_1-.Ltmp2, $3  }
0x210: {  	_ =	sdelay $0x1  }
0x211: {  	[sflag:s13] =	ssyncset.done $0x0  }
0x212: {  	[sflag:s13] =	ssyncadd.s32 $0xFFFFD880  }
0x213: {  	_ =	sfence.sel $0x180000  }
0x214: {  	[bflag:$0x0] =	sbarrier.arrive $0xFFFF  }
0x215: {  	_ =	strace $0x9000004D  }
0x216: {  	s0 =	stileid.u32;
	[bflag:$0x2] =	sbarrier.arrive $0xFFFF  }
0x217: {  	p0 =	sne.s32 s0, $0x0;
	s0 =	rddreg [dreg:$0x2]  }
0x218: {  	s0 =	sadd.s32 @!p0 $0x100000, s0  }
0x219: {  	[sflag:s0] =	ssyncadd.tile.s32 @!p0 $0x1;
	_ =	shalt  }
.Lfunc_end2:
_tile_overlayer_lowered:
.L_overlay_start_2:
0x21a: {  	(tag) =	ssettag $0x2  }
0x21b: {  	s0 =	rddreg [dreg:$0x0];
	s2 =	stileid.u32  }
0x21c: {  	s1 =	rddreg [dreg:$0x1];
	p0 =	sne.s32 s2, $0x0  }
0x21d: {  	s3 =	rddreg [dreg:$0x2];
	[bflag:$0x3] =	sbarrier.arrive $0xFFFF;
	s2 =	simm.s32 @!p0 $0x1C03  }
0x21e: {  	[timem:s3], [sflag:s2] =	dma.local @!p0 [hbm:s0], s1  }
0x21f: {  	s0 =	simm.s32 @!p0 $0x3  }
0x220: {  	_ =	swait.ge @!p0 [sflag:s0], s1  }
0x221: {  	s1 =	ssub.s32 @!p0 $0x0, s1;
	[sflag:s0] =	ssyncset.done @!p0 $0x0  }
0x222: {  	[sflag:s0] =	ssyncadd.s32 @!p0 s1  }
0x223: {  	[bflag:$0x3] =	sbarrier.arrive $0xFFFF  }
0x224: {  	_ =	shalt  }

// kernel: kernel.20.cloned.1.call-start
scs
__scs_entry_jumppad:
0x0: {  	(pc) =	sbr.rel $0x88, $3  }
0x1: {  	(tag) =	ssettag $0x0;
	lr =	simm.s32 $0x1  }
0x2: {  	[smem:$0x3F8F] =	sst lr;
	_ =	strace $0xD0000000  }
0x3: {  	_ = 	snop  }
0x4: {  	_ = 	snop  }
0x5: {  	_ = 	snop  }
0x6: {  	_ = 	snop  }
0x7: {  	_ = 	snop  }
__scs_overlays_trampoline_lowered:
0x8: {  	[smem:$0x3F9E] =	sst s0  }
0x9: {  	[smem:$0x3F9F] =	sst s1  }
0xa: {  	[smem:$0x3FA0] =	sst s2  }
0xb: {  	[smem:$0x3FA1] =	sst s3  }
0xc: {  	[smem:$0x3FA2] =	sst s4  }
0xd: {  	[smem:$0x3FA3] =	sst s5  }
0xe: {  	[smem:$0x3FA4] =	sst s6  }
0xf: {  	[smem:$0x3FA5] =	sst s7  }
0x10: {  	[smem:$0x3FA6] =	sst s8  }
0x11: {  	[smem:$0x3FA7] =	sst s9;
	s0 =	simm.s32 @!p0 $0x0  }
0x12: {  	s1 =	sld [smem:$0x3F8D];
	s0 =	simm.s32 @p0 $0x1  }
0x13: {  	[smem:$0x3FA8] =	sst s0;
	s0 =	simm.s32 @!p1 $0x0  }
0x14: {  	s2 =	sld [smem:$0x3F8C];
	s0 =	simm.s32 @p1 $0x1  }
0x15: {  	[smem:$0x3FA9] =	sst s0;
	s0 =	simm.s32 @!p2 $0x0  }
0x16: {  	s3 =	sld [smem:$0x3FDB];
	s0 =	simm.s32 @p2 $0x1  }
0x17: {  	s4 =	simm.s32 $0x1BF5;
	[smem:$0x3FAB] =	sst s0  }
0x18: {  	s0 =	sld [smem:$0x3F8E];
	_ =	swait.ge [sflag:s4], $0x0  }
0x19: {  	s7 =	sld [smem:$0x3F8F]  }
0x1a: {  	s8 =	sadd.s32 $0xFFFFE003, lr  }
0x1b: {  	s9 =	sadd.s32 $0xFFFFFEF7, lr;
	s5 =	simm.s32 $0xFFFFFFFF;
	p2 =	slt.u32 s8, $0xFFFFF086  }
0x1c: {  	p1 =	slt.u32 s9, $0xF7A;
	s5 =	simm.s32 @!p2 $0x0  }
0x1d: {  	s5 =	simm.s32 @p1 $0x1;
	p0 =	seq.s32 s7, s2  }
0x1e: {  	s7 =	smul.u32 @!p0 $0xF7A, s2;
	p2 =	seq.s32 @!p0 s5, $0x0  }
0x1f: {  	s9 =	smul.u32 $0xF7A, s1;
	s8 =	simm.s32 @!p0 $0x1BF5;
	p2 =	por !p2, p0  }
0x20: {  	[sflag:s8] =	ssyncset.s32 @!p0 $0xFFFFF086;
	s6 =	sadd.s32 @!p0 s3, s7;
	s7 =	simm.s32 @!p0 $0x108  }
0x21: {  	s3 =	sadd.s32 s3, s9;
	s6 =	sadd.s32 @!p0 $0x88, s6;
	s7 =	simm.s32 @p2 $0x1082  }
0x22: {  	[simem:s7], [sflag:s8] =	dma.local @!p0 [hbm:s6], $0xF7A  }
0x23: {  	s9 =	sor.u32 $0xD0000000, s2;
	s6 =	simm.s32 $0x108;
	_ =	swait.ge @!p0 [sflag:s8], $0x0  }
0x24: {  	s3 =	sadd.s32 $0x88, s3;
	s6 =	simm.s32 @!p1 $0x1082;
	[sflag:s4] =	ssyncset.s32 $0xFFFFF086  }
0x25: {  	[simem:s6], [sflag:s4] =	dma.local [hbm:s3], $0xF7A  }
0x26: {  	[smem:$0x3F8F] =	sst s1;
	(tag) =	ssettag s2;
	_ =	strace s9  }
0x27: {  	s1 =	sld [smem:$0x3F9F]  }
0x28: {  	s2 =	sld [smem:$0x3FA0]  }
0x29: {  	s4 =	sld [smem:$0x3FA2]  }
0x2a: {  	p0 =	seq.s32 s5, $0x0;
	s5 =	sld [smem:$0x3FA3]  }
0x2b: {  	s6 =	sld [smem:$0x3FA4]  }
0x2c: {  	s7 =	sld [smem:$0x3FA5]  }
0x2d: {  	s3 =	simm.s32 $0x108;
	s8 =	sld [smem:$0x3FA6]  }
0x2e: {  	s3 =	simm.s32 @!p0 $0x1082;
	s9 =	sld [smem:$0x3FA7]  }
0x2f: {  	lr =	sadd.s32 s0, s3;
	s0 =	sld [smem:$0x3F9E]  }
0x30: {  	s3 =	sld [smem:$0x3FA1]  }
0x31: {  	[smem:$0x3FAA] =	sst s10  }
0x32: {  	s10 =	sld [smem:$0x3FA8];
	_ =	sdelay $0x3  }
0x33: {  	p0 =	seq.s32 s10, $0x1;
	s10 =	sld [smem:$0x3FAA];
	_ =	sdelay $0x3  }
0x34: {  	[smem:$0x3FAA] =	sst s10  }
0x35: {  	s10 =	sld [smem:$0x3FA9];
	_ =	sdelay $0x3  }
0x36: {  	p1 =	seq.s32 s10, $0x1;
	s10 =	sld [smem:$0x3FAA];
	_ =	sdelay $0x3  }
0x37: {  	[smem:$0x3FAA] =	sst s10  }
0x38: {  	s10 =	sld [smem:$0x3FAB]  }
0x39: {  	_ = 	snop;
	(pc) =	sbr.ind lr, $3  }
0x3a: {  	_ = 	snop  }
0x3b: {  	_ = 	snop  }
0x3c: {  	p2 =	seq.s32 s10, $0x1;
	s10 =	sld [smem:$0x3FAA]  }
0x3d: {  	_ =	shalt  }
0x3e: {  	_ =	shalt  }
0x3f: {  	_ =	shalt  }
0x40: {  	_ =	shalt  }
0x41: {  	_ =	shalt  }
0x42: {  	_ =	shalt  }
0x43: {  	_ =	shalt  }
0x44: {  	_ =	shalt  }
0x45: {  	_ =	shalt  }
0x46: {  	_ =	shalt  }
0x47: {  	_ =	shalt  }
0x48: {  	_ =	shalt  }
0x49: {  	_ =	shalt  }
0x4a: {  	_ =	shalt  }
0x4b: {  	_ =	shalt  }
0x4c: {  	_ =	shalt  }
0x4d: {  	_ =	shalt  }
0x4e: {  	_ =	shalt  }
0x4f: {  	_ =	shalt  }
0x50: {  	_ =	shalt  }
0x51: {  	_ =	shalt  }
0x52: {  	_ =	shalt  }
0x53: {  	_ =	shalt  }
0x54: {  	_ =	shalt  }
0x55: {  	_ =	shalt  }
0x56: {  	_ =	shalt  }
0x57: {  	_ =	shalt  }
0x58: {  	_ =	shalt  }
0x59: {  	_ =	shalt  }
0x5a: {  	_ =	shalt  }
0x5b: {  	_ =	shalt  }
0x5c: {  	_ =	shalt  }
0x5d: {  	_ =	shalt  }
0x5e: {  	_ =	shalt  }
0x5f: {  	_ =	shalt  }
0x60: {  	_ =	shalt  }
0x61: {  	_ =	shalt  }
0x62: {  	_ =	shalt  }
0x63: {  	_ =	shalt  }
0x64: {  	_ =	shalt  }
0x65: {  	_ =	shalt  }
0x66: {  	_ =	shalt  }
0x67: {  	_ =	shalt  }
0x68: {  	_ =	shalt  }
0x69: {  	_ =	shalt  }
0x6a: {  	_ =	shalt  }
0x6b: {  	_ =	shalt  }
0x6c: {  	_ =	shalt  }
0x6d: {  	_ =	shalt  }
0x6e: {  	_ =	shalt  }
0x6f: {  	_ =	shalt  }
0x70: {  	_ =	shalt  }
0x71: {  	_ =	shalt  }
0x72: {  	_ =	shalt  }
0x73: {  	_ =	shalt  }
0x74: {  	_ =	shalt  }
0x75: {  	_ =	shalt  }
0x76: {  	_ =	shalt  }
0x77: {  	_ =	shalt  }
0x78: {  	_ =	shalt  }
0x79: {  	_ =	shalt  }
0x7a: {  	_ =	shalt  }
0x7b: {  	_ =	shalt  }
0x7c: {  	_ =	shalt  }
0x7d: {  	_ =	shalt  }
0x7e: {  	_ =	shalt  }
0x7f: {  	_ =	shalt  }
0x80: {  	_ =	shalt  }
0x81: {  	_ =	shalt  }
0x82: {  	_ =	shalt  }
0x83: {  	_ =	shalt  }
0x84: {  	_ =	shalt  }
0x85: {  	_ =	shalt  }
0x86: {  	_ =	shalt  }
0x87: {  	_ =	shalt  }
.Lfunc_end0:
.L_simem_size_0:
called_computation.3_lowered:
.L_overlay_start_0:
0x88: {  	s2 =	sld [smem:$0x3FD9]  }
0x89: {  	s3 =	sld [smem:$0x3FFE];
	_ =	sdelay $0x1  }
0x8a: {  	s1 =	srdreg.scid  }
0x8b: {  	s0 =	sand.u32 $0x1, s1  }
0x8c: {  	s16 =	sshll.u32 s0, $0xA;
	s2 =	sadd.s32 s3, s2  }
0x8d: {  	s2 =	sadd.s32 s2, s16  }
0x8e: {  	[smem:$0x3FB6] =	sst s2  }
0x8f: {  	_ = 	snop  }
0x90: {  	(tm) =	ssettm $0x1  }
0x91: {  	s17 =	sld [smem:$0x3FFB];
	_ =	sdelay $0x3  }
0x92: {  	_ =	strace s17  }
0x93: {  	s2 =	sld [smem:$0x3FFC];
	_ =	sdelay $0x3  }
0x94: {  	_ =	strace s2  }
0x95: {  	s2 =	sld [smem:$0x3FFD];
	_ =	sdelay $0x3  }
0x96: {  	_ =	strace s2  }
0x97: {  	_ =	strace $0x8FFFFFFF  }
0x98: {  	s18 =	sld [smem:$0x3FDB];
	_ =	sdelay $0x1  }
0x99: {  	s19 =	simm.s32 $_scs_section_size  }
0x9a: {  	s4 =	simm.s32 $_size__tile_overlayer_lowered;
	s5 =	simm.s32 $_tile_overlayer_lowered  }
0x9b: {  	s22 =	simm.s32 $0x1BFF;
	s21 =	sshll.u32 s5, $0x1;
	s2 =	sadd.s32 s19, s18  }
0x9c: {  	s6 =	simm.s32 $0x0;
	s20 =	sshll.u32 s4, $0x1;
	s4 =	sadd.s32 s21, s2  }
0x9d: {  	[timem:s6], [sflag:s22] =	dma.local [hbm:s4], s20  }
0x9e: {  	_ =	swait.ge [sflag:s22], s20  }
0x9f: {  	s3 =	ssub.s32 $0x0, s20;
	[sflag:s22] =	ssyncset.done $0x0  }
0xa0: {  	[sflag:s22] =	ssyncadd.s32 s3;
	_ =	sdelay $0x1  }
0xa1: {  	s23 =	simm.s32 $0x1B8B  }
0xa2: {  	_ =	swait.ge [sflag:s23], $0x1  }
0xa3: {  	[sflag:s23] =	ssyncset.done $0x0  }
0xa4: {  	s25 =	simm.s32 $0x1B8E;
	s24 =	sld [smem:$0x3FFE];
	[sflag:s23] =	ssyncadd.s32 $0xFFFFFFFF  }
0xa5: {  	s26 =	simm.s32 $execute0_lowered;
	[smem:$0x3FD2] =	sst s25  }
0xa6: {  	s4 =	sshll.u32 s26, $0x1;
	_ =	strace $0x8000004F;
	[dreg:$0x1] =	wrdreg $0xFFFFFFFF  }
0xa7: {  	s28 =	simm.s32 $_size_execute0_lowered;
	s2 =	sadd.s32 s2, s4;
	[dreg:$0x0] =	wrdreg $0x0  }
0xa8: {  	s4 =	sshll.u32 s28, $0x1;
	[dreg:$0x2] =	wrdreg s2  }
0xa9: {  	[dreg:$0x3] =	wrdreg s4  }
0xaa: {  	[dreg:$0x4] =	wrdreg $0xC0  }
0xab: {  	_ =	task [dreg:s6], $0x5FFFF  }
0xac: {  	[dreg:$0x1] =	wrdreg $0xFFFFFFFF  }
0xad: {  	[dreg:$0x0] =	wrdreg $0x60  }
0xae: {  	[dreg:$0x2] =	wrdreg s24  }
0xaf: {  	[dreg:$0x3] =	wrdreg $0x90000  }
0xb0: {  	[dreg:$0x4] =	wrdreg $0x9  }
0xb1: {  	_ =	task.clear_ibuf [dreg:s6], $0x5FFFF;
	_ =	strace $0x9000004F  }
0xb2: {  	s29 =	simm.s32 $0x9;
	_ =	strace $0x80000051  }
0xb3: {  	_ =	swait.ge [sflag:s29], $0x1  }
0xb4: {  	[sflag:s29] =	ssyncadd.s32 $0xFFFFFFFF  }
0xb5: {  	_ =	strace $0x90000051  }
0xb6: {  	_ =	sfence  }
0xb7: {  	s30 =	sld [smem:$0x0];
	_ =	sdelay $0x2  }
0xb8: {  	s31 =	sshll.u32 s1, $0xD;
	s1 =	sshrl.u32 s1, $0x2  }
0xb9: {  	s3 =	sand.u32 $0x4000, s31;
	s1 =	sadd.s32 s1, s30  }
0xba: {  	s0 =	sor.u32 s3, s0;
	s1 =	sshll.u32 s1, $0x11  }
0xbb: {  	s0 =	sor.u32 s1, s0  }
0xbc: {  	s0 =	sadd.s32 $0x8F2B, s0  }
0xbd: {  	[sflag:s0] =	ssyncadd.remote.s32 $0x1  }
0xbe: {  	_ =	sfence.sel $0xFFFF  }
0xbf: {  	[dreg:$0x0] =	wrdreg $0xFFFFFFFF;
	(pc) =	sbr.abs _section_cstart, $3  }
0xc0: {  	[dreg:$0x1] =	wrdreg $0xFFFFFFFF  }
0xc1: {  	_ =	task.clear_ibuf [dreg:s6], $0x2FFFF;
	_ =	strace $0x9FFFFFFF  }
0xc2: {  	(tm) =	ssettm $0x7FFFFFFF  }
0xc3: {  	_ =	shalt  }
tec
execute0_lowered:
.L_overlay_start_1:
0x0: {  	(tag) =	ssettag $0x1  }
0x1: {  	s0 =	srdreg.scid  }
0x2: {  	s8 =	stileid.u32;
	s1 =	rddreg [dreg:$0x0]  }
0x3: {  	s2 =	rddreg [dreg:$0x1];
	s3 =	simm.s32 $0x0;
	s13 =	simm.s32 $0x100  }
0x4: {  	s14 =	simm.s32 $0x880;
	s16 =	simm.s32 $0x180;
	s18 =	simm.s32 $0x900  }
0x5: {  	s19 =	simm.s32 $0x200;
	s20 =	simm.s32 $0x980;
	[smem:$0x7FF] =	sst s3  }
0x6: {  	s21 =	simm.s32 $0x280;
	_ =	strace $0x80000050;
	[dreg:$0x5] =	wrdreg s13  }
0x7: {  	s22 =	simm.s32 $0xA00;
	s23 =	simm.s32 $0x300;
	[dreg:$0x6] =	wrdreg s14  }
0x8: {  	s24 =	simm.s32 $0xA80;
	s28 =	simm.s32 $0x600;
	[dreg:$0x7] =	wrdreg s16  }
0x9: {  	s29 =	simm.s32 $0xD80;
	s4 =	smul.u32 $0x5000, s8;
	[dreg:$0x8] =	wrdreg s18  }
0xa: {  	s30 =	simm.s32 $0x680;
	s25 =	smul.u32 $0x2780, s8;
	[dreg:$0x9] =	wrdreg s19  }
0xb: {  	s0 =	sand.u32 $0x1, s0;
	s8 =	smul.u32 $0x4F000, s8;
	[dreg:$0xa] =	wrdreg s20  }
0xc: {  	s31 =	simm.s32 $0xE00;
	s5 =	smul.u32 $0x2800, s0;
	[dreg:$0xb] =	wrdreg s21  }
0xd: {  	s7 =	smul.u32 $0x27800, s0;
	s0 =	ssub.s32 $0x2, s0;
	[dreg:$0xc] =	wrdreg s22  }
0xe: {  	s13 =	simm.s32 $0x3;
	s14 =	simm.s32 $0x800;
	[dreg:$0xd] =	wrdreg s23  }
0xf: {  	[dreg:$0xe] =	wrdreg s24;
	s16 =	simm.s32 $0x1;
	s18 =	simm.s32 $0x2  }
0x10: {  	s19 =	simm.s32 $0x400;
	s20 =	simm.s32 $0xB80;
	s21 =	simm.s32 $0x480  }
0x11: {  	s22 =	simm.s32 $0xC00;
	s23 =	simm.s32 $0x500;
	s24 =	simm.s32 $0xC80  }
0x12: {  	s26 =	sshrl.u32 s0, $0x1;
	s10 =	sshrl.u32 s8, $0x2;
	s8 =	simm.s32 $0xF80  }
0x13: {  	s4 =	sadd.s32 s5, s4;
	s5 =	sadd.s32 s25, s7;
	s12 =	sadd.s32 s10, s2  }
0x14: {  	s0 =	ssub.s32 s0, s26;
	s25 =	simm.s32 $0x380;
	[dreg:$0x11] =	wrdreg s12  }
0x15: {  	s26 =	simm.s32 $0xB00;
	s6 =	sshrl.u32 s4, $0x3;
	[dreg:$0xf] =	wrdreg s25  }
0x16: {  	s4 =	sadd.s32 $0x18C00, s1;
	s7 =	sadd.s32 $0x4000, s12;
	[dreg:$0x10] =	wrdreg s26  }
0x17: {  	s15 =	sadd.s32 $0x8000, s12;
	s17 =	sadd.s32 $0xC000, s12;
	[dreg:$0x12] =	wrdreg s7  }
0x18: {  	s0 =	smax.u32 s0, $0x1;
	s25 =	simm.s32 $0x580;
	[dreg:$0x13] =	wrdreg s15  }
0x19: {  	s26 =	simm.s32 $0xD00;
	s6 =	sadd.s32 s6, s1;
	[dreg:$0x14] =	wrdreg s17  }
0x1a: {  	s1 =	sadd.s32 s5, s1;
	[dreg:$0x17] =	wrdreg s0;
	s9 =	sadd.s32 $0x4C00, s6  }
0x1b: {  	s15 =	simm.s32 $0x80;
	s11 =	sadd.s32 $0xEC00, s6;
	[dreg:$0x3] =	wrdreg s9  }
0x1c: {  	s17 =	simm.s32 $0x5000;
	s6 =	sadd.s32 $0x10000, s12;
	[dreg:$0x4] =	wrdreg s11  }
0x1d: {  	s0 =	simm.s32 $0xE80;
	s1 =	sadd.s32 $0x40400, s1;
	[dreg:$0x15] =	wrdreg s6  }
0x1e: {  	s7 =	simm.s32 $0xF00;
	s12 =	simm.s32 $0x1000;
	[dreg:$0x16] =	wrdreg s1  }
0x1f: {  	v0 =	vimm.f32 $0.0e+00;
	s1 =	simm.s32 $0x700;
	s6 =	simm.s32 $0x780;
	s9 =	simm.s32 $0x0  }
.LBB2_1:
0x20: {  	s5 =	sand.u32 $0xFE00, s3  }
0x21: {  	[dreg:$0x18] =	wrdreg s9;
	s11 =	sand.u32 $0x70, s3;
	s5 =	sshrl.u32 s5, $0x2  }
0x22: {  	s10 =	simm.s32 $0x40;
	s5 =	sor.u32 s11, s5;
	s11 =	simm.s32 $0x0  }
.LBB2_2:
0x23: {  	p0 =	sne.s32 s10, $0xFFC0  }
0x24: {  	[tilespmem:s5+$0x1000] =	vst v0;
	s11 =	sadd.s32 $0x10, s11;
	s5 =	smov.u32 s10;
	s10 =	sadd.s32 $0x40, s10  }
.Ltmp0:
0x25: {  	(pc) =	sbr.rel @p0 .LBB2_2-.Ltmp0, $4  }
0x26: {  	_ = 	snop  }
0x27: {  	s5 =	sand.u32 $0xFE00, s5  }
0x28: {  	s9 =	sand.u32 $0x70, s11;
	s5 =	sshrl.u32 s5, $0x2  }
0x29: {  	s5 =	sor.u32 s9, s5  }
0x2a: {  	[tilespmem:s5+$0x1000] =	vst v0;
	s10 =	rddreg [dreg:$0x11]  }
0x2b: {  	[spmem:s10] =	stream.linear.scatter [tilespmem:s12], [sflag:$0x3], $0x4000, $0x38;
	[tilespmem:$0x1CC00] =	vst v63  }
0x2c: {  	_ =	swait.ge [sflag:s13], $0x4000  }
0x2d: {  	[sflag:s13] =	ssyncset.done $0x0  }
0x2e: {  	s11 =	rddreg [dreg:$0x12];
	[sflag:s13] =	ssyncadd.s32 $0xFFFFC000  }
0x2f: {  	[spmem:s11] =	stream.linear.scatter [tilespmem:s12], [sflag:$0x3], $0x4000, $0x38;
	[tilespmem:$0x1CC00] =	vst v63  }
0x30: {  	_ =	swait.ge [sflag:s13], $0x4000  }
0x31: {  	[sflag:s13] =	ssyncset.done $0x0  }
0x32: {  	s9 =	rddreg [dreg:$0x13];
	[sflag:s13] =	ssyncadd.s32 $0xFFFFC000  }
0x33: {  	[spmem:s9] =	stream.linear.scatter [tilespmem:s12], [sflag:$0x3], $0x4000, $0x38;
	[tilespmem:$0x1CC00] =	vst v63  }
0x34: {  	_ =	swait.ge [sflag:s13], $0x4000  }
0x35: {  	[sflag:s13] =	ssyncset.done $0x0  }
0x36: {  	s10 =	rddreg [dreg:$0x14];
	[sflag:s13] =	ssyncadd.s32 $0xFFFFC000  }
0x37: {  	[spmem:s10] =	stream.linear.scatter [tilespmem:s12], [sflag:$0x3], $0x4000, $0x38;
	[tilespmem:$0x1CC00] =	vst v63  }
0x38: {  	_ =	swait.ge [sflag:s13], $0x4000  }
0x39: {  	[sflag:s13] =	ssyncset.done $0x0  }
0x3a: {  	s11 =	rddreg [dreg:$0x15];
	[sflag:s13] =	ssyncadd.s32 $0xFFFFC000  }
0x3b: {  	[spmem:s11] =	stream.linear.scatter [tilespmem:s12], [sflag:$0x3], $0x3C00, $0x38;
	[tilespmem:$0x1CC00] =	vst v63  }
0x3c: {  	_ =	swait.ge [sflag:s13], $0x3C00  }
0x3d: {  	[sflag:s13] =	ssyncset.done $0x0  }
0x3e: {  	[sflag:s13] =	ssyncadd.s32 $0xFFFFC400  }
0x3f: {  	[bflag:$0x0] =	sbarrier.arrive $0xFFFF  }
0x40: {  	s9 =	rddreg [dreg:$0x4]  }
0x41: {  	s5 =	sadd.s32 $0x0, s9  }
0x42: {  	[tilespmem:s3], [sflag:$0x3] =	stream.linear.gather [hbm4b:s5+s3], $0x800, $0x38;
	[tilespmem:$0x1CC00] =	vst v63  }
0x43: {  	_ =	swait.ge [sflag:s13], $0x800  }
0x44: {  	s10 =	rddreg [dreg:$0x3];
	[sflag:s13] =	ssyncset.done $0x0  }
0x45: {  	[sflag:s13] =	ssyncadd.s32 $0xFFFFF800;
	s5 =	sadd.s32 $0x0, s10  }
0x46: {  	[tilespmem:s14], [sflag:$0x3] =	stream.linear.gather [hbm4b:s5+s3], $0x800, $0x38;
	[tilespmem:$0x1CC00] =	vst v63  }
0x47: {  	_ =	swait.ge [sflag:s13], $0x800  }
0x48: {  	[sflag:s13] =	ssyncset.done $0x0  }
0x49: {  	[sflag:s13] =	ssyncadd.s32 $0xFFFFF800  }
0x4a: {  	[tilespmem:s12], [sflag:$0x1] =	stream.indirect.gather [hbm4b:s4+s15], $0x80, s3, s15, $0xb8;
	[tilespmem:$0x1CC00] =	vst v63  }
0x4b: {  	_ =	swait.ge [sflag:s16], $0x4000  }
0x4c: {  	[sflag:s16] =	ssyncset.done $0x0  }
0x4d: {  	[sflag:s16] =	ssyncadd.s32 $0xFFFFC000  }
0x4e: {  	[tilespmem:s17], [sflag:$0x2] =	stream.indirect.gather [hbm4b:s4+s15], $0x80, s15, s15, $0xb8;
	[tilespmem:$0x1CC00] =	vst v63  }
0x4f: {  	_ = 	snop  }
0x50: {  	[spmem:s2] =	stream.indirect.scatter.add.f32 [tilespmem:s12], [sflag:$0x3], $0x80, s14, s15, $0xb8;
	[tilespmem:$0x1CC00] =	vst v63  }
0x51: {  	_ =	swait.ge [sflag:s13], $0x4000  }
0x52: {  	[sflag:s13] =	ssyncset.done $0x0  }
0x53: {  	[sflag:s13] =	ssyncadd.s32 $0xFFFFC000  }
0x54: {  	_ =	swait.ge [sflag:s18], $0x4000  }
0x55: {  	[sflag:s18] =	ssyncset.done $0x0  }
0x56: {  	s11 =	rddreg [dreg:$0x5];
	[sflag:s18] =	ssyncadd.s32 $0xFFFFC000  }
0x57: {  	[tilespmem:s12], [sflag:$0x1] =	stream.indirect.gather [hbm4b:s4+s15], $0x80, s11, s15, $0xb8;
	[tilespmem:$0x1CC00] =	vst v63  }
0x58: {  	s9 =	rddreg [dreg:$0x6]  }
0x59: {  	[spmem:s2] =	stream.indirect.scatter.add.f32 [tilespmem:s17], [sflag:$0x3], $0x80, s9, s15, $0xb8;
	[tilespmem:$0x1CC00] =	vst v63  }
0x5a: {  	_ =	swait.ge [sflag:s13], $0x4000  }
0x5b: {  	[sflag:s13] =	ssyncset.done $0x0  }
0x5c: {  	[sflag:s13] =	ssyncadd.s32 $0xFFFFC000  }
0x5d: {  	_ =	swait.ge [sflag:s16], $0x4000  }
0x5e: {  	[sflag:s16] =	ssyncset.done $0x0  }
0x5f: {  	s10 =	rddreg [dreg:$0x7];
	[sflag:s16] =	ssyncadd.s32 $0xFFFFC000  }
0x60: {  	[tilespmem:s17], [sflag:$0x2] =	stream.indirect.gather [hbm4b:s4+s15], $0x80, s10, s15, $0xb8;
	[tilespmem:$0x1CC00] =	vst v63  }
0x61: {  	s11 =	rddreg [dreg:$0x8]  }
0x62: {  	[spmem:s2] =	stream.indirect.scatter.add.f32 [tilespmem:s12], [sflag:$0x3], $0x80, s11, s15, $0xb8;
	[tilespmem:$0x1CC00] =	vst v63  }
0x63: {  	_ =	swait.ge [sflag:s13], $0x4000  }
0x64: {  	[sflag:s13] =	ssyncset.done $0x0  }
0x65: {  	[sflag:s13] =	ssyncadd.s32 $0xFFFFC000  }
0x66: {  	_ =	swait.ge [sflag:s18], $0x4000  }
0x67: {  	[sflag:s18] =	ssyncset.done $0x0  }
0x68: {  	s10 =	rddreg [dreg:$0x9];
	[sflag:s18] =	ssyncadd.s32 $0xFFFFC000  }
0x69: {  	[tilespmem:s12], [sflag:$0x1] =	stream.indirect.gather [hbm4b:s4+s15], $0x80, s10, s15, $0xb8;
	[tilespmem:$0x1CC00] =	vst v63  }
0x6a: {  	s11 =	rddreg [dreg:$0xa]  }
0x6b: {  	[spmem:s2] =	stream.indirect.scatter.add.f32 [tilespmem:s17], [sflag:$0x3], $0x80, s11, s15, $0xb8;
	[tilespmem:$0x1CC00] =	vst v63  }
0x6c: {  	_ =	swait.ge [sflag:s13], $0x4000  }
0x6d: {  	[sflag:s13] =	ssyncset.done $0x0  }
0x6e: {  	[sflag:s13] =	ssyncadd.s32 $0xFFFFC000  }
0x6f: {  	_ =	swait.ge [sflag:s16], $0x4000  }
0x70: {  	[sflag:s16] =	ssyncset.done $0x0  }
0x71: {  	s10 =	rddreg [dreg:$0xb];
	[sflag:s16] =	ssyncadd.s32 $0xFFFFC000  }
0x72: {  	[tilespmem:s17], [sflag:$0x2] =	stream.indirect.gather [hbm4b:s4+s15], $0x80, s10, s15, $0xb8;
	[tilespmem:$0x1CC00] =	vst v63  }
0x73: {  	s11 =	rddreg [dreg:$0xc]  }
0x74: {  	[spmem:s2] =	stream.indirect.scatter.add.f32 [tilespmem:s12], [sflag:$0x3], $0x80, s11, s15, $0xb8;
	[tilespmem:$0x1CC00] =	vst v63  }
0x75: {  	_ =	swait.ge [sflag:s13], $0x4000  }
0x76: {  	[sflag:s13] =	ssyncset.done $0x0  }
0x77: {  	[sflag:s13] =	ssyncadd.s32 $0xFFFFC000  }
0x78: {  	_ =	swait.ge [sflag:s18], $0x4000  }
0x79: {  	[sflag:s18] =	ssyncset.done $0x0  }
0x7a: {  	s10 =	rddreg [dreg:$0xd];
	[sflag:s18] =	ssyncadd.s32 $0xFFFFC000  }
0x7b: {  	[tilespmem:s12], [sflag:$0x1] =	stream.indirect.gather [hbm4b:s4+s15], $0x80, s10, s15, $0xb8;
	[tilespmem:$0x1CC00] =	vst v63  }
0x7c: {  	s11 =	rddreg [dreg:$0xe]  }
0x7d: {  	[spmem:s2] =	stream.indirect.scatter.add.f32 [tilespmem:s17], [sflag:$0x3], $0x80, s11, s15, $0xb8;
	[tilespmem:$0x1CC00] =	vst v63  }
0x7e: {  	_ =	swait.ge [sflag:s13], $0x4000  }
0x7f: {  	[sflag:s13] =	ssyncset.done $0x0  }
0x80: {  	[sflag:s13] =	ssyncadd.s32 $0xFFFFC000  }
0x81: {  	_ =	swait.ge [sflag:s16], $0x4000  }
0x82: {  	[sflag:s16] =	ssyncset.done $0x0  }
0x83: {  	s10 =	rddreg [dreg:$0xf];
	[sflag:s16] =	ssyncadd.s32 $0xFFFFC000  }
0x84: {  	[tilespmem:s17], [sflag:$0x2] =	stream.indirect.gather [hbm4b:s4+s15], $0x80, s10, s15, $0xb8;
	[tilespmem:$0x1CC00] =	vst v63  }
0x85: {  	s11 =	rddreg [dreg:$0x10]  }
0x86: {  	[spmem:s2] =	stream.indirect.scatter.add.f32 [tilespmem:s12], [sflag:$0x3], $0x80, s11, s15, $0xb8;
	[tilespmem:$0x1CC00] =	vst v63  }
0x87: {  	_ =	swait.ge [sflag:s13], $0x4000  }
0x88: {  	[sflag:s13] =	ssyncset.done $0x0  }
0x89: {  	[sflag:s13] =	ssyncadd.s32 $0xFFFFC000  }
0x8a: {  	_ =	swait.ge [sflag:s18], $0x4000  }
0x8b: {  	[sflag:s18] =	ssyncset.done $0x0  }
0x8c: {  	[sflag:s18] =	ssyncadd.s32 $0xFFFFC000  }
0x8d: {  	[tilespmem:s12], [sflag:$0x1] =	stream.indirect.gather [hbm4b:s4+s15], $0x80, s19, s15, $0xb8;
	[tilespmem:$0x1CC00] =	vst v63  }
0x8e: {  	_ = 	snop  }
0x8f: {  	[spmem:s2] =	stream.indirect.scatter.add.f32 [tilespmem:s17], [sflag:$0x3], $0x80, s20, s15, $0xb8;
	[tilespmem:$0x1CC00] =	vst v63  }
0x90: {  	_ =	swait.ge [sflag:s13], $0x4000  }
0x91: {  	[sflag:s13] =	ssyncset.done $0x0  }
0x92: {  	[sflag:s13] =	ssyncadd.s32 $0xFFFFC000  }
0x93: {  	_ =	swait.ge [sflag:s16], $0x4000  }
0x94: {  	[sflag:s16] =	ssyncset.done $0x0  }
0x95: {  	[sflag:s16] =	ssyncadd.s32 $0xFFFFC000  }
0x96: {  	[tilespmem:s17], [sflag:$0x2] =	stream.indirect.gather [hbm4b:s4+s15], $0x80, s21, s15, $0xb8;
	[tilespmem:$0x1CC00] =	vst v63  }
0x97: {  	_ = 	snop  }
0x98: {  	[spmem:s2] =	stream.indirect.scatter.add.f32 [tilespmem:s12], [sflag:$0x3], $0x80, s22, s15, $0xb8;
	[tilespmem:$0x1CC00] =	vst v63  }
0x99: {  	_ =	swait.ge [sflag:s13], $0x4000  }
0x9a: {  	[sflag:s13] =	ssyncset.done $0x0  }
0x9b: {  	[sflag:s13] =	ssyncadd.s32 $0xFFFFC000  }
0x9c: {  	_ =	swait.ge [sflag:s18], $0x4000  }
0x9d: {  	[sflag:s18] =	ssyncset.done $0x0  }
0x9e: {  	[sflag:s18] =	ssyncadd.s32 $0xFFFFC000  }
0x9f: {  	[tilespmem:s12], [sflag:$0x1] =	stream.indirect.gather [hbm4b:s4+s15], $0x80, s23, s15, $0xb8;
	[tilespmem:$0x1CC00] =	vst v63  }
0xa0: {  	_ = 	snop  }
0xa1: {  	[spmem:s2] =	stream.indirect.scatter.add.f32 [tilespmem:s17], [sflag:$0x3], $0x80, s24, s15, $0xb8;
	[tilespmem:$0x1CC00] =	vst v63  }
0xa2: {  	_ =	swait.ge [sflag:s13], $0x4000  }
0xa3: {  	[sflag:s13] =	ssyncset.done $0x0  }
0xa4: {  	[sflag:s13] =	ssyncadd.s32 $0xFFFFC000  }
0xa5: {  	_ =	swait.ge [sflag:s16], $0x4000  }
0xa6: {  	[sflag:s16] =	ssyncset.done $0x0  }
0xa7: {  	[sflag:s16] =	ssyncadd.s32 $0xFFFFC000  }
0xa8: {  	[tilespmem:s17], [sflag:$0x2] =	stream.indirect.gather [hbm4b:s4+s15], $0x80, s25, s15, $0xb8;
	[tilespmem:$0x1CC00] =	vst v63  }
0xa9: {  	_ = 	snop  }
0xaa: {  	[spmem:s2] =	stream.indirect.scatter.add.f32 [tilespmem:s12], [sflag:$0x3], $0x80, s26, s15, $0xb8;
	[tilespmem:$0x1CC00] =	vst v63  }
0xab: {  	_ =	swait.ge [sflag:s13], $0x4000  }
0xac: {  	[sflag:s13] =	ssyncset.done $0x0  }
0xad: {  	[sflag:s13] =	ssyncadd.s32 $0xFFFFC000  }
0xae: {  	_ =	swait.ge [sflag:s18], $0x4000  }
0xaf: {  	[sflag:s18] =	ssyncset.done $0x0  }
0xb0: {  	[sflag:s18] =	ssyncadd.s32 $0xFFFFC000  }
0xb1: {  	[tilespmem:s12], [sflag:$0x1] =	stream.indirect.gather [hbm4b:s4+s15], $0x80, s28, s15, $0xb8;
	[tilespmem:$0x1CC00] =	vst v63  }
0xb2: {  	_ = 	snop  }
0xb3: {  	[spmem:s2] =	stream.indirect.scatter.add.f32 [tilespmem:s17], [sflag:$0x3], $0x80, s29, s15, $0xb8;
	[tilespmem:$0x1CC00] =	vst v63  }
0xb4: {  	_ =	swait.ge [sflag:s13], $0x4000  }
0xb5: {  	[sflag:s13] =	ssyncset.done $0x0  }
0xb6: {  	[sflag:s13] =	ssyncadd.s32 $0xFFFFC000  }
0xb7: {  	_ =	swait.ge [sflag:s16], $0x4000  }
0xb8: {  	[sflag:s16] =	ssyncset.done $0x0  }
0xb9: {  	[sflag:s16] =	ssyncadd.s32 $0xFFFFC000  }
0xba: {  	[tilespmem:s17], [sflag:$0x2] =	stream.indirect.gather [hbm4b:s4+s15], $0x80, s30, s15, $0xb8;
	[tilespmem:$0x1CC00] =	vst v63  }
0xbb: {  	_ = 	snop  }
0xbc: {  	[spmem:s2] =	stream.indirect.scatter.add.f32 [tilespmem:s12], [sflag:$0x3], $0x80, s31, s15, $0xb8;
	[tilespmem:$0x1CC00] =	vst v63  }
0xbd: {  	_ =	swait.ge [sflag:s13], $0x4000  }
0xbe: {  	[sflag:s13] =	ssyncset.done $0x0  }
0xbf: {  	[sflag:s13] =	ssyncadd.s32 $0xFFFFC000  }
0xc0: {  	_ =	swait.ge [sflag:s18], $0x4000  }
0xc1: {  	[sflag:s18] =	ssyncset.done $0x0  }
0xc2: {  	[sflag:s18] =	ssyncadd.s32 $0xFFFFC000  }
0xc3: {  	[tilespmem:s12], [sflag:$0x1] =	stream.indirect.gather [hbm4b:s4+s15], $0x80, s1, s15, $0xb8;
	[tilespmem:$0x1CC00] =	vst v63  }
0xc4: {  	_ = 	snop  }
0xc5: {  	[spmem:s2] =	stream.indirect.scatter.add.f32 [tilespmem:s17], [sflag:$0x3], $0x80, s0, s15, $0xb8;
	[tilespmem:$0x1CC00] =	vst v63  }
0xc6: {  	_ =	swait.ge [sflag:s13], $0x4000  }
0xc7: {  	[sflag:s13] =	ssyncset.done $0x0  }
0xc8: {  	[sflag:s13] =	ssyncadd.s32 $0xFFFFC000  }
0xc9: {  	_ =	swait.ge [sflag:s16], $0x4000  }
0xca: {  	[sflag:s16] =	ssyncset.done $0x0  }
0xcb: {  	[sflag:s16] =	ssyncadd.s32 $0xFFFFC000  }
0xcc: {  	[tilespmem:s17], [sflag:$0x2] =	stream.indirect.gather [hbm4b:s4+s15], $0x80, s6, s15, $0xb8;
	[tilespmem:$0x1CC00] =	vst v63  }
0xcd: {  	_ = 	snop  }
0xce: {  	[spmem:s2] =	stream.indirect.scatter.add.f32 [tilespmem:s12], [sflag:$0x3], $0x80, s7, s15, $0xb8;
	[tilespmem:$0x1CC00] =	vst v63  }
0xcf: {  	_ =	swait.ge [sflag:s13], $0x4000  }
0xd0: {  	[sflag:s13] =	ssyncset.done $0x0  }
0xd1: {  	[sflag:s13] =	ssyncadd.s32 $0xFFFFC000  }
0xd2: {  	_ =	swait.ge [sflag:s18], $0x4000  }
0xd3: {  	[sflag:s18] =	ssyncset.done $0x0  }
0xd4: {  	[sflag:s18] =	ssyncadd.s32 $0xFFFFC000  }
0xd5: {  	[spmem:s2] =	stream.indirect.scatter.add.f32 [tilespmem:s17], [sflag:$0x3], $0x80, s8, s15, $0xb8;
	[tilespmem:$0x1CC00] =	vst v63  }
0xd6: {  	s10 =	simm.s32 $0x100;
	_ =	swait.ge [sflag:s13], $0x4000  }
0xd7: {  	s11 =	simm.s32 $0x200;
	s5 =	rddreg [dreg:$0x4];
	[sflag:s13] =	ssyncset.done $0x0  }
.LBB2_4:
0xd8: {  	[sflag:s13] =	ssyncadd.s32 $0xFFFFC000;
	s5 =	sadd.s32 s10, s5  }
0xd9: {  	[tilespmem:s3], [sflag:$0x3] =	stream.linear.gather [hbm4b:s5+s3], $0x800, $0x38;
	[tilespmem:$0x1CC00] =	vst v63  }
0xda: {  	_ =	swait.ge [sflag:s13], $0x800  }
0xdb: {  	s5 =	rddreg [dreg:$0x3];
	[sflag:s13] =	ssyncset.done $0x0  }
0xdc: {  	[sflag:s13] =	ssyncadd.s32 $0xFFFFF800;
	s5 =	sadd.s32 s10, s5  }
0xdd: {  	[tilespmem:s14], [sflag:$0x3] =	stream.linear.gather [hbm4b:s5+s3], $0x800, $0x38;
	[tilespmem:$0x1CC00] =	vst v63  }
0xde: {  	_ =	swait.ge [sflag:s13], $0x800  }
0xdf: {  	[sflag:s13] =	ssyncset.done $0x0  }
0xe0: {  	[sflag:s13] =	ssyncadd.s32 $0xFFFFF800  }
0xe1: {  	[tilespmem:s12], [sflag:$0x1] =	stream.indirect.gather [hbm4b:s4+s15], $0x80, s3, s15, $0xb8;
	[tilespmem:$0x1CC00] =	vst v63  }
0xe2: {  	_ =	swait.ge [sflag:s16], $0x4000  }
0xe3: {  	[sflag:s16] =	ssyncset.done $0x0  }
0xe4: {  	[sflag:s16] =	ssyncadd.s32 $0xFFFFC000  }
0xe5: {  	[tilespmem:s17], [sflag:$0x2] =	stream.indirect.gather [hbm4b:s4+s15], $0x80, s15, s15, $0xb8;
	[tilespmem:$0x1CC00] =	vst v63  }
0xe6: {  	_ = 	snop  }
0xe7: {  	[spmem:s2] =	stream.indirect.scatter.add.f32 [tilespmem:s12], [sflag:$0x3], $0x80, s14, s15, $0xb8;
	[tilespmem:$0x1CC00] =	vst v63  }
0xe8: {  	_ =	swait.ge [sflag:s13], $0x4000  }
0xe9: {  	[sflag:s13] =	ssyncset.done $0x0  }
0xea: {  	[sflag:s13] =	ssyncadd.s32 $0xFFFFC000  }
0xeb: {  	_ =	swait.ge [sflag:s18], $0x4000  }
0xec: {  	[sflag:s18] =	ssyncset.done $0x0  }
0xed: {  	s9 =	smov.u32 s11;
	s5 =	rddreg [dreg:$0x5];
	[sflag:s18] =	ssyncadd.s32 $0xFFFFC000  }
0xee: {  	[tilespmem:s12], [sflag:$0x1] =	stream.indirect.gather [hbm4b:s4+s15], $0x80, s5, s15, $0xb8;
	[tilespmem:$0x1CC00] =	vst v63  }
0xef: {  	s10 =	smov.u32 s9;
	s9 =	rddreg [dreg:$0x6]  }
0xf0: {  	[spmem:s2] =	stream.indirect.scatter.add.f32 [tilespmem:s17], [sflag:$0x3], $0x80, s9, s15, $0xb8;
	[tilespmem:$0x1CC00] =	vst v63  }
0xf1: {  	_ =	swait.ge [sflag:s13], $0x4000  }
0xf2: {  	[sflag:s13] =	ssyncset.done $0x0  }
0xf3: {  	[sflag:s13] =	ssyncadd.s32 $0xFFFFC000  }
0xf4: {  	_ =	swait.ge [sflag:s16], $0x4000  }
0xf5: {  	[sflag:s16] =	ssyncset.done $0x0  }
0xf6: {  	s5 =	rddreg [dreg:$0x7];
	[sflag:s16] =	ssyncadd.s32 $0xFFFFC000  }
0xf7: {  	[tilespmem:s17], [sflag:$0x2] =	stream.indirect.gather [hbm4b:s4+s15], $0x80, s5, s15, $0xb8;
	[tilespmem:$0x1CC00] =	vst v63  }
0xf8: {  	s9 =	rddreg [dreg:$0x8]  }
0xf9: {  	[spmem:s2] =	stream.indirect.scatter.add.f32 [tilespmem:s12], [sflag:$0x3], $0x80, s9, s15, $0xb8;
	[tilespmem:$0x1CC00] =	vst v63  }
0xfa: {  	_ =	swait.ge [sflag:s13], $0x4000  }
0xfb: {  	[sflag:s13] =	ssyncset.done $0x0  }
0xfc: {  	[sflag:s13] =	ssyncadd.s32 $0xFFFFC000  }
0xfd: {  	_ =	swait.ge [sflag:s18], $0x4000  }
0xfe: {  	[sflag:s18] =	ssyncset.done $0x0  }
0xff: {  	s5 =	rddreg [dreg:$0x9];
	[sflag:s18] =	ssyncadd.s32 $0xFFFFC000  }
0x100: {  	[tilespmem:s12], [sflag:$0x1] =	stream.indirect.gather [hbm4b:s4+s15], $0x80, s5, s15, $0xb8;
	[tilespmem:$0x1CC00] =	vst v63  }
0x101: {  	s9 =	rddreg [dreg:$0xa]  }
0x102: {  	[spmem:s2] =	stream.indirect.scatter.add.f32 [tilespmem:s17], [sflag:$0x3], $0x80, s9, s15, $0xb8;
	[tilespmem:$0x1CC00] =	vst v63  }
0x103: {  	_ =	swait.ge [sflag:s13], $0x4000  }
0x104: {  	[sflag:s13] =	ssyncset.done $0x0  }
0x105: {  	[sflag:s13] =	ssyncadd.s32 $0xFFFFC000  }
0x106: {  	_ =	swait.ge [sflag:s16], $0x4000  }
0x107: {  	[sflag:s16] =	ssyncset.done $0x0  }
0x108: {  	s5 =	rddreg [dreg:$0xb];
	[sflag:s16] =	ssyncadd.s32 $0xFFFFC000  }
0x109: {  	[tilespmem:s17], [sflag:$0x2] =	stream.indirect.gather [hbm4b:s4+s15], $0x80, s5, s15, $0xb8;
	[tilespmem:$0x1CC00] =	vst v63  }
0x10a: {  	s9 =	rddreg [dreg:$0xc]  }
0x10b: {  	[spmem:s2] =	stream.indirect.scatter.add.f32 [tilespmem:s12], [sflag:$0x3], $0x80, s9, s15, $0xb8;
	[tilespmem:$0x1CC00] =	vst v63  }
0x10c: {  	_ =	swait.ge [sflag:s13], $0x4000  }
0x10d: {  	[sflag:s13] =	ssyncset.done $0x0  }
0x10e: {  	[sflag:s13] =	ssyncadd.s32 $0xFFFFC000  }
0x10f: {  	_ =	swait.ge [sflag:s18], $0x4000  }
0x110: {  	[sflag:s18] =	ssyncset.done $0x0  }
0x111: {  	s5 =	rddreg [dreg:$0xd];
	[sflag:s18] =	ssyncadd.s32 $0xFFFFC000  }
0x112: {  	[tilespmem:s12], [sflag:$0x1] =	stream.indirect.gather [hbm4b:s4+s15], $0x80, s5, s15, $0xb8;
	[tilespmem:$0x1CC00] =	vst v63  }
0x113: {  	s9 =	rddreg [dreg:$0xe]  }
0x114: {  	[spmem:s2] =	stream.indirect.scatter.add.f32 [tilespmem:s17], [sflag:$0x3], $0x80, s9, s15, $0xb8;
	[tilespmem:$0x1CC00] =	vst v63  }
0x115: {  	_ =	swait.ge [sflag:s13], $0x4000  }
0x116: {  	[sflag:s13] =	ssyncset.done $0x0  }
0x117: {  	[sflag:s13] =	ssyncadd.s32 $0xFFFFC000  }
0x118: {  	_ =	swait.ge [sflag:s16], $0x4000  }
0x119: {  	[sflag:s16] =	ssyncset.done $0x0  }
0x11a: {  	s5 =	rddreg [dreg:$0xf];
	[sflag:s16] =	ssyncadd.s32 $0xFFFFC000  }
0x11b: {  	[tilespmem:s17], [sflag:$0x2] =	stream.indirect.gather [hbm4b:s4+s15], $0x80, s5, s15, $0xb8;
	[tilespmem:$0x1CC00] =	vst v63  }
0x11c: {  	s9 =	rddreg [dreg:$0x10]  }
0x11d: {  	[spmem:s2] =	stream.indirect.scatter.add.f32 [tilespmem:s12], [sflag:$0x3], $0x80, s9, s15, $0xb8;
	[tilespmem:$0x1CC00] =	vst v63  }
0x11e: {  	_ =	swait.ge [sflag:s13], $0x4000  }
0x11f: {  	[sflag:s13] =	ssyncset.done $0x0  }
0x120: {  	[sflag:s13] =	ssyncadd.s32 $0xFFFFC000  }
0x121: {  	_ =	swait.ge [sflag:s18], $0x4000  }
0x122: {  	[sflag:s18] =	ssyncset.done $0x0  }
0x123: {  	[sflag:s18] =	ssyncadd.s32 $0xFFFFC000  }
0x124: {  	[tilespmem:s12], [sflag:$0x1] =	stream.indirect.gather [hbm4b:s4+s15], $0x80, s19, s15, $0xb8;
	[tilespmem:$0x1CC00] =	vst v63  }
0x125: {  	_ = 	snop  }
0x126: {  	[spmem:s2] =	stream.indirect.scatter.add.f32 [tilespmem:s17], [sflag:$0x3], $0x80, s20, s15, $0xb8;
	[tilespmem:$0x1CC00] =	vst v63  }
0x127: {  	_ =	swait.ge [sflag:s13], $0x4000  }
0x128: {  	[sflag:s13] =	ssyncset.done $0x0  }
0x129: {  	[sflag:s13] =	ssyncadd.s32 $0xFFFFC000  }
0x12a: {  	_ =	swait.ge [sflag:s16], $0x4000  }
0x12b: {  	[sflag:s16] =	ssyncset.done $0x0  }
0x12c: {  	[sflag:s16] =	ssyncadd.s32 $0xFFFFC000  }
0x12d: {  	[tilespmem:s17], [sflag:$0x2] =	stream.indirect.gather [hbm4b:s4+s15], $0x80, s21, s15, $0xb8;
	[tilespmem:$0x1CC00] =	vst v63  }
0x12e: {  	_ = 	snop  }
0x12f: {  	[spmem:s2] =	stream.indirect.scatter.add.f32 [tilespmem:s12], [sflag:$0x3], $0x80, s22, s15, $0xb8;
	[tilespmem:$0x1CC00] =	vst v63  }
0x130: {  	_ =	swait.ge [sflag:s13], $0x4000  }
0x131: {  	[sflag:s13] =	ssyncset.done $0x0  }
0x132: {  	[sflag:s13] =	ssyncadd.s32 $0xFFFFC000  }
0x133: {  	_ =	swait.ge [sflag:s18], $0x4000  }
0x134: {  	[sflag:s18] =	ssyncset.done $0x0  }
0x135: {  	[sflag:s18] =	ssyncadd.s32 $0xFFFFC000  }
0x136: {  	[tilespmem:s12], [sflag:$0x1] =	stream.indirect.gather [hbm4b:s4+s15], $0x80, s23, s15, $0xb8;
	[tilespmem:$0x1CC00] =	vst v63  }
0x137: {  	_ = 	snop  }
0x138: {  	[spmem:s2] =	stream.indirect.scatter.add.f32 [tilespmem:s17], [sflag:$0x3], $0x80, s24, s15, $0xb8;
	[tilespmem:$0x1CC00] =	vst v63  }
0x139: {  	_ =	swait.ge [sflag:s13], $0x4000  }
0x13a: {  	[sflag:s13] =	ssyncset.done $0x0  }
0x13b: {  	[sflag:s13] =	ssyncadd.s32 $0xFFFFC000  }
0x13c: {  	_ =	swait.ge [sflag:s16], $0x4000  }
0x13d: {  	[sflag:s16] =	ssyncset.done $0x0  }
0x13e: {  	[sflag:s16] =	ssyncadd.s32 $0xFFFFC000  }
0x13f: {  	[tilespmem:s17], [sflag:$0x2] =	stream.indirect.gather [hbm4b:s4+s15], $0x80, s25, s15, $0xb8;
	[tilespmem:$0x1CC00] =	vst v63  }
0x140: {  	_ = 	snop  }
0x141: {  	[spmem:s2] =	stream.indirect.scatter.add.f32 [tilespmem:s12], [sflag:$0x3], $0x80, s26, s15, $0xb8;
	[tilespmem:$0x1CC00] =	vst v63  }
0x142: {  	_ =	swait.ge [sflag:s13], $0x4000  }
0x143: {  	[sflag:s13] =	ssyncset.done $0x0  }
0x144: {  	[sflag:s13] =	ssyncadd.s32 $0xFFFFC000  }
0x145: {  	_ =	swait.ge [sflag:s18], $0x4000  }
0x146: {  	[sflag:s18] =	ssyncset.done $0x0  }
0x147: {  	[sflag:s18] =	ssyncadd.s32 $0xFFFFC000  }
0x148: {  	[tilespmem:s12], [sflag:$0x1] =	stream.indirect.gather [hbm4b:s4+s15], $0x80, s28, s15, $0xb8;
	[tilespmem:$0x1CC00] =	vst v63  }
0x149: {  	_ = 	snop  }
0x14a: {  	[spmem:s2] =	stream.indirect.scatter.add.f32 [tilespmem:s17], [sflag:$0x3], $0x80, s29, s15, $0xb8;
	[tilespmem:$0x1CC00] =	vst v63  }
0x14b: {  	_ =	swait.ge [sflag:s13], $0x4000  }
0x14c: {  	[sflag:s13] =	ssyncset.done $0x0  }
0x14d: {  	[sflag:s13] =	ssyncadd.s32 $0xFFFFC000  }
0x14e: {  	_ =	swait.ge [sflag:s16], $0x4000  }
0x14f: {  	[sflag:s16] =	ssyncset.done $0x0  }
0x150: {  	[sflag:s16] =	ssyncadd.s32 $0xFFFFC000  }
0x151: {  	[tilespmem:s17], [sflag:$0x2] =	stream.indirect.gather [hbm4b:s4+s15], $0x80, s30, s15, $0xb8;
	[tilespmem:$0x1CC00] =	vst v63  }
0x152: {  	_ = 	snop  }
0x153: {  	[spmem:s2] =	stream.indirect.scatter.add.f32 [tilespmem:s12], [sflag:$0x3], $0x80, s31, s15, $0xb8;
	[tilespmem:$0x1CC00] =	vst v63  }
0x154: {  	_ =	swait.ge [sflag:s13], $0x4000  }
0x155: {  	[sflag:s13] =	ssyncset.done $0x0  }
0x156: {  	[sflag:s13] =	ssyncadd.s32 $0xFFFFC000  }
0x157: {  	_ =	swait.ge [sflag:s18], $0x4000  }
0x158: {  	[sflag:s18] =	ssyncset.done $0x0  }
0x159: {  	[sflag:s18] =	ssyncadd.s32 $0xFFFFC000  }
0x15a: {  	[tilespmem:s12], [sflag:$0x1] =	stream.indirect.gather [hbm4b:s4+s15], $0x80, s1, s15, $0xb8;
	[tilespmem:$0x1CC00] =	vst v63  }
0x15b: {  	_ = 	snop  }
0x15c: {  	[spmem:s2] =	stream.indirect.scatter.add.f32 [tilespmem:s17], [sflag:$0x3], $0x80, s0, s15, $0xb8;
	[tilespmem:$0x1CC00] =	vst v63  }
0x15d: {  	_ =	swait.ge [sflag:s13], $0x4000  }
0x15e: {  	[sflag:s13] =	ssyncset.done $0x0  }
0x15f: {  	[sflag:s13] =	ssyncadd.s32 $0xFFFFC000  }
0x160: {  	_ =	swait.ge [sflag:s16], $0x4000  }
0x161: {  	[sflag:s16] =	ssyncset.done $0x0  }
0x162: {  	[sflag:s16] =	ssyncadd.s32 $0xFFFFC000  }
0x163: {  	[tilespmem:s17], [sflag:$0x2] =	stream.indirect.gather [hbm4b:s4+s15], $0x80, s6, s15, $0xb8;
	[tilespmem:$0x1CC00] =	vst v63  }
0x164: {  	_ = 	snop  }
0x165: {  	[spmem:s2] =	stream.indirect.scatter.add.f32 [tilespmem:s12], [sflag:$0x3], $0x80, s7, s15, $0xb8;
	[tilespmem:$0x1CC00] =	vst v63  }
0x166: {  	_ =	swait.ge [sflag:s13], $0x4000  }
0x167: {  	[sflag:s13] =	ssyncset.done $0x0  }
0x168: {  	[sflag:s13] =	ssyncadd.s32 $0xFFFFC000  }
0x169: {  	p0 =	sne.s32 s11, $0x400;
	_ =	swait.ge [sflag:s18], $0x4000  }
.Ltmp1:
0x16a: {  	[sflag:s18] =	ssyncset.done $0x0;
	(pc) =	sbr.rel @p0 .LBB2_4-.Ltmp1, $4  }
0x16b: {  	[sflag:s18] =	ssyncadd.s32 $0xFFFFC000  }
0x16c: {  	[spmem:s2] =	stream.indirect.scatter.add.f32 [tilespmem:s17], [sflag:$0x3], $0x80, s8, s15, $0xb8;
	[tilespmem:$0x1CC00] =	vst v63  }
0x16d: {  	_ =	swait.ge [sflag:s13], $0x4000  }
0x16e: {  	s11 =	sadd.s32 $0x100, s11;
	s5 =	rddreg [dreg:$0x4];
	[sflag:s13] =	ssyncset.done $0x0  }
0x16f: {  	[sflag:s13] =	ssyncadd.s32 $0xFFFFC000;
	s5 =	sadd.s32 s10, s5  }
0x170: {  	[tilespmem:s3], [sflag:$0x3] =	stream.linear.gather [hbm4b:s5+s3], $0x800, $0x38;
	[tilespmem:$0x1CC00] =	vst v63  }
0x171: {  	_ =	swait.ge [sflag:s13], $0x800  }
0x172: {  	s9 =	rddreg [dreg:$0x3];
	[sflag:s13] =	ssyncset.done $0x0  }
0x173: {  	[sflag:s13] =	ssyncadd.s32 $0xFFFFF800;
	s5 =	sadd.s32 s10, s9  }
0x174: {  	[tilespmem:s14], [sflag:$0x3] =	stream.linear.gather [hbm4b:s5+s3], $0x800, $0x38;
	[tilespmem:$0x1CC00] =	vst v63  }
0x175: {  	_ =	swait.ge [sflag:s13], $0x800  }
0x176: {  	[sflag:s13] =	ssyncset.done $0x0  }
0x177: {  	[sflag:s13] =	ssyncadd.s32 $0xFFFFF800  }
0x178: {  	[tilespmem:s12], [sflag:$0x1] =	stream.indirect.gather [hbm4b:s4+s15], $0x80, s3, s15, $0xb8;
	[tilespmem:$0x1CC00] =	vst v63  }
0x179: {  	_ =	swait.ge [sflag:s16], $0x4000  }
0x17a: {  	[sflag:s16] =	ssyncset.done $0x0  }
0x17b: {  	[sflag:s16] =	ssyncadd.s32 $0xFFFFC000  }
0x17c: {  	[tilespmem:s17], [sflag:$0x2] =	stream.indirect.gather [hbm4b:s4+s15], $0x80, s15, s15, $0xb8;
	[tilespmem:$0x1CC00] =	vst v63  }
0x17d: {  	_ = 	snop  }
0x17e: {  	[spmem:s2] =	stream.indirect.scatter.add.f32 [tilespmem:s12], [sflag:$0x3], $0x80, s14, s15, $0xb8;
	[tilespmem:$0x1CC00] =	vst v63  }
0x17f: {  	_ =	swait.ge [sflag:s13], $0x4000  }
0x180: {  	[sflag:s13] =	ssyncset.done $0x0  }
0x181: {  	[sflag:s13] =	ssyncadd.s32 $0xFFFFC000  }
0x182: {  	_ =	swait.ge [sflag:s18], $0x4000  }
0x183: {  	[sflag:s18] =	ssyncset.done $0x0  }
0x184: {  	s11 =	rddreg [dreg:$0x5];
	[sflag:s18] =	ssyncadd.s32 $0xFFFFC000  }
0x185: {  	[tilespmem:s12], [sflag:$0x1] =	stream.indirect.gather [hbm4b:s4+s15], $0x80, s11, s15, $0xb8;
	[tilespmem:$0x1CC00] =	vst v63  }
0x186: {  	s9 =	rddreg [dreg:$0x6]  }
0x187: {  	[spmem:s2] =	stream.indirect.scatter.add.f32 [tilespmem:s17], [sflag:$0x3], $0x80, s9, s15, $0xb8;
	[tilespmem:$0x1CC00] =	vst v63  }
0x188: {  	_ =	swait.ge [sflag:s13], $0x4000  }
0x189: {  	[sflag:s13] =	ssyncset.done $0x0  }
0x18a: {  	[sflag:s13] =	ssyncadd.s32 $0xFFFFC000  }
0x18b: {  	_ =	swait.ge [sflag:s16], $0x4000  }
0x18c: {  	[sflag:s16] =	ssyncset.done $0x0  }
0x18d: {  	s10 =	rddreg [dreg:$0x7];
	[sflag:s16] =	ssyncadd.s32 $0xFFFFC000  }
0x18e: {  	[tilespmem:s17], [sflag:$0x2] =	stream.indirect.gather [hbm4b:s4+s15], $0x80, s10, s15, $0xb8;
	[tilespmem:$0x1CC00] =	vst v63  }
0x18f: {  	s11 =	rddreg [dreg:$0x8]  }
0x190: {  	[spmem:s2] =	stream.indirect.scatter.add.f32 [tilespmem:s12], [sflag:$0x3], $0x80, s11, s15, $0xb8;
	[tilespmem:$0x1CC00] =	vst v63  }
0x191: {  	_ =	swait.ge [sflag:s13], $0x4000  }
0x192: {  	[sflag:s13] =	ssyncset.done $0x0  }
0x193: {  	[sflag:s13] =	ssyncadd.s32 $0xFFFFC000  }
0x194: {  	_ =	swait.ge [sflag:s18], $0x4000  }
0x195: {  	[sflag:s18] =	ssyncset.done $0x0  }
0x196: {  	s10 =	rddreg [dreg:$0x9];
	[sflag:s18] =	ssyncadd.s32 $0xFFFFC000  }
0x197: {  	[tilespmem:s12], [sflag:$0x1] =	stream.indirect.gather [hbm4b:s4+s15], $0x80, s10, s15, $0xb8;
	[tilespmem:$0x1CC00] =	vst v63  }
0x198: {  	s11 =	rddreg [dreg:$0xa]  }
0x199: {  	[spmem:s2] =	stream.indirect.scatter.add.f32 [tilespmem:s17], [sflag:$0x3], $0x80, s11, s15, $0xb8;
	[tilespmem:$0x1CC00] =	vst v63  }
0x19a: {  	_ =	swait.ge [sflag:s13], $0x4000  }
0x19b: {  	[sflag:s13] =	ssyncset.done $0x0  }
0x19c: {  	[sflag:s13] =	ssyncadd.s32 $0xFFFFC000  }
0x19d: {  	_ =	swait.ge [sflag:s16], $0x4000  }
0x19e: {  	[sflag:s16] =	ssyncset.done $0x0  }
0x19f: {  	s10 =	rddreg [dreg:$0xb];
	[sflag:s16] =	ssyncadd.s32 $0xFFFFC000  }
0x1a0: {  	[tilespmem:s17], [sflag:$0x2] =	stream.indirect.gather [hbm4b:s4+s15], $0x80, s10, s15, $0xb8;
	[tilespmem:$0x1CC00] =	vst v63  }
0x1a1: {  	s11 =	rddreg [dreg:$0xc]  }
0x1a2: {  	[spmem:s2] =	stream.indirect.scatter.add.f32 [tilespmem:s12], [sflag:$0x3], $0x80, s11, s15, $0xb8;
	[tilespmem:$0x1CC00] =	vst v63  }
0x1a3: {  	_ =	swait.ge [sflag:s13], $0x4000  }
0x1a4: {  	[sflag:s13] =	ssyncset.done $0x0  }
0x1a5: {  	[sflag:s13] =	ssyncadd.s32 $0xFFFFC000  }
0x1a6: {  	_ =	swait.ge [sflag:s18], $0x4000  }
0x1a7: {  	[sflag:s18] =	ssyncset.done $0x0  }
0x1a8: {  	s10 =	rddreg [dreg:$0xd];
	[sflag:s18] =	ssyncadd.s32 $0xFFFFC000  }
0x1a9: {  	[tilespmem:s12], [sflag:$0x1] =	stream.indirect.gather [hbm4b:s4+s15], $0x80, s10, s15, $0xb8;
	[tilespmem:$0x1CC00] =	vst v63  }
0x1aa: {  	s11 =	rddreg [dreg:$0xe]  }
0x1ab: {  	[spmem:s2] =	stream.indirect.scatter.add.f32 [tilespmem:s17], [sflag:$0x3], $0x80, s11, s15, $0xb8;
	[tilespmem:$0x1CC00] =	vst v63  }
0x1ac: {  	_ =	swait.ge [sflag:s13], $0x4000  }
0x1ad: {  	[sflag:s13] =	ssyncset.done $0x0  }
0x1ae: {  	[sflag:s13] =	ssyncadd.s32 $0xFFFFC000  }
0x1af: {  	_ =	swait.ge [sflag:s16], $0x4000  }
0x1b0: {  	[sflag:s16] =	ssyncset.done $0x0  }
0x1b1: {  	s10 =	rddreg [dreg:$0xf];
	[sflag:s16] =	ssyncadd.s32 $0xFFFFC000  }
0x1b2: {  	[tilespmem:s17], [sflag:$0x2] =	stream.indirect.gather [hbm4b:s4+s15], $0x80, s10, s15, $0xb8;
	[tilespmem:$0x1CC00] =	vst v63  }
0x1b3: {  	s11 =	rddreg [dreg:$0x10]  }
0x1b4: {  	[spmem:s2] =	stream.indirect.scatter.add.f32 [tilespmem:s12], [sflag:$0x3], $0x80, s11, s15, $0xb8;
	[tilespmem:$0x1CC00] =	vst v63  }
0x1b5: {  	_ =	swait.ge [sflag:s13], $0x4000  }
0x1b6: {  	[sflag:s13] =	ssyncset.done $0x0  }
0x1b7: {  	[sflag:s13] =	ssyncadd.s32 $0xFFFFC000  }
0x1b8: {  	_ =	swait.ge [sflag:s18], $0x4000  }
0x1b9: {  	[sflag:s18] =	ssyncset.done $0x0  }
0x1ba: {  	[sflag:s18] =	ssyncadd.s32 $0xFFFFC000  }
0x1bb: {  	[tilespmem:s12], [sflag:$0x1] =	stream.indirect.gather [hbm4b:s4+s15], $0x80, s19, s15, $0xb8;
	[tilespmem:$0x1CC00] =	vst v63  }
0x1bc: {  	_ = 	snop  }
0x1bd: {  	[spmem:s2] =	stream.indirect.scatter.add.f32 [tilespmem:s17], [sflag:$0x3], $0x80, s20, s15, $0xb8;
	[tilespmem:$0x1CC00] =	vst v63  }
0x1be: {  	_ =	swait.ge [sflag:s13], $0x4000  }
0x1bf: {  	[sflag:s13] =	ssyncset.done $0x0  }
0x1c0: {  	[sflag:s13] =	ssyncadd.s32 $0xFFFFC000  }
0x1c1: {  	_ =	swait.ge [sflag:s16], $0x4000  }
0x1c2: {  	[sflag:s16] =	ssyncset.done $0x0  }
0x1c3: {  	[sflag:s16] =	ssyncadd.s32 $0xFFFFC000  }
0x1c4: {  	[tilespmem:s17], [sflag:$0x2] =	stream.indirect.gather [hbm4b:s4+s15], $0x80, s21, s15, $0xb8;
	[tilespmem:$0x1CC00] =	vst v63  }
0x1c5: {  	_ = 	snop  }
0x1c6: {  	[spmem:s2] =	stream.indirect.scatter.add.f32 [tilespmem:s12], [sflag:$0x3], $0x80, s22, s15, $0xb8;
	[tilespmem:$0x1CC00] =	vst v63  }
0x1c7: {  	_ =	swait.ge [sflag:s13], $0x4000  }
0x1c8: {  	[sflag:s13] =	ssyncset.done $0x0  }
0x1c9: {  	[sflag:s13] =	ssyncadd.s32 $0xFFFFC000  }
0x1ca: {  	_ =	swait.ge [sflag:s18], $0x4000  }
0x1cb: {  	[sflag:s18] =	ssyncset.done $0x0  }
0x1cc: {  	[sflag:s18] =	ssyncadd.s32 $0xFFFFC000  }
0x1cd: {  	[tilespmem:s12], [sflag:$0x1] =	stream.indirect.gather [hbm4b:s4+s15], $0x80, s23, s15, $0xb8;
	[tilespmem:$0x1CC00] =	vst v63  }
0x1ce: {  	_ = 	snop  }
0x1cf: {  	[spmem:s2] =	stream.indirect.scatter.add.f32 [tilespmem:s17], [sflag:$0x3], $0x80, s24, s15, $0xb8;
	[tilespmem:$0x1CC00] =	vst v63  }
0x1d0: {  	_ =	swait.ge [sflag:s13], $0x4000  }
0x1d1: {  	[sflag:s13] =	ssyncset.done $0x0  }
0x1d2: {  	[sflag:s13] =	ssyncadd.s32 $0xFFFFC000  }
0x1d3: {  	_ =	swait.ge [sflag:s16], $0x4000  }
0x1d4: {  	[sflag:s16] =	ssyncset.done $0x0  }
0x1d5: {  	[sflag:s16] =	ssyncadd.s32 $0xFFFFC000  }
0x1d6: {  	[tilespmem:s17], [sflag:$0x2] =	stream.indirect.gather [hbm4b:s4+s15], $0x80, s25, s15, $0xb8;
	[tilespmem:$0x1CC00] =	vst v63  }
0x1d7: {  	_ = 	snop  }
0x1d8: {  	[spmem:s2] =	stream.indirect.scatter.add.f32 [tilespmem:s12], [sflag:$0x3], $0x80, s26, s15, $0xb8;
	[tilespmem:$0x1CC00] =	vst v63  }
0x1d9: {  	_ =	swait.ge [sflag:s13], $0x4000  }
0x1da: {  	[sflag:s13] =	ssyncset.done $0x0  }
0x1db: {  	[sflag:s13] =	ssyncadd.s32 $0xFFFFC000  }
0x1dc: {  	_ =	swait.ge [sflag:s18], $0x4000  }
0x1dd: {  	[sflag:s18] =	ssyncset.done $0x0  }
0x1de: {  	[sflag:s18] =	ssyncadd.s32 $0xFFFFC000  }
0x1df: {  	[tilespmem:s12], [sflag:$0x1] =	stream.indirect.gather [hbm4b:s4+s15], $0x80, s28, s15, $0xb8;
	[tilespmem:$0x1CC00] =	vst v63  }
0x1e0: {  	_ = 	snop  }
0x1e1: {  	[spmem:s2] =	stream.indirect.scatter.add.f32 [tilespmem:s17], [sflag:$0x3], $0x80, s29, s15, $0xb8;
	[tilespmem:$0x1CC00] =	vst v63  }
0x1e2: {  	_ =	swait.ge [sflag:s13], $0x4000  }
0x1e3: {  	[sflag:s13] =	ssyncset.done $0x0  }
0x1e4: {  	[sflag:s13] =	ssyncadd.s32 $0xFFFFC000  }
0x1e5: {  	_ =	swait.ge [sflag:s16], $0x4000  }
0x1e6: {  	[sflag:s16] =	ssyncset.done $0x0  }
0x1e7: {  	[sflag:s16] =	ssyncadd.s32 $0xFFFFC000  }
0x1e8: {  	[tilespmem:s17], [sflag:$0x2] =	stream.indirect.gather [hbm4b:s4+s15], $0x80, s30, s15, $0xb8;
	[tilespmem:$0x1CC00] =	vst v63  }
0x1e9: {  	_ = 	snop  }
0x1ea: {  	[spmem:s2] =	stream.indirect.scatter.add.f32 [tilespmem:s12], [sflag:$0x3], $0x80, s31, s15, $0xb8;
	[tilespmem:$0x1CC00] =	vst v63  }
0x1eb: {  	_ =	swait.ge [sflag:s13], $0x4000  }
0x1ec: {  	[sflag:s13] =	ssyncset.done $0x0  }
0x1ed: {  	[sflag:s13] =	ssyncadd.s32 $0xFFFFC000  }
0x1ee: {  	_ =	swait.ge [sflag:s18], $0x4000  }
0x1ef: {  	[sflag:s18] =	ssyncset.done $0x0  }
0x1f0: {  	[sflag:s18] =	ssyncadd.s32 $0xFFFFC000  }
0x1f1: {  	[tilespmem:s12], [sflag:$0x1] =	stream.indirect.gather [hbm4b:s4+s15], $0x80, s1, s15, $0xb8;
	[tilespmem:$0x1CC00] =	vst v63  }
0x1f2: {  	_ = 	snop  }
0x1f3: {  	[spmem:s2] =	stream.indirect.scatter.add.f32 [tilespmem:s17], [sflag:$0x3], $0x80, s0, s15, $0xb8;
	[tilespmem:$0x1CC00] =	vst v63  }
0x1f4: {  	_ =	swait.ge [sflag:s13], $0x4000  }
0x1f5: {  	[sflag:s13] =	ssyncset.done $0x0  }
0x1f6: {  	[sflag:s13] =	ssyncadd.s32 $0xFFFFC000  }
0x1f7: {  	_ =	swait.ge [sflag:s16], $0x4000  }
0x1f8: {  	[sflag:s16] =	ssyncset.done $0x0  }
0x1f9: {  	[sflag:s16] =	ssyncadd.s32 $0xFFFFC000  }
0x1fa: {  	[tilespmem:s17], [sflag:$0x2] =	stream.indirect.gather [hbm4b:s4+s15], $0x80, s6, s15, $0xb8;
	[tilespmem:$0x1CC00] =	vst v63  }
0x1fb: {  	_ = 	snop  }
0x1fc: {  	[spmem:s2] =	stream.indirect.scatter.add.f32 [tilespmem:s12], [sflag:$0x3], $0x80, s7, s15, $0xb8;
	[tilespmem:$0x1CC00] =	vst v63  }
0x1fd: {  	_ =	swait.ge [sflag:s13], $0x4000  }
0x1fe: {  	[sflag:s13] =	ssyncset.done $0x0  }
0x1ff: {  	[sflag:s13] =	ssyncadd.s32 $0xFFFFC000  }
0x200: {  	_ =	swait.ge [sflag:s18], $0x4000  }
0x201: {  	[sflag:s18] =	ssyncset.done $0x0  }
0x202: {  	[sflag:s18] =	ssyncadd.s32 $0xFFFFC000  }
0x203: {  	[spmem:s2] =	stream.indirect.scatter.add.f32 [tilespmem:s17], [sflag:$0x3], $0x80, s8, s15, $0xb8;
	[tilespmem:$0x1CC00] =	vst v63  }
0x204: {  	_ =	swait.ge [sflag:s13], $0x4000  }
0x205: {  	[sflag:s13] =	ssyncset.done $0x0  }
0x206: {  	[sflag:s13] =	ssyncadd.s32 $0xFFFFC000  }
0x207: {  	s9 =	stileid.u32;
	[bflag:$0x0] =	sbarrier.arrive $0xFFFF  }
0x208: {  	s5 =	sshll.u32 s9, $0x6;
	s10 =	rddreg [dreg:$0x11]  }
0x209: {  	s5 =	sor.u32 $0x1C03, s5;
	s11 =	rddreg [dreg:$0x16];
	s9 =	sshrl.u32 s10, $0x3  }
0x20a: {  	[hbm:s11], [sflag:s5] =	dma.local [spmem:s9], $0x2780  }
0x20b: {  	_ =	swait.ge [sflag:s13], $0x2780  }
0x20c: {  	s10 =	rddreg [dreg:$0x18]  }
0x20d: {  	s11 =	rddreg [dreg:$0x17];
	s9 =	sadd.s32 $0x1, s10  }
0x20e: {  	p0 =	sne.s32 s9, s11  }
.Ltmp2:
0x20f: {  	_ = 	snop;
	(pc) =	sbr.rel @p0 .LBB2_1-.Ltmp2, $3  }
0x210: {  	_ =	sdelay $0x1  }
0x211: {  	[sflag:s13] =	ssyncset.done $0x0  }
0x212: {  	[sflag:s13] =	ssyncadd.s32 $0xFFFFD880  }
0x213: {  	_ =	sfence.sel $0x180000  }
0x214: {  	[bflag:$0x0] =	sbarrier.arrive $0xFFFF  }
0x215: {  	_ =	strace $0x90000050  }
0x216: {  	s0 =	stileid.u32;
	[bflag:$0x2] =	sbarrier.arrive $0xFFFF  }
0x217: {  	p0 =	sne.s32 s0, $0x0;
	s0 =	rddreg [dreg:$0x2]  }
0x218: {  	s0 =	sadd.s32 @!p0 $0x100000, s0  }
0x219: {  	[sflag:s0] =	ssyncadd.tile.s32 @!p0 $0x1;
	_ =	shalt  }
.Lfunc_end2:
_tile_overlayer_lowered:
.L_overlay_start_2:
0x21a: {  	(tag) =	ssettag $0x2  }
0x21b: {  	s0 =	rddreg [dreg:$0x0];
	s2 =	stileid.u32  }
0x21c: {  	s1 =	rddreg [dreg:$0x1];
	p0 =	sne.s32 s2, $0x0  }
0x21d: {  	s3 =	rddreg [dreg:$0x2];
	[bflag:$0x3] =	sbarrier.arrive $0xFFFF;
	s2 =	simm.s32 @!p0 $0x1C03  }
0x21e: {  	[timem:s3], [sflag:s2] =	dma.local @!p0 [hbm:s0], s1  }
0x21f: {  	s0 =	simm.s32 @!p0 $0x3  }
0x220: {  	_ =	swait.ge @!p0 [sflag:s0], s1  }
0x221: {  	s1 =	ssub.s32 @!p0 $0x0, s1;
	[sflag:s0] =	ssyncset.done @!p0 $0x0  }
0x222: {  	[sflag:s0] =	ssyncadd.s32 @!p0 s1  }
0x223: {  	[bflag:$0x3] =	sbarrier.arrive $0xFFFF  }
0x224: {  	_ =	shalt  }

</sc_bundles>
